<compile_context>
chip_gen: v7x
topology: tpu7x:2x2x1
jax: 0.10.2.dev20260603
libtpu: 0.0.44.dev20260713+nightly
codegen_flags: <defaults>
</compile_context>

<pallas_src>
import functools

import jax
import jax.numpy as jnp
from jax import lax
from jax.experimental import pallas as pl
from jax.experimental.pallas import tpu as pltpu
from jax.experimental.pallas import tpu_sc as plsc

_H, _W, _D, _C = 16, 16, 64, 256
_L = 16
_NB = _H * _W * _D


def _body(xe, ye, ze, out, buf_a, buf_b, xrow, ybuf, zbuf, sem_a, sem_b):
    wid = lax.axis_index("s") * 2 + lax.axis_index("c")
    ih = wid // 2
    iwb = (wid % 2) * 8

    pltpu.sync_copy(xe.at[pl.ds(ih, 1)], xrow)
    pltpu.sync_copy(ye.at[pl.ds(iwb, 8)], ybuf)
    pltpu.sync_copy(ze, zbuf)

    def fill_x_section(buf):
        vecs = [xrow[0, pl.ds(c * _L, _L)] for c in range(_C // _L)]

        def body(r, carry):
            for c in range(_C // _L):
                buf[r, pl.ds(c * _L, _L)] = vecs[c]
            return carry

        lax.fori_loop(0, _D, body, 0)

    def fill_z_section(buf):
        def body(r, carry):
            for c in range(_C // _L):
                buf[r, pl.ds(2 * _C + c * _L, _L)] = zbuf[r, pl.ds(c * _L, _L)]
            return carry

        lax.fori_loop(0, _D, body, 0)

    def fill_y_section(buf, t):
        vecs = [ybuf[t, pl.ds(c * _L, _L)] for c in range(_C // _L)]

        def body(r, carry):
            for c in range(_C // _L):
                buf[r, pl.ds(_C + c * _L, _L)] = vecs[c]
            return carry

        lax.fori_loop(0, _D, body, 0)

    def out_copy(buf, t, b, sem):
        start = b * _NB + wid * 8 * _D + t * _D
        return pltpu.make_async_copy(buf, out.at[pl.ds(start, _D)], sem)

    fill_x_section(buf_a)
    fill_x_section(buf_b)
    fill_z_section(buf_a)
    fill_z_section(buf_b)

    for t in range(8):
        buf = buf_a if t % 2 == 0 else buf_b
        sem = sem_a if t % 2 == 0 else sem_b
        if t >= 2:
            for b in range(4):
                out_copy(buf, t - 2, b, sem).wait()
        fill_y_section(buf, t)
        for b in range(4):
            out_copy(buf, t, b, sem).start()
    for t in (6, 7):
        buf = buf_a if t % 2 == 0 else buf_b
        sem = sem_a if t % 2 == 0 else sem_b
        for b in range(4):
            out_copy(buf, t, b, sem).wait()


def kernel(B, h, w, d, x, row_w, col_w, dep_w):
    hs, c = row_w.shape
    ws = col_w.shape[0]
    ds_ = dep_w.shape[0]
    Bs = x.shape[0]
    i = (jnp.arange(hs) + 1) * (_H // hs) - 1 + (h - hs)
    j = (jnp.arange(ws) + 1) * (_W // ws) - 1 + (w - ws)
    k = (jnp.arange(ds_) + 1) * (_D // ds_) - 1 + (d - ds_)
    delta = (B - Bs) * jnp.float32(1.0)
    xe = jnp.take(row_w, i, axis=0) + delta
    ye = jnp.take(col_w, j, axis=0) + delta
    ze = jnp.take(dep_w, k, axis=0) + delta

    mesh = plsc.VectorSubcoreMesh(core_axis_name="c", subcore_axis_name="s")
    launch = functools.partial(
        pl.kernel,
        mesh=mesh,
        out_type=jax.ShapeDtypeStruct((Bs * _NB, 3 * _C), jnp.float32),
        scratch_types=[
            pltpu.VMEM((_D, 3 * _C), jnp.float32),
            pltpu.VMEM((_D, 3 * _C), jnp.float32),
            pltpu.VMEM((1, _C), jnp.float32),
            pltpu.VMEM((8, _C), jnp.float32),
            pltpu.VMEM((_D, _C), jnp.float32),
            pltpu.SemaphoreType.DMA,
            pltpu.SemaphoreType.DMA,
        ],
    )(_body)
    out = launch(xe, ye, ze)
    return out.reshape(Bs, _NB, 3 * c)

# --- scband reference (transcript-rebuilt; emitter-appended) ---
"""Pipeline reference for scband-position-embedding-learned3d-85469849190849 (READ-ONLY COPY).

The authoritative reference and input builder live on the scoring server;
editing this copy changes nothing except your own understanding.
"""

import jax, jax.numpy as jnp
import numpy as np

H_PATCH, W_PATCH, D_PATCH = 16, 16, 64
NUM_POS_FEATS = 256


def setup_inputs(seed: int = 0) -> dict:
    key = jax.random.key(seed)
    k1, k2, k3, k4 = jax.random.split(key, 4)
    B, h, w, d = 4, 16, 16, 64
    x = jax.random.normal(k1, (B, 3 * NUM_POS_FEATS), dtype=jnp.float32)
    # learned embedding tables, initialized uniform [0,1) like nn.init.uniform_
    row_w = jax.random.uniform(k2, (H_PATCH, NUM_POS_FEATS), dtype=jnp.float32)
    col_w = jax.random.uniform(k3, (W_PATCH, NUM_POS_FEATS), dtype=jnp.float32)
    dep_w = jax.random.uniform(k4, (D_PATCH, NUM_POS_FEATS), dtype=jnp.float32)
    return {"B": B, "h": h, "w": w, "d": d, "x": x,
            "row_w": row_w, "col_w": col_w, "dep_w": dep_w}


def reference(B, h, w, d, x, row_w, col_w, dep_w):
    hs = row_w.shape[0]
    ws = col_w.shape[0]
    ds = dep_w.shape[0]
    Bs = x.shape[0]
    i = (jnp.arange(hs) + 1) * (H_PATCH // hs) - 1 + (h - hs)
    j = (jnp.arange(ws) + 1) * (W_PATCH // ws) - 1 + (w - ws)
    k = (jnp.arange(ds) + 1) * (D_PATCH // ds) - 1 + (d - ds)
    c = row_w.shape[1]
    # embedding lookups (gather)
    xe = jnp.take(row_w, i, axis=0)  # [h, c]
    ye = jnp.take(col_w, j, axis=0)  # [w, c]
    ze = jnp.take(dep_w, k, axis=0)  # [d, c]
    # unsqueeze + repeat to [h, w, d, c]
    x_emb = jnp.broadcast_to(xe[:, None, None, :], (hs, ws, ds, c))
    y_emb = jnp.broadcast_to(ye[None, :, None, :], (hs, ws, ds, c))
    z_emb = jnp.broadcast_to(ze[None, None, :, :], (hs, ws, ds, c))
    pos = jnp.concatenate([x_emb, y_emb, z_emb], axis=-1)  # [h, w, d, 3c]
    pos = jnp.broadcast_to(pos[None], (Bs, hs, ws, ds, 3 * c))
    pos = pos.reshape(Bs, hs * ws * ds, 3 * c)
    pos = pos + (B - Bs)
    return pos

if __name__ == "__main__":
    import jax
    _d = setup_inputs()
    print(jax.jit(kernel)(*tuple(_d.values())))

</pallas_src>

<mosaic_0001>
#map = affine_map<(d0, d1) -> (0, 0)>
module attributes {stable_mosaic.version = 14 : i64} {
  func.func @_body(%arg0: i32, %arg1: i32, %arg2: memref<16x256xf32, #tpu.memory_space<hbm>>, %arg3: memref<16x256xf32, #tpu.memory_space<hbm>>, %arg4: memref<64x256xf32, #tpu.memory_space<hbm>>, %arg5: memref<65536x768xf32, #tpu.memory_space<hbm>>, %arg6: memref<64x768xf32, #tpu.memory_space<vmem>>, %arg7: memref<64x768xf32, #tpu.memory_space<vmem>>, %arg8: memref<1x256xf32, #tpu.memory_space<vmem>>, %arg9: memref<8x256xf32, #tpu.memory_space<vmem>>, %arg10: memref<64x256xf32, #tpu.memory_space<vmem>>, %arg11: memref<!tpu.dma_semaphore, #tpu.memory_space<semaphore_mem>>, %arg12: memref<!tpu.dma_semaphore, #tpu.memory_space<semaphore_mem>>) attributes {dimension_semantics = [#tpu.dimension_semantics<core_parallel>, #tpu.dimension_semantics<subcore_parallel>], iteration_bounds = array<i64: 2, 16>, scalar_prefetch = 0 : i64, scratch_operands = 7 : i64, tpu.core_type = #tpu.core_type<sc_vector_subcore>, window_params = [{transform_indices = #map}, {transform_indices = #map}, {transform_indices = #map}, {transform_indices = #map}]} {
    %mul3A = arith.constant 2 : i32
    %mul3A_0 = arith.muli %arg1, %mul3A : i32
    %add3A = arith.addi %mul3A_0, %arg0 : i32
    %jit3A = arith.constant 2 : i32
    %div3A = arith.divsi %add3A, %jit3A : i32
    %sign3A = arith.constant 0 : i32
    %sign3A_1 = arith.cmpi sgt, %add3A, %sign3A : i32
    %sign3A_2 = arith.extui %sign3A_1 : i1 to i32
    %sign3A_3 = arith.constant 0 : i32
    %sign3A_4 = arith.cmpi slt, %add3A, %sign3A_3 : i32
    %sign3A_5 = arith.extui %sign3A_4 : i1 to i32
    %sign3A_6 = arith.subi %sign3A_2, %sign3A_5 : i32
    %sign3A_7 = arith.constant 0 : i32
    %sign3A_8 = arith.cmpi sgt, %jit3A, %sign3A_7 : i32
    %sign3A_9 = arith.extui %sign3A_8 : i1 to i32
    %sign3A_10 = arith.constant 0 : i32
    %sign3A_11 = arith.cmpi slt, %jit3A, %sign3A_10 : i32
    %sign3A_12 = arith.extui %sign3A_11 : i1 to i32
    %sign3A_13 = arith.subi %sign3A_9, %sign3A_12 : i32
    %ne3A = arith.cmpi ne, %sign3A_6, %sign3A_13 : i32
    %rem3A = arith.remsi %add3A, %jit3A : i32
    %ne3A_14 = arith.constant 0 : i32
    %ne3A_15 = arith.cmpi ne, %rem3A, %ne3A_14 : i32
    %and3A = arith.andi %ne3A, %ne3A_15 : i1
    %sub3A = arith.constant 1 : i32
    %sub3A_16 = arith.subi %div3A, %sub3A : i32
    %select_n3A = arith.select %and3A, %sub3A_16, %div3A : i32
    %jit3A_17 = arith.constant 2 : i32
    %eq3A = arith.constant 0 : i32
    %eq3A_18 = arith.cmpi eq, %jit3A_17, %eq3A : i32
    %jit3A_19 = arith.constant 1 : i32
    %select_n3A_20 = arith.select %eq3A_18, %jit3A_19, %jit3A_17 : i32
    %rem3A_21 = arith.remsi %add3A, %select_n3A_20 : i32
    %ne3A_22 = arith.constant 0 : i32
    %ne3A_23 = arith.cmpi ne, %rem3A_21, %ne3A_22 : i32
    %lt3A = arith.constant 0 : i32
    %lt3A_24 = arith.cmpi slt, %rem3A_21, %lt3A : i32
    %lt3A_25 = arith.constant 0 : i32
    %lt3A_26 = arith.cmpi slt, %select_n3A_20, %lt3A_25 : i32
    %ne3A_27 = arith.xori %lt3A_24, %lt3A_26 : i1
    %and3A_28 = arith.andi %ne3A_27, %ne3A_23 : i1
    %add3A_29 = arith.addi %rem3A_21, %select_n3A_20 : i32
    %select_n3A_30 = arith.select %and3A_28, %add3A_29, %rem3A_21 : i32
    %mul3A_31 = arith.constant 8 : i32
    %mul3A_32 = arith.muli %select_n3A_30, %mul3A_31 : i32
    "tpu.region"() ({
      %run_scoped3A = tpu.sem_alloc : memref<!tpu.dma_semaphore, #tpu.memory_space<semaphore_mem>>
      %dma_start3A_1669 = arith.constant 0 : i32
      %dma_start3A_1670 = tpu.memref_slice %arg2[%select_n3A, %dma_start3A_1669] : memref<16x256xf32, #tpu.memory_space<hbm>> -> memref<1x256xf32, #tpu.memory_space<hbm>>
      %dma_start3A_1671 = arith.constant 0 : i32
      %dma_start3A_1672 = tpu.memref_slice %arg2[%select_n3A, %dma_start3A_1671] : memref<16x256xf32, #tpu.memory_space<hbm>> -> memref<1x256xf32, #tpu.memory_space<hbm>>
      tpu.enqueue_dma source(%dma_start3A_1672 : memref<1x256xf32, #tpu.memory_space<hbm>>) target(%arg8 : memref<1x256xf32, #tpu.memory_space<vmem>>) target_semaphore(%run_scoped3A : memref<!tpu.dma_semaphore, #tpu.memory_space<semaphore_mem>>)
      %dma_wait3A_1673 = arith.constant 0 : i32
      %dma_wait3A_1674 = tpu.memref_slice %arg2[%select_n3A, %dma_wait3A_1673] : memref<16x256xf32, #tpu.memory_space<hbm>> -> memref<1x256xf32, #tpu.memory_space<hbm>>
      %dma_wait3A_1675 = arith.constant 0 : i32
      %dma_wait3A_1676 = tpu.memref_slice %arg2[%select_n3A, %dma_wait3A_1675] : memref<16x256xf32, #tpu.memory_space<hbm>> -> memref<1x256xf32, #tpu.memory_space<hbm>>
      tpu.wait_dma2 semaphore(%run_scoped3A : memref<!tpu.dma_semaphore, #tpu.memory_space<semaphore_mem>>) src(%dma_wait3A_1676 : memref<1x256xf32, #tpu.memory_space<hbm>>) dst(%arg8 : memref<1x256xf32, #tpu.memory_space<vmem>>)
      tpu.yield
    }) : () -> ()
    "tpu.region"() ({
      %run_scoped3A = tpu.sem_alloc : memref<!tpu.dma_semaphore, #tpu.memory_space<semaphore_mem>>
      %dma_start3A_1669 = arith.constant 0 : i32
      %dma_start3A_1670 = tpu.memref_slice %arg3[%mul3A_32, %dma_start3A_1669] : memref<16x256xf32, #tpu.memory_space<hbm>> -> memref<8x256xf32, #tpu.memory_space<hbm>>
      %dma_start3A_1671 = arith.constant 0 : i32
      %dma_start3A_1672 = tpu.memref_slice %arg3[%mul3A_32, %dma_start3A_1671] : memref<16x256xf32, #tpu.memory_space<hbm>> -> memref<8x256xf32, #tpu.memory_space<hbm>>
      tpu.enqueue_dma source(%dma_start3A_1672 : memref<8x256xf32, #tpu.memory_space<hbm>>) target(%arg9 : memref<8x256xf32, #tpu.memory_space<vmem>>) target_semaphore(%run_scoped3A : memref<!tpu.dma_semaphore, #tpu.memory_space<semaphore_mem>>)
      %dma_wait3A_1673 = arith.constant 0 : i32
      %dma_wait3A_1674 = tpu.memref_slice %arg3[%mul3A_32, %dma_wait3A_1673] : memref<16x256xf32, #tpu.memory_space<hbm>> -> memref<8x256xf32, #tpu.memory_space<hbm>>
      %dma_wait3A_1675 = arith.constant 0 : i32
      %dma_wait3A_1676 = tpu.memref_slice %arg3[%mul3A_32, %dma_wait3A_1675] : memref<16x256xf32, #tpu.memory_space<hbm>> -> memref<8x256xf32, #tpu.memory_space<hbm>>
      tpu.wait_dma2 semaphore(%run_scoped3A : memref<!tpu.dma_semaphore, #tpu.memory_space<semaphore_mem>>) src(%dma_wait3A_1676 : memref<8x256xf32, #tpu.memory_space<hbm>>) dst(%arg9 : memref<8x256xf32, #tpu.memory_space<vmem>>)
      tpu.yield
    }) : () -> ()
    "tpu.region"() ({
      %run_scoped3A = tpu.sem_alloc : memref<!tpu.dma_semaphore, #tpu.memory_space<semaphore_mem>>
      tpu.enqueue_dma source(%arg4 : memref<64x256xf32, #tpu.memory_space<hbm>>) target(%arg10 : memref<64x256xf32, #tpu.memory_space<vmem>>) target_semaphore(%run_scoped3A : memref<!tpu.dma_semaphore, #tpu.memory_space<semaphore_mem>>)
      tpu.wait_dma2 semaphore(%run_scoped3A : memref<!tpu.dma_semaphore, #tpu.memory_space<semaphore_mem>>) src(%arg4 : memref<64x256xf32, #tpu.memory_space<hbm>>) dst(%arg10 : memref<64x256xf32, #tpu.memory_space<vmem>>)
      tpu.yield
    }) : () -> ()
    %get3A = arith.constant 0 : i32
    %get3A_33 = arith.index_cast %get3A : i32 to index
    %get3A_34 = arith.constant 0 : index
    %get3A_35 = tpu.vector_load %arg8[%get3A_33, %get3A_34] {strides = array<i32>} : memref<1x256xf32, #tpu.memory_space<vmem>>, vector<1x16xf32>,
    %get3A_36 = vector.shape_cast %get3A_35 : vector<1x16xf32> to vector<16xf32>
    %get3A_37 = arith.constant 0 : i32
    %get3A_38 = arith.index_cast %get3A_37 : i32 to index
    %get3A_39 = arith.constant 16 : index
    %get3A_40 = tpu.vector_load %arg8[%get3A_38, %get3A_39] {strides = array<i32>} : memref<1x256xf32, #tpu.memory_space<vmem>>, vector<1x16xf32>,
    %get3A_41 = vector.shape_cast %get3A_40 : vector<1x16xf32> to vector<16xf32>
    %get3A_42 = arith.constant 0 : i32
    %get3A_43 = arith.index_cast %get3A_42 : i32 to index
    %get3A_44 = arith.constant 32 : index
    %get3A_45 = tpu.vector_load %arg8[%get3A_43, %get3A_44] {strides = array<i32>} : memref<1x256xf32, #tpu.memory_space<vmem>>, vector<1x16xf32>,
    %get3A_46 = vector.shape_cast %get3A_45 : vector<1x16xf32> to vector<16xf32>
    %get3A_47 = arith.constant 0 : i32
    %get3A_48 = arith.index_cast %get3A_47 : i32 to index
    %get3A_49 = arith.constant 48 : index
    %get3A_50 = tpu.vector_load %arg8[%get3A_48, %get3A_49] {strides = array<i32>} : memref<1x256xf32, #tpu.memory_space<vmem>>, vector<1x16xf32>,
    %get3A_51 = vector.shape_cast %get3A_50 : vector<1x16xf32> to vector<16xf32>
    %get3A_52 = arith.constant 0 : i32
    %get3A_53 = arith.index_cast %get3A_52 : i32 to index
    %get3A_54 = arith.constant 64 : index
    %get3A_55 = tpu.vector_load %arg8[%get3A_53, %get3A_54] {strides = array<i32>} : memref<1x256xf32, #tpu.memory_space<vmem>>, vector<1x16xf32>,
    %get3A_56 = vector.shape_cast %get3A_55 : vector<1x16xf32> to vector<16xf32>
    %get3A_57 = arith.constant 0 : i32
    %get3A_58 = arith.index_cast %get3A_57 : i32 to index
    %get3A_59 = arith.constant 80 : index
    %get3A_60 = tpu.vector_load %arg8[%get3A_58, %get3A_59] {strides = array<i32>} : memref<1x256xf32, #tpu.memory_space<vmem>>, vector<1x16xf32>,
    %get3A_61 = vector.shape_cast %get3A_60 : vector<1x16xf32> to vector<16xf32>
    %get3A_62 = arith.constant 0 : i32
    %get3A_63 = arith.index_cast %get3A_62 : i32 to index
    %get3A_64 = arith.constant 96 : index
    %get3A_65 = tpu.vector_load %arg8[%get3A_63, %get3A_64] {strides = array<i32>} : memref<1x256xf32, #tpu.memory_space<vmem>>, vector<1x16xf32>,
    %get3A_66 = vector.shape_cast %get3A_65 : vector<1x16xf32> to vector<16xf32>
    %get3A_67 = arith.constant 0 : i32
    %get3A_68 = arith.index_cast %get3A_67 : i32 to index
    %get3A_69 = arith.constant 112 : index
    %get3A_70 = tpu.vector_load %arg8[%get3A_68, %get3A_69] {strides = array<i32>} : memref<1x256xf32, #tpu.memory_space<vmem>>, vector<1x16xf32>,
    %get3A_71 = vector.shape_cast %get3A_70 : vector<1x16xf32> to vector<16xf32>
    %get3A_72 = arith.constant 0 : i32
    %get3A_73 = arith.index_cast %get3A_72 : i32 to index
    %get3A_74 = arith.constant 128 : index
    %get3A_75 = tpu.vector_load %arg8[%get3A_73, %get3A_74] {strides = array<i32>} : memref<1x256xf32, #tpu.memory_space<vmem>>, vector<1x16xf32>,
    %get3A_76 = vector.shape_cast %get3A_75 : vector<1x16xf32> to vector<16xf32>
    %get3A_77 = arith.constant 0 : i32
    %get3A_78 = arith.index_cast %get3A_77 : i32 to index
    %get3A_79 = arith.constant 144 : index
    %get3A_80 = tpu.vector_load %arg8[%get3A_78, %get3A_79] {strides = array<i32>} : memref<1x256xf32, #tpu.memory_space<vmem>>, vector<1x16xf32>,
    %get3A_81 = vector.shape_cast %get3A_80 : vector<1x16xf32> to vector<16xf32>
    %get3A_82 = arith.constant 0 : i32
    %get3A_83 = arith.index_cast %get3A_82 : i32 to index
    %get3A_84 = arith.constant 160 : index
    %get3A_85 = tpu.vector_load %arg8[%get3A_83, %get3A_84] {strides = array<i32>} : memref<1x256xf32, #tpu.memory_space<vmem>>, vector<1x16xf32>,
    %get3A_86 = vector.shape_cast %get3A_85 : vector<1x16xf32> to vector<16xf32>
    %get3A_87 = arith.constant 0 : i32
    %get3A_88 = arith.index_cast %get3A_87 : i32 to index
    %get3A_89 = arith.constant 176 : index
    %get3A_90 = tpu.vector_load %arg8[%get3A_88, %get3A_89] {strides = array<i32>} : memref<1x256xf32, #tpu.memory_space<vmem>>, vector<1x16xf32>,
    %get3A_91 = vector.shape_cast %get3A_90 : vector<1x16xf32> to vector<16xf32>
    %get3A_92 = arith.constant 0 : i32
    %get3A_93 = arith.index_cast %get3A_92 : i32 to index
    %get3A_94 = arith.constant 192 : index
    %get3A_95 = tpu.vector_load %arg8[%get3A_93, %get3A_94] {strides = array<i32>} : memref<1x256xf32, #tpu.memory_space<vmem>>, vector<1x16xf32>,
    %get3A_96 = vector.shape_cast %get3A_95 : vector<1x16xf32> to vector<16xf32>
    %get3A_97 = arith.constant 0 : i32
    %get3A_98 = arith.index_cast %get3A_97 : i32 to index
    %get3A_99 = arith.constant 208 : index
    %get3A_100 = tpu.vector_load %arg8[%get3A_98, %get3A_99] {strides = array<i32>} : memref<1x256xf32, #tpu.memory_space<vmem>>, vector<1x16xf32>,
    %get3A_101 = vector.shape_cast %get3A_100 : vector<1x16xf32> to vector<16xf32>
    %get3A_102 = arith.constant 0 : i32
    %get3A_103 = arith.index_cast %get3A_102 : i32 to index
    %get3A_104 = arith.constant 224 : index
    %get3A_105 = tpu.vector_load %arg8[%get3A_103, %get3A_104] {strides = array<i32>} : memref<1x256xf32, #tpu.memory_space<vmem>>, vector<1x16xf32>,
    %get3A_106 = vector.shape_cast %get3A_105 : vector<1x16xf32> to vector<16xf32>
    %get3A_107 = arith.constant 0 : i32
    %get3A_108 = arith.index_cast %get3A_107 : i32 to index
    %get3A_109 = arith.constant 240 : index
    %get3A_110 = tpu.vector_load %arg8[%get3A_108, %get3A_109] {strides = array<i32>} : memref<1x256xf32, #tpu.memory_space<vmem>>, vector<1x16xf32>,
    %get3A_111 = vector.shape_cast %get3A_110 : vector<1x16xf32> to vector<16xf32>
    %scan3A = arith.constant 0 : i32
    %scan3A_112 = arith.constant 0 : i32
    %scan3A_113 = arith.constant 64 : i32
    %scan3A_114 = arith.addi %scan3A_112, %scan3A_113 : i32
    %scan3A_115 = arith.constant 1 : i32
    scf.for %scan3A_1669 = %scan3A_112 to %scan3A_114 step %scan3A_115  : i32 {
      %swap3A = arith.index_cast %scan3A_1669 : i32 to index
      %swap3A_1670 = arith.constant 0 : index
      %swap3A_1671 = tpu.vector_load %arg6[%swap3A, %swap3A_1670] {strides = array<i32>} : memref<64x768xf32, #tpu.memory_space<vmem>>, vector<1x16xf32>,
      %swap3A_1672 = vector.shape_cast %swap3A_1671 : vector<1x16xf32> to vector<16xf32>
      %swap3A_1673 = vector.shape_cast %get3A_36 : vector<16xf32> to vector<1x16xf32>
      tpu.vector_store %arg6[%swap3A, %swap3A_1670], %swap3A_1673 {strides = array<i32>} : memref<64x768xf32, #tpu.memory_space<vmem>>, vector<1x16xf32>,
      %swap3A_1674 = arith.index_cast %scan3A_1669 : i32 to index
      %swap3A_1675 = arith.constant 16 : index
      %swap3A_1676 = tpu.vector_load %arg6[%swap3A_1674, %swap3A_1675] {strides = array<i32>} : memref<64x768xf32, #tpu.memory_space<vmem>>, vector<1x16xf32>,
      %swap3A_1677 = vector.shape_cast %swap3A_1676 : vector<1x16xf32> to vector<16xf32>
      %swap3A_1678 = vector.shape_cast %get3A_41 : vector<16xf32> to vector<1x16xf32>
      tpu.vector_store %arg6[%swap3A_1674, %swap3A_1675], %swap3A_1678 {strides = array<i32>} : memref<64x768xf32, #tpu.memory_space<vmem>>, vector<1x16xf32>,
      %swap3A_1679 = arith.index_cast %scan3A_1669 : i32 to index
      %swap3A_1680 = arith.constant 32 : index
      %swap3A_1681 = tpu.vector_load %arg6[%swap3A_1679, %swap3A_1680] {strides = array<i32>} : memref<64x768xf32, #tpu.memory_space<vmem>>, vector<1x16xf32>,
      %swap3A_1682 = vector.shape_cast %swap3A_1681 : vector<1x16xf32> to vector<16xf32>
      %swap3A_1683 = vector.shape_cast %get3A_46 : vector<16xf32> to vector<1x16xf32>
      tpu.vector_store %arg6[%swap3A_1679, %swap3A_1680], %swap3A_1683 {strides = array<i32>} : memref<64x768xf32, #tpu.memory_space<vmem>>, vector<1x16xf32>,
      %swap3A_1684 = arith.index_cast %scan3A_1669 : i32 to index
      %swap3A_1685 = arith.constant 48 : index
      %swap3A_1686 = tpu.vector_load %arg6[%swap3A_1684, %swap3A_1685] {strides = array<i32>} : memref<64x768xf32, #tpu.memory_space<vmem>>, vector<1x16xf32>,
      %swap3A_1687 = vector.shape_cast %swap3A_1686 : vector<1x16xf32> to vector<16xf32>
      %swap3A_1688 = vector.shape_cast %get3A_51 : vector<16xf32> to vector<1x16xf32>
      tpu.vector_store %arg6[%swap3A_1684, %swap3A_1685], %swap3A_1688 {strides = array<i32>} : memref<64x768xf32, #tpu.memory_space<vmem>>, vector<1x16xf32>,
      %swap3A_1689 = arith.index_cast %scan3A_1669 : i32 to index
      %swap3A_1690 = arith.constant 64 : index
      %swap3A_1691 = tpu.vector_load %arg6[%swap3A_1689, %swap3A_1690] {strides = array<i32>} : memref<64x768xf32, #tpu.memory_space<vmem>>, vector<1x16xf32>,
      %swap3A_1692 = vector.shape_cast %swap3A_1691 : vector<1x16xf32> to vector<16xf32>
      %swap3A_1693 = vector.shape_cast %get3A_56 : vector<16xf32> to vector<1x16xf32>
      tpu.vector_store %arg6[%swap3A_1689, %swap3A_1690], %swap3A_1693 {strides = array<i32>} : memref<64x768xf32, #tpu.memory_space<vmem>>, vector<1x16xf32>,
      %swap3A_1694 = arith.index_cast %scan3A_1669 : i32 to index
      %swap3A_1695 = arith.constant 80 : index
      %swap3A_1696 = tpu.vector_load %arg6[%swap3A_1694, %swap3A_1695] {strides = array<i32>} : memref<64x768xf32, #tpu.memory_space<vmem>>, vector<1x16xf32>,
      %swap3A_1697 = vector.shape_cast %swap3A_1696 : vector<1x16xf32> to vector<16xf32>
      %swap3A_1698 = vector.shape_cast %get3A_61 : vector<16xf32> to vector<1x16xf32>
      tpu.vector_store %arg6[%swap3A_1694, %swap3A_1695], %swap3A_1698 {strides = array<i32>} : memref<64x768xf32, #tpu.memory_space<vmem>>, vector<1x16xf32>,
      %swap3A_1699 = arith.index_cast %scan3A_1669 : i32 to index
      %swap3A_1700 = arith.constant 96 : index
      %swap3A_1701 = tpu.vector_load %arg6[%swap3A_1699, %swap3A_1700] {strides = array<i32>} : memref<64x768xf32, #tpu.memory_space<vmem>>, vector<1x16xf32>,
      %swap3A_1702 = vector.shape_cast %swap3A_1701 : vector<1x16xf32> to vector<16xf32>
      %swap3A_1703 = vector.shape_cast %get3A_66 : vector<16xf32> to vector<1x16xf32>
      tpu.vector_store %arg6[%swap3A_1699, %swap3A_1700], %swap3A_1703 {strides = array<i32>} : memref<64x768xf32, #tpu.memory_space<vmem>>, vector<1x16xf32>,
      %swap3A_1704 = arith.index_cast %scan3A_1669 : i32 to index
      %swap3A_1705 = arith.constant 112 : index
      %swap3A_1706 = tpu.vector_load %arg6[%swap3A_1704, %swap3A_1705] {strides = array<i32>} : memref<64x768xf32, #tpu.memory_space<vmem>>, vector<1x16xf32>,
      %swap3A_1707 = vector.shape_cast %swap3A_1706 : vector<1x16xf32> to vector<16xf32>
      %swap3A_1708 = vector.shape_cast %get3A_71 : vector<16xf32> to vector<1x16xf32>
      tpu.vector_store %arg6[%swap3A_1704, %swap3A_1705], %swap3A_1708 {strides = array<i32>} : memref<64x768xf32, #tpu.memory_space<vmem>>, vector<1x16xf32>,
      %swap3A_1709 = arith.index_cast %scan3A_1669 : i32 to index
      %swap3A_1710 = arith.constant 128 : index
      %swap3A_1711 = tpu.vector_load %arg6[%swap3A_1709, %swap3A_1710] {strides = array<i32>} : memref<64x768xf32, #tpu.memory_space<vmem>>, vector<1x16xf32>,
      %swap3A_1712 = vector.shape_cast %swap3A_1711 : vector<1x16xf32> to vector<16xf32>
      %swap3A_1713 = vector.shape_cast %get3A_76 : vector<16xf32> to vector<1x16xf32>
      tpu.vector_store %arg6[%swap3A_1709, %swap3A_1710], %swap3A_1713 {strides = array<i32>} : memref<64x768xf32, #tpu.memory_space<vmem>>, vector<1x16xf32>,
      %swap3A_1714 = arith.index_cast %scan3A_1669 : i32 to index
      %swap3A_1715 = arith.constant 144 : index
      %swap3A_1716 = tpu.vector_load %arg6[%swap3A_1714, %swap3A_1715] {strides = array<i32>} : memref<64x768xf32, #tpu.memory_space<vmem>>, vector<1x16xf32>,
      %swap3A_1717 = vector.shape_cast %swap3A_1716 : vector<1x16xf32> to vector<16xf32>
      %swap3A_1718 = vector.shape_cast %get3A_81 : vector<16xf32> to vector<1x16xf32>
      tpu.vector_store %arg6[%swap3A_1714, %swap3A_1715], %swap3A_1718 {strides = array<i32>} : memref<64x768xf32, #tpu.memory_space<vmem>>, vector<1x16xf32>,
      %swap3A_1719 = arith.index_cast %scan3A_1669 : i32 to index
      %swap3A_1720 = arith.constant 160 : index
      %swap3A_1721 = tpu.vector_load %arg6[%swap3A_1719, %swap3A_1720] {strides = array<i32>} : memref<64x768xf32, #tpu.memory_space<vmem>>, vector<1x16xf32>,
      %swap3A_1722 = vector.shape_cast %swap3A_1721 : vector<1x16xf32> to vector<16xf32>
      %swap3A_1723 = vector.shape_cast %get3A_86 : vector<16xf32> to vector<1x16xf32>
      tpu.vector_store %arg6[%swap3A_1719, %swap3A_1720], %swap3A_1723 {strides = array<i32>} : memref<64x768xf32, #tpu.memory_space<vmem>>, vector<1x16xf32>,
      %swap3A_1724 = arith.index_cast %scan3A_1669 : i32 to index
      %swap3A_1725 = arith.constant 176 : index
      %swap3A_1726 = tpu.vector_load %arg6[%swap3A_1724, %swap3A_1725] {strides = array<i32>} : memref<64x768xf32, #tpu.memory_space<vmem>>, vector<1x16xf32>,
      %swap3A_1727 = vector.shape_cast %swap3A_1726 : vector<1x16xf32> to vector<16xf32>
      %swap3A_1728 = vector.shape_cast %get3A_91 : vector<16xf32> to vector<1x16xf32>
      tpu.vector_store %arg6[%swap3A_1724, %swap3A_1725], %swap3A_1728 {strides = array<i32>} : memref<64x768xf32, #tpu.memory_space<vmem>>, vector<1x16xf32>,
      %swap3A_1729 = arith.index_cast %scan3A_1669 : i32 to index
      %swap3A_1730 = arith.constant 192 : index
      %swap3A_1731 = tpu.vector_load %arg6[%swap3A_1729, %swap3A_1730] {strides = array<i32>} : memref<64x768xf32, #tpu.memory_space<vmem>>, vector<1x16xf32>,
      %swap3A_1732 = vector.shape_cast %swap3A_1731 : vector<1x16xf32> to vector<16xf32>
      %swap3A_1733 = vector.shape_cast %get3A_96 : vector<16xf32> to vector<1x16xf32>
      tpu.vector_store %arg6[%swap3A_1729, %swap3A_1730], %swap3A_1733 {strides = array<i32>} : memref<64x768xf32, #tpu.memory_space<vmem>>, vector<1x16xf32>,
      %swap3A_1734 = arith.index_cast %scan3A_1669 : i32 to index
      %swap3A_1735 = arith.constant 208 : index
      %swap3A_1736 = tpu.vector_load %arg6[%swap3A_1734, %swap3A_1735] {strides = array<i32>} : memref<64x768xf32, #tpu.memory_space<vmem>>, vector<1x16xf32>,
      %swap3A_1737 = vector.shape_cast %swap3A_1736 : vector<1x16xf32> to vector<16xf32>
      %swap3A_1738 = vector.shape_cast %get3A_101 : vector<16xf32> to vector<1x16xf32>
      tpu.vector_store %arg6[%swap3A_1734, %swap3A_1735], %swap3A_1738 {strides = array<i32>} : memref<64x768xf32, #tpu.memory_space<vmem>>, vector<1x16xf32>,
      %swap3A_1739 = arith.index_cast %scan3A_1669 : i32 to index
      %swap3A_1740 = arith.constant 224 : index
      %swap3A_1741 = tpu.vector_load %arg6[%swap3A_1739, %swap3A_1740] {strides = array<i32>} : memref<64x768xf32, #tpu.memory_space<vmem>>, vector<1x16xf32>,
      %swap3A_1742 = vector.shape_cast %swap3A_1741 : vector<1x16xf32> to vector<16xf32>
      %swap3A_1743 = vector.shape_cast %get3A_106 : vector<16xf32> to vector<1x16xf32>
      tpu.vector_store %arg6[%swap3A_1739, %swap3A_1740], %swap3A_1743 {strides = array<i32>} : memref<64x768xf32, #tpu.memory_space<vmem>>, vector<1x16xf32>,
      %swap3A_1744 = arith.index_cast %scan3A_1669 : i32 to index
      %swap3A_1745 = arith.constant 240 : index
      %swap3A_1746 = tpu.vector_load %arg6[%swap3A_1744, %swap3A_1745] {strides = array<i32>} : memref<64x768xf32, #tpu.memory_space<vmem>>, vector<1x16xf32>,
      %swap3A_1747 = vector.shape_cast %swap3A_1746 : vector<1x16xf32> to vector<16xf32>
      %swap3A_1748 = vector.shape_cast %get3A_111 : vector<16xf32> to vector<1x16xf32>
      tpu.vector_store %arg6[%swap3A_1744, %swap3A_1745], %swap3A_1748 {strides = array<i32>} : memref<64x768xf32, #tpu.memory_space<vmem>>, vector<1x16xf32>,
    }
    %scan3A_116 = arith.constant 64 : i32
    %get3A_117 = arith.constant 0 : i32
    %get3A_118 = arith.index_cast %get3A_117 : i32 to index
    %get3A_119 = arith.constant 0 : index
    %get3A_120 = tpu.vector_load %arg8[%get3A_118, %get3A_119] {strides = array<i32>} : memref<1x256xf32, #tpu.memory_space<vmem>>, vector<1x16xf32>,
    %get3A_121 = vector.shape_cast %get3A_120 : vector<1x16xf32> to vector<16xf32>
    %get3A_122 = arith.constant 0 : i32
    %get3A_123 = arith.index_cast %get3A_122 : i32 to index
    %get3A_124 = arith.constant 16 : index
    %get3A_125 = tpu.vector_load %arg8[%get3A_123, %get3A_124] {strides = array<i32>} : memref<1x256xf32, #tpu.memory_space<vmem>>, vector<1x16xf32>,
    %get3A_126 = vector.shape_cast %get3A_125 : vector<1x16xf32> to vector<16xf32>
    %get3A_127 = arith.constant 0 : i32
    %get3A_128 = arith.index_cast %get3A_127 : i32 to index
    %get3A_129 = arith.constant 32 : index
    %get3A_130 = tpu.vector_load %arg8[%get3A_128, %get3A_129] {strides = array<i32>} : memref<1x256xf32, #tpu.memory_space<vmem>>, vector<1x16xf32>,
    %get3A_131 = vector.shape_cast %get3A_130 : vector<1x16xf32> to vector<16xf32>
    %get3A_132 = arith.constant 0 : i32
    %get3A_133 = arith.index_cast %get3A_132 : i32 to index
    %get3A_134 = arith.constant 48 : index
    %get3A_135 = tpu.vector_load %arg8[%get3A_133, %get3A_134] {strides = array<i32>} : memref<1x256xf32, #tpu.memory_space<vmem>>, vector<1x16xf32>,
    %get3A_136 = vector.shape_cast %get3A_135 : vector<1x16xf32> to vector<16xf32>
    %get3A_137 = arith.constant 0 : i32
    %get3A_138 = arith.index_cast %get3A_137 : i32 to index
    %get3A_139 = arith.constant 64 : index
    %get3A_140 = tpu.vector_load %arg8[%get3A_138, %get3A_139] {strides = array<i32>} : memref<1x256xf32, #tpu.memory_space<vmem>>, vector<1x16xf32>,
    %get3A_141 = vector.shape_cast %get3A_140 : vector<1x16xf32> to vector<16xf32>
    %get3A_142 = arith.constant 0 : i32
    %get3A_143 = arith.index_cast %get3A_142 : i32 to index
    %get3A_144 = arith.constant 80 : index
    %get3A_145 = tpu.vector_load %arg8[%get3A_143, %get3A_144] {strides = array<i32>} : memref<1x256xf32, #tpu.memory_space<vmem>>, vector<1x16xf32>,
    %get3A_146 = vector.shape_cast %get3A_145 : vector<1x16xf32> to vector<16xf32>
    %get3A_147 = arith.constant 0 : i32
    %get3A_148 = arith.index_cast %get3A_147 : i32 to index
    %get3A_149 = arith.constant 96 : index
    %get3A_150 = tpu.vector_load %arg8[%get3A_148, %get3A_149] {strides = array<i32>} : memref<1x256xf32, #tpu.memory_space<vmem>>, vector<1x16xf32>,
    %get3A_151 = vector.shape_cast %get3A_150 : vector<1x16xf32> to vector<16xf32>
    %get3A_152 = arith.constant 0 : i32
    %get3A_153 = arith.index_cast %get3A_152 : i32 to index
    %get3A_154 = arith.constant 112 : index
    %get3A_155 = tpu.vector_load %arg8[%get3A_153, %get3A_154] {strides = array<i32>} : memref<1x256xf32, #tpu.memory_space<vmem>>, vector<1x16xf32>,
    %get3A_156 = vector.shape_cast %get3A_155 : vector<1x16xf32> to vector<16xf32>
    %get3A_157 = arith.constant 0 : i32
    %get3A_158 = arith.index_cast %get3A_157 : i32 to index
    %get3A_159 = arith.constant 128 : index
    %get3A_160 = tpu.vector_load %arg8[%get3A_158, %get3A_159] {strides = array<i32>} : memref<1x256xf32, #tpu.memory_space<vmem>>, vector<1x16xf32>,
    %get3A_161 = vector.shape_cast %get3A_160 : vector<1x16xf32> to vector<16xf32>
    %get3A_162 = arith.constant 0 : i32
    %get3A_163 = arith.index_cast %get3A_162 : i32 to index
    %get3A_164 = arith.constant 144 : index
    %get3A_165 = tpu.vector_load %arg8[%get3A_163, %get3A_164] {strides = array<i32>} : memref<1x256xf32, #tpu.memory_space<vmem>>, vector<1x16xf32>,
    %get3A_166 = vector.shape_cast %get3A_165 : vector<1x16xf32> to vector<16xf32>
    %get3A_167 = arith.constant 0 : i32
    %get3A_168 = arith.index_cast %get3A_167 : i32 to index
    %get3A_169 = arith.constant 160 : index
    %get3A_170 = tpu.vector_load %arg8[%get3A_168, %get3A_169] {strides = array<i32>} : memref<1x256xf32, #tpu.memory_space<vmem>>, vector<1x16xf32>,
    %get3A_171 = vector.shape_cast %get3A_170 : vector<1x16xf32> to vector<16xf32>
    %get3A_172 = arith.constant 0 : i32
    %get3A_173 = arith.index_cast %get3A_172 : i32 to index
    %get3A_174 = arith.constant 176 : index
    %get3A_175 = tpu.vector_load %arg8[%get3A_173, %get3A_174] {strides = array<i32>} : memref<1x256xf32, #tpu.memory_space<vmem>>, vector<1x16xf32>,
    %get3A_176 = vector.shape_cast %get3A_175 : vector<1x16xf32> to vector<16xf32>
    %get3A_177 = arith.constant 0 : i32
    %get3A_178 = arith.index_cast %get3A_177 : i32 to index
    %get3A_179 = arith.constant 192 : index
    %get3A_180 = tpu.vector_load %arg8[%get3A_178, %get3A_179] {strides = array<i32>} : memref<1x256xf32, #tpu.memory_space<vmem>>, vector<1x16xf32>,
    %get3A_181 = vector.shape_cast %get3A_180 : vector<1x16xf32> to vector<16xf32>
    %get3A_182 = arith.constant 0 : i32
    %get3A_183 = arith.index_cast %get3A_182 : i32 to index
    %get3A_184 = arith.constant 208 : index
    %get3A_185 = tpu.vector_load %arg8[%get3A_183, %get3A_184] {strides = array<i32>} : memref<1x256xf32, #tpu.memory_space<vmem>>, vector<1x16xf32>,
    %get3A_186 = vector.shape_cast %get3A_185 : vector<1x16xf32> to vector<16xf32>
    %get3A_187 = arith.constant 0 : i32
    %get3A_188 = arith.index_cast %get3A_187 : i32 to index
    %get3A_189 = arith.constant 224 : index
    %get3A_190 = tpu.vector_load %arg8[%get3A_188, %get3A_189] {strides = array<i32>} : memref<1x256xf32, #tpu.memory_space<vmem>>, vector<1x16xf32>,
    %get3A_191 = vector.shape_cast %get3A_190 : vector<1x16xf32> to vector<16xf32>
    %get3A_192 = arith.constant 0 : i32
    %get3A_193 = arith.index_cast %get3A_192 : i32 to index
    %get3A_194 = arith.constant 240 : index
    %get3A_195 = tpu.vector_load %arg8[%get3A_193, %get3A_194] {strides = array<i32>} : memref<1x256xf32, #tpu.memory_space<vmem>>, vector<1x16xf32>,
    %get3A_196 = vector.shape_cast %get3A_195 : vector<1x16xf32> to vector<16xf32>
    %scan3A_197 = arith.constant 0 : i32
    %scan3A_198 = arith.constant 0 : i32
    %scan3A_199 = arith.constant 64 : i32
    %scan3A_200 = arith.addi %scan3A_198, %scan3A_199 : i32
    %scan3A_201 = arith.constant 1 : i32
    scf.for %scan3A_1669 = %scan3A_198 to %scan3A_200 step %scan3A_201  : i32 {
      %swap3A = arith.index_cast %scan3A_1669 : i32 to index
      %swap3A_1670 = arith.constant 0 : index
      %swap3A_1671 = tpu.vector_load %arg7[%swap3A, %swap3A_1670] {strides = array<i32>} : memref<64x768xf32, #tpu.memory_space<vmem>>, vector<1x16xf32>,
      %swap3A_1672 = vector.shape_cast %swap3A_1671 : vector<1x16xf32> to vector<16xf32>
      %swap3A_1673 = vector.shape_cast %get3A_121 : vector<16xf32> to vector<1x16xf32>
      tpu.vector_store %arg7[%swap3A, %swap3A_1670], %swap3A_1673 {strides = array<i32>} : memref<64x768xf32, #tpu.memory_space<vmem>>, vector<1x16xf32>,
      %swap3A_1674 = arith.index_cast %scan3A_1669 : i32 to index
      %swap3A_1675 = arith.constant 16 : index
      %swap3A_1676 = tpu.vector_load %arg7[%swap3A_1674, %swap3A_1675] {strides = array<i32>} : memref<64x768xf32, #tpu.memory_space<vmem>>, vector<1x16xf32>,
      %swap3A_1677 = vector.shape_cast %swap3A_1676 : vector<1x16xf32> to vector<16xf32>
      %swap3A_1678 = vector.shape_cast %get3A_126 : vector<16xf32> to vector<1x16xf32>
      tpu.vector_store %arg7[%swap3A_1674, %swap3A_1675], %swap3A_1678 {strides = array<i32>} : memref<64x768xf32, #tpu.memory_space<vmem>>, vector<1x16xf32>,
      %swap3A_1679 = arith.index_cast %scan3A_1669 : i32 to index
      %swap3A_1680 = arith.constant 32 : index
      %swap3A_1681 = tpu.vector_load %arg7[%swap3A_1679, %swap3A_1680] {strides = array<i32>} : memref<64x768xf32, #tpu.memory_space<vmem>>, vector<1x16xf32>,
      %swap3A_1682 = vector.shape_cast %swap3A_1681 : vector<1x16xf32> to vector<16xf32>
      %swap3A_1683 = vector.shape_cast %get3A_131 : vector<16xf32> to vector<1x16xf32>
      tpu.vector_store %arg7[%swap3A_1679, %swap3A_1680], %swap3A_1683 {strides = array<i32>} : memref<64x768xf32, #tpu.memory_space<vmem>>, vector<1x16xf32>,
      %swap3A_1684 = arith.index_cast %scan3A_1669 : i32 to index
      %swap3A_1685 = arith.constant 48 : index
      %swap3A_1686 = tpu.vector_load %arg7[%swap3A_1684, %swap3A_1685] {strides = array<i32>} : memref<64x768xf32, #tpu.memory_space<vmem>>, vector<1x16xf32>,
      %swap3A_1687 = vector.shape_cast %swap3A_1686 : vector<1x16xf32> to vector<16xf32>
      %swap3A_1688 = vector.shape_cast %get3A_136 : vector<16xf32> to vector<1x16xf32>
      tpu.vector_store %arg7[%swap3A_1684, %swap3A_1685], %swap3A_1688 {strides = array<i32>} : memref<64x768xf32, #tpu.memory_space<vmem>>, vector<1x16xf32>,
      %swap3A_1689 = arith.index_cast %scan3A_1669 : i32 to index
      %swap3A_1690 = arith.constant 64 : index
      %swap3A_1691 = tpu.vector_load %arg7[%swap3A_1689, %swap3A_1690] {strides = array<i32>} : memref<64x768xf32, #tpu.memory_space<vmem>>, vector<1x16xf32>,
      %swap3A_1692 = vector.shape_cast %swap3A_1691 : vector<1x16xf32> to vector<16xf32>
      %swap3A_1693 = vector.shape_cast %get3A_141 : vector<16xf32> to vector<1x16xf32>
      tpu.vector_store %arg7[%swap3A_1689, %swap3A_1690], %swap3A_1693 {strides = array<i32>} : memref<64x768xf32, #tpu.memory_space<vmem>>, vector<1x16xf32>,
      %swap3A_1694 = arith.index_cast %scan3A_1669 : i32 to index
      %swap3A_1695 = arith.constant 80 : index
      %swap3A_1696 = tpu.vector_load %arg7[%swap3A_1694, %swap3A_1695] {strides = array<i32>} : memref<64x768xf32, #tpu.memory_space<vmem>>, vector<1x16xf32>,
      %swap3A_1697 = vector.shape_cast %swap3A_1696 : vector<1x16xf32> to vector<16xf32>
      %swap3A_1698 = vector.shape_cast %get3A_146 : vector<16xf32> to vector<1x16xf32>
      tpu.vector_store %arg7[%swap3A_1694, %swap3A_1695], %swap3A_1698 {strides = array<i32>} : memref<64x768xf32, #tpu.memory_space<vmem>>, vector<1x16xf32>,
      %swap3A_1699 = arith.index_cast %scan3A_1669 : i32 to index
      %swap3A_1700 = arith.constant 96 : index
      %swap3A_1701 = tpu.vector_load %arg7[%swap3A_1699, %swap3A_1700] {strides = array<i32>} : memref<64x768xf32, #tpu.memory_space<vmem>>, vector<1x16xf32>,
      %swap3A_1702 = vector.shape_cast %swap3A_1701 : vector<1x16xf32> to vector<16xf32>
      %swap3A_1703 = vector.shape_cast %get3A_151 : vector<16xf32> to vector<1x16xf32>
      tpu.vector_store %arg7[%swap3A_1699, %swap3A_1700], %swap3A_1703 {strides = array<i32>} : memref<64x768xf32, #tpu.memory_space<vmem>>, vector<1x16xf32>,
      %swap3A_1704 = arith.index_cast %scan3A_1669 : i32 to index
      %swap3A_1705 = arith.constant 112 : index
      %swap3A_1706 = tpu.vector_load %arg7[%swap3A_1704, %swap3A_1705] {strides = array<i32>} : memref<64x768xf32, #tpu.memory_space<vmem>>, vector<1x16xf32>,
      %swap3A_1707 = vector.shape_cast %swap3A_1706 : vector<1x16xf32> to vector<16xf32>
      %swap3A_1708 = vector.shape_cast %get3A_156 : vector<16xf32> to vector<1x16xf32>
      tpu.vector_store %arg7[%swap3A_1704, %swap3A_1705], %swap3A_1708 {strides = array<i32>} : memref<64x768xf32, #tpu.memory_space<vmem>>, vector<1x16xf32>,
      %swap3A_1709 = arith.index_cast %scan3A_1669 : i32 to index
      %swap3A_1710 = arith.constant 128 : index
      %swap3A_1711 = tpu.vector_load %arg7[%swap3A_1709, %swap3A_1710] {strides = array<i32>} : memref<64x768xf32, #tpu.memory_space<vmem>>, vector<1x16xf32>,
      %swap3A_1712 = vector.shape_cast %swap3A_1711 : vector<1x16xf32> to vector<16xf32>
      %swap3A_1713 = vector.shape_cast %get3A_161 : vector<16xf32> to vector<1x16xf32>
      tpu.vector_store %arg7[%swap3A_1709, %swap3A_1710], %swap3A_1713 {strides = array<i32>} : memref<64x768xf32, #tpu.memory_space<vmem>>, vector<1x16xf32>,
      %swap3A_1714 = arith.index_cast %scan3A_1669 : i32 to index
      %swap3A_1715 = arith.constant 144 : index
      %swap3A_1716 = tpu.vector_load %arg7[%swap3A_1714, %swap3A_1715] {strides = array<i32>} : memref<64x768xf32, #tpu.memory_space<vmem>>, vector<1x16xf32>,
      %swap3A_1717 = vector.shape_cast %swap3A_1716 : vector<1x16xf32> to vector<16xf32>
      %swap3A_1718 = vector.shape_cast %get3A_166 : vector<16xf32> to vector<1x16xf32>
      tpu.vector_store %arg7[%swap3A_1714, %swap3A_1715], %swap3A_1718 {strides = array<i32>} : memref<64x768xf32, #tpu.memory_space<vmem>>, vector<1x16xf32>,
      %swap3A_1719 = arith.index_cast %scan3A_1669 : i32 to index
      %swap3A_1720 = arith.constant 160 : index
      %swap3A_1721 = tpu.vector_load %arg7[%swap3A_1719, %swap3A_1720] {strides = array<i32>} : memref<64x768xf32, #tpu.memory_space<vmem>>, vector<1x16xf32>,
      %swap3A_1722 = vector.shape_cast %swap3A_1721 : vector<1x16xf32> to vector<16xf32>
      %swap3A_1723 = vector.shape_cast %get3A_171 : vector<16xf32> to vector<1x16xf32>
      tpu.vector_store %arg7[%swap3A_1719, %swap3A_1720], %swap3A_1723 {strides = array<i32>} : memref<64x768xf32, #tpu.memory_space<vmem>>, vector<1x16xf32>,
      %swap3A_1724 = arith.index_cast %scan3A_1669 : i32 to index
      %swap3A_1725 = arith.constant 176 : index
      %swap3A_1726 = tpu.vector_load %arg7[%swap3A_1724, %swap3A_1725] {strides = array<i32>} : memref<64x768xf32, #tpu.memory_space<vmem>>, vector<1x16xf32>,
      %swap3A_1727 = vector.shape_cast %swap3A_1726 : vector<1x16xf32> to vector<16xf32>
      %swap3A_1728 = vector.shape_cast %get3A_176 : vector<16xf32> to vector<1x16xf32>
      tpu.vector_store %arg7[%swap3A_1724, %swap3A_1725], %swap3A_1728 {strides = array<i32>} : memref<64x768xf32, #tpu.memory_space<vmem>>, vector<1x16xf32>,
      %swap3A_1729 = arith.index_cast %scan3A_1669 : i32 to index
      %swap3A_1730 = arith.constant 192 : index
      %swap3A_1731 = tpu.vector_load %arg7[%swap3A_1729, %swap3A_1730] {strides = array<i32>} : memref<64x768xf32, #tpu.memory_space<vmem>>, vector<1x16xf32>,
      %swap3A_1732 = vector.shape_cast %swap3A_1731 : vector<1x16xf32> to vector<16xf32>
      %swap3A_1733 = vector.shape_cast %get3A_181 : vector<16xf32> to vector<1x16xf32>
      tpu.vector_store %arg7[%swap3A_1729, %swap3A_1730], %swap3A_1733 {strides = array<i32>} : memref<64x768xf32, #tpu.memory_space<vmem>>, vector<1x16xf32>,
      %swap3A_1734 = arith.index_cast %scan3A_1669 : i32 to index
      %swap3A_1735 = arith.constant 208 : index
      %swap3A_1736 = tpu.vector_load %arg7[%swap3A_1734, %swap3A_1735] {strides = array<i32>} : memref<64x768xf32, #tpu.memory_space<vmem>>, vector<1x16xf32>,
      %swap3A_1737 = vector.shape_cast %swap3A_1736 : vector<1x16xf32> to vector<16xf32>
      %swap3A_1738 = vector.shape_cast %get3A_186 : vector<16xf32> to vector<1x16xf32>
      tpu.vector_store %arg7[%swap3A_1734, %swap3A_1735], %swap3A_1738 {strides = array<i32>} : memref<64x768xf32, #tpu.memory_space<vmem>>, vector<1x16xf32>,
      %swap3A_1739 = arith.index_cast %scan3A_1669 : i32 to index
      %swap3A_1740 = arith.constant 224 : index
      %swap3A_1741 = tpu.vector_load %arg7[%swap3A_1739, %swap3A_1740] {strides = array<i32>} : memref<64x768xf32, #tpu.memory_space<vmem>>, vector<1x16xf32>,
      %swap3A_1742 = vector.shape_cast %swap3A_1741 : vector<1x16xf32> to vector<16xf32>
      %swap3A_1743 = vector.shape_cast %get3A_191 : vector<16xf32> to vector<1x16xf32>
      tpu.vector_store %arg7[%swap3A_1739, %swap3A_1740], %swap3A_1743 {strides = array<i32>} : memref<64x768xf32, #tpu.memory_space<vmem>>, vector<1x16xf32>,
      %swap3A_1744 = arith.index_cast %scan3A_1669 : i32 to index
      %swap3A_1745 = arith.constant 240 : index
      %swap3A_1746 = tpu.vector_load %arg7[%swap3A_1744, %swap3A_1745] {strides = array<i32>} : memref<64x768xf32, #tpu.memory_space<vmem>>, vector<1x16xf32>,
      %swap3A_1747 = vector.shape_cast %swap3A_1746 : vector<1x16xf32> to vector<16xf32>
      %swap3A_1748 = vector.shape_cast %get3A_196 : vector<16xf32> to vector<1x16xf32>
      tpu.vector_store %arg7[%swap3A_1744, %swap3A_1745], %swap3A_1748 {strides = array<i32>} : memref<64x768xf32, #tpu.memory_space<vmem>>, vector<1x16xf32>,
    }
    %scan3A_202 = arith.constant 64 : i32
    %scan3A_203 = arith.constant 0 : i32
    %scan3A_204 = arith.constant 0 : i32
    %scan3A_205 = arith.constant 64 : i32
    %scan3A_206 = arith.addi %scan3A_204, %scan3A_205 : i32
    %scan3A_207 = arith.constant 1 : i32
    scf.for %scan3A_1669 = %scan3A_204 to %scan3A_206 step %scan3A_207  : i32 {
      %get3A_1670 = arith.index_cast %scan3A_1669 : i32 to index
      %get3A_1671 = arith.constant 0 : index
      %get3A_1672 = tpu.vector_load %arg10[%get3A_1670, %get3A_1671] {strides = array<i32>} : memref<64x256xf32, #tpu.memory_space<vmem>>, vector<1x16xf32>,
      %get3A_1673 = vector.shape_cast %get3A_1672 : vector<1x16xf32> to vector<16xf32>
      %swap3A = arith.index_cast %scan3A_1669 : i32 to index
      %swap3A_1674 = arith.constant 512 : index
      %swap3A_1675 = tpu.vector_load %arg6[%swap3A, %swap3A_1674] {strides = array<i32>} : memref<64x768xf32, #tpu.memory_space<vmem>>, vector<1x16xf32>,
      %swap3A_1676 = vector.shape_cast %swap3A_1675 : vector<1x16xf32> to vector<16xf32>
      %swap3A_1677 = vector.shape_cast %get3A_1673 : vector<16xf32> to vector<1x16xf32>
      tpu.vector_store %arg6[%swap3A, %swap3A_1674], %swap3A_1677 {strides = array<i32>} : memref<64x768xf32, #tpu.memory_space<vmem>>, vector<1x16xf32>,
      %get3A_1678 = arith.index_cast %scan3A_1669 : i32 to index
      %get3A_1679 = arith.constant 16 : index
      %get3A_1680 = tpu.vector_load %arg10[%get3A_1678, %get3A_1679] {strides = array<i32>} : memref<64x256xf32, #tpu.memory_space<vmem>>, vector<1x16xf32>,
      %get3A_1681 = vector.shape_cast %get3A_1680 : vector<1x16xf32> to vector<16xf32>
      %swap3A_1682 = arith.index_cast %scan3A_1669 : i32 to index
      %swap3A_1683 = arith.constant 528 : index
      %swap3A_1684 = tpu.vector_load %arg6[%swap3A_1682, %swap3A_1683] {strides = array<i32>} : memref<64x768xf32, #tpu.memory_space<vmem>>, vector<1x16xf32>,
      %swap3A_1685 = vector.shape_cast %swap3A_1684 : vector<1x16xf32> to vector<16xf32>
      %swap3A_1686 = vector.shape_cast %get3A_1681 : vector<16xf32> to vector<1x16xf32>
      tpu.vector_store %arg6[%swap3A_1682, %swap3A_1683], %swap3A_1686 {strides = array<i32>} : memref<64x768xf32, #tpu.memory_space<vmem>>, vector<1x16xf32>,
      %get3A_1687 = arith.index_cast %scan3A_1669 : i32 to index
      %get3A_1688 = arith.constant 32 : index
      %get3A_1689 = tpu.vector_load %arg10[%get3A_1687, %get3A_1688] {strides = array<i32>} : memref<64x256xf32, #tpu.memory_space<vmem>>, vector<1x16xf32>,
      %get3A_1690 = vector.shape_cast %get3A_1689 : vector<1x16xf32> to vector<16xf32>
      %swap3A_1691 = arith.index_cast %scan3A_1669 : i32 to index
      %swap3A_1692 = arith.constant 544 : index
      %swap3A_1693 = tpu.vector_load %arg6[%swap3A_1691, %swap3A_1692] {strides = array<i32>} : memref<64x768xf32, #tpu.memory_space<vmem>>, vector<1x16xf32>,
      %swap3A_1694 = vector.shape_cast %swap3A_1693 : vector<1x16xf32> to vector<16xf32>
      %swap3A_1695 = vector.shape_cast %get3A_1690 : vector<16xf32> to vector<1x16xf32>
      tpu.vector_store %arg6[%swap3A_1691, %swap3A_1692], %swap3A_1695 {strides = array<i32>} : memref<64x768xf32, #tpu.memory_space<vmem>>, vector<1x16xf32>,
      %get3A_1696 = arith.index_cast %scan3A_1669 : i32 to index
      %get3A_1697 = arith.constant 48 : index
      %get3A_1698 = tpu.vector_load %arg10[%get3A_1696, %get3A_1697] {strides = array<i32>} : memref<64x256xf32, #tpu.memory_space<vmem>>, vector<1x16xf32>,
      %get3A_1699 = vector.shape_cast %get3A_1698 : vector<1x16xf32> to vector<16xf32>
      %swap3A_1700 = arith.index_cast %scan3A_1669 : i32 to index
      %swap3A_1701 = arith.constant 560 : index
      %swap3A_1702 = tpu.vector_load %arg6[%swap3A_1700, %swap3A_1701] {strides = array<i32>} : memref<64x768xf32, #tpu.memory_space<vmem>>, vector<1x16xf32>,
      %swap3A_1703 = vector.shape_cast %swap3A_1702 : vector<1x16xf32> to vector<16xf32>
      %swap3A_1704 = vector.shape_cast %get3A_1699 : vector<16xf32> to vector<1x16xf32>
      tpu.vector_store %arg6[%swap3A_1700, %swap3A_1701], %swap3A_1704 {strides = array<i32>} : memref<64x768xf32, #tpu.memory_space<vmem>>, vector<1x16xf32>,
      %get3A_1705 = arith.index_cast %scan3A_1669 : i32 to index
      %get3A_1706 = arith.constant 64 : index
      %get3A_1707 = tpu.vector_load %arg10[%get3A_1705, %get3A_1706] {strides = array<i32>} : memref<64x256xf32, #tpu.memory_space<vmem>>, vector<1x16xf32>,
      %get3A_1708 = vector.shape_cast %get3A_1707 : vector<1x16xf32> to vector<16xf32>
      %swap3A_1709 = arith.index_cast %scan3A_1669 : i32 to index
      %swap3A_1710 = arith.constant 576 : index
      %swap3A_1711 = tpu.vector_load %arg6[%swap3A_1709, %swap3A_1710] {strides = array<i32>} : memref<64x768xf32, #tpu.memory_space<vmem>>, vector<1x16xf32>,
      %swap3A_1712 = vector.shape_cast %swap3A_1711 : vector<1x16xf32> to vector<16xf32>
      %swap3A_1713 = vector.shape_cast %get3A_1708 : vector<16xf32> to vector<1x16xf32>
      tpu.vector_store %arg6[%swap3A_1709, %swap3A_1710], %swap3A_1713 {strides = array<i32>} : memref<64x768xf32, #tpu.memory_space<vmem>>, vector<1x16xf32>,
      %get3A_1714 = arith.index_cast %scan3A_1669 : i32 to index
      %get3A_1715 = arith.constant 80 : index
      %get3A_1716 = tpu.vector_load %arg10[%get3A_1714, %get3A_1715] {strides = array<i32>} : memref<64x256xf32, #tpu.memory_space<vmem>>, vector<1x16xf32>,
      %get3A_1717 = vector.shape_cast %get3A_1716 : vector<1x16xf32> to vector<16xf32>
      %swap3A_1718 = arith.index_cast %scan3A_1669 : i32 to index
      %swap3A_1719 = arith.constant 592 : index
      %swap3A_1720 = tpu.vector_load %arg6[%swap3A_1718, %swap3A_1719] {strides = array<i32>} : memref<64x768xf32, #tpu.memory_space<vmem>>, vector<1x16xf32>,
      %swap3A_1721 = vector.shape_cast %swap3A_1720 : vector<1x16xf32> to vector<16xf32>
      %swap3A_1722 = vector.shape_cast %get3A_1717 : vector<16xf32> to vector<1x16xf32>
      tpu.vector_store %arg6[%swap3A_1718, %swap3A_1719], %swap3A_1722 {strides = array<i32>} : memref<64x768xf32, #tpu.memory_space<vmem>>, vector<1x16xf32>,
      %get3A_1723 = arith.index_cast %scan3A_1669 : i32 to index
      %get3A_1724 = arith.constant 96 : index
      %get3A_1725 = tpu.vector_load %arg10[%get3A_1723, %get3A_1724] {strides = array<i32>} : memref<64x256xf32, #tpu.memory_space<vmem>>, vector<1x16xf32>,
      %get3A_1726 = vector.shape_cast %get3A_1725 : vector<1x16xf32> to vector<16xf32>
      %swap3A_1727 = arith.index_cast %scan3A_1669 : i32 to index
      %swap3A_1728 = arith.constant 608 : index
      %swap3A_1729 = tpu.vector_load %arg6[%swap3A_1727, %swap3A_1728] {strides = array<i32>} : memref<64x768xf32, #tpu.memory_space<vmem>>, vector<1x16xf32>,
      %swap3A_1730 = vector.shape_cast %swap3A_1729 : vector<1x16xf32> to vector<16xf32>
      %swap3A_1731 = vector.shape_cast %get3A_1726 : vector<16xf32> to vector<1x16xf32>
      tpu.vector_store %arg6[%swap3A_1727, %swap3A_1728], %swap3A_1731 {strides = array<i32>} : memref<64x768xf32, #tpu.memory_space<vmem>>, vector<1x16xf32>,
      %get3A_1732 = arith.index_cast %scan3A_1669 : i32 to index
      %get3A_1733 = arith.constant 112 : index
      %get3A_1734 = tpu.vector_load %arg10[%get3A_1732, %get3A_1733] {strides = array<i32>} : memref<64x256xf32, #tpu.memory_space<vmem>>, vector<1x16xf32>,
      %get3A_1735 = vector.shape_cast %get3A_1734 : vector<1x16xf32> to vector<16xf32>
      %swap3A_1736 = arith.index_cast %scan3A_1669 : i32 to index
      %swap3A_1737 = arith.constant 624 : index
      %swap3A_1738 = tpu.vector_load %arg6[%swap3A_1736, %swap3A_1737] {strides = array<i32>} : memref<64x768xf32, #tpu.memory_space<vmem>>, vector<1x16xf32>,
      %swap3A_1739 = vector.shape_cast %swap3A_1738 : vector<1x16xf32> to vector<16xf32>
      %swap3A_1740 = vector.shape_cast %get3A_1735 : vector<16xf32> to vector<1x16xf32>
      tpu.vector_store %arg6[%swap3A_1736, %swap3A_1737], %swap3A_1740 {strides = array<i32>} : memref<64x768xf32, #tpu.memory_space<vmem>>, vector<1x16xf32>,
      %get3A_1741 = arith.index_cast %scan3A_1669 : i32 to index
      %get3A_1742 = arith.constant 128 : index
      %get3A_1743 = tpu.vector_load %arg10[%get3A_1741, %get3A_1742] {strides = array<i32>} : memref<64x256xf32, #tpu.memory_space<vmem>>, vector<1x16xf32>,
      %get3A_1744 = vector.shape_cast %get3A_1743 : vector<1x16xf32> to vector<16xf32>
      %swap3A_1745 = arith.index_cast %scan3A_1669 : i32 to index
      %swap3A_1746 = arith.constant 640 : index
      %swap3A_1747 = tpu.vector_load %arg6[%swap3A_1745, %swap3A_1746] {strides = array<i32>} : memref<64x768xf32, #tpu.memory_space<vmem>>, vector<1x16xf32>,
      %swap3A_1748 = vector.shape_cast %swap3A_1747 : vector<1x16xf32> to vector<16xf32>
      %swap3A_1749 = vector.shape_cast %get3A_1744 : vector<16xf32> to vector<1x16xf32>
      tpu.vector_store %arg6[%swap3A_1745, %swap3A_1746], %swap3A_1749 {strides = array<i32>} : memref<64x768xf32, #tpu.memory_space<vmem>>, vector<1x16xf32>,
      %get3A_1750 = arith.index_cast %scan3A_1669 : i32 to index
      %get3A_1751 = arith.constant 144 : index
      %get3A_1752 = tpu.vector_load %arg10[%get3A_1750, %get3A_1751] {strides = array<i32>} : memref<64x256xf32, #tpu.memory_space<vmem>>, vector<1x16xf32>,
      %get3A_1753 = vector.shape_cast %get3A_1752 : vector<1x16xf32> to vector<16xf32>
      %swap3A_1754 = arith.index_cast %scan3A_1669 : i32 to index
      %swap3A_1755 = arith.constant 656 : index
      %swap3A_1756 = tpu.vector_load %arg6[%swap3A_1754, %swap3A_1755] {strides = array<i32>} : memref<64x768xf32, #tpu.memory_space<vmem>>, vector<1x16xf32>,
      %swap3A_1757 = vector.shape_cast %swap3A_1756 : vector<1x16xf32> to vector<16xf32>
      %swap3A_1758 = vector.shape_cast %get3A_1753 : vector<16xf32> to vector<1x16xf32>
      tpu.vector_store %arg6[%swap3A_1754, %swap3A_1755], %swap3A_1758 {strides = array<i32>} : memref<64x768xf32, #tpu.memory_space<vmem>>, vector<1x16xf32>,
      %get3A_1759 = arith.index_cast %scan3A_1669 : i32 to index
      %get3A_1760 = arith.constant 160 : index
      %get3A_1761 = tpu.vector_load %arg10[%get3A_1759, %get3A_1760] {strides = array<i32>} : memref<64x256xf32, #tpu.memory_space<vmem>>, vector<1x16xf32>,
      %get3A_1762 = vector.shape_cast %get3A_1761 : vector<1x16xf32> to vector<16xf32>
      %swap3A_1763 = arith.index_cast %scan3A_1669 : i32 to index
      %swap3A_1764 = arith.constant 672 : index
      %swap3A_1765 = tpu.vector_load %arg6[%swap3A_1763, %swap3A_1764] {strides = array<i32>} : memref<64x768xf32, #tpu.memory_space<vmem>>, vector<1x16xf32>,
      %swap3A_1766 = vector.shape_cast %swap3A_1765 : vector<1x16xf32> to vector<16xf32>
      %swap3A_1767 = vector.shape_cast %get3A_1762 : vector<16xf32> to vector<1x16xf32>
      tpu.vector_store %arg6[%swap3A_1763, %swap3A_1764], %swap3A_1767 {strides = array<i32>} : memref<64x768xf32, #tpu.memory_space<vmem>>, vector<1x16xf32>,
      %get3A_1768 = arith.index_cast %scan3A_1669 : i32 to index
      %get3A_1769 = arith.constant 176 : index
      %get3A_1770 = tpu.vector_load %arg10[%get3A_1768, %get3A_1769] {strides = array<i32>} : memref<64x256xf32, #tpu.memory_space<vmem>>, vector<1x16xf32>,
      %get3A_1771 = vector.shape_cast %get3A_1770 : vector<1x16xf32> to vector<16xf32>
      %swap3A_1772 = arith.index_cast %scan3A_1669 : i32 to index
      %swap3A_1773 = arith.constant 688 : index
      %swap3A_1774 = tpu.vector_load %arg6[%swap3A_1772, %swap3A_1773] {strides = array<i32>} : memref<64x768xf32, #tpu.memory_space<vmem>>, vector<1x16xf32>,
      %swap3A_1775 = vector.shape_cast %swap3A_1774 : vector<1x16xf32> to vector<16xf32>
      %swap3A_1776 = vector.shape_cast %get3A_1771 : vector<16xf32> to vector<1x16xf32>
      tpu.vector_store %arg6[%swap3A_1772, %swap3A_1773], %swap3A_1776 {strides = array<i32>} : memref<64x768xf32, #tpu.memory_space<vmem>>, vector<1x16xf32>,
      %get3A_1777 = arith.index_cast %scan3A_1669 : i32 to index
      %get3A_1778 = arith.constant 192 : index
      %get3A_1779 = tpu.vector_load %arg10[%get3A_1777, %get3A_1778] {strides = array<i32>} : memref<64x256xf32, #tpu.memory_space<vmem>>, vector<1x16xf32>,
      %get3A_1780 = vector.shape_cast %get3A_1779 : vector<1x16xf32> to vector<16xf32>
      %swap3A_1781 = arith.index_cast %scan3A_1669 : i32 to index
      %swap3A_1782 = arith.constant 704 : index
      %swap3A_1783 = tpu.vector_load %arg6[%swap3A_1781, %swap3A_1782] {strides = array<i32>} : memref<64x768xf32, #tpu.memory_space<vmem>>, vector<1x16xf32>,
      %swap3A_1784 = vector.shape_cast %swap3A_1783 : vector<1x16xf32> to vector<16xf32>
      %swap3A_1785 = vector.shape_cast %get3A_1780 : vector<16xf32> to vector<1x16xf32>
      tpu.vector_store %arg6[%swap3A_1781, %swap3A_1782], %swap3A_1785 {strides = array<i32>} : memref<64x768xf32, #tpu.memory_space<vmem>>, vector<1x16xf32>,
      %get3A_1786 = arith.index_cast %scan3A_1669 : i32 to index
      %get3A_1787 = arith.constant 208 : index
      %get3A_1788 = tpu.vector_load %arg10[%get3A_1786, %get3A_1787] {strides = array<i32>} : memref<64x256xf32, #tpu.memory_space<vmem>>, vector<1x16xf32>,
      %get3A_1789 = vector.shape_cast %get3A_1788 : vector<1x16xf32> to vector<16xf32>
      %swap3A_1790 = arith.index_cast %scan3A_1669 : i32 to index
      %swap3A_1791 = arith.constant 720 : index
      %swap3A_1792 = tpu.vector_load %arg6[%swap3A_1790, %swap3A_1791] {strides = array<i32>} : memref<64x768xf32, #tpu.memory_space<vmem>>, vector<1x16xf32>,
      %swap3A_1793 = vector.shape_cast %swap3A_1792 : vector<1x16xf32> to vector<16xf32>
      %swap3A_1794 = vector.shape_cast %get3A_1789 : vector<16xf32> to vector<1x16xf32>
      tpu.vector_store %arg6[%swap3A_1790, %swap3A_1791], %swap3A_1794 {strides = array<i32>} : memref<64x768xf32, #tpu.memory_space<vmem>>, vector<1x16xf32>,
      %get3A_1795 = arith.index_cast %scan3A_1669 : i32 to index
      %get3A_1796 = arith.constant 224 : index
      %get3A_1797 = tpu.vector_load %arg10[%get3A_1795, %get3A_1796] {strides = array<i32>} : memref<64x256xf32, #tpu.memory_space<vmem>>, vector<1x16xf32>,
      %get3A_1798 = vector.shape_cast %get3A_1797 : vector<1x16xf32> to vector<16xf32>
      %swap3A_1799 = arith.index_cast %scan3A_1669 : i32 to index
      %swap3A_1800 = arith.constant 736 : index
      %swap3A_1801 = tpu.vector_load %arg6[%swap3A_1799, %swap3A_1800] {strides = array<i32>} : memref<64x768xf32, #tpu.memory_space<vmem>>, vector<1x16xf32>,
      %swap3A_1802 = vector.shape_cast %swap3A_1801 : vector<1x16xf32> to vector<16xf32>
      %swap3A_1803 = vector.shape_cast %get3A_1798 : vector<16xf32> to vector<1x16xf32>
      tpu.vector_store %arg6[%swap3A_1799, %swap3A_1800], %swap3A_1803 {strides = array<i32>} : memref<64x768xf32, #tpu.memory_space<vmem>>, vector<1x16xf32>,
      %get3A_1804 = arith.index_cast %scan3A_1669 : i32 to index
      %get3A_1805 = arith.constant 240 : index
      %get3A_1806 = tpu.vector_load %arg10[%get3A_1804, %get3A_1805] {strides = array<i32>} : memref<64x256xf32, #tpu.memory_space<vmem>>, vector<1x16xf32>,
      %get3A_1807 = vector.shape_cast %get3A_1806 : vector<1x16xf32> to vector<16xf32>
      %swap3A_1808 = arith.index_cast %scan3A_1669 : i32 to index
      %swap3A_1809 = arith.constant 752 : index
      %swap3A_1810 = tpu.vector_load %arg6[%swap3A_1808, %swap3A_1809] {strides = array<i32>} : memref<64x768xf32, #tpu.memory_space<vmem>>, vector<1x16xf32>,
      %swap3A_1811 = vector.shape_cast %swap3A_1810 : vector<1x16xf32> to vector<16xf32>
      %swap3A_1812 = vector.shape_cast %get3A_1807 : vector<16xf32> to vector<1x16xf32>
      tpu.vector_store %arg6[%swap3A_1808, %swap3A_1809], %swap3A_1812 {strides = array<i32>} : memref<64x768xf32, #tpu.memory_space<vmem>>, vector<1x16xf32>,
    }
    %scan3A_208 = arith.constant 64 : i32
    %scan3A_209 = arith.constant 0 : i32
    %scan3A_210 = arith.constant 0 : i32
    %scan3A_211 = arith.constant 64 : i32
    %scan3A_212 = arith.addi %scan3A_210, %scan3A_211 : i32
    %scan3A_213 = arith.constant 1 : i32
    scf.for %scan3A_1669 = %scan3A_210 to %scan3A_212 step %scan3A_213  : i32 {
      %get3A_1670 = arith.index_cast %scan3A_1669 : i32 to index
      %get3A_1671 = arith.constant 0 : index
      %get3A_1672 = tpu.vector_load %arg10[%get3A_1670, %get3A_1671] {strides = array<i32>} : memref<64x256xf32, #tpu.memory_space<vmem>>, vector<1x16xf32>,
      %get3A_1673 = vector.shape_cast %get3A_1672 : vector<1x16xf32> to vector<16xf32>
      %swap3A = arith.index_cast %scan3A_1669 : i32 to index
      %swap3A_1674 = arith.constant 512 : index
      %swap3A_1675 = tpu.vector_load %arg7[%swap3A, %swap3A_1674] {strides = array<i32>} : memref<64x768xf32, #tpu.memory_space<vmem>>, vector<1x16xf32>,
      %swap3A_1676 = vector.shape_cast %swap3A_1675 : vector<1x16xf32> to vector<16xf32>
      %swap3A_1677 = vector.shape_cast %get3A_1673 : vector<16xf32> to vector<1x16xf32>
      tpu.vector_store %arg7[%swap3A, %swap3A_1674], %swap3A_1677 {strides = array<i32>} : memref<64x768xf32, #tpu.memory_space<vmem>>, vector<1x16xf32>,
      %get3A_1678 = arith.index_cast %scan3A_1669 : i32 to index
      %get3A_1679 = arith.constant 16 : index
      %get3A_1680 = tpu.vector_load %arg10[%get3A_1678, %get3A_1679] {strides = array<i32>} : memref<64x256xf32, #tpu.memory_space<vmem>>, vector<1x16xf32>,
      %get3A_1681 = vector.shape_cast %get3A_1680 : vector<1x16xf32> to vector<16xf32>
      %swap3A_1682 = arith.index_cast %scan3A_1669 : i32 to index
      %swap3A_1683 = arith.constant 528 : index
      %swap3A_1684 = tpu.vector_load %arg7[%swap3A_1682, %swap3A_1683] {strides = array<i32>} : memref<64x768xf32, #tpu.memory_space<vmem>>, vector<1x16xf32>,
      %swap3A_1685 = vector.shape_cast %swap3A_1684 : vector<1x16xf32> to vector<16xf32>
      %swap3A_1686 = vector.shape_cast %get3A_1681 : vector<16xf32> to vector<1x16xf32>
      tpu.vector_store %arg7[%swap3A_1682, %swap3A_1683], %swap3A_1686 {strides = array<i32>} : memref<64x768xf32, #tpu.memory_space<vmem>>, vector<1x16xf32>,
      %get3A_1687 = arith.index_cast %scan3A_1669 : i32 to index
      %get3A_1688 = arith.constant 32 : index
      %get3A_1689 = tpu.vector_load %arg10[%get3A_1687, %get3A_1688] {strides = array<i32>} : memref<64x256xf32, #tpu.memory_space<vmem>>, vector<1x16xf32>,
      %get3A_1690 = vector.shape_cast %get3A_1689 : vector<1x16xf32> to vector<16xf32>
      %swap3A_1691 = arith.index_cast %scan3A_1669 : i32 to index
      %swap3A_1692 = arith.constant 544 : index
      %swap3A_1693 = tpu.vector_load %arg7[%swap3A_1691, %swap3A_1692] {strides = array<i32>} : memref<64x768xf32, #tpu.memory_space<vmem>>, vector<1x16xf32>,
      %swap3A_1694 = vector.shape_cast %swap3A_1693 : vector<1x16xf32> to vector<16xf32>
      %swap3A_1695 = vector.shape_cast %get3A_1690 : vector<16xf32> to vector<1x16xf32>
      tpu.vector_store %arg7[%swap3A_1691, %swap3A_1692], %swap3A_1695 {strides = array<i32>} : memref<64x768xf32, #tpu.memory_space<vmem>>, vector<1x16xf32>,
      %get3A_1696 = arith.index_cast %scan3A_1669 : i32 to index
      %get3A_1697 = arith.constant 48 : index
      %get3A_1698 = tpu.vector_load %arg10[%get3A_1696, %get3A_1697] {strides = array<i32>} : memref<64x256xf32, #tpu.memory_space<vmem>>, vector<1x16xf32>,
      %get3A_1699 = vector.shape_cast %get3A_1698 : vector<1x16xf32> to vector<16xf32>
      %swap3A_1700 = arith.index_cast %scan3A_1669 : i32 to index
      %swap3A_1701 = arith.constant 560 : index
      %swap3A_1702 = tpu.vector_load %arg7[%swap3A_1700, %swap3A_1701] {strides = array<i32>} : memref<64x768xf32, #tpu.memory_space<vmem>>, vector<1x16xf32>,
      %swap3A_1703 = vector.shape_cast %swap3A_1702 : vector<1x16xf32> to vector<16xf32>
      %swap3A_1704 = vector.shape_cast %get3A_1699 : vector<16xf32> to vector<1x16xf32>
      tpu.vector_store %arg7[%swap3A_1700, %swap3A_1701], %swap3A_1704 {strides = array<i32>} : memref<64x768xf32, #tpu.memory_space<vmem>>, vector<1x16xf32>,
      %get3A_1705 = arith.index_cast %scan3A_1669 : i32 to index
      %get3A_1706 = arith.constant 64 : index
      %get3A_1707 = tpu.vector_load %arg10[%get3A_1705, %get3A_1706] {strides = array<i32>} : memref<64x256xf32, #tpu.memory_space<vmem>>, vector<1x16xf32>,
      %get3A_1708 = vector.shape_cast %get3A_1707 : vector<1x16xf32> to vector<16xf32>
      %swap3A_1709 = arith.index_cast %scan3A_1669 : i32 to index
      %swap3A_1710 = arith.constant 576 : index
      %swap3A_1711 = tpu.vector_load %arg7[%swap3A_1709, %swap3A_1710] {strides = array<i32>} : memref<64x768xf32, #tpu.memory_space<vmem>>, vector<1x16xf32>,
      %swap3A_1712 = vector.shape_cast %swap3A_1711 : vector<1x16xf32> to vector<16xf32>
      %swap3A_1713 = vector.shape_cast %get3A_1708 : vector<16xf32> to vector<1x16xf32>
      tpu.vector_store %arg7[%swap3A_1709, %swap3A_1710], %swap3A_1713 {strides = array<i32>} : memref<64x768xf32, #tpu.memory_space<vmem>>, vector<1x16xf32>,
      %get3A_1714 = arith.index_cast %scan3A_1669 : i32 to index
      %get3A_1715 = arith.constant 80 : index
      %get3A_1716 = tpu.vector_load %arg10[%get3A_1714, %get3A_1715] {strides = array<i32>} : memref<64x256xf32, #tpu.memory_space<vmem>>, vector<1x16xf32>,
      %get3A_1717 = vector.shape_cast %get3A_1716 : vector<1x16xf32> to vector<16xf32>
      %swap3A_1718 = arith.index_cast %scan3A_1669 : i32 to index
      %swap3A_1719 = arith.constant 592 : index
      %swap3A_1720 = tpu.vector_load %arg7[%swap3A_1718, %swap3A_1719] {strides = array<i32>} : memref<64x768xf32, #tpu.memory_space<vmem>>, vector<1x16xf32>,
      %swap3A_1721 = vector.shape_cast %swap3A_1720 : vector<1x16xf32> to vector<16xf32>
      %swap3A_1722 = vector.shape_cast %get3A_1717 : vector<16xf32> to vector<1x16xf32>
      tpu.vector_store %arg7[%swap3A_1718, %swap3A_1719], %swap3A_1722 {strides = array<i32>} : memref<64x768xf32, #tpu.memory_space<vmem>>, vector<1x16xf32>,
      %get3A_1723 = arith.index_cast %scan3A_1669 : i32 to index
      %get3A_1724 = arith.constant 96 : index
      %get3A_1725 = tpu.vector_load %arg10[%get3A_1723, %get3A_1724] {strides = array<i32>} : memref<64x256xf32, #tpu.memory_space<vmem>>, vector<1x16xf32>,
      %get3A_1726 = vector.shape_cast %get3A_1725 : vector<1x16xf32> to vector<16xf32>
      %swap3A_1727 = arith.index_cast %scan3A_1669 : i32 to index
      %swap3A_1728 = arith.constant 608 : index
      %swap3A_1729 = tpu.vector_load %arg7[%swap3A_1727, %swap3A_1728] {strides = array<i32>} : memref<64x768xf32, #tpu.memory_space<vmem>>, vector<1x16xf32>,
      %swap3A_1730 = vector.shape_cast %swap3A_1729 : vector<1x16xf32> to vector<16xf32>
      %swap3A_1731 = vector.shape_cast %get3A_1726 : vector<16xf32> to vector<1x16xf32>
      tpu.vector_store %arg7[%swap3A_1727, %swap3A_1728], %swap3A_1731 {strides = array<i32>} : memref<64x768xf32, #tpu.memory_space<vmem>>, vector<1x16xf32>,
      %get3A_1732 = arith.index_cast %scan3A_1669 : i32 to index
      %get3A_1733 = arith.constant 112 : index
      %get3A_1734 = tpu.vector_load %arg10[%get3A_1732, %get3A_1733] {strides = array<i32>} : memref<64x256xf32, #tpu.memory_space<vmem>>, vector<1x16xf32>,
      %get3A_1735 = vector.shape_cast %get3A_1734 : vector<1x16xf32> to vector<16xf32>
      %swap3A_1736 = arith.index_cast %scan3A_1669 : i32 to index
      %swap3A_1737 = arith.constant 624 : index
      %swap3A_1738 = tpu.vector_load %arg7[%swap3A_1736, %swap3A_1737] {strides = array<i32>} : memref<64x768xf32, #tpu.memory_space<vmem>>, vector<1x16xf32>,
      %swap3A_1739 = vector.shape_cast %swap3A_1738 : vector<1x16xf32> to vector<16xf32>
      %swap3A_1740 = vector.shape_cast %get3A_1735 : vector<16xf32> to vector<1x16xf32>
      tpu.vector_store %arg7[%swap3A_1736, %swap3A_1737], %swap3A_1740 {strides = array<i32>} : memref<64x768xf32, #tpu.memory_space<vmem>>, vector<1x16xf32>,
      %get3A_1741 = arith.index_cast %scan3A_1669 : i32 to index
      %get3A_1742 = arith.constant 128 : index
      %get3A_1743 = tpu.vector_load %arg10[%get3A_1741, %get3A_1742] {strides = array<i32>} : memref<64x256xf32, #tpu.memory_space<vmem>>, vector<1x16xf32>,
      %get3A_1744 = vector.shape_cast %get3A_1743 : vector<1x16xf32> to vector<16xf32>
      %swap3A_1745 = arith.index_cast %scan3A_1669 : i32 to index
      %swap3A_1746 = arith.constant 640 : index
      %swap3A_1747 = tpu.vector_load %arg7[%swap3A_1745, %swap3A_1746] {strides = array<i32>} : memref<64x768xf32, #tpu.memory_space<vmem>>, vector<1x16xf32>,
      %swap3A_1748 = vector.shape_cast %swap3A_1747 : vector<1x16xf32> to vector<16xf32>
      %swap3A_1749 = vector.shape_cast %get3A_1744 : vector<16xf32> to vector<1x16xf32>
      tpu.vector_store %arg7[%swap3A_1745, %swap3A_1746], %swap3A_1749 {strides = array<i32>} : memref<64x768xf32, #tpu.memory_space<vmem>>, vector<1x16xf32>,
      %get3A_1750 = arith.index_cast %scan3A_1669 : i32 to index
      %get3A_1751 = arith.constant 144 : index
      %get3A_1752 = tpu.vector_load %arg10[%get3A_1750, %get3A_1751] {strides = array<i32>} : memref<64x256xf32, #tpu.memory_space<vmem>>, vector<1x16xf32>,
      %get3A_1753 = vector.shape_cast %get3A_1752 : vector<1x16xf32> to vector<16xf32>
      %swap3A_1754 = arith.index_cast %scan3A_1669 : i32 to index
      %swap3A_1755 = arith.constant 656 : index
      %swap3A_1756 = tpu.vector_load %arg7[%swap3A_1754, %swap3A_1755] {strides = array<i32>} : memref<64x768xf32, #tpu.memory_space<vmem>>, vector<1x16xf32>,
      %swap3A_1757 = vector.shape_cast %swap3A_1756 : vector<1x16xf32> to vector<16xf32>
      %swap3A_1758 = vector.shape_cast %get3A_1753 : vector<16xf32> to vector<1x16xf32>
      tpu.vector_store %arg7[%swap3A_1754, %swap3A_1755], %swap3A_1758 {strides = array<i32>} : memref<64x768xf32, #tpu.memory_space<vmem>>, vector<1x16xf32>,
      %get3A_1759 = arith.index_cast %scan3A_1669 : i32 to index
      %get3A_1760 = arith.constant 160 : index
      %get3A_1761 = tpu.vector_load %arg10[%get3A_1759, %get3A_1760] {strides = array<i32>} : memref<64x256xf32, #tpu.memory_space<vmem>>, vector<1x16xf32>,
      %get3A_1762 = vector.shape_cast %get3A_1761 : vector<1x16xf32> to vector<16xf32>
      %swap3A_1763 = arith.index_cast %scan3A_1669 : i32 to index
      %swap3A_1764 = arith.constant 672 : index
      %swap3A_1765 = tpu.vector_load %arg7[%swap3A_1763, %swap3A_1764] {strides = array<i32>} : memref<64x768xf32, #tpu.memory_space<vmem>>, vector<1x16xf32>,
      %swap3A_1766 = vector.shape_cast %swap3A_1765 : vector<1x16xf32> to vector<16xf32>
      %swap3A_1767 = vector.shape_cast %get3A_1762 : vector<16xf32> to vector<1x16xf32>
      tpu.vector_store %arg7[%swap3A_1763, %swap3A_1764], %swap3A_1767 {strides = array<i32>} : memref<64x768xf32, #tpu.memory_space<vmem>>, vector<1x16xf32>,
      %get3A_1768 = arith.index_cast %scan3A_1669 : i32 to index
      %get3A_1769 = arith.constant 176 : index
      %get3A_1770 = tpu.vector_load %arg10[%get3A_1768, %get3A_1769] {strides = array<i32>} : memref<64x256xf32, #tpu.memory_space<vmem>>, vector<1x16xf32>,
      %get3A_1771 = vector.shape_cast %get3A_1770 : vector<1x16xf32> to vector<16xf32>
      %swap3A_1772 = arith.index_cast %scan3A_1669 : i32 to index
      %swap3A_1773 = arith.constant 688 : index
      %swap3A_1774 = tpu.vector_load %arg7[%swap3A_1772, %swap3A_1773] {strides = array<i32>} : memref<64x768xf32, #tpu.memory_space<vmem>>, vector<1x16xf32>,
      %swap3A_1775 = vector.shape_cast %swap3A_1774 : vector<1x16xf32> to vector<16xf32>
      %swap3A_1776 = vector.shape_cast %get3A_1771 : vector<16xf32> to vector<1x16xf32>
      tpu.vector_store %arg7[%swap3A_1772, %swap3A_1773], %swap3A_1776 {strides = array<i32>} : memref<64x768xf32, #tpu.memory_space<vmem>>, vector<1x16xf32>,
      %get3A_1777 = arith.index_cast %scan3A_1669 : i32 to index
      %get3A_1778 = arith.constant 192 : index
      %get3A_1779 = tpu.vector_load %arg10[%get3A_1777, %get3A_1778] {strides = array<i32>} : memref<64x256xf32, #tpu.memory_space<vmem>>, vector<1x16xf32>,
      %get3A_1780 = vector.shape_cast %get3A_1779 : vector<1x16xf32> to vector<16xf32>
      %swap3A_1781 = arith.index_cast %scan3A_1669 : i32 to index
      %swap3A_1782 = arith.constant 704 : index
      %swap3A_1783 = tpu.vector_load %arg7[%swap3A_1781, %swap3A_1782] {strides = array<i32>} : memref<64x768xf32, #tpu.memory_space<vmem>>, vector<1x16xf32>,
      %swap3A_1784 = vector.shape_cast %swap3A_1783 : vector<1x16xf32> to vector<16xf32>
      %swap3A_1785 = vector.shape_cast %get3A_1780 : vector<16xf32> to vector<1x16xf32>
      tpu.vector_store %arg7[%swap3A_1781, %swap3A_1782], %swap3A_1785 {strides = array<i32>} : memref<64x768xf32, #tpu.memory_space<vmem>>, vector<1x16xf32>,
      %get3A_1786 = arith.index_cast %scan3A_1669 : i32 to index
      %get3A_1787 = arith.constant 208 : index
      %get3A_1788 = tpu.vector_load %arg10[%get3A_1786, %get3A_1787] {strides = array<i32>} : memref<64x256xf32, #tpu.memory_space<vmem>>, vector<1x16xf32>,
      %get3A_1789 = vector.shape_cast %get3A_1788 : vector<1x16xf32> to vector<16xf32>
      %swap3A_1790 = arith.index_cast %scan3A_1669 : i32 to index
      %swap3A_1791 = arith.constant 720 : index
      %swap3A_1792 = tpu.vector_load %arg7[%swap3A_1790, %swap3A_1791] {strides = array<i32>} : memref<64x768xf32, #tpu.memory_space<vmem>>, vector<1x16xf32>,
      %swap3A_1793 = vector.shape_cast %swap3A_1792 : vector<1x16xf32> to vector<16xf32>
      %swap3A_1794 = vector.shape_cast %get3A_1789 : vector<16xf32> to vector<1x16xf32>
      tpu.vector_store %arg7[%swap3A_1790, %swap3A_1791], %swap3A_1794 {strides = array<i32>} : memref<64x768xf32, #tpu.memory_space<vmem>>, vector<1x16xf32>,
      %get3A_1795 = arith.index_cast %scan3A_1669 : i32 to index
      %get3A_1796 = arith.constant 224 : index
      %get3A_1797 = tpu.vector_load %arg10[%get3A_1795, %get3A_1796] {strides = array<i32>} : memref<64x256xf32, #tpu.memory_space<vmem>>, vector<1x16xf32>,
      %get3A_1798 = vector.shape_cast %get3A_1797 : vector<1x16xf32> to vector<16xf32>
      %swap3A_1799 = arith.index_cast %scan3A_1669 : i32 to index
      %swap3A_1800 = arith.constant 736 : index
      %swap3A_1801 = tpu.vector_load %arg7[%swap3A_1799, %swap3A_1800] {strides = array<i32>} : memref<64x768xf32, #tpu.memory_space<vmem>>, vector<1x16xf32>,
      %swap3A_1802 = vector.shape_cast %swap3A_1801 : vector<1x16xf32> to vector<16xf32>
      %swap3A_1803 = vector.shape_cast %get3A_1798 : vector<16xf32> to vector<1x16xf32>
      tpu.vector_store %arg7[%swap3A_1799, %swap3A_1800], %swap3A_1803 {strides = array<i32>} : memref<64x768xf32, #tpu.memory_space<vmem>>, vector<1x16xf32>,
      %get3A_1804 = arith.index_cast %scan3A_1669 : i32 to index
      %get3A_1805 = arith.constant 240 : index
      %get3A_1806 = tpu.vector_load %arg10[%get3A_1804, %get3A_1805] {strides = array<i32>} : memref<64x256xf32, #tpu.memory_space<vmem>>, vector<1x16xf32>,
      %get3A_1807 = vector.shape_cast %get3A_1806 : vector<1x16xf32> to vector<16xf32>
      %swap3A_1808 = arith.index_cast %scan3A_1669 : i32 to index
      %swap3A_1809 = arith.constant 752 : index
      %swap3A_1810 = tpu.vector_load %arg7[%swap3A_1808, %swap3A_1809] {strides = array<i32>} : memref<64x768xf32, #tpu.memory_space<vmem>>, vector<1x16xf32>,
      %swap3A_1811 = vector.shape_cast %swap3A_1810 : vector<1x16xf32> to vector<16xf32>
      %swap3A_1812 = vector.shape_cast %get3A_1807 : vector<16xf32> to vector<1x16xf32>
      tpu.vector_store %arg7[%swap3A_1808, %swap3A_1809], %swap3A_1812 {strides = array<i32>} : memref<64x768xf32, #tpu.memory_space<vmem>>, vector<1x16xf32>,
    }
    %scan3A_214 = arith.constant 64 : i32
    %get3A_215 = arith.constant 0 : i32
    %get3A_216 = arith.index_cast %get3A_215 : i32 to index
    %get3A_217 = arith.constant 0 : index
    %get3A_218 = tpu.vector_load %arg9[%get3A_216, %get3A_217] {strides = array<i32>} : memref<8x256xf32, #tpu.memory_space<vmem>>, vector<1x16xf32>,
    %get3A_219 = vector.shape_cast %get3A_218 : vector<1x16xf32> to vector<16xf32>
    %get3A_220 = arith.constant 0 : i32
    %get3A_221 = arith.index_cast %get3A_220 : i32 to index
    %get3A_222 = arith.constant 16 : index
    %get3A_223 = tpu.vector_load %arg9[%get3A_221, %get3A_222] {strides = array<i32>} : memref<8x256xf32, #tpu.memory_space<vmem>>, vector<1x16xf32>,
    %get3A_224 = vector.shape_cast %get3A_223 : vector<1x16xf32> to vector<16xf32>
    %get3A_225 = arith.constant 0 : i32
    %get3A_226 = arith.index_cast %get3A_225 : i32 to index
    %get3A_227 = arith.constant 32 : index
    %get3A_228 = tpu.vector_load %arg9[%get3A_226, %get3A_227] {strides = array<i32>} : memref<8x256xf32, #tpu.memory_space<vmem>>, vector<1x16xf32>,
    %get3A_229 = vector.shape_cast %get3A_228 : vector<1x16xf32> to vector<16xf32>
    %get3A_230 = arith.constant 0 : i32
    %get3A_231 = arith.index_cast %get3A_230 : i32 to index
    %get3A_232 = arith.constant 48 : index
    %get3A_233 = tpu.vector_load %arg9[%get3A_231, %get3A_232] {strides = array<i32>} : memref<8x256xf32, #tpu.memory_space<vmem>>, vector<1x16xf32>,
    %get3A_234 = vector.shape_cast %get3A_233 : vector<1x16xf32> to vector<16xf32>
    %get3A_235 = arith.constant 0 : i32
    %get3A_236 = arith.index_cast %get3A_235 : i32 to index
    %get3A_237 = arith.constant 64 : index
    %get3A_238 = tpu.vector_load %arg9[%get3A_236, %get3A_237] {strides = array<i32>} : memref<8x256xf32, #tpu.memory_space<vmem>>, vector<1x16xf32>,
    %get3A_239 = vector.shape_cast %get3A_238 : vector<1x16xf32> to vector<16xf32>
    %get3A_240 = arith.constant 0 : i32
    %get3A_241 = arith.index_cast %get3A_240 : i32 to index
    %get3A_242 = arith.constant 80 : index
    %get3A_243 = tpu.vector_load %arg9[%get3A_241, %get3A_242] {strides = array<i32>} : memref<8x256xf32, #tpu.memory_space<vmem>>, vector<1x16xf32>,
    %get3A_244 = vector.shape_cast %get3A_243 : vector<1x16xf32> to vector<16xf32>
    %get3A_245 = arith.constant 0 : i32
    %get3A_246 = arith.index_cast %get3A_245 : i32 to index
    %get3A_247 = arith.constant 96 : index
    %get3A_248 = tpu.vector_load %arg9[%get3A_246, %get3A_247] {strides = array<i32>} : memref<8x256xf32, #tpu.memory_space<vmem>>, vector<1x16xf32>,
    %get3A_249 = vector.shape_cast %get3A_248 : vector<1x16xf32> to vector<16xf32>
    %get3A_250 = arith.constant 0 : i32
    %get3A_251 = arith.index_cast %get3A_250 : i32 to index
    %get3A_252 = arith.constant 112 : index
    %get3A_253 = tpu.vector_load %arg9[%get3A_251, %get3A_252] {strides = array<i32>} : memref<8x256xf32, #tpu.memory_space<vmem>>, vector<1x16xf32>,
    %get3A_254 = vector.shape_cast %get3A_253 : vector<1x16xf32> to vector<16xf32>
    %get3A_255 = arith.constant 0 : i32
    %get3A_256 = arith.index_cast %get3A_255 : i32 to index
    %get3A_257 = arith.constant 128 : index
    %get3A_258 = tpu.vector_load %arg9[%get3A_256, %get3A_257] {strides = array<i32>} : memref<8x256xf32, #tpu.memory_space<vmem>>, vector<1x16xf32>,
    %get3A_259 = vector.shape_cast %get3A_258 : vector<1x16xf32> to vector<16xf32>
    %get3A_260 = arith.constant 0 : i32
    %get3A_261 = arith.index_cast %get3A_260 : i32 to index
    %get3A_262 = arith.constant 144 : index
    %get3A_263 = tpu.vector_load %arg9[%get3A_261, %get3A_262] {strides = array<i32>} : memref<8x256xf32, #tpu.memory_space<vmem>>, vector<1x16xf32>,
    %get3A_264 = vector.shape_cast %get3A_263 : vector<1x16xf32> to vector<16xf32>
    %get3A_265 = arith.constant 0 : i32
    %get3A_266 = arith.index_cast %get3A_265 : i32 to index
    %get3A_267 = arith.constant 160 : index
    %get3A_268 = tpu.vector_load %arg9[%get3A_266, %get3A_267] {strides = array<i32>} : memref<8x256xf32, #tpu.memory_space<vmem>>, vector<1x16xf32>,
    %get3A_269 = vector.shape_cast %get3A_268 : vector<1x16xf32> to vector<16xf32>
    %get3A_270 = arith.constant 0 : i32
    %get3A_271 = arith.index_cast %get3A_270 : i32 to index
    %get3A_272 = arith.constant 176 : index
    %get3A_273 = tpu.vector_load %arg9[%get3A_271, %get3A_272] {strides = array<i32>} : memref<8x256xf32, #tpu.memory_space<vmem>>, vector<1x16xf32>,
    %get3A_274 = vector.shape_cast %get3A_273 : vector<1x16xf32> to vector<16xf32>
    %get3A_275 = arith.constant 0 : i32
    %get3A_276 = arith.index_cast %get3A_275 : i32 to index
    %get3A_277 = arith.constant 192 : index
    %get3A_278 = tpu.vector_load %arg9[%get3A_276, %get3A_277] {strides = array<i32>} : memref<8x256xf32, #tpu.memory_space<vmem>>, vector<1x16xf32>,
    %get3A_279 = vector.shape_cast %get3A_278 : vector<1x16xf32> to vector<16xf32>
    %get3A_280 = arith.constant 0 : i32
    %get3A_281 = arith.index_cast %get3A_280 : i32 to index
    %get3A_282 = arith.constant 208 : index
    %get3A_283 = tpu.vector_load %arg9[%get3A_281, %get3A_282] {strides = array<i32>} : memref<8x256xf32, #tpu.memory_space<vmem>>, vector<1x16xf32>,
    %get3A_284 = vector.shape_cast %get3A_283 : vector<1x16xf32> to vector<16xf32>
    %get3A_285 = arith.constant 0 : i32
    %get3A_286 = arith.index_cast %get3A_285 : i32 to index
    %get3A_287 = arith.constant 224 : index
    %get3A_288 = tpu.vector_load %arg9[%get3A_286, %get3A_287] {strides = array<i32>} : memref<8x256xf32, #tpu.memory_space<vmem>>, vector<1x16xf32>,
    %get3A_289 = vector.shape_cast %get3A_288 : vector<1x16xf32> to vector<16xf32>
    %get3A_290 = arith.constant 0 : i32
    %get3A_291 = arith.index_cast %get3A_290 : i32 to index
    %get3A_292 = arith.constant 240 : index
    %get3A_293 = tpu.vector_load %arg9[%get3A_291, %get3A_292] {strides = array<i32>} : memref<8x256xf32, #tpu.memory_space<vmem>>, vector<1x16xf32>,
    %get3A_294 = vector.shape_cast %get3A_293 : vector<1x16xf32> to vector<16xf32>
    %scan3A_295 = arith.constant 0 : i32
    %scan3A_296 = arith.constant 0 : i32
    %scan3A_297 = arith.constant 64 : i32
    %scan3A_298 = arith.addi %scan3A_296, %scan3A_297 : i32
    %scan3A_299 = arith.constant 1 : i32
    scf.for %scan3A_1669 = %scan3A_296 to %scan3A_298 step %scan3A_299  : i32 {
      %swap3A = arith.index_cast %scan3A_1669 : i32 to index
      %swap3A_1670 = arith.constant 256 : index
      %swap3A_1671 = tpu.vector_load %arg6[%swap3A, %swap3A_1670] {strides = array<i32>} : memref<64x768xf32, #tpu.memory_space<vmem>>, vector<1x16xf32>,
      %swap3A_1672 = vector.shape_cast %swap3A_1671 : vector<1x16xf32> to vector<16xf32>
      %swap3A_1673 = vector.shape_cast %get3A_219 : vector<16xf32> to vector<1x16xf32>
      tpu.vector_store %arg6[%swap3A, %swap3A_1670], %swap3A_1673 {strides = array<i32>} : memref<64x768xf32, #tpu.memory_space<vmem>>, vector<1x16xf32>,
      %swap3A_1674 = arith.index_cast %scan3A_1669 : i32 to index
      %swap3A_1675 = arith.constant 272 : index
      %swap3A_1676 = tpu.vector_load %arg6[%swap3A_1674, %swap3A_1675] {strides = array<i32>} : memref<64x768xf32, #tpu.memory_space<vmem>>, vector<1x16xf32>,
      %swap3A_1677 = vector.shape_cast %swap3A_1676 : vector<1x16xf32> to vector<16xf32>
      %swap3A_1678 = vector.shape_cast %get3A_224 : vector<16xf32> to vector<1x16xf32>
      tpu.vector_store %arg6[%swap3A_1674, %swap3A_1675], %swap3A_1678 {strides = array<i32>} : memref<64x768xf32, #tpu.memory_space<vmem>>, vector<1x16xf32>,
      %swap3A_1679 = arith.index_cast %scan3A_1669 : i32 to index
      %swap3A_1680 = arith.constant 288 : index
      %swap3A_1681 = tpu.vector_load %arg6[%swap3A_1679, %swap3A_1680] {strides = array<i32>} : memref<64x768xf32, #tpu.memory_space<vmem>>, vector<1x16xf32>,
      %swap3A_1682 = vector.shape_cast %swap3A_1681 : vector<1x16xf32> to vector<16xf32>
      %swap3A_1683 = vector.shape_cast %get3A_229 : vector<16xf32> to vector<1x16xf32>
      tpu.vector_store %arg6[%swap3A_1679, %swap3A_1680], %swap3A_1683 {strides = array<i32>} : memref<64x768xf32, #tpu.memory_space<vmem>>, vector<1x16xf32>,
      %swap3A_1684 = arith.index_cast %scan3A_1669 : i32 to index
      %swap3A_1685 = arith.constant 304 : index
      %swap3A_1686 = tpu.vector_load %arg6[%swap3A_1684, %swap3A_1685] {strides = array<i32>} : memref<64x768xf32, #tpu.memory_space<vmem>>, vector<1x16xf32>,
      %swap3A_1687 = vector.shape_cast %swap3A_1686 : vector<1x16xf32> to vector<16xf32>
      %swap3A_1688 = vector.shape_cast %get3A_234 : vector<16xf32> to vector<1x16xf32>
      tpu.vector_store %arg6[%swap3A_1684, %swap3A_1685], %swap3A_1688 {strides = array<i32>} : memref<64x768xf32, #tpu.memory_space<vmem>>, vector<1x16xf32>,
      %swap3A_1689 = arith.index_cast %scan3A_1669 : i32 to index
      %swap3A_1690 = arith.constant 320 : index
      %swap3A_1691 = tpu.vector_load %arg6[%swap3A_1689, %swap3A_1690] {strides = array<i32>} : memref<64x768xf32, #tpu.memory_space<vmem>>, vector<1x16xf32>,
      %swap3A_1692 = vector.shape_cast %swap3A_1691 : vector<1x16xf32> to vector<16xf32>
      %swap3A_1693 = vector.shape_cast %get3A_239 : vector<16xf32> to vector<1x16xf32>
      tpu.vector_store %arg6[%swap3A_1689, %swap3A_1690], %swap3A_1693 {strides = array<i32>} : memref<64x768xf32, #tpu.memory_space<vmem>>, vector<1x16xf32>,
      %swap3A_1694 = arith.index_cast %scan3A_1669 : i32 to index
      %swap3A_1695 = arith.constant 336 : index
      %swap3A_1696 = tpu.vector_load %arg6[%swap3A_1694, %swap3A_1695] {strides = array<i32>} : memref<64x768xf32, #tpu.memory_space<vmem>>, vector<1x16xf32>,
      %swap3A_1697 = vector.shape_cast %swap3A_1696 : vector<1x16xf32> to vector<16xf32>
      %swap3A_1698 = vector.shape_cast %get3A_244 : vector<16xf32> to vector<1x16xf32>
      tpu.vector_store %arg6[%swap3A_1694, %swap3A_1695], %swap3A_1698 {strides = array<i32>} : memref<64x768xf32, #tpu.memory_space<vmem>>, vector<1x16xf32>,
      %swap3A_1699 = arith.index_cast %scan3A_1669 : i32 to index
      %swap3A_1700 = arith.constant 352 : index
      %swap3A_1701 = tpu.vector_load %arg6[%swap3A_1699, %swap3A_1700] {strides = array<i32>} : memref<64x768xf32, #tpu.memory_space<vmem>>, vector<1x16xf32>,
      %swap3A_1702 = vector.shape_cast %swap3A_1701 : vector<1x16xf32> to vector<16xf32>
      %swap3A_1703 = vector.shape_cast %get3A_249 : vector<16xf32> to vector<1x16xf32>
      tpu.vector_store %arg6[%swap3A_1699, %swap3A_1700], %swap3A_1703 {strides = array<i32>} : memref<64x768xf32, #tpu.memory_space<vmem>>, vector<1x16xf32>,
      %swap3A_1704 = arith.index_cast %scan3A_1669 : i32 to index
      %swap3A_1705 = arith.constant 368 : index
      %swap3A_1706 = tpu.vector_load %arg6[%swap3A_1704, %swap3A_1705] {strides = array<i32>} : memref<64x768xf32, #tpu.memory_space<vmem>>, vector<1x16xf32>,
      %swap3A_1707 = vector.shape_cast %swap3A_1706 : vector<1x16xf32> to vector<16xf32>
      %swap3A_1708 = vector.shape_cast %get3A_254 : vector<16xf32> to vector<1x16xf32>
      tpu.vector_store %arg6[%swap3A_1704, %swap3A_1705], %swap3A_1708 {strides = array<i32>} : memref<64x768xf32, #tpu.memory_space<vmem>>, vector<1x16xf32>,
      %swap3A_1709 = arith.index_cast %scan3A_1669 : i32 to index
      %swap3A_1710 = arith.constant 384 : index
      %swap3A_1711 = tpu.vector_load %arg6[%swap3A_1709, %swap3A_1710] {strides = array<i32>} : memref<64x768xf32, #tpu.memory_space<vmem>>, vector<1x16xf32>,
      %swap3A_1712 = vector.shape_cast %swap3A_1711 : vector<1x16xf32> to vector<16xf32>
      %swap3A_1713 = vector.shape_cast %get3A_259 : vector<16xf32> to vector<1x16xf32>
      tpu.vector_store %arg6[%swap3A_1709, %swap3A_1710], %swap3A_1713 {strides = array<i32>} : memref<64x768xf32, #tpu.memory_space<vmem>>, vector<1x16xf32>,
      %swap3A_1714 = arith.index_cast %scan3A_1669 : i32 to index
      %swap3A_1715 = arith.constant 400 : index
      %swap3A_1716 = tpu.vector_load %arg6[%swap3A_1714, %swap3A_1715] {strides = array<i32>} : memref<64x768xf32, #tpu.memory_space<vmem>>, vector<1x16xf32>,
      %swap3A_1717 = vector.shape_cast %swap3A_1716 : vector<1x16xf32> to vector<16xf32>
      %swap3A_1718 = vector.shape_cast %get3A_264 : vector<16xf32> to vector<1x16xf32>
      tpu.vector_store %arg6[%swap3A_1714, %swap3A_1715], %swap3A_1718 {strides = array<i32>} : memref<64x768xf32, #tpu.memory_space<vmem>>, vector<1x16xf32>,
      %swap3A_1719 = arith.index_cast %scan3A_1669 : i32 to index
      %swap3A_1720 = arith.constant 416 : index
      %swap3A_1721 = tpu.vector_load %arg6[%swap3A_1719, %swap3A_1720] {strides = array<i32>} : memref<64x768xf32, #tpu.memory_space<vmem>>, vector<1x16xf32>,
      %swap3A_1722 = vector.shape_cast %swap3A_1721 : vector<1x16xf32> to vector<16xf32>
      %swap3A_1723 = vector.shape_cast %get3A_269 : vector<16xf32> to vector<1x16xf32>
      tpu.vector_store %arg6[%swap3A_1719, %swap3A_1720], %swap3A_1723 {strides = array<i32>} : memref<64x768xf32, #tpu.memory_space<vmem>>, vector<1x16xf32>,
      %swap3A_1724 = arith.index_cast %scan3A_1669 : i32 to index
      %swap3A_1725 = arith.constant 432 : index
      %swap3A_1726 = tpu.vector_load %arg6[%swap3A_1724, %swap3A_1725] {strides = array<i32>} : memref<64x768xf32, #tpu.memory_space<vmem>>, vector<1x16xf32>,
      %swap3A_1727 = vector.shape_cast %swap3A_1726 : vector<1x16xf32> to vector<16xf32>
      %swap3A_1728 = vector.shape_cast %get3A_274 : vector<16xf32> to vector<1x16xf32>
      tpu.vector_store %arg6[%swap3A_1724, %swap3A_1725], %swap3A_1728 {strides = array<i32>} : memref<64x768xf32, #tpu.memory_space<vmem>>, vector<1x16xf32>,
      %swap3A_1729 = arith.index_cast %scan3A_1669 : i32 to index
      %swap3A_1730 = arith.constant 448 : index
      %swap3A_1731 = tpu.vector_load %arg6[%swap3A_1729, %swap3A_1730] {strides = array<i32>} : memref<64x768xf32, #tpu.memory_space<vmem>>, vector<1x16xf32>,
      %swap3A_1732 = vector.shape_cast %swap3A_1731 : vector<1x16xf32> to vector<16xf32>
      %swap3A_1733 = vector.shape_cast %get3A_279 : vector<16xf32> to vector<1x16xf32>
      tpu.vector_store %arg6[%swap3A_1729, %swap3A_1730], %swap3A_1733 {strides = array<i32>} : memref<64x768xf32, #tpu.memory_space<vmem>>, vector<1x16xf32>,
      %swap3A_1734 = arith.index_cast %scan3A_1669 : i32 to index
      %swap3A_1735 = arith.constant 464 : index
      %swap3A_1736 = tpu.vector_load %arg6[%swap3A_1734, %swap3A_1735] {strides = array<i32>} : memref<64x768xf32, #tpu.memory_space<vmem>>, vector<1x16xf32>,
      %swap3A_1737 = vector.shape_cast %swap3A_1736 : vector<1x16xf32> to vector<16xf32>
      %swap3A_1738 = vector.shape_cast %get3A_284 : vector<16xf32> to vector<1x16xf32>
      tpu.vector_store %arg6[%swap3A_1734, %swap3A_1735], %swap3A_1738 {strides = array<i32>} : memref<64x768xf32, #tpu.memory_space<vmem>>, vector<1x16xf32>,
      %swap3A_1739 = arith.index_cast %scan3A_1669 : i32 to index
      %swap3A_1740 = arith.constant 480 : index
      %swap3A_1741 = tpu.vector_load %arg6[%swap3A_1739, %swap3A_1740] {strides = array<i32>} : memref<64x768xf32, #tpu.memory_space<vmem>>, vector<1x16xf32>,
      %swap3A_1742 = vector.shape_cast %swap3A_1741 : vector<1x16xf32> to vector<16xf32>
      %swap3A_1743 = vector.shape_cast %get3A_289 : vector<16xf32> to vector<1x16xf32>
      tpu.vector_store %arg6[%swap3A_1739, %swap3A_1740], %swap3A_1743 {strides = array<i32>} : memref<64x768xf32, #tpu.memory_space<vmem>>, vector<1x16xf32>,
      %swap3A_1744 = arith.index_cast %scan3A_1669 : i32 to index
      %swap3A_1745 = arith.constant 496 : index
      %swap3A_1746 = tpu.vector_load %arg6[%swap3A_1744, %swap3A_1745] {strides = array<i32>} : memref<64x768xf32, #tpu.memory_space<vmem>>, vector<1x16xf32>,
      %swap3A_1747 = vector.shape_cast %swap3A_1746 : vector<1x16xf32> to vector<16xf32>
      %swap3A_1748 = vector.shape_cast %get3A_294 : vector<16xf32> to vector<1x16xf32>
      tpu.vector_store %arg6[%swap3A_1744, %swap3A_1745], %swap3A_1748 {strides = array<i32>} : memref<64x768xf32, #tpu.memory_space<vmem>>, vector<1x16xf32>,
    }
    %scan3A_300 = arith.constant 64 : i32
    %mul3A_301 = arith.constant 8 : i32
    %mul3A_302 = arith.muli %add3A, %mul3A_301 : i32
    %mul3A_303 = arith.constant 64 : i32
    %mul3A_304 = arith.muli %mul3A_302, %mul3A_303 : i32
    %add3A_305 = arith.constant 0 : i32
    %add3A_306 = arith.addi %add3A_305, %mul3A_304 : i32
    %add3A_307 = arith.constant 0 : i32
    %add3A_308 = arith.addi %add3A_306, %add3A_307 : i32
    %dma_start3A = arith.constant 0 : i32
    %dma_start3A_309 = tpu.memref_slice %arg5[%add3A_308, %dma_start3A] : memref<65536x768xf32, #tpu.memory_space<hbm>> -> memref<64x768xf32, #tpu.memory_space<hbm>>
    %dma_start3A_310 = arith.constant 0 : i32
    %dma_start3A_311 = tpu.memref_slice %arg5[%add3A_308, %dma_start3A_310] : memref<65536x768xf32, #tpu.memory_space<hbm>> -> memref<64x768xf32, #tpu.memory_space<hbm>>
    tpu.enqueue_dma source(%arg6 : memref<64x768xf32, #tpu.memory_space<vmem>>) target(%dma_start3A_311 : memref<64x768xf32, #tpu.memory_space<hbm>>) target_semaphore(%arg11 : memref<!tpu.dma_semaphore, #tpu.memory_space<semaphore_mem>>)
    %mul3A_312 = arith.constant 8 : i32
    %mul3A_313 = arith.muli %add3A, %mul3A_312 : i32
    %mul3A_314 = arith.constant 64 : i32
    %mul3A_315 = arith.muli %mul3A_313, %mul3A_314 : i32
    %add3A_316 = arith.constant 16384 : i32
    %add3A_317 = arith.addi %add3A_316, %mul3A_315 : i32
    %add3A_318 = arith.constant 0 : i32
    %add3A_319 = arith.addi %add3A_317, %add3A_318 : i32
    %dma_start3A_320 = arith.constant 0 : i32
    %dma_start3A_321 = tpu.memref_slice %arg5[%add3A_319, %dma_start3A_320] : memref<65536x768xf32, #tpu.memory_space<hbm>> -> memref<64x768xf32, #tpu.memory_space<hbm>>
    %dma_start3A_322 = arith.constant 0 : i32
    %dma_start3A_323 = tpu.memref_slice %arg5[%add3A_319, %dma_start3A_322] : memref<65536x768xf32, #tpu.memory_space<hbm>> -> memref<64x768xf32, #tpu.memory_space<hbm>>
    tpu.enqueue_dma source(%arg6 : memref<64x768xf32, #tpu.memory_space<vmem>>) target(%dma_start3A_323 : memref<64x768xf32, #tpu.memory_space<hbm>>) target_semaphore(%arg11 : memref<!tpu.dma_semaphore, #tpu.memory_space<semaphore_mem>>)
    %mul3A_324 = arith.constant 8 : i32
    %mul3A_325 = arith.muli %add3A, %mul3A_324 : i32
    %mul3A_326 = arith.constant 64 : i32
    %mul3A_327 = arith.muli %mul3A_325, %mul3A_326 : i32
    %add3A_328 = arith.constant 32768 : i32
    %add3A_329 = arith.addi %add3A_328, %mul3A_327 : i32
    %add3A_330 = arith.constant 0 : i32
    %add3A_331 = arith.addi %add3A_329, %add3A_330 : i32
    %dma_start3A_332 = arith.constant 0 : i32
    %dma_start3A_333 = tpu.memref_slice %arg5[%add3A_331, %dma_start3A_332] : memref<65536x768xf32, #tpu.memory_space<hbm>> -> memref<64x768xf32, #tpu.memory_space<hbm>>
    %dma_start3A_334 = arith.constant 0 : i32
    %dma_start3A_335 = tpu.memref_slice %arg5[%add3A_331, %dma_start3A_334] : memref<65536x768xf32, #tpu.memory_space<hbm>> -> memref<64x768xf32, #tpu.memory_space<hbm>>
    tpu.enqueue_dma source(%arg6 : memref<64x768xf32, #tpu.memory_space<vmem>>) target(%dma_start3A_335 : memref<64x768xf32, #tpu.memory_space<hbm>>) target_semaphore(%arg11 : memref<!tpu.dma_semaphore, #tpu.memory_space<semaphore_mem>>)
    %mul3A_336 = arith.constant 8 : i32
    %mul3A_337 = arith.muli %add3A, %mul3A_336 : i32
    %mul3A_338 = arith.constant 64 : i32
    %mul3A_339 = arith.muli %mul3A_337, %mul3A_338 : i32
    %add3A_340 = arith.constant 49152 : i32
    %add3A_341 = arith.addi %add3A_340, %mul3A_339 : i32
    %add3A_342 = arith.constant 0 : i32
    %add3A_343 = arith.addi %add3A_341, %add3A_342 : i32
    %dma_start3A_344 = arith.constant 0 : i32
    %dma_start3A_345 = tpu.memref_slice %arg5[%add3A_343, %dma_start3A_344] : memref<65536x768xf32, #tpu.memory_space<hbm>> -> memref<64x768xf32, #tpu.memory_space<hbm>>
    %dma_start3A_346 = arith.constant 0 : i32
    %dma_start3A_347 = tpu.memref_slice %arg5[%add3A_343, %dma_start3A_346] : memref<65536x768xf32, #tpu.memory_space<hbm>> -> memref<64x768xf32, #tpu.memory_space<hbm>>
    tpu.enqueue_dma source(%arg6 : memref<64x768xf32, #tpu.memory_space<vmem>>) target(%dma_start3A_347 : memref<64x768xf32, #tpu.memory_space<hbm>>) target_semaphore(%arg11 : memref<!tpu.dma_semaphore, #tpu.memory_space<semaphore_mem>>)
    %get3A_348 = arith.constant 1 : i32
    %get3A_349 = arith.index_cast %get3A_348 : i32 to index
    %get3A_350 = arith.constant 0 : index
    %get3A_351 = tpu.vector_load %arg9[%get3A_349, %get3A_350] {strides = array<i32>} : memref<8x256xf32, #tpu.memory_space<vmem>>, vector<1x16xf32>,
    %get3A_352 = vector.shape_cast %get3A_351 : vector<1x16xf32> to vector<16xf32>
    %get3A_353 = arith.constant 1 : i32
    %get3A_354 = arith.index_cast %get3A_353 : i32 to index
    %get3A_355 = arith.constant 16 : index
    %get3A_356 = tpu.vector_load %arg9[%get3A_354, %get3A_355] {strides = array<i32>} : memref<8x256xf32, #tpu.memory_space<vmem>>, vector<1x16xf32>,
    %get3A_357 = vector.shape_cast %get3A_356 : vector<1x16xf32> to vector<16xf32>
    %get3A_358 = arith.constant 1 : i32
    %get3A_359 = arith.index_cast %get3A_358 : i32 to index
    %get3A_360 = arith.constant 32 : index
    %get3A_361 = tpu.vector_load %arg9[%get3A_359, %get3A_360] {strides = array<i32>} : memref<8x256xf32, #tpu.memory_space<vmem>>, vector<1x16xf32>,
    %get3A_362 = vector.shape_cast %get3A_361 : vector<1x16xf32> to vector<16xf32>
    %get3A_363 = arith.constant 1 : i32
    %get3A_364 = arith.index_cast %get3A_363 : i32 to index
    %get3A_365 = arith.constant 48 : index
    %get3A_366 = tpu.vector_load %arg9[%get3A_364, %get3A_365] {strides = array<i32>} : memref<8x256xf32, #tpu.memory_space<vmem>>, vector<1x16xf32>,
    %get3A_367 = vector.shape_cast %get3A_366 : vector<1x16xf32> to vector<16xf32>
    %get3A_368 = arith.constant 1 : i32
    %get3A_369 = arith.index_cast %get3A_368 : i32 to index
    %get3A_370 = arith.constant 64 : index
    %get3A_371 = tpu.vector_load %arg9[%get3A_369, %get3A_370] {strides = array<i32>} : memref<8x256xf32, #tpu.memory_space<vmem>>, vector<1x16xf32>,
    %get3A_372 = vector.shape_cast %get3A_371 : vector<1x16xf32> to vector<16xf32>
    %get3A_373 = arith.constant 1 : i32
    %get3A_374 = arith.index_cast %get3A_373 : i32 to index
    %get3A_375 = arith.constant 80 : index
    %get3A_376 = tpu.vector_load %arg9[%get3A_374, %get3A_375] {strides = array<i32>} : memref<8x256xf32, #tpu.memory_space<vmem>>, vector<1x16xf32>,
    %get3A_377 = vector.shape_cast %get3A_376 : vector<1x16xf32> to vector<16xf32>
    %get3A_378 = arith.constant 1 : i32
    %get3A_379 = arith.index_cast %get3A_378 : i32 to index
    %get3A_380 = arith.constant 96 : index
    %get3A_381 = tpu.vector_load %arg9[%get3A_379, %get3A_380] {strides = array<i32>} : memref<8x256xf32, #tpu.memory_space<vmem>>, vector<1x16xf32>,
    %get3A_382 = vector.shape_cast %get3A_381 : vector<1x16xf32> to vector<16xf32>
    %get3A_383 = arith.constant 1 : i32
    %get3A_384 = arith.index_cast %get3A_383 : i32 to index
    %get3A_385 = arith.constant 112 : index
    %get3A_386 = tpu.vector_load %arg9[%get3A_384, %get3A_385] {strides = array<i32>} : memref<8x256xf32, #tpu.memory_space<vmem>>, vector<1x16xf32>,
    %get3A_387 = vector.shape_cast %get3A_386 : vector<1x16xf32> to vector<16xf32>
    %get3A_388 = arith.constant 1 : i32
    %get3A_389 = arith.index_cast %get3A_388 : i32 to index
    %get3A_390 = arith.constant 128 : index
    %get3A_391 = tpu.vector_load %arg9[%get3A_389, %get3A_390] {strides = array<i32>} : memref<8x256xf32, #tpu.memory_space<vmem>>, vector<1x16xf32>,
    %get3A_392 = vector.shape_cast %get3A_391 : vector<1x16xf32> to vector<16xf32>
    %get3A_393 = arith.constant 1 : i32
    %get3A_394 = arith.index_cast %get3A_393 : i32 to index
    %get3A_395 = arith.constant 144 : index
    %get3A_396 = tpu.vector_load %arg9[%get3A_394, %get3A_395] {strides = array<i32>} : memref<8x256xf32, #tpu.memory_space<vmem>>, vector<1x16xf32>,
    %get3A_397 = vector.shape_cast %get3A_396 : vector<1x16xf32> to vector<16xf32>
    %get3A_398 = arith.constant 1 : i32
    %get3A_399 = arith.index_cast %get3A_398 : i32 to index
    %get3A_400 = arith.constant 160 : index
    %get3A_401 = tpu.vector_load %arg9[%get3A_399, %get3A_400] {strides = array<i32>} : memref<8x256xf32, #tpu.memory_space<vmem>>, vector<1x16xf32>,
    %get3A_402 = vector.shape_cast %get3A_401 : vector<1x16xf32> to vector<16xf32>
    %get3A_403 = arith.constant 1 : i32
    %get3A_404 = arith.index_cast %get3A_403 : i32 to index
    %get3A_405 = arith.constant 176 : index
    %get3A_406 = tpu.vector_load %arg9[%get3A_404, %get3A_405] {strides = array<i32>} : memref<8x256xf32, #tpu.memory_space<vmem>>, vector<1x16xf32>,
    %get3A_407 = vector.shape_cast %get3A_406 : vector<1x16xf32> to vector<16xf32>
    %get3A_408 = arith.constant 1 : i32
    %get3A_409 = arith.index_cast %get3A_408 : i32 to index
    %get3A_410 = arith.constant 192 : index
    %get3A_411 = tpu.vector_load %arg9[%get3A_409, %get3A_410] {strides = array<i32>} : memref<8x256xf32, #tpu.memory_space<vmem>>, vector<1x16xf32>,
    %get3A_412 = vector.shape_cast %get3A_411 : vector<1x16xf32> to vector<16xf32>
    %get3A_413 = arith.constant 1 : i32
    %get3A_414 = arith.index_cast %get3A_413 : i32 to index
    %get3A_415 = arith.constant 208 : index
    %get3A_416 = tpu.vector_load %arg9[%get3A_414, %get3A_415] {strides = array<i32>} : memref<8x256xf32, #tpu.memory_space<vmem>>, vector<1x16xf32>,
    %get3A_417 = vector.shape_cast %get3A_416 : vector<1x16xf32> to vector<16xf32>
    %get3A_418 = arith.constant 1 : i32
    %get3A_419 = arith.index_cast %get3A_418 : i32 to index
    %get3A_420 = arith.constant 224 : index
    %get3A_421 = tpu.vector_load %arg9[%get3A_419, %get3A_420] {strides = array<i32>} : memref<8x256xf32, #tpu.memory_space<vmem>>, vector<1x16xf32>,
    %get3A_422 = vector.shape_cast %get3A_421 : vector<1x16xf32> to vector<16xf32>
    %get3A_423 = arith.constant 1 : i32
    %get3A_424 = arith.index_cast %get3A_423 : i32 to index
    %get3A_425 = arith.constant 240 : index
    %get3A_426 = tpu.vector_load %arg9[%get3A_424, %get3A_425] {strides = array<i32>} : memref<8x256xf32, #tpu.memory_space<vmem>>, vector<1x16xf32>,
    %get3A_427 = vector.shape_cast %get3A_426 : vector<1x16xf32> to vector<16xf32>
    %scan3A_428 = arith.constant 0 : i32
    %scan3A_429 = arith.constant 0 : i32
    %scan3A_430 = arith.constant 64 : i32
    %scan3A_431 = arith.addi %scan3A_429, %scan3A_430 : i32
    %scan3A_432 = arith.constant 1 : i32
    scf.for %scan3A_1669 = %scan3A_429 to %scan3A_431 step %scan3A_432  : i32 {
      %swap3A = arith.index_cast %scan3A_1669 : i32 to index
      %swap3A_1670 = arith.constant 256 : index
      %swap3A_1671 = tpu.vector_load %arg7[%swap3A, %swap3A_1670] {strides = array<i32>} : memref<64x768xf32, #tpu.memory_space<vmem>>, vector<1x16xf32>,
      %swap3A_1672 = vector.shape_cast %swap3A_1671 : vector<1x16xf32> to vector<16xf32>
      %swap3A_1673 = vector.shape_cast %get3A_352 : vector<16xf32> to vector<1x16xf32>
      tpu.vector_store %arg7[%swap3A, %swap3A_1670], %swap3A_1673 {strides = array<i32>} : memref<64x768xf32, #tpu.memory_space<vmem>>, vector<1x16xf32>,
      %swap3A_1674 = arith.index_cast %scan3A_1669 : i32 to index
      %swap3A_1675 = arith.constant 272 : index
      %swap3A_1676 = tpu.vector_load %arg7[%swap3A_1674, %swap3A_1675] {strides = array<i32>} : memref<64x768xf32, #tpu.memory_space<vmem>>, vector<1x16xf32>,
      %swap3A_1677 = vector.shape_cast %swap3A_1676 : vector<1x16xf32> to vector<16xf32>
      %swap3A_1678 = vector.shape_cast %get3A_357 : vector<16xf32> to vector<1x16xf32>
      tpu.vector_store %arg7[%swap3A_1674, %swap3A_1675], %swap3A_1678 {strides = array<i32>} : memref<64x768xf32, #tpu.memory_space<vmem>>, vector<1x16xf32>,
      %swap3A_1679 = arith.index_cast %scan3A_1669 : i32 to index
      %swap3A_1680 = arith.constant 288 : index
      %swap3A_1681 = tpu.vector_load %arg7[%swap3A_1679, %swap3A_1680] {strides = array<i32>} : memref<64x768xf32, #tpu.memory_space<vmem>>, vector<1x16xf32>,
      %swap3A_1682 = vector.shape_cast %swap3A_1681 : vector<1x16xf32> to vector<16xf32>
      %swap3A_1683 = vector.shape_cast %get3A_362 : vector<16xf32> to vector<1x16xf32>
      tpu.vector_store %arg7[%swap3A_1679, %swap3A_1680], %swap3A_1683 {strides = array<i32>} : memref<64x768xf32, #tpu.memory_space<vmem>>, vector<1x16xf32>,
      %swap3A_1684 = arith.index_cast %scan3A_1669 : i32 to index
      %swap3A_1685 = arith.constant 304 : index
      %swap3A_1686 = tpu.vector_load %arg7[%swap3A_1684, %swap3A_1685] {strides = array<i32>} : memref<64x768xf32, #tpu.memory_space<vmem>>, vector<1x16xf32>,
      %swap3A_1687 = vector.shape_cast %swap3A_1686 : vector<1x16xf32> to vector<16xf32>
      %swap3A_1688 = vector.shape_cast %get3A_367 : vector<16xf32> to vector<1x16xf32>
      tpu.vector_store %arg7[%swap3A_1684, %swap3A_1685], %swap3A_1688 {strides = array<i32>} : memref<64x768xf32, #tpu.memory_space<vmem>>, vector<1x16xf32>,
      %swap3A_1689 = arith.index_cast %scan3A_1669 : i32 to index
      %swap3A_1690 = arith.constant 320 : index
      %swap3A_1691 = tpu.vector_load %arg7[%swap3A_1689, %swap3A_1690] {strides = array<i32>} : memref<64x768xf32, #tpu.memory_space<vmem>>, vector<1x16xf32>,
      %swap3A_1692 = vector.shape_cast %swap3A_1691 : vector<1x16xf32> to vector<16xf32>
      %swap3A_1693 = vector.shape_cast %get3A_372 : vector<16xf32> to vector<1x16xf32>
      tpu.vector_store %arg7[%swap3A_1689, %swap3A_1690], %swap3A_1693 {strides = array<i32>} : memref<64x768xf32, #tpu.memory_space<vmem>>, vector<1x16xf32>,
      %swap3A_1694 = arith.index_cast %scan3A_1669 : i32 to index
      %swap3A_1695 = arith.constant 336 : index
      %swap3A_1696 = tpu.vector_load %arg7[%swap3A_1694, %swap3A_1695] {strides = array<i32>} : memref<64x768xf32, #tpu.memory_space<vmem>>, vector<1x16xf32>,
      %swap3A_1697 = vector.shape_cast %swap3A_1696 : vector<1x16xf32> to vector<16xf32>
      %swap3A_1698 = vector.shape_cast %get3A_377 : vector<16xf32> to vector<1x16xf32>
      tpu.vector_store %arg7[%swap3A_1694, %swap3A_1695], %swap3A_1698 {strides = array<i32>} : memref<64x768xf32, #tpu.memory_space<vmem>>, vector<1x16xf32>,
      %swap3A_1699 = arith.index_cast %scan3A_1669 : i32 to index
      %swap3A_1700 = arith.constant 352 : index
      %swap3A_1701 = tpu.vector_load %arg7[%swap3A_1699, %swap3A_1700] {strides = array<i32>} : memref<64x768xf32, #tpu.memory_space<vmem>>, vector<1x16xf32>,
      %swap3A_1702 = vector.shape_cast %swap3A_1701 : vector<1x16xf32> to vector<16xf32>
      %swap3A_1703 = vector.shape_cast %get3A_382 : vector<16xf32> to vector<1x16xf32>
      tpu.vector_store %arg7[%swap3A_1699, %swap3A_1700], %swap3A_1703 {strides = array<i32>} : memref<64x768xf32, #tpu.memory_space<vmem>>, vector<1x16xf32>,
      %swap3A_1704 = arith.index_cast %scan3A_1669 : i32 to index
      %swap3A_1705 = arith.constant 368 : index
      %swap3A_1706 = tpu.vector_load %arg7[%swap3A_1704, %swap3A_1705] {strides = array<i32>} : memref<64x768xf32, #tpu.memory_space<vmem>>, vector<1x16xf32>,
      %swap3A_1707 = vector.shape_cast %swap3A_1706 : vector<1x16xf32> to vector<16xf32>
      %swap3A_1708 = vector.shape_cast %get3A_387 : vector<16xf32> to vector<1x16xf32>
      tpu.vector_store %arg7[%swap3A_1704, %swap3A_1705], %swap3A_1708 {strides = array<i32>} : memref<64x768xf32, #tpu.memory_space<vmem>>, vector<1x16xf32>,
      %swap3A_1709 = arith.index_cast %scan3A_1669 : i32 to index
      %swap3A_1710 = arith.constant 384 : index
      %swap3A_1711 = tpu.vector_load %arg7[%swap3A_1709, %swap3A_1710] {strides = array<i32>} : memref<64x768xf32, #tpu.memory_space<vmem>>, vector<1x16xf32>,
      %swap3A_1712 = vector.shape_cast %swap3A_1711 : vector<1x16xf32> to vector<16xf32>
      %swap3A_1713 = vector.shape_cast %get3A_392 : vector<16xf32> to vector<1x16xf32>
      tpu.vector_store %arg7[%swap3A_1709, %swap3A_1710], %swap3A_1713 {strides = array<i32>} : memref<64x768xf32, #tpu.memory_space<vmem>>, vector<1x16xf32>,
      %swap3A_1714 = arith.index_cast %scan3A_1669 : i32 to index
      %swap3A_1715 = arith.constant 400 : index
      %swap3A_1716 = tpu.vector_load %arg7[%swap3A_1714, %swap3A_1715] {strides = array<i32>} : memref<64x768xf32, #tpu.memory_space<vmem>>, vector<1x16xf32>,
      %swap3A_1717 = vector.shape_cast %swap3A_1716 : vector<1x16xf32> to vector<16xf32>
      %swap3A_1718 = vector.shape_cast %get3A_397 : vector<16xf32> to vector<1x16xf32>
      tpu.vector_store %arg7[%swap3A_1714, %swap3A_1715], %swap3A_1718 {strides = array<i32>} : memref<64x768xf32, #tpu.memory_space<vmem>>, vector<1x16xf32>,
      %swap3A_1719 = arith.index_cast %scan3A_1669 : i32 to index
      %swap3A_1720 = arith.constant 416 : index
      %swap3A_1721 = tpu.vector_load %arg7[%swap3A_1719, %swap3A_1720] {strides = array<i32>} : memref<64x768xf32, #tpu.memory_space<vmem>>, vector<1x16xf32>,
      %swap3A_1722 = vector.shape_cast %swap3A_1721 : vector<1x16xf32> to vector<16xf32>
      %swap3A_1723 = vector.shape_cast %get3A_402 : vector<16xf32> to vector<1x16xf32>
      tpu.vector_store %arg7[%swap3A_1719, %swap3A_1720], %swap3A_1723 {strides = array<i32>} : memref<64x768xf32, #tpu.memory_space<vmem>>, vector<1x16xf32>,
      %swap3A_1724 = arith.index_cast %scan3A_1669 : i32 to index
      %swap3A_1725 = arith.constant 432 : index
      %swap3A_1726 = tpu.vector_load %arg7[%swap3A_1724, %swap3A_1725] {strides = array<i32>} : memref<64x768xf32, #tpu.memory_space<vmem>>, vector<1x16xf32>,
      %swap3A_1727 = vector.shape_cast %swap3A_1726 : vector<1x16xf32> to vector<16xf32>
      %swap3A_1728 = vector.shape_cast %get3A_407 : vector<16xf32> to vector<1x16xf32>
      tpu.vector_store %arg7[%swap3A_1724, %swap3A_1725], %swap3A_1728 {strides = array<i32>} : memref<64x768xf32, #tpu.memory_space<vmem>>, vector<1x16xf32>,
      %swap3A_1729 = arith.index_cast %scan3A_1669 : i32 to index
      %swap3A_1730 = arith.constant 448 : index
      %swap3A_1731 = tpu.vector_load %arg7[%swap3A_1729, %swap3A_1730] {strides = array<i32>} : memref<64x768xf32, #tpu.memory_space<vmem>>, vector<1x16xf32>,
      %swap3A_1732 = vector.shape_cast %swap3A_1731 : vector<1x16xf32> to vector<16xf32>
      %swap3A_1733 = vector.shape_cast %get3A_412 : vector<16xf32> to vector<1x16xf32>
      tpu.vector_store %arg7[%swap3A_1729, %swap3A_1730], %swap3A_1733 {strides = array<i32>} : memref<64x768xf32, #tpu.memory_space<vmem>>, vector<1x16xf32>,
      %swap3A_1734 = arith.index_cast %scan3A_1669 : i32 to index
      %swap3A_1735 = arith.constant 464 : index
      %swap3A_1736 = tpu.vector_load %arg7[%swap3A_1734, %swap3A_1735] {strides = array<i32>} : memref<64x768xf32, #tpu.memory_space<vmem>>, vector<1x16xf32>,
      %swap3A_1737 = vector.shape_cast %swap3A_1736 : vector<1x16xf32> to vector<16xf32>
      %swap3A_1738 = vector.shape_cast %get3A_417 : vector<16xf32> to vector<1x16xf32>
      tpu.vector_store %arg7[%swap3A_1734, %swap3A_1735], %swap3A_1738 {strides = array<i32>} : memref<64x768xf32, #tpu.memory_space<vmem>>, vector<1x16xf32>,
      %swap3A_1739 = arith.index_cast %scan3A_1669 : i32 to index
      %swap3A_1740 = arith.constant 480 : index
      %swap3A_1741 = tpu.vector_load %arg7[%swap3A_1739, %swap3A_1740] {strides = array<i32>} : memref<64x768xf32, #tpu.memory_space<vmem>>, vector<1x16xf32>,
      %swap3A_1742 = vector.shape_cast %swap3A_1741 : vector<1x16xf32> to vector<16xf32>
      %swap3A_1743 = vector.shape_cast %get3A_422 : vector<16xf32> to vector<1x16xf32>
      tpu.vector_store %arg7[%swap3A_1739, %swap3A_1740], %swap3A_1743 {strides = array<i32>} : memref<64x768xf32, #tpu.memory_space<vmem>>, vector<1x16xf32>,
      %swap3A_1744 = arith.index_cast %scan3A_1669 : i32 to index
      %swap3A_1745 = arith.constant 496 : index
      %swap3A_1746 = tpu.vector_load %arg7[%swap3A_1744, %swap3A_1745] {strides = array<i32>} : memref<64x768xf32, #tpu.memory_space<vmem>>, vector<1x16xf32>,
      %swap3A_1747 = vector.shape_cast %swap3A_1746 : vector<1x16xf32> to vector<16xf32>
      %swap3A_1748 = vector.shape_cast %get3A_427 : vector<16xf32> to vector<1x16xf32>
      tpu.vector_store %arg7[%swap3A_1744, %swap3A_1745], %swap3A_1748 {strides = array<i32>} : memref<64x768xf32, #tpu.memory_space<vmem>>, vector<1x16xf32>,
    }
    %scan3A_433 = arith.constant 64 : i32
    %mul3A_434 = arith.constant 8 : i32
    %mul3A_435 = arith.muli %add3A, %mul3A_434 : i32
    %mul3A_436 = arith.constant 64 : i32
    %mul3A_437 = arith.muli %mul3A_435, %mul3A_436 : i32
    %add3A_438 = arith.constant 0 : i32
    %add3A_439 = arith.addi %add3A_438, %mul3A_437 : i32
    %add3A_440 = arith.constant 64 : i32
    %add3A_441 = arith.addi %add3A_439, %add3A_440 : i32
    %dma_start3A_442 = arith.constant 0 : i32
    %dma_start3A_443 = tpu.memref_slice %arg5[%add3A_441, %dma_start3A_442] : memref<65536x768xf32, #tpu.memory_space<hbm>> -> memref<64x768xf32, #tpu.memory_space<hbm>>
    %dma_start3A_444 = arith.constant 0 : i32
    %dma_start3A_445 = tpu.memref_slice %arg5[%add3A_441, %dma_start3A_444] : memref<65536x768xf32, #tpu.memory_space<hbm>> -> memref<64x768xf32, #tpu.memory_space<hbm>>
    tpu.enqueue_dma source(%arg7 : memref<64x768xf32, #tpu.memory_space<vmem>>) target(%dma_start3A_445 : memref<64x768xf32, #tpu.memory_space<hbm>>) target_semaphore(%arg12 : memref<!tpu.dma_semaphore, #tpu.memory_space<semaphore_mem>>)
    %mul3A_446 = arith.constant 8 : i32
    %mul3A_447 = arith.muli %add3A, %mul3A_446 : i32
    %mul3A_448 = arith.constant 64 : i32
    %mul3A_449 = arith.muli %mul3A_447, %mul3A_448 : i32
    %add3A_450 = arith.constant 16384 : i32
    %add3A_451 = arith.addi %add3A_450, %mul3A_449 : i32
    %add3A_452 = arith.constant 64 : i32
    %add3A_453 = arith.addi %add3A_451, %add3A_452 : i32
    %dma_start3A_454 = arith.constant 0 : i32
    %dma_start3A_455 = tpu.memref_slice %arg5[%add3A_453, %dma_start3A_454] : memref<65536x768xf32, #tpu.memory_space<hbm>> -> memref<64x768xf32, #tpu.memory_space<hbm>>
    %dma_start3A_456 = arith.constant 0 : i32
    %dma_start3A_457 = tpu.memref_slice %arg5[%add3A_453, %dma_start3A_456] : memref<65536x768xf32, #tpu.memory_space<hbm>> -> memref<64x768xf32, #tpu.memory_space<hbm>>
    tpu.enqueue_dma source(%arg7 : memref<64x768xf32, #tpu.memory_space<vmem>>) target(%dma_start3A_457 : memref<64x768xf32, #tpu.memory_space<hbm>>) target_semaphore(%arg12 : memref<!tpu.dma_semaphore, #tpu.memory_space<semaphore_mem>>)
    %mul3A_458 = arith.constant 8 : i32
    %mul3A_459 = arith.muli %add3A, %mul3A_458 : i32
    %mul3A_460 = arith.constant 64 : i32
    %mul3A_461 = arith.muli %mul3A_459, %mul3A_460 : i32
    %add3A_462 = arith.constant 32768 : i32
    %add3A_463 = arith.addi %add3A_462, %mul3A_461 : i32
    %add3A_464 = arith.constant 64 : i32
    %add3A_465 = arith.addi %add3A_463, %add3A_464 : i32
    %dma_start3A_466 = arith.constant 0 : i32
    %dma_start3A_467 = tpu.memref_slice %arg5[%add3A_465, %dma_start3A_466] : memref<65536x768xf32, #tpu.memory_space<hbm>> -> memref<64x768xf32, #tpu.memory_space<hbm>>
    %dma_start3A_468 = arith.constant 0 : i32
    %dma_start3A_469 = tpu.memref_slice %arg5[%add3A_465, %dma_start3A_468] : memref<65536x768xf32, #tpu.memory_space<hbm>> -> memref<64x768xf32, #tpu.memory_space<hbm>>
    tpu.enqueue_dma source(%arg7 : memref<64x768xf32, #tpu.memory_space<vmem>>) target(%dma_start3A_469 : memref<64x768xf32, #tpu.memory_space<hbm>>) target_semaphore(%arg12 : memref<!tpu.dma_semaphore, #tpu.memory_space<semaphore_mem>>)
    %mul3A_470 = arith.constant 8 : i32
    %mul3A_471 = arith.muli %add3A, %mul3A_470 : i32
    %mul3A_472 = arith.constant 64 : i32
    %mul3A_473 = arith.muli %mul3A_471, %mul3A_472 : i32
    %add3A_474 = arith.constant 49152 : i32
    %add3A_475 = arith.addi %add3A_474, %mul3A_473 : i32
    %add3A_476 = arith.constant 64 : i32
    %add3A_477 = arith.addi %add3A_475, %add3A_476 : i32
    %dma_start3A_478 = arith.constant 0 : i32
    %dma_start3A_479 = tpu.memref_slice %arg5[%add3A_477, %dma_start3A_478] : memref<65536x768xf32, #tpu.memory_space<hbm>> -> memref<64x768xf32, #tpu.memory_space<hbm>>
    %dma_start3A_480 = arith.constant 0 : i32
    %dma_start3A_481 = tpu.memref_slice %arg5[%add3A_477, %dma_start3A_480] : memref<65536x768xf32, #tpu.memory_space<hbm>> -> memref<64x768xf32, #tpu.memory_space<hbm>>
    tpu.enqueue_dma source(%arg7 : memref<64x768xf32, #tpu.memory_space<vmem>>) target(%dma_start3A_481 : memref<64x768xf32, #tpu.memory_space<hbm>>) target_semaphore(%arg12 : memref<!tpu.dma_semaphore, #tpu.memory_space<semaphore_mem>>)
    %mul3A_482 = arith.constant 8 : i32
    %mul3A_483 = arith.muli %add3A, %mul3A_482 : i32
    %mul3A_484 = arith.constant 64 : i32
    %mul3A_485 = arith.muli %mul3A_483, %mul3A_484 : i32
    %add3A_486 = arith.constant 0 : i32
    %add3A_487 = arith.addi %add3A_486, %mul3A_485 : i32
    %add3A_488 = arith.constant 0 : i32
    %add3A_489 = arith.addi %add3A_487, %add3A_488 : i32
    %dma_wait3A = arith.constant 0 : i32
    %dma_wait3A_490 = tpu.memref_slice %arg5[%add3A_489, %dma_wait3A] : memref<65536x768xf32, #tpu.memory_space<hbm>> -> memref<64x768xf32, #tpu.memory_space<hbm>>
    %dma_wait3A_491 = arith.constant 0 : i32
    %dma_wait3A_492 = tpu.memref_slice %arg5[%add3A_489, %dma_wait3A_491] : memref<65536x768xf32, #tpu.memory_space<hbm>> -> memref<64x768xf32, #tpu.memory_space<hbm>>
    tpu.wait_dma2 semaphore(%arg11 : memref<!tpu.dma_semaphore, #tpu.memory_space<semaphore_mem>>) src(%arg6 : memref<64x768xf32, #tpu.memory_space<vmem>>) dst(%dma_wait3A_492 : memref<64x768xf32, #tpu.memory_space<hbm>>)
    %mul3A_493 = arith.constant 8 : i32
    %mul3A_494 = arith.muli %add3A, %mul3A_493 : i32
    %mul3A_495 = arith.constant 64 : i32
    %mul3A_496 = arith.muli %mul3A_494, %mul3A_495 : i32
    %add3A_497 = arith.constant 16384 : i32
    %add3A_498 = arith.addi %add3A_497, %mul3A_496 : i32
    %add3A_499 = arith.constant 0 : i32
    %add3A_500 = arith.addi %add3A_498, %add3A_499 : i32
    %dma_wait3A_501 = arith.constant 0 : i32
    %dma_wait3A_502 = tpu.memref_slice %arg5[%add3A_500, %dma_wait3A_501] : memref<65536x768xf32, #tpu.memory_space<hbm>> -> memref<64x768xf32, #tpu.memory_space<hbm>>
    %dma_wait3A_503 = arith.constant 0 : i32
    %dma_wait3A_504 = tpu.memref_slice %arg5[%add3A_500, %dma_wait3A_503] : memref<65536x768xf32, #tpu.memory_space<hbm>> -> memref<64x768xf32, #tpu.memory_space<hbm>>
    tpu.wait_dma2 semaphore(%arg11 : memref<!tpu.dma_semaphore, #tpu.memory_space<semaphore_mem>>) src(%arg6 : memref<64x768xf32, #tpu.memory_space<vmem>>) dst(%dma_wait3A_504 : memref<64x768xf32, #tpu.memory_space<hbm>>)
    %mul3A_505 = arith.constant 8 : i32
    %mul3A_506 = arith.muli %add3A, %mul3A_505 : i32
    %mul3A_507 = arith.constant 64 : i32
    %mul3A_508 = arith.muli %mul3A_506, %mul3A_507 : i32
    %add3A_509 = arith.constant 32768 : i32
    %add3A_510 = arith.addi %add3A_509, %mul3A_508 : i32
    %add3A_511 = arith.constant 0 : i32
    %add3A_512 = arith.addi %add3A_510, %add3A_511 : i32
    %dma_wait3A_513 = arith.constant 0 : i32
    %dma_wait3A_514 = tpu.memref_slice %arg5[%add3A_512, %dma_wait3A_513] : memref<65536x768xf32, #tpu.memory_space<hbm>> -> memref<64x768xf32, #tpu.memory_space<hbm>>
    %dma_wait3A_515 = arith.constant 0 : i32
    %dma_wait3A_516 = tpu.memref_slice %arg5[%add3A_512, %dma_wait3A_515] : memref<65536x768xf32, #tpu.memory_space<hbm>> -> memref<64x768xf32, #tpu.memory_space<hbm>>
    tpu.wait_dma2 semaphore(%arg11 : memref<!tpu.dma_semaphore, #tpu.memory_space<semaphore_mem>>) src(%arg6 : memref<64x768xf32, #tpu.memory_space<vmem>>) dst(%dma_wait3A_516 : memref<64x768xf32, #tpu.memory_space<hbm>>)
    %mul3A_517 = arith.constant 8 : i32
    %mul3A_518 = arith.muli %add3A, %mul3A_517 : i32
    %mul3A_519 = arith.constant 64 : i32
    %mul3A_520 = arith.muli %mul3A_518, %mul3A_519 : i32
    %add3A_521 = arith.constant 49152 : i32
    %add3A_522 = arith.addi %add3A_521, %mul3A_520 : i32
    %add3A_523 = arith.constant 0 : i32
    %add3A_524 = arith.addi %add3A_522, %add3A_523 : i32
    %dma_wait3A_525 = arith.constant 0 : i32
    %dma_wait3A_526 = tpu.memref_slice %arg5[%add3A_524, %dma_wait3A_525] : memref<65536x768xf32, #tpu.memory_space<hbm>> -> memref<64x768xf32, #tpu.memory_space<hbm>>
    %dma_wait3A_527 = arith.constant 0 : i32
    %dma_wait3A_528 = tpu.memref_slice %arg5[%add3A_524, %dma_wait3A_527] : memref<65536x768xf32, #tpu.memory_space<hbm>> -> memref<64x768xf32, #tpu.memory_space<hbm>>
    tpu.wait_dma2 semaphore(%arg11 : memref<!tpu.dma_semaphore, #tpu.memory_space<semaphore_mem>>) src(%arg6 : memref<64x768xf32, #tpu.memory_space<vmem>>) dst(%dma_wait3A_528 : memref<64x768xf32, #tpu.memory_space<hbm>>)
    %get3A_529 = arith.constant 2 : i32
    %get3A_530 = arith.index_cast %get3A_529 : i32 to index
    %get3A_531 = arith.constant 0 : index
    %get3A_532 = tpu.vector_load %arg9[%get3A_530, %get3A_531] {strides = array<i32>} : memref<8x256xf32, #tpu.memory_space<vmem>>, vector<1x16xf32>,
    %get3A_533 = vector.shape_cast %get3A_532 : vector<1x16xf32> to vector<16xf32>
    %get3A_534 = arith.constant 2 : i32
    %get3A_535 = arith.index_cast %get3A_534 : i32 to index
    %get3A_536 = arith.constant 16 : index
    %get3A_537 = tpu.vector_load %arg9[%get3A_535, %get3A_536] {strides = array<i32>} : memref<8x256xf32, #tpu.memory_space<vmem>>, vector<1x16xf32>,
    %get3A_538 = vector.shape_cast %get3A_537 : vector<1x16xf32> to vector<16xf32>
    %get3A_539 = arith.constant 2 : i32
    %get3A_540 = arith.index_cast %get3A_539 : i32 to index
    %get3A_541 = arith.constant 32 : index
    %get3A_542 = tpu.vector_load %arg9[%get3A_540, %get3A_541] {strides = array<i32>} : memref<8x256xf32, #tpu.memory_space<vmem>>, vector<1x16xf32>,
    %get3A_543 = vector.shape_cast %get3A_542 : vector<1x16xf32> to vector<16xf32>
    %get3A_544 = arith.constant 2 : i32
    %get3A_545 = arith.index_cast %get3A_544 : i32 to index
    %get3A_546 = arith.constant 48 : index
    %get3A_547 = tpu.vector_load %arg9[%get3A_545, %get3A_546] {strides = array<i32>} : memref<8x256xf32, #tpu.memory_space<vmem>>, vector<1x16xf32>,
    %get3A_548 = vector.shape_cast %get3A_547 : vector<1x16xf32> to vector<16xf32>
    %get3A_549 = arith.constant 2 : i32
    %get3A_550 = arith.index_cast %get3A_549 : i32 to index
    %get3A_551 = arith.constant 64 : index
    %get3A_552 = tpu.vector_load %arg9[%get3A_550, %get3A_551] {strides = array<i32>} : memref<8x256xf32, #tpu.memory_space<vmem>>, vector<1x16xf32>,
    %get3A_553 = vector.shape_cast %get3A_552 : vector<1x16xf32> to vector<16xf32>
    %get3A_554 = arith.constant 2 : i32
    %get3A_555 = arith.index_cast %get3A_554 : i32 to index
    %get3A_556 = arith.constant 80 : index
    %get3A_557 = tpu.vector_load %arg9[%get3A_555, %get3A_556] {strides = array<i32>} : memref<8x256xf32, #tpu.memory_space<vmem>>, vector<1x16xf32>,
    %get3A_558 = vector.shape_cast %get3A_557 : vector<1x16xf32> to vector<16xf32>
    %get3A_559 = arith.constant 2 : i32
    %get3A_560 = arith.index_cast %get3A_559 : i32 to index
    %get3A_561 = arith.constant 96 : index
    %get3A_562 = tpu.vector_load %arg9[%get3A_560, %get3A_561] {strides = array<i32>} : memref<8x256xf32, #tpu.memory_space<vmem>>, vector<1x16xf32>,
    %get3A_563 = vector.shape_cast %get3A_562 : vector<1x16xf32> to vector<16xf32>
    %get3A_564 = arith.constant 2 : i32
    %get3A_565 = arith.index_cast %get3A_564 : i32 to index
    %get3A_566 = arith.constant 112 : index
    %get3A_567 = tpu.vector_load %arg9[%get3A_565, %get3A_566] {strides = array<i32>} : memref<8x256xf32, #tpu.memory_space<vmem>>, vector<1x16xf32>,
    %get3A_568 = vector.shape_cast %get3A_567 : vector<1x16xf32> to vector<16xf32>
    %get3A_569 = arith.constant 2 : i32
    %get3A_570 = arith.index_cast %get3A_569 : i32 to index
    %get3A_571 = arith.constant 128 : index
    %get3A_572 = tpu.vector_load %arg9[%get3A_570, %get3A_571] {strides = array<i32>} : memref<8x256xf32, #tpu.memory_space<vmem>>, vector<1x16xf32>,
    %get3A_573 = vector.shape_cast %get3A_572 : vector<1x16xf32> to vector<16xf32>
    %get3A_574 = arith.constant 2 : i32
    %get3A_575 = arith.index_cast %get3A_574 : i32 to index
    %get3A_576 = arith.constant 144 : index
    %get3A_577 = tpu.vector_load %arg9[%get3A_575, %get3A_576] {strides = array<i32>} : memref<8x256xf32, #tpu.memory_space<vmem>>, vector<1x16xf32>,
    %get3A_578 = vector.shape_cast %get3A_577 : vector<1x16xf32> to vector<16xf32>
    %get3A_579 = arith.constant 2 : i32
    %get3A_580 = arith.index_cast %get3A_579 : i32 to index
    %get3A_581 = arith.constant 160 : index
    %get3A_582 = tpu.vector_load %arg9[%get3A_580, %get3A_581] {strides = array<i32>} : memref<8x256xf32, #tpu.memory_space<vmem>>, vector<1x16xf32>,
    %get3A_583 = vector.shape_cast %get3A_582 : vector<1x16xf32> to vector<16xf32>
    %get3A_584 = arith.constant 2 : i32
    %get3A_585 = arith.index_cast %get3A_584 : i32 to index
    %get3A_586 = arith.constant 176 : index
    %get3A_587 = tpu.vector_load %arg9[%get3A_585, %get3A_586] {strides = array<i32>} : memref<8x256xf32, #tpu.memory_space<vmem>>, vector<1x16xf32>,
    %get3A_588 = vector.shape_cast %get3A_587 : vector<1x16xf32> to vector<16xf32>
    %get3A_589 = arith.constant 2 : i32
    %get3A_590 = arith.index_cast %get3A_589 : i32 to index
    %get3A_591 = arith.constant 192 : index
    %get3A_592 = tpu.vector_load %arg9[%get3A_590, %get3A_591] {strides = array<i32>} : memref<8x256xf32, #tpu.memory_space<vmem>>, vector<1x16xf32>,
    %get3A_593 = vector.shape_cast %get3A_592 : vector<1x16xf32> to vector<16xf32>
    %get3A_594 = arith.constant 2 : i32
    %get3A_595 = arith.index_cast %get3A_594 : i32 to index
    %get3A_596 = arith.constant 208 : index
    %get3A_597 = tpu.vector_load %arg9[%get3A_595, %get3A_596] {strides = array<i32>} : memref<8x256xf32, #tpu.memory_space<vmem>>, vector<1x16xf32>,
    %get3A_598 = vector.shape_cast %get3A_597 : vector<1x16xf32> to vector<16xf32>
    %get3A_599 = arith.constant 2 : i32
    %get3A_600 = arith.index_cast %get3A_599 : i32 to index
    %get3A_601 = arith.constant 224 : index
    %get3A_602 = tpu.vector_load %arg9[%get3A_600, %get3A_601] {strides = array<i32>} : memref<8x256xf32, #tpu.memory_space<vmem>>, vector<1x16xf32>,
    %get3A_603 = vector.shape_cast %get3A_602 : vector<1x16xf32> to vector<16xf32>
    %get3A_604 = arith.constant 2 : i32
    %get3A_605 = arith.index_cast %get3A_604 : i32 to index
    %get3A_606 = arith.constant 240 : index
    %get3A_607 = tpu.vector_load %arg9[%get3A_605, %get3A_606] {strides = array<i32>} : memref<8x256xf32, #tpu.memory_space<vmem>>, vector<1x16xf32>,
    %get3A_608 = vector.shape_cast %get3A_607 : vector<1x16xf32> to vector<16xf32>
    %scan3A_609 = arith.constant 0 : i32
    %scan3A_610 = arith.constant 0 : i32
    %scan3A_611 = arith.constant 64 : i32
    %scan3A_612 = arith.addi %scan3A_610, %scan3A_611 : i32
    %scan3A_613 = arith.constant 1 : i32
    scf.for %scan3A_1669 = %scan3A_610 to %scan3A_612 step %scan3A_613  : i32 {
      %swap3A = arith.index_cast %scan3A_1669 : i32 to index
      %swap3A_1670 = arith.constant 256 : index
      %swap3A_1671 = tpu.vector_load %arg6[%swap3A, %swap3A_1670] {strides = array<i32>} : memref<64x768xf32, #tpu.memory_space<vmem>>, vector<1x16xf32>,
      %swap3A_1672 = vector.shape_cast %swap3A_1671 : vector<1x16xf32> to vector<16xf32>
      %swap3A_1673 = vector.shape_cast %get3A_533 : vector<16xf32> to vector<1x16xf32>
      tpu.vector_store %arg6[%swap3A, %swap3A_1670], %swap3A_1673 {strides = array<i32>} : memref<64x768xf32, #tpu.memory_space<vmem>>, vector<1x16xf32>,
      %swap3A_1674 = arith.index_cast %scan3A_1669 : i32 to index
      %swap3A_1675 = arith.constant 272 : index
      %swap3A_1676 = tpu.vector_load %arg6[%swap3A_1674, %swap3A_1675] {strides = array<i32>} : memref<64x768xf32, #tpu.memory_space<vmem>>, vector<1x16xf32>,
      %swap3A_1677 = vector.shape_cast %swap3A_1676 : vector<1x16xf32> to vector<16xf32>
      %swap3A_1678 = vector.shape_cast %get3A_538 : vector<16xf32> to vector<1x16xf32>
      tpu.vector_store %arg6[%swap3A_1674, %swap3A_1675], %swap3A_1678 {strides = array<i32>} : memref<64x768xf32, #tpu.memory_space<vmem>>, vector<1x16xf32>,
      %swap3A_1679 = arith.index_cast %scan3A_1669 : i32 to index
      %swap3A_1680 = arith.constant 288 : index
      %swap3A_1681 = tpu.vector_load %arg6[%swap3A_1679, %swap3A_1680] {strides = array<i32>} : memref<64x768xf32, #tpu.memory_space<vmem>>, vector<1x16xf32>,
      %swap3A_1682 = vector.shape_cast %swap3A_1681 : vector<1x16xf32> to vector<16xf32>
      %swap3A_1683 = vector.shape_cast %get3A_543 : vector<16xf32> to vector<1x16xf32>
      tpu.vector_store %arg6[%swap3A_1679, %swap3A_1680], %swap3A_1683 {strides = array<i32>} : memref<64x768xf32, #tpu.memory_space<vmem>>, vector<1x16xf32>,
      %swap3A_1684 = arith.index_cast %scan3A_1669 : i32 to index
      %swap3A_1685 = arith.constant 304 : index
      %swap3A_1686 = tpu.vector_load %arg6[%swap3A_1684, %swap3A_1685] {strides = array<i32>} : memref<64x768xf32, #tpu.memory_space<vmem>>, vector<1x16xf32>,
      %swap3A_1687 = vector.shape_cast %swap3A_1686 : vector<1x16xf32> to vector<16xf32>
      %swap3A_1688 = vector.shape_cast %get3A_548 : vector<16xf32> to vector<1x16xf32>
      tpu.vector_store %arg6[%swap3A_1684, %swap3A_1685], %swap3A_1688 {strides = array<i32>} : memref<64x768xf32, #tpu.memory_space<vmem>>, vector<1x16xf32>,
      %swap3A_1689 = arith.index_cast %scan3A_1669 : i32 to index
      %swap3A_1690 = arith.constant 320 : index
      %swap3A_1691 = tpu.vector_load %arg6[%swap3A_1689, %swap3A_1690] {strides = array<i32>} : memref<64x768xf32, #tpu.memory_space<vmem>>, vector<1x16xf32>,
      %swap3A_1692 = vector.shape_cast %swap3A_1691 : vector<1x16xf32> to vector<16xf32>
      %swap3A_1693 = vector.shape_cast %get3A_553 : vector<16xf32> to vector<1x16xf32>
      tpu.vector_store %arg6[%swap3A_1689, %swap3A_1690], %swap3A_1693 {strides = array<i32>} : memref<64x768xf32, #tpu.memory_space<vmem>>, vector<1x16xf32>,
      %swap3A_1694 = arith.index_cast %scan3A_1669 : i32 to index
      %swap3A_1695 = arith.constant 336 : index
      %swap3A_1696 = tpu.vector_load %arg6[%swap3A_1694, %swap3A_1695] {strides = array<i32>} : memref<64x768xf32, #tpu.memory_space<vmem>>, vector<1x16xf32>,
      %swap3A_1697 = vector.shape_cast %swap3A_1696 : vector<1x16xf32> to vector<16xf32>
      %swap3A_1698 = vector.shape_cast %get3A_558 : vector<16xf32> to vector<1x16xf32>
      tpu.vector_store %arg6[%swap3A_1694, %swap3A_1695], %swap3A_1698 {strides = array<i32>} : memref<64x768xf32, #tpu.memory_space<vmem>>, vector<1x16xf32>,
      %swap3A_1699 = arith.index_cast %scan3A_1669 : i32 to index
      %swap3A_1700 = arith.constant 352 : index
      %swap3A_1701 = tpu.vector_load %arg6[%swap3A_1699, %swap3A_1700] {strides = array<i32>} : memref<64x768xf32, #tpu.memory_space<vmem>>, vector<1x16xf32>,
      %swap3A_1702 = vector.shape_cast %swap3A_1701 : vector<1x16xf32> to vector<16xf32>
      %swap3A_1703 = vector.shape_cast %get3A_563 : vector<16xf32> to vector<1x16xf32>
      tpu.vector_store %arg6[%swap3A_1699, %swap3A_1700], %swap3A_1703 {strides = array<i32>} : memref<64x768xf32, #tpu.memory_space<vmem>>, vector<1x16xf32>,
      %swap3A_1704 = arith.index_cast %scan3A_1669 : i32 to index
      %swap3A_1705 = arith.constant 368 : index
      %swap3A_1706 = tpu.vector_load %arg6[%swap3A_1704, %swap3A_1705] {strides = array<i32>} : memref<64x768xf32, #tpu.memory_space<vmem>>, vector<1x16xf32>,
      %swap3A_1707 = vector.shape_cast %swap3A_1706 : vector<1x16xf32> to vector<16xf32>
      %swap3A_1708 = vector.shape_cast %get3A_568 : vector<16xf32> to vector<1x16xf32>
      tpu.vector_store %arg6[%swap3A_1704, %swap3A_1705], %swap3A_1708 {strides = array<i32>} : memref<64x768xf32, #tpu.memory_space<vmem>>, vector<1x16xf32>,
      %swap3A_1709 = arith.index_cast %scan3A_1669 : i32 to index
      %swap3A_1710 = arith.constant 384 : index
      %swap3A_1711 = tpu.vector_load %arg6[%swap3A_1709, %swap3A_1710] {strides = array<i32>} : memref<64x768xf32, #tpu.memory_space<vmem>>, vector<1x16xf32>,
      %swap3A_1712 = vector.shape_cast %swap3A_1711 : vector<1x16xf32> to vector<16xf32>
      %swap3A_1713 = vector.shape_cast %get3A_573 : vector<16xf32> to vector<1x16xf32>
      tpu.vector_store %arg6[%swap3A_1709, %swap3A_1710], %swap3A_1713 {strides = array<i32>} : memref<64x768xf32, #tpu.memory_space<vmem>>, vector<1x16xf32>,
      %swap3A_1714 = arith.index_cast %scan3A_1669 : i32 to index
      %swap3A_1715 = arith.constant 400 : index
      %swap3A_1716 = tpu.vector_load %arg6[%swap3A_1714, %swap3A_1715] {strides = array<i32>} : memref<64x768xf32, #tpu.memory_space<vmem>>, vector<1x16xf32>,
      %swap3A_1717 = vector.shape_cast %swap3A_1716 : vector<1x16xf32> to vector<16xf32>
      %swap3A_1718 = vector.shape_cast %get3A_578 : vector<16xf32> to vector<1x16xf32>
      tpu.vector_store %arg6[%swap3A_1714, %swap3A_1715], %swap3A_1718 {strides = array<i32>} : memref<64x768xf32, #tpu.memory_space<vmem>>, vector<1x16xf32>,
      %swap3A_1719 = arith.index_cast %scan3A_1669 : i32 to index
      %swap3A_1720 = arith.constant 416 : index
      %swap3A_1721 = tpu.vector_load %arg6[%swap3A_1719, %swap3A_1720] {strides = array<i32>} : memref<64x768xf32, #tpu.memory_space<vmem>>, vector<1x16xf32>,
      %swap3A_1722 = vector.shape_cast %swap3A_1721 : vector<1x16xf32> to vector<16xf32>
      %swap3A_1723 = vector.shape_cast %get3A_583 : vector<16xf32> to vector<1x16xf32>
      tpu.vector_store %arg6[%swap3A_1719, %swap3A_1720], %swap3A_1723 {strides = array<i32>} : memref<64x768xf32, #tpu.memory_space<vmem>>, vector<1x16xf32>,
      %swap3A_1724 = arith.index_cast %scan3A_1669 : i32 to index
      %swap3A_1725 = arith.constant 432 : index
      %swap3A_1726 = tpu.vector_load %arg6[%swap3A_1724, %swap3A_1725] {strides = array<i32>} : memref<64x768xf32, #tpu.memory_space<vmem>>, vector<1x16xf32>,
      %swap3A_1727 = vector.shape_cast %swap3A_1726 : vector<1x16xf32> to vector<16xf32>
      %swap3A_1728 = vector.shape_cast %get3A_588 : vector<16xf32> to vector<1x16xf32>
      tpu.vector_store %arg6[%swap3A_1724, %swap3A_1725], %swap3A_1728 {strides = array<i32>} : memref<64x768xf32, #tpu.memory_space<vmem>>, vector<1x16xf32>,
      %swap3A_1729 = arith.index_cast %scan3A_1669 : i32 to index
      %swap3A_1730 = arith.constant 448 : index
      %swap3A_1731 = tpu.vector_load %arg6[%swap3A_1729, %swap3A_1730] {strides = array<i32>} : memref<64x768xf32, #tpu.memory_space<vmem>>, vector<1x16xf32>,
      %swap3A_1732 = vector.shape_cast %swap3A_1731 : vector<1x16xf32> to vector<16xf32>
      %swap3A_1733 = vector.shape_cast %get3A_593 : vector<16xf32> to vector<1x16xf32>
      tpu.vector_store %arg6[%swap3A_1729, %swap3A_1730], %swap3A_1733 {strides = array<i32>} : memref<64x768xf32, #tpu.memory_space<vmem>>, vector<1x16xf32>,
      %swap3A_1734 = arith.index_cast %scan3A_1669 : i32 to index
      %swap3A_1735 = arith.constant 464 : index
      %swap3A_1736 = tpu.vector_load %arg6[%swap3A_1734, %swap3A_1735] {strides = array<i32>} : memref<64x768xf32, #tpu.memory_space<vmem>>, vector<1x16xf32>,
      %swap3A_1737 = vector.shape_cast %swap3A_1736 : vector<1x16xf32> to vector<16xf32>
      %swap3A_1738 = vector.shape_cast %get3A_598 : vector<16xf32> to vector<1x16xf32>
      tpu.vector_store %arg6[%swap3A_1734, %swap3A_1735], %swap3A_1738 {strides = array<i32>} : memref<64x768xf32, #tpu.memory_space<vmem>>, vector<1x16xf32>,
      %swap3A_1739 = arith.index_cast %scan3A_1669 : i32 to index
      %swap3A_1740 = arith.constant 480 : index
      %swap3A_1741 = tpu.vector_load %arg6[%swap3A_1739, %swap3A_1740] {strides = array<i32>} : memref<64x768xf32, #tpu.memory_space<vmem>>, vector<1x16xf32>,
      %swap3A_1742 = vector.shape_cast %swap3A_1741 : vector<1x16xf32> to vector<16xf32>
      %swap3A_1743 = vector.shape_cast %get3A_603 : vector<16xf32> to vector<1x16xf32>
      tpu.vector_store %arg6[%swap3A_1739, %swap3A_1740], %swap3A_1743 {strides = array<i32>} : memref<64x768xf32, #tpu.memory_space<vmem>>, vector<1x16xf32>,
      %swap3A_1744 = arith.index_cast %scan3A_1669 : i32 to index
      %swap3A_1745 = arith.constant 496 : index
      %swap3A_1746 = tpu.vector_load %arg6[%swap3A_1744, %swap3A_1745] {strides = array<i32>} : memref<64x768xf32, #tpu.memory_space<vmem>>, vector<1x16xf32>,
      %swap3A_1747 = vector.shape_cast %swap3A_1746 : vector<1x16xf32> to vector<16xf32>
      %swap3A_1748 = vector.shape_cast %get3A_608 : vector<16xf32> to vector<1x16xf32>
      tpu.vector_store %arg6[%swap3A_1744, %swap3A_1745], %swap3A_1748 {strides = array<i32>} : memref<64x768xf32, #tpu.memory_space<vmem>>, vector<1x16xf32>,
    }
    %scan3A_614 = arith.constant 64 : i32
    %mul3A_615 = arith.constant 8 : i32
    %mul3A_616 = arith.muli %add3A, %mul3A_615 : i32
    %mul3A_617 = arith.constant 64 : i32
    %mul3A_618 = arith.muli %mul3A_616, %mul3A_617 : i32
    %add3A_619 = arith.constant 0 : i32
    %add3A_620 = arith.addi %add3A_619, %mul3A_618 : i32
    %add3A_621 = arith.constant 128 : i32
    %add3A_622 = arith.addi %add3A_620, %add3A_621 : i32
    %dma_start3A_623 = arith.constant 0 : i32
    %dma_start3A_624 = tpu.memref_slice %arg5[%add3A_622, %dma_start3A_623] : memref<65536x768xf32, #tpu.memory_space<hbm>> -> memref<64x768xf32, #tpu.memory_space<hbm>>
    %dma_start3A_625 = arith.constant 0 : i32
    %dma_start3A_626 = tpu.memref_slice %arg5[%add3A_622, %dma_start3A_625] : memref<65536x768xf32, #tpu.memory_space<hbm>> -> memref<64x768xf32, #tpu.memory_space<hbm>>
    tpu.enqueue_dma source(%arg6 : memref<64x768xf32, #tpu.memory_space<vmem>>) target(%dma_start3A_626 : memref<64x768xf32, #tpu.memory_space<hbm>>) target_semaphore(%arg11 : memref<!tpu.dma_semaphore, #tpu.memory_space<semaphore_mem>>)
    %mul3A_627 = arith.constant 8 : i32
    %mul3A_628 = arith.muli %add3A, %mul3A_627 : i32
    %mul3A_629 = arith.constant 64 : i32
    %mul3A_630 = arith.muli %mul3A_628, %mul3A_629 : i32
    %add3A_631 = arith.constant 16384 : i32
    %add3A_632 = arith.addi %add3A_631, %mul3A_630 : i32
    %add3A_633 = arith.constant 128 : i32
    %add3A_634 = arith.addi %add3A_632, %add3A_633 : i32
    %dma_start3A_635 = arith.constant 0 : i32
    %dma_start3A_636 = tpu.memref_slice %arg5[%add3A_634, %dma_start3A_635] : memref<65536x768xf32, #tpu.memory_space<hbm>> -> memref<64x768xf32, #tpu.memory_space<hbm>>
    %dma_start3A_637 = arith.constant 0 : i32
    %dma_start3A_638 = tpu.memref_slice %arg5[%add3A_634, %dma_start3A_637] : memref<65536x768xf32, #tpu.memory_space<hbm>> -> memref<64x768xf32, #tpu.memory_space<hbm>>
    tpu.enqueue_dma source(%arg6 : memref<64x768xf32, #tpu.memory_space<vmem>>) target(%dma_start3A_638 : memref<64x768xf32, #tpu.memory_space<hbm>>) target_semaphore(%arg11 : memref<!tpu.dma_semaphore, #tpu.memory_space<semaphore_mem>>)
    %mul3A_639 = arith.constant 8 : i32
    %mul3A_640 = arith.muli %add3A, %mul3A_639 : i32
    %mul3A_641 = arith.constant 64 : i32
    %mul3A_642 = arith.muli %mul3A_640, %mul3A_641 : i32
    %add3A_643 = arith.constant 32768 : i32
    %add3A_644 = arith.addi %add3A_643, %mul3A_642 : i32
    %add3A_645 = arith.constant 128 : i32
    %add3A_646 = arith.addi %add3A_644, %add3A_645 : i32
    %dma_start3A_647 = arith.constant 0 : i32
    %dma_start3A_648 = tpu.memref_slice %arg5[%add3A_646, %dma_start3A_647] : memref<65536x768xf32, #tpu.memory_space<hbm>> -> memref<64x768xf32, #tpu.memory_space<hbm>>
    %dma_start3A_649 = arith.constant 0 : i32
    %dma_start3A_650 = tpu.memref_slice %arg5[%add3A_646, %dma_start3A_649] : memref<65536x768xf32, #tpu.memory_space<hbm>> -> memref<64x768xf32, #tpu.memory_space<hbm>>
    tpu.enqueue_dma source(%arg6 : memref<64x768xf32, #tpu.memory_space<vmem>>) target(%dma_start3A_650 : memref<64x768xf32, #tpu.memory_space<hbm>>) target_semaphore(%arg11 : memref<!tpu.dma_semaphore, #tpu.memory_space<semaphore_mem>>)
    %mul3A_651 = arith.constant 8 : i32
    %mul3A_652 = arith.muli %add3A, %mul3A_651 : i32
    %mul3A_653 = arith.constant 64 : i32
    %mul3A_654 = arith.muli %mul3A_652, %mul3A_653 : i32
    %add3A_655 = arith.constant 49152 : i32
    %add3A_656 = arith.addi %add3A_655, %mul3A_654 : i32
    %add3A_657 = arith.constant 128 : i32
    %add3A_658 = arith.addi %add3A_656, %add3A_657 : i32
    %dma_start3A_659 = arith.constant 0 : i32
    %dma_start3A_660 = tpu.memref_slice %arg5[%add3A_658, %dma_start3A_659] : memref<65536x768xf32, #tpu.memory_space<hbm>> -> memref<64x768xf32, #tpu.memory_space<hbm>>
    %dma_start3A_661 = arith.constant 0 : i32
    %dma_start3A_662 = tpu.memref_slice %arg5[%add3A_658, %dma_start3A_661] : memref<65536x768xf32, #tpu.memory_space<hbm>> -> memref<64x768xf32, #tpu.memory_space<hbm>>
    tpu.enqueue_dma source(%arg6 : memref<64x768xf32, #tpu.memory_space<vmem>>) target(%dma_start3A_662 : memref<64x768xf32, #tpu.memory_space<hbm>>) target_semaphore(%arg11 : memref<!tpu.dma_semaphore, #tpu.memory_space<semaphore_mem>>)
    %mul3A_663 = arith.constant 8 : i32
    %mul3A_664 = arith.muli %add3A, %mul3A_663 : i32
    %mul3A_665 = arith.constant 64 : i32
    %mul3A_666 = arith.muli %mul3A_664, %mul3A_665 : i32
    %add3A_667 = arith.constant 0 : i32
    %add3A_668 = arith.addi %add3A_667, %mul3A_666 : i32
    %add3A_669 = arith.constant 64 : i32
    %add3A_670 = arith.addi %add3A_668, %add3A_669 : i32
    %dma_wait3A_671 = arith.constant 0 : i32
    %dma_wait3A_672 = tpu.memref_slice %arg5[%add3A_670, %dma_wait3A_671] : memref<65536x768xf32, #tpu.memory_space<hbm>> -> memref<64x768xf32, #tpu.memory_space<hbm>>
    %dma_wait3A_673 = arith.constant 0 : i32
    %dma_wait3A_674 = tpu.memref_slice %arg5[%add3A_670, %dma_wait3A_673] : memref<65536x768xf32, #tpu.memory_space<hbm>> -> memref<64x768xf32, #tpu.memory_space<hbm>>
    tpu.wait_dma2 semaphore(%arg12 : memref<!tpu.dma_semaphore, #tpu.memory_space<semaphore_mem>>) src(%arg7 : memref<64x768xf32, #tpu.memory_space<vmem>>) dst(%dma_wait3A_674 : memref<64x768xf32, #tpu.memory_space<hbm>>)
    %mul3A_675 = arith.constant 8 : i32
    %mul3A_676 = arith.muli %add3A, %mul3A_675 : i32
    %mul3A_677 = arith.constant 64 : i32
    %mul3A_678 = arith.muli %mul3A_676, %mul3A_677 : i32
    %add3A_679 = arith.constant 16384 : i32
    %add3A_680 = arith.addi %add3A_679, %mul3A_678 : i32
    %add3A_681 = arith.constant 64 : i32
    %add3A_682 = arith.addi %add3A_680, %add3A_681 : i32
    %dma_wait3A_683 = arith.constant 0 : i32
    %dma_wait3A_684 = tpu.memref_slice %arg5[%add3A_682, %dma_wait3A_683] : memref<65536x768xf32, #tpu.memory_space<hbm>> -> memref<64x768xf32, #tpu.memory_space<hbm>>
    %dma_wait3A_685 = arith.constant 0 : i32
    %dma_wait3A_686 = tpu.memref_slice %arg5[%add3A_682, %dma_wait3A_685] : memref<65536x768xf32, #tpu.memory_space<hbm>> -> memref<64x768xf32, #tpu.memory_space<hbm>>
    tpu.wait_dma2 semaphore(%arg12 : memref<!tpu.dma_semaphore, #tpu.memory_space<semaphore_mem>>) src(%arg7 : memref<64x768xf32, #tpu.memory_space<vmem>>) dst(%dma_wait3A_686 : memref<64x768xf32, #tpu.memory_space<hbm>>)
    %mul3A_687 = arith.constant 8 : i32
    %mul3A_688 = arith.muli %add3A, %mul3A_687 : i32
    %mul3A_689 = arith.constant 64 : i32
    %mul3A_690 = arith.muli %mul3A_688, %mul3A_689 : i32
    %add3A_691 = arith.constant 32768 : i32
    %add3A_692 = arith.addi %add3A_691, %mul3A_690 : i32
    %add3A_693 = arith.constant 64 : i32
    %add3A_694 = arith.addi %add3A_692, %add3A_693 : i32
    %dma_wait3A_695 = arith.constant 0 : i32
    %dma_wait3A_696 = tpu.memref_slice %arg5[%add3A_694, %dma_wait3A_695] : memref<65536x768xf32, #tpu.memory_space<hbm>> -> memref<64x768xf32, #tpu.memory_space<hbm>>
    %dma_wait3A_697 = arith.constant 0 : i32
    %dma_wait3A_698 = tpu.memref_slice %arg5[%add3A_694, %dma_wait3A_697] : memref<65536x768xf32, #tpu.memory_space<hbm>> -> memref<64x768xf32, #tpu.memory_space<hbm>>
    tpu.wait_dma2 semaphore(%arg12 : memref<!tpu.dma_semaphore, #tpu.memory_space<semaphore_mem>>) src(%arg7 : memref<64x768xf32, #tpu.memory_space<vmem>>) dst(%dma_wait3A_698 : memref<64x768xf32, #tpu.memory_space<hbm>>)
    %mul3A_699 = arith.constant 8 : i32
    %mul3A_700 = arith.muli %add3A, %mul3A_699 : i32
    %mul3A_701 = arith.constant 64 : i32
    %mul3A_702 = arith.muli %mul3A_700, %mul3A_701 : i32
    %add3A_703 = arith.constant 49152 : i32
    %add3A_704 = arith.addi %add3A_703, %mul3A_702 : i32
    %add3A_705 = arith.constant 64 : i32
    %add3A_706 = arith.addi %add3A_704, %add3A_705 : i32
    %dma_wait3A_707 = arith.constant 0 : i32
    %dma_wait3A_708 = tpu.memref_slice %arg5[%add3A_706, %dma_wait3A_707] : memref<65536x768xf32, #tpu.memory_space<hbm>> -> memref<64x768xf32, #tpu.memory_space<hbm>>
    %dma_wait3A_709 = arith.constant 0 : i32
    %dma_wait3A_710 = tpu.memref_slice %arg5[%add3A_706, %dma_wait3A_709] : memref<65536x768xf32, #tpu.memory_space<hbm>> -> memref<64x768xf32, #tpu.memory_space<hbm>>
    tpu.wait_dma2 semaphore(%arg12 : memref<!tpu.dma_semaphore, #tpu.memory_space<semaphore_mem>>) src(%arg7 : memref<64x768xf32, #tpu.memory_space<vmem>>) dst(%dma_wait3A_710 : memref<64x768xf32, #tpu.memory_space<hbm>>)
    %get3A_711 = arith.constant 3 : i32
    %get3A_712 = arith.index_cast %get3A_711 : i32 to index
    %get3A_713 = arith.constant 0 : index
    %get3A_714 = tpu.vector_load %arg9[%get3A_712, %get3A_713] {strides = array<i32>} : memref<8x256xf32, #tpu.memory_space<vmem>>, vector<1x16xf32>,
    %get3A_715 = vector.shape_cast %get3A_714 : vector<1x16xf32> to vector<16xf32>
    %get3A_716 = arith.constant 3 : i32
    %get3A_717 = arith.index_cast %get3A_716 : i32 to index
    %get3A_718 = arith.constant 16 : index
    %get3A_719 = tpu.vector_load %arg9[%get3A_717, %get3A_718] {strides = array<i32>} : memref<8x256xf32, #tpu.memory_space<vmem>>, vector<1x16xf32>,
    %get3A_720 = vector.shape_cast %get3A_719 : vector<1x16xf32> to vector<16xf32>
    %get3A_721 = arith.constant 3 : i32
    %get3A_722 = arith.index_cast %get3A_721 : i32 to index
    %get3A_723 = arith.constant 32 : index
    %get3A_724 = tpu.vector_load %arg9[%get3A_722, %get3A_723] {strides = array<i32>} : memref<8x256xf32, #tpu.memory_space<vmem>>, vector<1x16xf32>,
    %get3A_725 = vector.shape_cast %get3A_724 : vector<1x16xf32> to vector<16xf32>
    %get3A_726 = arith.constant 3 : i32
    %get3A_727 = arith.index_cast %get3A_726 : i32 to index
    %get3A_728 = arith.constant 48 : index
    %get3A_729 = tpu.vector_load %arg9[%get3A_727, %get3A_728] {strides = array<i32>} : memref<8x256xf32, #tpu.memory_space<vmem>>, vector<1x16xf32>,
    %get3A_730 = vector.shape_cast %get3A_729 : vector<1x16xf32> to vector<16xf32>
    %get3A_731 = arith.constant 3 : i32
    %get3A_732 = arith.index_cast %get3A_731 : i32 to index
    %get3A_733 = arith.constant 64 : index
    %get3A_734 = tpu.vector_load %arg9[%get3A_732, %get3A_733] {strides = array<i32>} : memref<8x256xf32, #tpu.memory_space<vmem>>, vector<1x16xf32>,
    %get3A_735 = vector.shape_cast %get3A_734 : vector<1x16xf32> to vector<16xf32>
    %get3A_736 = arith.constant 3 : i32
    %get3A_737 = arith.index_cast %get3A_736 : i32 to index
    %get3A_738 = arith.constant 80 : index
    %get3A_739 = tpu.vector_load %arg9[%get3A_737, %get3A_738] {strides = array<i32>} : memref<8x256xf32, #tpu.memory_space<vmem>>, vector<1x16xf32>,
    %get3A_740 = vector.shape_cast %get3A_739 : vector<1x16xf32> to vector<16xf32>
    %get3A_741 = arith.constant 3 : i32
    %get3A_742 = arith.index_cast %get3A_741 : i32 to index
    %get3A_743 = arith.constant 96 : index
    %get3A_744 = tpu.vector_load %arg9[%get3A_742, %get3A_743] {strides = array<i32>} : memref<8x256xf32, #tpu.memory_space<vmem>>, vector<1x16xf32>,
    %get3A_745 = vector.shape_cast %get3A_744 : vector<1x16xf32> to vector<16xf32>
    %get3A_746 = arith.constant 3 : i32
    %get3A_747 = arith.index_cast %get3A_746 : i32 to index
    %get3A_748 = arith.constant 112 : index
    %get3A_749 = tpu.vector_load %arg9[%get3A_747, %get3A_748] {strides = array<i32>} : memref<8x256xf32, #tpu.memory_space<vmem>>, vector<1x16xf32>,
    %get3A_750 = vector.shape_cast %get3A_749 : vector<1x16xf32> to vector<16xf32>
    %get3A_751 = arith.constant 3 : i32
    %get3A_752 = arith.index_cast %get3A_751 : i32 to index
    %get3A_753 = arith.constant 128 : index
    %get3A_754 = tpu.vector_load %arg9[%get3A_752, %get3A_753] {strides = array<i32>} : memref<8x256xf32, #tpu.memory_space<vmem>>, vector<1x16xf32>,
    %get3A_755 = vector.shape_cast %get3A_754 : vector<1x16xf32> to vector<16xf32>
    %get3A_756 = arith.constant 3 : i32
    %get3A_757 = arith.index_cast %get3A_756 : i32 to index
    %get3A_758 = arith.constant 144 : index
    %get3A_759 = tpu.vector_load %arg9[%get3A_757, %get3A_758] {strides = array<i32>} : memref<8x256xf32, #tpu.memory_space<vmem>>, vector<1x16xf32>,
    %get3A_760 = vector.shape_cast %get3A_759 : vector<1x16xf32> to vector<16xf32>
    %get3A_761 = arith.constant 3 : i32
    %get3A_762 = arith.index_cast %get3A_761 : i32 to index
    %get3A_763 = arith.constant 160 : index
    %get3A_764 = tpu.vector_load %arg9[%get3A_762, %get3A_763] {strides = array<i32>} : memref<8x256xf32, #tpu.memory_space<vmem>>, vector<1x16xf32>,
    %get3A_765 = vector.shape_cast %get3A_764 : vector<1x16xf32> to vector<16xf32>
    %get3A_766 = arith.constant 3 : i32
    %get3A_767 = arith.index_cast %get3A_766 : i32 to index
    %get3A_768 = arith.constant 176 : index
    %get3A_769 = tpu.vector_load %arg9[%get3A_767, %get3A_768] {strides = array<i32>} : memref<8x256xf32, #tpu.memory_space<vmem>>, vector<1x16xf32>,
    %get3A_770 = vector.shape_cast %get3A_769 : vector<1x16xf32> to vector<16xf32>
    %get3A_771 = arith.constant 3 : i32
    %get3A_772 = arith.index_cast %get3A_771 : i32 to index
    %get3A_773 = arith.constant 192 : index
    %get3A_774 = tpu.vector_load %arg9[%get3A_772, %get3A_773] {strides = array<i32>} : memref<8x256xf32, #tpu.memory_space<vmem>>, vector<1x16xf32>,
    %get3A_775 = vector.shape_cast %get3A_774 : vector<1x16xf32> to vector<16xf32>
    %get3A_776 = arith.constant 3 : i32
    %get3A_777 = arith.index_cast %get3A_776 : i32 to index
    %get3A_778 = arith.constant 208 : index
    %get3A_779 = tpu.vector_load %arg9[%get3A_777, %get3A_778] {strides = array<i32>} : memref<8x256xf32, #tpu.memory_space<vmem>>, vector<1x16xf32>,
    %get3A_780 = vector.shape_cast %get3A_779 : vector<1x16xf32> to vector<16xf32>
    %get3A_781 = arith.constant 3 : i32
    %get3A_782 = arith.index_cast %get3A_781 : i32 to index
    %get3A_783 = arith.constant 224 : index
    %get3A_784 = tpu.vector_load %arg9[%get3A_782, %get3A_783] {strides = array<i32>} : memref<8x256xf32, #tpu.memory_space<vmem>>, vector<1x16xf32>,
    %get3A_785 = vector.shape_cast %get3A_784 : vector<1x16xf32> to vector<16xf32>
    %get3A_786 = arith.constant 3 : i32
    %get3A_787 = arith.index_cast %get3A_786 : i32 to index
    %get3A_788 = arith.constant 240 : index
    %get3A_789 = tpu.vector_load %arg9[%get3A_787, %get3A_788] {strides = array<i32>} : memref<8x256xf32, #tpu.memory_space<vmem>>, vector<1x16xf32>,
    %get3A_790 = vector.shape_cast %get3A_789 : vector<1x16xf32> to vector<16xf32>
    %scan3A_791 = arith.constant 0 : i32
    %scan3A_792 = arith.constant 0 : i32
    %scan3A_793 = arith.constant 64 : i32
    %scan3A_794 = arith.addi %scan3A_792, %scan3A_793 : i32
    %scan3A_795 = arith.constant 1 : i32
    scf.for %scan3A_1669 = %scan3A_792 to %scan3A_794 step %scan3A_795  : i32 {
      %swap3A = arith.index_cast %scan3A_1669 : i32 to index
      %swap3A_1670 = arith.constant 256 : index
      %swap3A_1671 = tpu.vector_load %arg7[%swap3A, %swap3A_1670] {strides = array<i32>} : memref<64x768xf32, #tpu.memory_space<vmem>>, vector<1x16xf32>,
      %swap3A_1672 = vector.shape_cast %swap3A_1671 : vector<1x16xf32> to vector<16xf32>
      %swap3A_1673 = vector.shape_cast %get3A_715 : vector<16xf32> to vector<1x16xf32>
      tpu.vector_store %arg7[%swap3A, %swap3A_1670], %swap3A_1673 {strides = array<i32>} : memref<64x768xf32, #tpu.memory_space<vmem>>, vector<1x16xf32>,
      %swap3A_1674 = arith.index_cast %scan3A_1669 : i32 to index
      %swap3A_1675 = arith.constant 272 : index
      %swap3A_1676 = tpu.vector_load %arg7[%swap3A_1674, %swap3A_1675] {strides = array<i32>} : memref<64x768xf32, #tpu.memory_space<vmem>>, vector<1x16xf32>,
      %swap3A_1677 = vector.shape_cast %swap3A_1676 : vector<1x16xf32> to vector<16xf32>
      %swap3A_1678 = vector.shape_cast %get3A_720 : vector<16xf32> to vector<1x16xf32>
      tpu.vector_store %arg7[%swap3A_1674, %swap3A_1675], %swap3A_1678 {strides = array<i32>} : memref<64x768xf32, #tpu.memory_space<vmem>>, vector<1x16xf32>,
      %swap3A_1679 = arith.index_cast %scan3A_1669 : i32 to index
      %swap3A_1680 = arith.constant 288 : index
      %swap3A_1681 = tpu.vector_load %arg7[%swap3A_1679, %swap3A_1680] {strides = array<i32>} : memref<64x768xf32, #tpu.memory_space<vmem>>, vector<1x16xf32>,
      %swap3A_1682 = vector.shape_cast %swap3A_1681 : vector<1x16xf32> to vector<16xf32>
      %swap3A_1683 = vector.shape_cast %get3A_725 : vector<16xf32> to vector<1x16xf32>
      tpu.vector_store %arg7[%swap3A_1679, %swap3A_1680], %swap3A_1683 {strides = array<i32>} : memref<64x768xf32, #tpu.memory_space<vmem>>, vector<1x16xf32>,
      %swap3A_1684 = arith.index_cast %scan3A_1669 : i32 to index
      %swap3A_1685 = arith.constant 304 : index
      %swap3A_1686 = tpu.vector_load %arg7[%swap3A_1684, %swap3A_1685] {strides = array<i32>} : memref<64x768xf32, #tpu.memory_space<vmem>>, vector<1x16xf32>,
      %swap3A_1687 = vector.shape_cast %swap3A_1686 : vector<1x16xf32> to vector<16xf32>
      %swap3A_1688 = vector.shape_cast %get3A_730 : vector<16xf32> to vector<1x16xf32>
      tpu.vector_store %arg7[%swap3A_1684, %swap3A_1685], %swap3A_1688 {strides = array<i32>} : memref<64x768xf32, #tpu.memory_space<vmem>>, vector<1x16xf32>,
      %swap3A_1689 = arith.index_cast %scan3A_1669 : i32 to index
      %swap3A_1690 = arith.constant 320 : index
      %swap3A_1691 = tpu.vector_load %arg7[%swap3A_1689, %swap3A_1690] {strides = array<i32>} : memref<64x768xf32, #tpu.memory_space<vmem>>, vector<1x16xf32>,
      %swap3A_1692 = vector.shape_cast %swap3A_1691 : vector<1x16xf32> to vector<16xf32>
      %swap3A_1693 = vector.shape_cast %get3A_735 : vector<16xf32> to vector<1x16xf32>
      tpu.vector_store %arg7[%swap3A_1689, %swap3A_1690], %swap3A_1693 {strides = array<i32>} : memref<64x768xf32, #tpu.memory_space<vmem>>, vector<1x16xf32>,
      %swap3A_1694 = arith.index_cast %scan3A_1669 : i32 to index
      %swap3A_1695 = arith.constant 336 : index
      %swap3A_1696 = tpu.vector_load %arg7[%swap3A_1694, %swap3A_1695] {strides = array<i32>} : memref<64x768xf32, #tpu.memory_space<vmem>>, vector<1x16xf32>,
      %swap3A_1697 = vector.shape_cast %swap3A_1696 : vector<1x16xf32> to vector<16xf32>
      %swap3A_1698 = vector.shape_cast %get3A_740 : vector<16xf32> to vector<1x16xf32>
      tpu.vector_store %arg7[%swap3A_1694, %swap3A_1695], %swap3A_1698 {strides = array<i32>} : memref<64x768xf32, #tpu.memory_space<vmem>>, vector<1x16xf32>,
      %swap3A_1699 = arith.index_cast %scan3A_1669 : i32 to index
      %swap3A_1700 = arith.constant 352 : index
      %swap3A_1701 = tpu.vector_load %arg7[%swap3A_1699, %swap3A_1700] {strides = array<i32>} : memref<64x768xf32, #tpu.memory_space<vmem>>, vector<1x16xf32>,
      %swap3A_1702 = vector.shape_cast %swap3A_1701 : vector<1x16xf32> to vector<16xf32>
      %swap3A_1703 = vector.shape_cast %get3A_745 : vector<16xf32> to vector<1x16xf32>
      tpu.vector_store %arg7[%swap3A_1699, %swap3A_1700], %swap3A_1703 {strides = array<i32>} : memref<64x768xf32, #tpu.memory_space<vmem>>, vector<1x16xf32>,
      %swap3A_1704 = arith.index_cast %scan3A_1669 : i32 to index
      %swap3A_1705 = arith.constant 368 : index
      %swap3A_1706 = tpu.vector_load %arg7[%swap3A_1704, %swap3A_1705] {strides = array<i32>} : memref<64x768xf32, #tpu.memory_space<vmem>>, vector<1x16xf32>,
      %swap3A_1707 = vector.shape_cast %swap3A_1706 : vector<1x16xf32> to vector<16xf32>
      %swap3A_1708 = vector.shape_cast %get3A_750 : vector<16xf32> to vector<1x16xf32>
      tpu.vector_store %arg7[%swap3A_1704, %swap3A_1705], %swap3A_1708 {strides = array<i32>} : memref<64x768xf32, #tpu.memory_space<vmem>>, vector<1x16xf32>,
      %swap3A_1709 = arith.index_cast %scan3A_1669 : i32 to index
      %swap3A_1710 = arith.constant 384 : index
      %swap3A_1711 = tpu.vector_load %arg7[%swap3A_1709, %swap3A_1710] {strides = array<i32>} : memref<64x768xf32, #tpu.memory_space<vmem>>, vector<1x16xf32>,
      %swap3A_1712 = vector.shape_cast %swap3A_1711 : vector<1x16xf32> to vector<16xf32>
      %swap3A_1713 = vector.shape_cast %get3A_755 : vector<16xf32> to vector<1x16xf32>
      tpu.vector_store %arg7[%swap3A_1709, %swap3A_1710], %swap3A_1713 {strides = array<i32>} : memref<64x768xf32, #tpu.memory_space<vmem>>, vector<1x16xf32>,
      %swap3A_1714 = arith.index_cast %scan3A_1669 : i32 to index
      %swap3A_1715 = arith.constant 400 : index
      %swap3A_1716 = tpu.vector_load %arg7[%swap3A_1714, %swap3A_1715] {strides = array<i32>} : memref<64x768xf32, #tpu.memory_space<vmem>>, vector<1x16xf32>,
      %swap3A_1717 = vector.shape_cast %swap3A_1716 : vector<1x16xf32> to vector<16xf32>
      %swap3A_1718 = vector.shape_cast %get3A_760 : vector<16xf32> to vector<1x16xf32>
      tpu.vector_store %arg7[%swap3A_1714, %swap3A_1715], %swap3A_1718 {strides = array<i32>} : memref<64x768xf32, #tpu.memory_space<vmem>>, vector<1x16xf32>,
      %swap3A_1719 = arith.index_cast %scan3A_1669 : i32 to index
      %swap3A_1720 = arith.constant 416 : index
      %swap3A_1721 = tpu.vector_load %arg7[%swap3A_1719, %swap3A_1720] {strides = array<i32>} : memref<64x768xf32, #tpu.memory_space<vmem>>, vector<1x16xf32>,
      %swap3A_1722 = vector.shape_cast %swap3A_1721 : vector<1x16xf32> to vector<16xf32>
      %swap3A_1723 = vector.shape_cast %get3A_765 : vector<16xf32> to vector<1x16xf32>
      tpu.vector_store %arg7[%swap3A_1719, %swap3A_1720], %swap3A_1723 {strides = array<i32>} : memref<64x768xf32, #tpu.memory_space<vmem>>, vector<1x16xf32>,
      %swap3A_1724 = arith.index_cast %scan3A_1669 : i32 to index
      %swap3A_1725 = arith.constant 432 : index
      %swap3A_1726 = tpu.vector_load %arg7[%swap3A_1724, %swap3A_1725] {strides = array<i32>} : memref<64x768xf32, #tpu.memory_space<vmem>>, vector<1x16xf32>,
      %swap3A_1727 = vector.shape_cast %swap3A_1726 : vector<1x16xf32> to vector<16xf32>
      %swap3A_1728 = vector.shape_cast %get3A_770 : vector<16xf32> to vector<1x16xf32>
      tpu.vector_store %arg7[%swap3A_1724, %swap3A_1725], %swap3A_1728 {strides = array<i32>} : memref<64x768xf32, #tpu.memory_space<vmem>>, vector<1x16xf32>,
      %swap3A_1729 = arith.index_cast %scan3A_1669 : i32 to index
      %swap3A_1730 = arith.constant 448 : index
      %swap3A_1731 = tpu.vector_load %arg7[%swap3A_1729, %swap3A_1730] {strides = array<i32>} : memref<64x768xf32, #tpu.memory_space<vmem>>, vector<1x16xf32>,
      %swap3A_1732 = vector.shape_cast %swap3A_1731 : vector<1x16xf32> to vector<16xf32>
      %swap3A_1733 = vector.shape_cast %get3A_775 : vector<16xf32> to vector<1x16xf32>
      tpu.vector_store %arg7[%swap3A_1729, %swap3A_1730], %swap3A_1733 {strides = array<i32>} : memref<64x768xf32, #tpu.memory_space<vmem>>, vector<1x16xf32>,
      %swap3A_1734 = arith.index_cast %scan3A_1669 : i32 to index
      %swap3A_1735 = arith.constant 464 : index
      %swap3A_1736 = tpu.vector_load %arg7[%swap3A_1734, %swap3A_1735] {strides = array<i32>} : memref<64x768xf32, #tpu.memory_space<vmem>>, vector<1x16xf32>,
      %swap3A_1737 = vector.shape_cast %swap3A_1736 : vector<1x16xf32> to vector<16xf32>
      %swap3A_1738 = vector.shape_cast %get3A_780 : vector<16xf32> to vector<1x16xf32>
      tpu.vector_store %arg7[%swap3A_1734, %swap3A_1735], %swap3A_1738 {strides = array<i32>} : memref<64x768xf32, #tpu.memory_space<vmem>>, vector<1x16xf32>,
      %swap3A_1739 = arith.index_cast %scan3A_1669 : i32 to index
      %swap3A_1740 = arith.constant 480 : index
      %swap3A_1741 = tpu.vector_load %arg7[%swap3A_1739, %swap3A_1740] {strides = array<i32>} : memref<64x768xf32, #tpu.memory_space<vmem>>, vector<1x16xf32>,
      %swap3A_1742 = vector.shape_cast %swap3A_1741 : vector<1x16xf32> to vector<16xf32>
      %swap3A_1743 = vector.shape_cast %get3A_785 : vector<16xf32> to vector<1x16xf32>
      tpu.vector_store %arg7[%swap3A_1739, %swap3A_1740], %swap3A_1743 {strides = array<i32>} : memref<64x768xf32, #tpu.memory_space<vmem>>, vector<1x16xf32>,
      %swap3A_1744 = arith.index_cast %scan3A_1669 : i32 to index
      %swap3A_1745 = arith.constant 496 : index
      %swap3A_1746 = tpu.vector_load %arg7[%swap3A_1744, %swap3A_1745] {strides = array<i32>} : memref<64x768xf32, #tpu.memory_space<vmem>>, vector<1x16xf32>,
      %swap3A_1747 = vector.shape_cast %swap3A_1746 : vector<1x16xf32> to vector<16xf32>
      %swap3A_1748 = vector.shape_cast %get3A_790 : vector<16xf32> to vector<1x16xf32>
      tpu.vector_store %arg7[%swap3A_1744, %swap3A_1745], %swap3A_1748 {strides = array<i32>} : memref<64x768xf32, #tpu.memory_space<vmem>>, vector<1x16xf32>,
    }
    %scan3A_796 = arith.constant 64 : i32
    %mul3A_797 = arith.constant 8 : i32
    %mul3A_798 = arith.muli %add3A, %mul3A_797 : i32
    %mul3A_799 = arith.constant 64 : i32
    %mul3A_800 = arith.muli %mul3A_798, %mul3A_799 : i32
    %add3A_801 = arith.constant 0 : i32
    %add3A_802 = arith.addi %add3A_801, %mul3A_800 : i32
    %add3A_803 = arith.constant 192 : i32
    %add3A_804 = arith.addi %add3A_802, %add3A_803 : i32
    %dma_start3A_805 = arith.constant 0 : i32
    %dma_start3A_806 = tpu.memref_slice %arg5[%add3A_804, %dma_start3A_805] : memref<65536x768xf32, #tpu.memory_space<hbm>> -> memref<64x768xf32, #tpu.memory_space<hbm>>
    %dma_start3A_807 = arith.constant 0 : i32
    %dma_start3A_808 = tpu.memref_slice %arg5[%add3A_804, %dma_start3A_807] : memref<65536x768xf32, #tpu.memory_space<hbm>> -> memref<64x768xf32, #tpu.memory_space<hbm>>
    tpu.enqueue_dma source(%arg7 : memref<64x768xf32, #tpu.memory_space<vmem>>) target(%dma_start3A_808 : memref<64x768xf32, #tpu.memory_space<hbm>>) target_semaphore(%arg12 : memref<!tpu.dma_semaphore, #tpu.memory_space<semaphore_mem>>)
    %mul3A_809 = arith.constant 8 : i32
    %mul3A_810 = arith.muli %add3A, %mul3A_809 : i32
    %mul3A_811 = arith.constant 64 : i32
    %mul3A_812 = arith.muli %mul3A_810, %mul3A_811 : i32
    %add3A_813 = arith.constant 16384 : i32
    %add3A_814 = arith.addi %add3A_813, %mul3A_812 : i32
    %add3A_815 = arith.constant 192 : i32
    %add3A_816 = arith.addi %add3A_814, %add3A_815 : i32
    %dma_start3A_817 = arith.constant 0 : i32
    %dma_start3A_818 = tpu.memref_slice %arg5[%add3A_816, %dma_start3A_817] : memref<65536x768xf32, #tpu.memory_space<hbm>> -> memref<64x768xf32, #tpu.memory_space<hbm>>
    %dma_start3A_819 = arith.constant 0 : i32
    %dma_start3A_820 = tpu.memref_slice %arg5[%add3A_816, %dma_start3A_819] : memref<65536x768xf32, #tpu.memory_space<hbm>> -> memref<64x768xf32, #tpu.memory_space<hbm>>
    tpu.enqueue_dma source(%arg7 : memref<64x768xf32, #tpu.memory_space<vmem>>) target(%dma_start3A_820 : memref<64x768xf32, #tpu.memory_space<hbm>>) target_semaphore(%arg12 : memref<!tpu.dma_semaphore, #tpu.memory_space<semaphore_mem>>)
    %mul3A_821 = arith.constant 8 : i32
    %mul3A_822 = arith.muli %add3A, %mul3A_821 : i32
    %mul3A_823 = arith.constant 64 : i32
    %mul3A_824 = arith.muli %mul3A_822, %mul3A_823 : i32
    %add3A_825 = arith.constant 32768 : i32
    %add3A_826 = arith.addi %add3A_825, %mul3A_824 : i32
    %add3A_827 = arith.constant 192 : i32
    %add3A_828 = arith.addi %add3A_826, %add3A_827 : i32
    %dma_start3A_829 = arith.constant 0 : i32
    %dma_start3A_830 = tpu.memref_slice %arg5[%add3A_828, %dma_start3A_829] : memref<65536x768xf32, #tpu.memory_space<hbm>> -> memref<64x768xf32, #tpu.memory_space<hbm>>
    %dma_start3A_831 = arith.constant 0 : i32
    %dma_start3A_832 = tpu.memref_slice %arg5[%add3A_828, %dma_start3A_831] : memref<65536x768xf32, #tpu.memory_space<hbm>> -> memref<64x768xf32, #tpu.memory_space<hbm>>
    tpu.enqueue_dma source(%arg7 : memref<64x768xf32, #tpu.memory_space<vmem>>) target(%dma_start3A_832 : memref<64x768xf32, #tpu.memory_space<hbm>>) target_semaphore(%arg12 : memref<!tpu.dma_semaphore, #tpu.memory_space<semaphore_mem>>)
    %mul3A_833 = arith.constant 8 : i32
    %mul3A_834 = arith.muli %add3A, %mul3A_833 : i32
    %mul3A_835 = arith.constant 64 : i32
    %mul3A_836 = arith.muli %mul3A_834, %mul3A_835 : i32
    %add3A_837 = arith.constant 49152 : i32
    %add3A_838 = arith.addi %add3A_837, %mul3A_836 : i32
    %add3A_839 = arith.constant 192 : i32
    %add3A_840 = arith.addi %add3A_838, %add3A_839 : i32
    %dma_start3A_841 = arith.constant 0 : i32
    %dma_start3A_842 = tpu.memref_slice %arg5[%add3A_840, %dma_start3A_841] : memref<65536x768xf32, #tpu.memory_space<hbm>> -> memref<64x768xf32, #tpu.memory_space<hbm>>
    %dma_start3A_843 = arith.constant 0 : i32
    %dma_start3A_844 = tpu.memref_slice %arg5[%add3A_840, %dma_start3A_843] : memref<65536x768xf32, #tpu.memory_space<hbm>> -> memref<64x768xf32, #tpu.memory_space<hbm>>
    tpu.enqueue_dma source(%arg7 : memref<64x768xf32, #tpu.memory_space<vmem>>) target(%dma_start3A_844 : memref<64x768xf32, #tpu.memory_space<hbm>>) target_semaphore(%arg12 : memref<!tpu.dma_semaphore, #tpu.memory_space<semaphore_mem>>)
    %mul3A_845 = arith.constant 8 : i32
    %mul3A_846 = arith.muli %add3A, %mul3A_845 : i32
    %mul3A_847 = arith.constant 64 : i32
    %mul3A_848 = arith.muli %mul3A_846, %mul3A_847 : i32
    %add3A_849 = arith.constant 0 : i32
    %add3A_850 = arith.addi %add3A_849, %mul3A_848 : i32
    %add3A_851 = arith.constant 128 : i32
    %add3A_852 = arith.addi %add3A_850, %add3A_851 : i32
    %dma_wait3A_853 = arith.constant 0 : i32
    %dma_wait3A_854 = tpu.memref_slice %arg5[%add3A_852, %dma_wait3A_853] : memref<65536x768xf32, #tpu.memory_space<hbm>> -> memref<64x768xf32, #tpu.memory_space<hbm>>
    %dma_wait3A_855 = arith.constant 0 : i32
    %dma_wait3A_856 = tpu.memref_slice %arg5[%add3A_852, %dma_wait3A_855] : memref<65536x768xf32, #tpu.memory_space<hbm>> -> memref<64x768xf32, #tpu.memory_space<hbm>>
    tpu.wait_dma2 semaphore(%arg11 : memref<!tpu.dma_semaphore, #tpu.memory_space<semaphore_mem>>) src(%arg6 : memref<64x768xf32, #tpu.memory_space<vmem>>) dst(%dma_wait3A_856 : memref<64x768xf32, #tpu.memory_space<hbm>>)
    %mul3A_857 = arith.constant 8 : i32
    %mul3A_858 = arith.muli %add3A, %mul3A_857 : i32
    %mul3A_859 = arith.constant 64 : i32
    %mul3A_860 = arith.muli %mul3A_858, %mul3A_859 : i32
    %add3A_861 = arith.constant 16384 : i32
    %add3A_862 = arith.addi %add3A_861, %mul3A_860 : i32
    %add3A_863 = arith.constant 128 : i32
    %add3A_864 = arith.addi %add3A_862, %add3A_863 : i32
    %dma_wait3A_865 = arith.constant 0 : i32
    %dma_wait3A_866 = tpu.memref_slice %arg5[%add3A_864, %dma_wait3A_865] : memref<65536x768xf32, #tpu.memory_space<hbm>> -> memref<64x768xf32, #tpu.memory_space<hbm>>
    %dma_wait3A_867 = arith.constant 0 : i32
    %dma_wait3A_868 = tpu.memref_slice %arg5[%add3A_864, %dma_wait3A_867] : memref<65536x768xf32, #tpu.memory_space<hbm>> -> memref<64x768xf32, #tpu.memory_space<hbm>>
    tpu.wait_dma2 semaphore(%arg11 : memref<!tpu.dma_semaphore, #tpu.memory_space<semaphore_mem>>) src(%arg6 : memref<64x768xf32, #tpu.memory_space<vmem>>) dst(%dma_wait3A_868 : memref<64x768xf32, #tpu.memory_space<hbm>>)
    %mul3A_869 = arith.constant 8 : i32
    %mul3A_870 = arith.muli %add3A, %mul3A_869 : i32
    %mul3A_871 = arith.constant 64 : i32
    %mul3A_872 = arith.muli %mul3A_870, %mul3A_871 : i32
    %add3A_873 = arith.constant 32768 : i32
    %add3A_874 = arith.addi %add3A_873, %mul3A_872 : i32
    %add3A_875 = arith.constant 128 : i32
    %add3A_876 = arith.addi %add3A_874, %add3A_875 : i32
    %dma_wait3A_877 = arith.constant 0 : i32
    %dma_wait3A_878 = tpu.memref_slice %arg5[%add3A_876, %dma_wait3A_877] : memref<65536x768xf32, #tpu.memory_space<hbm>> -> memref<64x768xf32, #tpu.memory_space<hbm>>
    %dma_wait3A_879 = arith.constant 0 : i32
    %dma_wait3A_880 = tpu.memref_slice %arg5[%add3A_876, %dma_wait3A_879] : memref<65536x768xf32, #tpu.memory_space<hbm>> -> memref<64x768xf32, #tpu.memory_space<hbm>>
    tpu.wait_dma2 semaphore(%arg11 : memref<!tpu.dma_semaphore, #tpu.memory_space<semaphore_mem>>) src(%arg6 : memref<64x768xf32, #tpu.memory_space<vmem>>) dst(%dma_wait3A_880 : memref<64x768xf32, #tpu.memory_space<hbm>>)
    %mul3A_881 = arith.constant 8 : i32
    %mul3A_882 = arith.muli %add3A, %mul3A_881 : i32
    %mul3A_883 = arith.constant 64 : i32
    %mul3A_884 = arith.muli %mul3A_882, %mul3A_883 : i32
    %add3A_885 = arith.constant 49152 : i32
    %add3A_886 = arith.addi %add3A_885, %mul3A_884 : i32
    %add3A_887 = arith.constant 128 : i32
    %add3A_888 = arith.addi %add3A_886, %add3A_887 : i32
    %dma_wait3A_889 = arith.constant 0 : i32
    %dma_wait3A_890 = tpu.memref_slice %arg5[%add3A_888, %dma_wait3A_889] : memref<65536x768xf32, #tpu.memory_space<hbm>> -> memref<64x768xf32, #tpu.memory_space<hbm>>
    %dma_wait3A_891 = arith.constant 0 : i32
    %dma_wait3A_892 = tpu.memref_slice %arg5[%add3A_888, %dma_wait3A_891] : memref<65536x768xf32, #tpu.memory_space<hbm>> -> memref<64x768xf32, #tpu.memory_space<hbm>>
    tpu.wait_dma2 semaphore(%arg11 : memref<!tpu.dma_semaphore, #tpu.memory_space<semaphore_mem>>) src(%arg6 : memref<64x768xf32, #tpu.memory_space<vmem>>) dst(%dma_wait3A_892 : memref<64x768xf32, #tpu.memory_space<hbm>>)
    %get3A_893 = arith.constant 4 : i32
    %get3A_894 = arith.index_cast %get3A_893 : i32 to index
    %get3A_895 = arith.constant 0 : index
    %get3A_896 = tpu.vector_load %arg9[%get3A_894, %get3A_895] {strides = array<i32>} : memref<8x256xf32, #tpu.memory_space<vmem>>, vector<1x16xf32>,
    %get3A_897 = vector.shape_cast %get3A_896 : vector<1x16xf32> to vector<16xf32>
    %get3A_898 = arith.constant 4 : i32
    %get3A_899 = arith.index_cast %get3A_898 : i32 to index
    %get3A_900 = arith.constant 16 : index
    %get3A_901 = tpu.vector_load %arg9[%get3A_899, %get3A_900] {strides = array<i32>} : memref<8x256xf32, #tpu.memory_space<vmem>>, vector<1x16xf32>,
    %get3A_902 = vector.shape_cast %get3A_901 : vector<1x16xf32> to vector<16xf32>
    %get3A_903 = arith.constant 4 : i32
    %get3A_904 = arith.index_cast %get3A_903 : i32 to index
    %get3A_905 = arith.constant 32 : index
    %get3A_906 = tpu.vector_load %arg9[%get3A_904, %get3A_905] {strides = array<i32>} : memref<8x256xf32, #tpu.memory_space<vmem>>, vector<1x16xf32>,
    %get3A_907 = vector.shape_cast %get3A_906 : vector<1x16xf32> to vector<16xf32>
    %get3A_908 = arith.constant 4 : i32
    %get3A_909 = arith.index_cast %get3A_908 : i32 to index
    %get3A_910 = arith.constant 48 : index
    %get3A_911 = tpu.vector_load %arg9[%get3A_909, %get3A_910] {strides = array<i32>} : memref<8x256xf32, #tpu.memory_space<vmem>>, vector<1x16xf32>,
    %get3A_912 = vector.shape_cast %get3A_911 : vector<1x16xf32> to vector<16xf32>
    %get3A_913 = arith.constant 4 : i32
    %get3A_914 = arith.index_cast %get3A_913 : i32 to index
    %get3A_915 = arith.constant 64 : index
    %get3A_916 = tpu.vector_load %arg9[%get3A_914, %get3A_915] {strides = array<i32>} : memref<8x256xf32, #tpu.memory_space<vmem>>, vector<1x16xf32>,
    %get3A_917 = vector.shape_cast %get3A_916 : vector<1x16xf32> to vector<16xf32>
    %get3A_918 = arith.constant 4 : i32
    %get3A_919 = arith.index_cast %get3A_918 : i32 to index
    %get3A_920 = arith.constant 80 : index
    %get3A_921 = tpu.vector_load %arg9[%get3A_919, %get3A_920] {strides = array<i32>} : memref<8x256xf32, #tpu.memory_space<vmem>>, vector<1x16xf32>,
    %get3A_922 = vector.shape_cast %get3A_921 : vector<1x16xf32> to vector<16xf32>
    %get3A_923 = arith.constant 4 : i32
    %get3A_924 = arith.index_cast %get3A_923 : i32 to index
    %get3A_925 = arith.constant 96 : index
    %get3A_926 = tpu.vector_load %arg9[%get3A_924, %get3A_925] {strides = array<i32>} : memref<8x256xf32, #tpu.memory_space<vmem>>, vector<1x16xf32>,
    %get3A_927 = vector.shape_cast %get3A_926 : vector<1x16xf32> to vector<16xf32>
    %get3A_928 = arith.constant 4 : i32
    %get3A_929 = arith.index_cast %get3A_928 : i32 to index
    %get3A_930 = arith.constant 112 : index
    %get3A_931 = tpu.vector_load %arg9[%get3A_929, %get3A_930] {strides = array<i32>} : memref<8x256xf32, #tpu.memory_space<vmem>>, vector<1x16xf32>,
    %get3A_932 = vector.shape_cast %get3A_931 : vector<1x16xf32> to vector<16xf32>
    %get3A_933 = arith.constant 4 : i32
    %get3A_934 = arith.index_cast %get3A_933 : i32 to index
    %get3A_935 = arith.constant 128 : index
    %get3A_936 = tpu.vector_load %arg9[%get3A_934, %get3A_935] {strides = array<i32>} : memref<8x256xf32, #tpu.memory_space<vmem>>, vector<1x16xf32>,
    %get3A_937 = vector.shape_cast %get3A_936 : vector<1x16xf32> to vector<16xf32>
    %get3A_938 = arith.constant 4 : i32
    %get3A_939 = arith.index_cast %get3A_938 : i32 to index
    %get3A_940 = arith.constant 144 : index
    %get3A_941 = tpu.vector_load %arg9[%get3A_939, %get3A_940] {strides = array<i32>} : memref<8x256xf32, #tpu.memory_space<vmem>>, vector<1x16xf32>,
    %get3A_942 = vector.shape_cast %get3A_941 : vector<1x16xf32> to vector<16xf32>
    %get3A_943 = arith.constant 4 : i32
    %get3A_944 = arith.index_cast %get3A_943 : i32 to index
    %get3A_945 = arith.constant 160 : index
    %get3A_946 = tpu.vector_load %arg9[%get3A_944, %get3A_945] {strides = array<i32>} : memref<8x256xf32, #tpu.memory_space<vmem>>, vector<1x16xf32>,
    %get3A_947 = vector.shape_cast %get3A_946 : vector<1x16xf32> to vector<16xf32>
    %get3A_948 = arith.constant 4 : i32
    %get3A_949 = arith.index_cast %get3A_948 : i32 to index
    %get3A_950 = arith.constant 176 : index
    %get3A_951 = tpu.vector_load %arg9[%get3A_949, %get3A_950] {strides = array<i32>} : memref<8x256xf32, #tpu.memory_space<vmem>>, vector<1x16xf32>,
    %get3A_952 = vector.shape_cast %get3A_951 : vector<1x16xf32> to vector<16xf32>
    %get3A_953 = arith.constant 4 : i32
    %get3A_954 = arith.index_cast %get3A_953 : i32 to index
    %get3A_955 = arith.constant 192 : index
    %get3A_956 = tpu.vector_load %arg9[%get3A_954, %get3A_955] {strides = array<i32>} : memref<8x256xf32, #tpu.memory_space<vmem>>, vector<1x16xf32>,
    %get3A_957 = vector.shape_cast %get3A_956 : vector<1x16xf32> to vector<16xf32>
    %get3A_958 = arith.constant 4 : i32
    %get3A_959 = arith.index_cast %get3A_958 : i32 to index
    %get3A_960 = arith.constant 208 : index
    %get3A_961 = tpu.vector_load %arg9[%get3A_959, %get3A_960] {strides = array<i32>} : memref<8x256xf32, #tpu.memory_space<vmem>>, vector<1x16xf32>,
    %get3A_962 = vector.shape_cast %get3A_961 : vector<1x16xf32> to vector<16xf32>
    %get3A_963 = arith.constant 4 : i32
    %get3A_964 = arith.index_cast %get3A_963 : i32 to index
    %get3A_965 = arith.constant 224 : index
    %get3A_966 = tpu.vector_load %arg9[%get3A_964, %get3A_965] {strides = array<i32>} : memref<8x256xf32, #tpu.memory_space<vmem>>, vector<1x16xf32>,
    %get3A_967 = vector.shape_cast %get3A_966 : vector<1x16xf32> to vector<16xf32>
    %get3A_968 = arith.constant 4 : i32
    %get3A_969 = arith.index_cast %get3A_968 : i32 to index
    %get3A_970 = arith.constant 240 : index
    %get3A_971 = tpu.vector_load %arg9[%get3A_969, %get3A_970] {strides = array<i32>} : memref<8x256xf32, #tpu.memory_space<vmem>>, vector<1x16xf32>,
    %get3A_972 = vector.shape_cast %get3A_971 : vector<1x16xf32> to vector<16xf32>
    %scan3A_973 = arith.constant 0 : i32
    %scan3A_974 = arith.constant 0 : i32
    %scan3A_975 = arith.constant 64 : i32
    %scan3A_976 = arith.addi %scan3A_974, %scan3A_975 : i32
    %scan3A_977 = arith.constant 1 : i32
    scf.for %scan3A_1669 = %scan3A_974 to %scan3A_976 step %scan3A_977  : i32 {
      %swap3A = arith.index_cast %scan3A_1669 : i32 to index
      %swap3A_1670 = arith.constant 256 : index
      %swap3A_1671 = tpu.vector_load %arg6[%swap3A, %swap3A_1670] {strides = array<i32>} : memref<64x768xf32, #tpu.memory_space<vmem>>, vector<1x16xf32>,
      %swap3A_1672 = vector.shape_cast %swap3A_1671 : vector<1x16xf32> to vector<16xf32>
      %swap3A_1673 = vector.shape_cast %get3A_897 : vector<16xf32> to vector<1x16xf32>
      tpu.vector_store %arg6[%swap3A, %swap3A_1670], %swap3A_1673 {strides = array<i32>} : memref<64x768xf32, #tpu.memory_space<vmem>>, vector<1x16xf32>,
      %swap3A_1674 = arith.index_cast %scan3A_1669 : i32 to index
      %swap3A_1675 = arith.constant 272 : index
      %swap3A_1676 = tpu.vector_load %arg6[%swap3A_1674, %swap3A_1675] {strides = array<i32>} : memref<64x768xf32, #tpu.memory_space<vmem>>, vector<1x16xf32>,
      %swap3A_1677 = vector.shape_cast %swap3A_1676 : vector<1x16xf32> to vector<16xf32>
      %swap3A_1678 = vector.shape_cast %get3A_902 : vector<16xf32> to vector<1x16xf32>
      tpu.vector_store %arg6[%swap3A_1674, %swap3A_1675], %swap3A_1678 {strides = array<i32>} : memref<64x768xf32, #tpu.memory_space<vmem>>, vector<1x16xf32>,
      %swap3A_1679 = arith.index_cast %scan3A_1669 : i32 to index
      %swap3A_1680 = arith.constant 288 : index
      %swap3A_1681 = tpu.vector_load %arg6[%swap3A_1679, %swap3A_1680] {strides = array<i32>} : memref<64x768xf32, #tpu.memory_space<vmem>>, vector<1x16xf32>,
      %swap3A_1682 = vector.shape_cast %swap3A_1681 : vector<1x16xf32> to vector<16xf32>
      %swap3A_1683 = vector.shape_cast %get3A_907 : vector<16xf32> to vector<1x16xf32>
      tpu.vector_store %arg6[%swap3A_1679, %swap3A_1680], %swap3A_1683 {strides = array<i32>} : memref<64x768xf32, #tpu.memory_space<vmem>>, vector<1x16xf32>,
      %swap3A_1684 = arith.index_cast %scan3A_1669 : i32 to index
      %swap3A_1685 = arith.constant 304 : index
      %swap3A_1686 = tpu.vector_load %arg6[%swap3A_1684, %swap3A_1685] {strides = array<i32>} : memref<64x768xf32, #tpu.memory_space<vmem>>, vector<1x16xf32>,
      %swap3A_1687 = vector.shape_cast %swap3A_1686 : vector<1x16xf32> to vector<16xf32>
      %swap3A_1688 = vector.shape_cast %get3A_912 : vector<16xf32> to vector<1x16xf32>
      tpu.vector_store %arg6[%swap3A_1684, %swap3A_1685], %swap3A_1688 {strides = array<i32>} : memref<64x768xf32, #tpu.memory_space<vmem>>, vector<1x16xf32>,
      %swap3A_1689 = arith.index_cast %scan3A_1669 : i32 to index
      %swap3A_1690 = arith.constant 320 : index
      %swap3A_1691 = tpu.vector_load %arg6[%swap3A_1689, %swap3A_1690] {strides = array<i32>} : memref<64x768xf32, #tpu.memory_space<vmem>>, vector<1x16xf32>,
      %swap3A_1692 = vector.shape_cast %swap3A_1691 : vector<1x16xf32> to vector<16xf32>
      %swap3A_1693 = vector.shape_cast %get3A_917 : vector<16xf32> to vector<1x16xf32>
      tpu.vector_store %arg6[%swap3A_1689, %swap3A_1690], %swap3A_1693 {strides = array<i32>} : memref<64x768xf32, #tpu.memory_space<vmem>>, vector<1x16xf32>,
      %swap3A_1694 = arith.index_cast %scan3A_1669 : i32 to index
      %swap3A_1695 = arith.constant 336 : index
      %swap3A_1696 = tpu.vector_load %arg6[%swap3A_1694, %swap3A_1695] {strides = array<i32>} : memref<64x768xf32, #tpu.memory_space<vmem>>, vector<1x16xf32>,
      %swap3A_1697 = vector.shape_cast %swap3A_1696 : vector<1x16xf32> to vector<16xf32>
      %swap3A_1698 = vector.shape_cast %get3A_922 : vector<16xf32> to vector<1x16xf32>
      tpu.vector_store %arg6[%swap3A_1694, %swap3A_1695], %swap3A_1698 {strides = array<i32>} : memref<64x768xf32, #tpu.memory_space<vmem>>, vector<1x16xf32>,
      %swap3A_1699 = arith.index_cast %scan3A_1669 : i32 to index
      %swap3A_1700 = arith.constant 352 : index
      %swap3A_1701 = tpu.vector_load %arg6[%swap3A_1699, %swap3A_1700] {strides = array<i32>} : memref<64x768xf32, #tpu.memory_space<vmem>>, vector<1x16xf32>,
      %swap3A_1702 = vector.shape_cast %swap3A_1701 : vector<1x16xf32> to vector<16xf32>
      %swap3A_1703 = vector.shape_cast %get3A_927 : vector<16xf32> to vector<1x16xf32>
      tpu.vector_store %arg6[%swap3A_1699, %swap3A_1700], %swap3A_1703 {strides = array<i32>} : memref<64x768xf32, #tpu.memory_space<vmem>>, vector<1x16xf32>,
      %swap3A_1704 = arith.index_cast %scan3A_1669 : i32 to index
      %swap3A_1705 = arith.constant 368 : index
      %swap3A_1706 = tpu.vector_load %arg6[%swap3A_1704, %swap3A_1705] {strides = array<i32>} : memref<64x768xf32, #tpu.memory_space<vmem>>, vector<1x16xf32>,
      %swap3A_1707 = vector.shape_cast %swap3A_1706 : vector<1x16xf32> to vector<16xf32>
      %swap3A_1708 = vector.shape_cast %get3A_932 : vector<16xf32> to vector<1x16xf32>
      tpu.vector_store %arg6[%swap3A_1704, %swap3A_1705], %swap3A_1708 {strides = array<i32>} : memref<64x768xf32, #tpu.memory_space<vmem>>, vector<1x16xf32>,
      %swap3A_1709 = arith.index_cast %scan3A_1669 : i32 to index
      %swap3A_1710 = arith.constant 384 : index
      %swap3A_1711 = tpu.vector_load %arg6[%swap3A_1709, %swap3A_1710] {strides = array<i32>} : memref<64x768xf32, #tpu.memory_space<vmem>>, vector<1x16xf32>,
      %swap3A_1712 = vector.shape_cast %swap3A_1711 : vector<1x16xf32> to vector<16xf32>
      %swap3A_1713 = vector.shape_cast %get3A_937 : vector<16xf32> to vector<1x16xf32>
      tpu.vector_store %arg6[%swap3A_1709, %swap3A_1710], %swap3A_1713 {strides = array<i32>} : memref<64x768xf32, #tpu.memory_space<vmem>>, vector<1x16xf32>,
      %swap3A_1714 = arith.index_cast %scan3A_1669 : i32 to index
      %swap3A_1715 = arith.constant 400 : index
      %swap3A_1716 = tpu.vector_load %arg6[%swap3A_1714, %swap3A_1715] {strides = array<i32>} : memref<64x768xf32, #tpu.memory_space<vmem>>, vector<1x16xf32>,
      %swap3A_1717 = vector.shape_cast %swap3A_1716 : vector<1x16xf32> to vector<16xf32>
      %swap3A_1718 = vector.shape_cast %get3A_942 : vector<16xf32> to vector<1x16xf32>
      tpu.vector_store %arg6[%swap3A_1714, %swap3A_1715], %swap3A_1718 {strides = array<i32>} : memref<64x768xf32, #tpu.memory_space<vmem>>, vector<1x16xf32>,
      %swap3A_1719 = arith.index_cast %scan3A_1669 : i32 to index
      %swap3A_1720 = arith.constant 416 : index
      %swap3A_1721 = tpu.vector_load %arg6[%swap3A_1719, %swap3A_1720] {strides = array<i32>} : memref<64x768xf32, #tpu.memory_space<vmem>>, vector<1x16xf32>,
      %swap3A_1722 = vector.shape_cast %swap3A_1721 : vector<1x16xf32> to vector<16xf32>
      %swap3A_1723 = vector.shape_cast %get3A_947 : vector<16xf32> to vector<1x16xf32>
      tpu.vector_store %arg6[%swap3A_1719, %swap3A_1720], %swap3A_1723 {strides = array<i32>} : memref<64x768xf32, #tpu.memory_space<vmem>>, vector<1x16xf32>,
      %swap3A_1724 = arith.index_cast %scan3A_1669 : i32 to index
      %swap3A_1725 = arith.constant 432 : index
      %swap3A_1726 = tpu.vector_load %arg6[%swap3A_1724, %swap3A_1725] {strides = array<i32>} : memref<64x768xf32, #tpu.memory_space<vmem>>, vector<1x16xf32>,
      %swap3A_1727 = vector.shape_cast %swap3A_1726 : vector<1x16xf32> to vector<16xf32>
      %swap3A_1728 = vector.shape_cast %get3A_952 : vector<16xf32> to vector<1x16xf32>
      tpu.vector_store %arg6[%swap3A_1724, %swap3A_1725], %swap3A_1728 {strides = array<i32>} : memref<64x768xf32, #tpu.memory_space<vmem>>, vector<1x16xf32>,
      %swap3A_1729 = arith.index_cast %scan3A_1669 : i32 to index
      %swap3A_1730 = arith.constant 448 : index
      %swap3A_1731 = tpu.vector_load %arg6[%swap3A_1729, %swap3A_1730] {strides = array<i32>} : memref<64x768xf32, #tpu.memory_space<vmem>>, vector<1x16xf32>,
      %swap3A_1732 = vector.shape_cast %swap3A_1731 : vector<1x16xf32> to vector<16xf32>
      %swap3A_1733 = vector.shape_cast %get3A_957 : vector<16xf32> to vector<1x16xf32>
      tpu.vector_store %arg6[%swap3A_1729, %swap3A_1730], %swap3A_1733 {strides = array<i32>} : memref<64x768xf32, #tpu.memory_space<vmem>>, vector<1x16xf32>,
      %swap3A_1734 = arith.index_cast %scan3A_1669 : i32 to index
      %swap3A_1735 = arith.constant 464 : index
      %swap3A_1736 = tpu.vector_load %arg6[%swap3A_1734, %swap3A_1735] {strides = array<i32>} : memref<64x768xf32, #tpu.memory_space<vmem>>, vector<1x16xf32>,
      %swap3A_1737 = vector.shape_cast %swap3A_1736 : vector<1x16xf32> to vector<16xf32>
      %swap3A_1738 = vector.shape_cast %get3A_962 : vector<16xf32> to vector<1x16xf32>
      tpu.vector_store %arg6[%swap3A_1734, %swap3A_1735], %swap3A_1738 {strides = array<i32>} : memref<64x768xf32, #tpu.memory_space<vmem>>, vector<1x16xf32>,
      %swap3A_1739 = arith.index_cast %scan3A_1669 : i32 to index
      %swap3A_1740 = arith.constant 480 : index
      %swap3A_1741 = tpu.vector_load %arg6[%swap3A_1739, %swap3A_1740] {strides = array<i32>} : memref<64x768xf32, #tpu.memory_space<vmem>>, vector<1x16xf32>,
      %swap3A_1742 = vector.shape_cast %swap3A_1741 : vector<1x16xf32> to vector<16xf32>
      %swap3A_1743 = vector.shape_cast %get3A_967 : vector<16xf32> to vector<1x16xf32>
      tpu.vector_store %arg6[%swap3A_1739, %swap3A_1740], %swap3A_1743 {strides = array<i32>} : memref<64x768xf32, #tpu.memory_space<vmem>>, vector<1x16xf32>,
      %swap3A_1744 = arith.index_cast %scan3A_1669 : i32 to index
      %swap3A_1745 = arith.constant 496 : index
      %swap3A_1746 = tpu.vector_load %arg6[%swap3A_1744, %swap3A_1745] {strides = array<i32>} : memref<64x768xf32, #tpu.memory_space<vmem>>, vector<1x16xf32>,
      %swap3A_1747 = vector.shape_cast %swap3A_1746 : vector<1x16xf32> to vector<16xf32>
      %swap3A_1748 = vector.shape_cast %get3A_972 : vector<16xf32> to vector<1x16xf32>
      tpu.vector_store %arg6[%swap3A_1744, %swap3A_1745], %swap3A_1748 {strides = array<i32>} : memref<64x768xf32, #tpu.memory_space<vmem>>, vector<1x16xf32>,
    }
    %scan3A_978 = arith.constant 64 : i32
    %mul3A_979 = arith.constant 8 : i32
    %mul3A_980 = arith.muli %add3A, %mul3A_979 : i32
    %mul3A_981 = arith.constant 64 : i32
    %mul3A_982 = arith.muli %mul3A_980, %mul3A_981 : i32
    %add3A_983 = arith.constant 0 : i32
    %add3A_984 = arith.addi %add3A_983, %mul3A_982 : i32
    %add3A_985 = arith.constant 256 : i32
    %add3A_986 = arith.addi %add3A_984, %add3A_985 : i32
    %dma_start3A_987 = arith.constant 0 : i32
    %dma_start3A_988 = tpu.memref_slice %arg5[%add3A_986, %dma_start3A_987] : memref<65536x768xf32, #tpu.memory_space<hbm>> -> memref<64x768xf32, #tpu.memory_space<hbm>>
    %dma_start3A_989 = arith.constant 0 : i32
    %dma_start3A_990 = tpu.memref_slice %arg5[%add3A_986, %dma_start3A_989] : memref<65536x768xf32, #tpu.memory_space<hbm>> -> memref<64x768xf32, #tpu.memory_space<hbm>>
    tpu.enqueue_dma source(%arg6 : memref<64x768xf32, #tpu.memory_space<vmem>>) target(%dma_start3A_990 : memref<64x768xf32, #tpu.memory_space<hbm>>) target_semaphore(%arg11 : memref<!tpu.dma_semaphore, #tpu.memory_space<semaphore_mem>>)
    %mul3A_991 = arith.constant 8 : i32
    %mul3A_992 = arith.muli %add3A, %mul3A_991 : i32
    %mul3A_993 = arith.constant 64 : i32
    %mul3A_994 = arith.muli %mul3A_992, %mul3A_993 : i32
    %add3A_995 = arith.constant 16384 : i32
    %add3A_996 = arith.addi %add3A_995, %mul3A_994 : i32
    %add3A_997 = arith.constant 256 : i32
    %add3A_998 = arith.addi %add3A_996, %add3A_997 : i32
    %dma_start3A_999 = arith.constant 0 : i32
    %dma_start3A_1000 = tpu.memref_slice %arg5[%add3A_998, %dma_start3A_999] : memref<65536x768xf32, #tpu.memory_space<hbm>> -> memref<64x768xf32, #tpu.memory_space<hbm>>
    %dma_start3A_1001 = arith.constant 0 : i32
    %dma_start3A_1002 = tpu.memref_slice %arg5[%add3A_998, %dma_start3A_1001] : memref<65536x768xf32, #tpu.memory_space<hbm>> -> memref<64x768xf32, #tpu.memory_space<hbm>>
    tpu.enqueue_dma source(%arg6 : memref<64x768xf32, #tpu.memory_space<vmem>>) target(%dma_start3A_1002 : memref<64x768xf32, #tpu.memory_space<hbm>>) target_semaphore(%arg11 : memref<!tpu.dma_semaphore, #tpu.memory_space<semaphore_mem>>)
    %mul3A_1003 = arith.constant 8 : i32
    %mul3A_1004 = arith.muli %add3A, %mul3A_1003 : i32
    %mul3A_1005 = arith.constant 64 : i32
    %mul3A_1006 = arith.muli %mul3A_1004, %mul3A_1005 : i32
    %add3A_1007 = arith.constant 32768 : i32
    %add3A_1008 = arith.addi %add3A_1007, %mul3A_1006 : i32
    %add3A_1009 = arith.constant 256 : i32
    %add3A_1010 = arith.addi %add3A_1008, %add3A_1009 : i32
    %dma_start3A_1011 = arith.constant 0 : i32
    %dma_start3A_1012 = tpu.memref_slice %arg5[%add3A_1010, %dma_start3A_1011] : memref<65536x768xf32, #tpu.memory_space<hbm>> -> memref<64x768xf32, #tpu.memory_space<hbm>>
    %dma_start3A_1013 = arith.constant 0 : i32
    %dma_start3A_1014 = tpu.memref_slice %arg5[%add3A_1010, %dma_start3A_1013] : memref<65536x768xf32, #tpu.memory_space<hbm>> -> memref<64x768xf32, #tpu.memory_space<hbm>>
    tpu.enqueue_dma source(%arg6 : memref<64x768xf32, #tpu.memory_space<vmem>>) target(%dma_start3A_1014 : memref<64x768xf32, #tpu.memory_space<hbm>>) target_semaphore(%arg11 : memref<!tpu.dma_semaphore, #tpu.memory_space<semaphore_mem>>)
    %mul3A_1015 = arith.constant 8 : i32
    %mul3A_1016 = arith.muli %add3A, %mul3A_1015 : i32
    %mul3A_1017 = arith.constant 64 : i32
    %mul3A_1018 = arith.muli %mul3A_1016, %mul3A_1017 : i32
    %add3A_1019 = arith.constant 49152 : i32
    %add3A_1020 = arith.addi %add3A_1019, %mul3A_1018 : i32
    %add3A_1021 = arith.constant 256 : i32
    %add3A_1022 = arith.addi %add3A_1020, %add3A_1021 : i32
    %dma_start3A_1023 = arith.constant 0 : i32
    %dma_start3A_1024 = tpu.memref_slice %arg5[%add3A_1022, %dma_start3A_1023] : memref<65536x768xf32, #tpu.memory_space<hbm>> -> memref<64x768xf32, #tpu.memory_space<hbm>>
    %dma_start3A_1025 = arith.constant 0 : i32
    %dma_start3A_1026 = tpu.memref_slice %arg5[%add3A_1022, %dma_start3A_1025] : memref<65536x768xf32, #tpu.memory_space<hbm>> -> memref<64x768xf32, #tpu.memory_space<hbm>>
    tpu.enqueue_dma source(%arg6 : memref<64x768xf32, #tpu.memory_space<vmem>>) target(%dma_start3A_1026 : memref<64x768xf32, #tpu.memory_space<hbm>>) target_semaphore(%arg11 : memref<!tpu.dma_semaphore, #tpu.memory_space<semaphore_mem>>)
    %mul3A_1027 = arith.constant 8 : i32
    %mul3A_1028 = arith.muli %add3A, %mul3A_1027 : i32
    %mul3A_1029 = arith.constant 64 : i32
    %mul3A_1030 = arith.muli %mul3A_1028, %mul3A_1029 : i32
    %add3A_1031 = arith.constant 0 : i32
    %add3A_1032 = arith.addi %add3A_1031, %mul3A_1030 : i32
    %add3A_1033 = arith.constant 192 : i32
    %add3A_1034 = arith.addi %add3A_1032, %add3A_1033 : i32
    %dma_wait3A_1035 = arith.constant 0 : i32
    %dma_wait3A_1036 = tpu.memref_slice %arg5[%add3A_1034, %dma_wait3A_1035] : memref<65536x768xf32, #tpu.memory_space<hbm>> -> memref<64x768xf32, #tpu.memory_space<hbm>>
    %dma_wait3A_1037 = arith.constant 0 : i32
    %dma_wait3A_1038 = tpu.memref_slice %arg5[%add3A_1034, %dma_wait3A_1037] : memref<65536x768xf32, #tpu.memory_space<hbm>> -> memref<64x768xf32, #tpu.memory_space<hbm>>
    tpu.wait_dma2 semaphore(%arg12 : memref<!tpu.dma_semaphore, #tpu.memory_space<semaphore_mem>>) src(%arg7 : memref<64x768xf32, #tpu.memory_space<vmem>>) dst(%dma_wait3A_1038 : memref<64x768xf32, #tpu.memory_space<hbm>>)
    %mul3A_1039 = arith.constant 8 : i32
    %mul3A_1040 = arith.muli %add3A, %mul3A_1039 : i32
    %mul3A_1041 = arith.constant 64 : i32
    %mul3A_1042 = arith.muli %mul3A_1040, %mul3A_1041 : i32
    %add3A_1043 = arith.constant 16384 : i32
    %add3A_1044 = arith.addi %add3A_1043, %mul3A_1042 : i32
    %add3A_1045 = arith.constant 192 : i32
    %add3A_1046 = arith.addi %add3A_1044, %add3A_1045 : i32
    %dma_wait3A_1047 = arith.constant 0 : i32
    %dma_wait3A_1048 = tpu.memref_slice %arg5[%add3A_1046, %dma_wait3A_1047] : memref<65536x768xf32, #tpu.memory_space<hbm>> -> memref<64x768xf32, #tpu.memory_space<hbm>>
    %dma_wait3A_1049 = arith.constant 0 : i32
    %dma_wait3A_1050 = tpu.memref_slice %arg5[%add3A_1046, %dma_wait3A_1049] : memref<65536x768xf32, #tpu.memory_space<hbm>> -> memref<64x768xf32, #tpu.memory_space<hbm>>
    tpu.wait_dma2 semaphore(%arg12 : memref<!tpu.dma_semaphore, #tpu.memory_space<semaphore_mem>>) src(%arg7 : memref<64x768xf32, #tpu.memory_space<vmem>>) dst(%dma_wait3A_1050 : memref<64x768xf32, #tpu.memory_space<hbm>>)
    %mul3A_1051 = arith.constant 8 : i32
    %mul3A_1052 = arith.muli %add3A, %mul3A_1051 : i32
    %mul3A_1053 = arith.constant 64 : i32
    %mul3A_1054 = arith.muli %mul3A_1052, %mul3A_1053 : i32
    %add3A_1055 = arith.constant 32768 : i32
    %add3A_1056 = arith.addi %add3A_1055, %mul3A_1054 : i32
    %add3A_1057 = arith.constant 192 : i32
    %add3A_1058 = arith.addi %add3A_1056, %add3A_1057 : i32
    %dma_wait3A_1059 = arith.constant 0 : i32
    %dma_wait3A_1060 = tpu.memref_slice %arg5[%add3A_1058, %dma_wait3A_1059] : memref<65536x768xf32, #tpu.memory_space<hbm>> -> memref<64x768xf32, #tpu.memory_space<hbm>>
    %dma_wait3A_1061 = arith.constant 0 : i32
    %dma_wait3A_1062 = tpu.memref_slice %arg5[%add3A_1058, %dma_wait3A_1061] : memref<65536x768xf32, #tpu.memory_space<hbm>> -> memref<64x768xf32, #tpu.memory_space<hbm>>
    tpu.wait_dma2 semaphore(%arg12 : memref<!tpu.dma_semaphore, #tpu.memory_space<semaphore_mem>>) src(%arg7 : memref<64x768xf32, #tpu.memory_space<vmem>>) dst(%dma_wait3A_1062 : memref<64x768xf32, #tpu.memory_space<hbm>>)
    %mul3A_1063 = arith.constant 8 : i32
    %mul3A_1064 = arith.muli %add3A, %mul3A_1063 : i32
    %mul3A_1065 = arith.constant 64 : i32
    %mul3A_1066 = arith.muli %mul3A_1064, %mul3A_1065 : i32
    %add3A_1067 = arith.constant 49152 : i32
    %add3A_1068 = arith.addi %add3A_1067, %mul3A_1066 : i32
    %add3A_1069 = arith.constant 192 : i32
    %add3A_1070 = arith.addi %add3A_1068, %add3A_1069 : i32
    %dma_wait3A_1071 = arith.constant 0 : i32
    %dma_wait3A_1072 = tpu.memref_slice %arg5[%add3A_1070, %dma_wait3A_1071] : memref<65536x768xf32, #tpu.memory_space<hbm>> -> memref<64x768xf32, #tpu.memory_space<hbm>>
    %dma_wait3A_1073 = arith.constant 0 : i32
    %dma_wait3A_1074 = tpu.memref_slice %arg5[%add3A_1070, %dma_wait3A_1073] : memref<65536x768xf32, #tpu.memory_space<hbm>> -> memref<64x768xf32, #tpu.memory_space<hbm>>
    tpu.wait_dma2 semaphore(%arg12 : memref<!tpu.dma_semaphore, #tpu.memory_space<semaphore_mem>>) src(%arg7 : memref<64x768xf32, #tpu.memory_space<vmem>>) dst(%dma_wait3A_1074 : memref<64x768xf32, #tpu.memory_space<hbm>>)
    %get3A_1075 = arith.constant 5 : i32
    %get3A_1076 = arith.index_cast %get3A_1075 : i32 to index
    %get3A_1077 = arith.constant 0 : index
    %get3A_1078 = tpu.vector_load %arg9[%get3A_1076, %get3A_1077] {strides = array<i32>} : memref<8x256xf32, #tpu.memory_space<vmem>>, vector<1x16xf32>,
    %get3A_1079 = vector.shape_cast %get3A_1078 : vector<1x16xf32> to vector<16xf32>
    %get3A_1080 = arith.constant 5 : i32
    %get3A_1081 = arith.index_cast %get3A_1080 : i32 to index
    %get3A_1082 = arith.constant 16 : index
    %get3A_1083 = tpu.vector_load %arg9[%get3A_1081, %get3A_1082] {strides = array<i32>} : memref<8x256xf32, #tpu.memory_space<vmem>>, vector<1x16xf32>,
    %get3A_1084 = vector.shape_cast %get3A_1083 : vector<1x16xf32> to vector<16xf32>
    %get3A_1085 = arith.constant 5 : i32
    %get3A_1086 = arith.index_cast %get3A_1085 : i32 to index
    %get3A_1087 = arith.constant 32 : index
    %get3A_1088 = tpu.vector_load %arg9[%get3A_1086, %get3A_1087] {strides = array<i32>} : memref<8x256xf32, #tpu.memory_space<vmem>>, vector<1x16xf32>,
    %get3A_1089 = vector.shape_cast %get3A_1088 : vector<1x16xf32> to vector<16xf32>
    %get3A_1090 = arith.constant 5 : i32
    %get3A_1091 = arith.index_cast %get3A_1090 : i32 to index
    %get3A_1092 = arith.constant 48 : index
    %get3A_1093 = tpu.vector_load %arg9[%get3A_1091, %get3A_1092] {strides = array<i32>} : memref<8x256xf32, #tpu.memory_space<vmem>>, vector<1x16xf32>,
    %get3A_1094 = vector.shape_cast %get3A_1093 : vector<1x16xf32> to vector<16xf32>
    %get3A_1095 = arith.constant 5 : i32
    %get3A_1096 = arith.index_cast %get3A_1095 : i32 to index
    %get3A_1097 = arith.constant 64 : index
    %get3A_1098 = tpu.vector_load %arg9[%get3A_1096, %get3A_1097] {strides = array<i32>} : memref<8x256xf32, #tpu.memory_space<vmem>>, vector<1x16xf32>,
    %get3A_1099 = vector.shape_cast %get3A_1098 : vector<1x16xf32> to vector<16xf32>
    %get3A_1100 = arith.constant 5 : i32
    %get3A_1101 = arith.index_cast %get3A_1100 : i32 to index
    %get3A_1102 = arith.constant 80 : index
    %get3A_1103 = tpu.vector_load %arg9[%get3A_1101, %get3A_1102] {strides = array<i32>} : memref<8x256xf32, #tpu.memory_space<vmem>>, vector<1x16xf32>,
    %get3A_1104 = vector.shape_cast %get3A_1103 : vector<1x16xf32> to vector<16xf32>
    %get3A_1105 = arith.constant 5 : i32
    %get3A_1106 = arith.index_cast %get3A_1105 : i32 to index
    %get3A_1107 = arith.constant 96 : index
    %get3A_1108 = tpu.vector_load %arg9[%get3A_1106, %get3A_1107] {strides = array<i32>} : memref<8x256xf32, #tpu.memory_space<vmem>>, vector<1x16xf32>,
    %get3A_1109 = vector.shape_cast %get3A_1108 : vector<1x16xf32> to vector<16xf32>
    %get3A_1110 = arith.constant 5 : i32
    %get3A_1111 = arith.index_cast %get3A_1110 : i32 to index
    %get3A_1112 = arith.constant 112 : index
    %get3A_1113 = tpu.vector_load %arg9[%get3A_1111, %get3A_1112] {strides = array<i32>} : memref<8x256xf32, #tpu.memory_space<vmem>>, vector<1x16xf32>,
    %get3A_1114 = vector.shape_cast %get3A_1113 : vector<1x16xf32> to vector<16xf32>
    %get3A_1115 = arith.constant 5 : i32
    %get3A_1116 = arith.index_cast %get3A_1115 : i32 to index
    %get3A_1117 = arith.constant 128 : index
    %get3A_1118 = tpu.vector_load %arg9[%get3A_1116, %get3A_1117] {strides = array<i32>} : memref<8x256xf32, #tpu.memory_space<vmem>>, vector<1x16xf32>,
    %get3A_1119 = vector.shape_cast %get3A_1118 : vector<1x16xf32> to vector<16xf32>
    %get3A_1120 = arith.constant 5 : i32
    %get3A_1121 = arith.index_cast %get3A_1120 : i32 to index
    %get3A_1122 = arith.constant 144 : index
    %get3A_1123 = tpu.vector_load %arg9[%get3A_1121, %get3A_1122] {strides = array<i32>} : memref<8x256xf32, #tpu.memory_space<vmem>>, vector<1x16xf32>,
    %get3A_1124 = vector.shape_cast %get3A_1123 : vector<1x16xf32> to vector<16xf32>
    %get3A_1125 = arith.constant 5 : i32
    %get3A_1126 = arith.index_cast %get3A_1125 : i32 to index
    %get3A_1127 = arith.constant 160 : index
    %get3A_1128 = tpu.vector_load %arg9[%get3A_1126, %get3A_1127] {strides = array<i32>} : memref<8x256xf32, #tpu.memory_space<vmem>>, vector<1x16xf32>,
    %get3A_1129 = vector.shape_cast %get3A_1128 : vector<1x16xf32> to vector<16xf32>
    %get3A_1130 = arith.constant 5 : i32
    %get3A_1131 = arith.index_cast %get3A_1130 : i32 to index
    %get3A_1132 = arith.constant 176 : index
    %get3A_1133 = tpu.vector_load %arg9[%get3A_1131, %get3A_1132] {strides = array<i32>} : memref<8x256xf32, #tpu.memory_space<vmem>>, vector<1x16xf32>,
    %get3A_1134 = vector.shape_cast %get3A_1133 : vector<1x16xf32> to vector<16xf32>
    %get3A_1135 = arith.constant 5 : i32
    %get3A_1136 = arith.index_cast %get3A_1135 : i32 to index
    %get3A_1137 = arith.constant 192 : index
    %get3A_1138 = tpu.vector_load %arg9[%get3A_1136, %get3A_1137] {strides = array<i32>} : memref<8x256xf32, #tpu.memory_space<vmem>>, vector<1x16xf32>,
    %get3A_1139 = vector.shape_cast %get3A_1138 : vector<1x16xf32> to vector<16xf32>
    %get3A_1140 = arith.constant 5 : i32
    %get3A_1141 = arith.index_cast %get3A_1140 : i32 to index
    %get3A_1142 = arith.constant 208 : index
    %get3A_1143 = tpu.vector_load %arg9[%get3A_1141, %get3A_1142] {strides = array<i32>} : memref<8x256xf32, #tpu.memory_space<vmem>>, vector<1x16xf32>,
    %get3A_1144 = vector.shape_cast %get3A_1143 : vector<1x16xf32> to vector<16xf32>
    %get3A_1145 = arith.constant 5 : i32
    %get3A_1146 = arith.index_cast %get3A_1145 : i32 to index
    %get3A_1147 = arith.constant 224 : index
    %get3A_1148 = tpu.vector_load %arg9[%get3A_1146, %get3A_1147] {strides = array<i32>} : memref<8x256xf32, #tpu.memory_space<vmem>>, vector<1x16xf32>,
    %get3A_1149 = vector.shape_cast %get3A_1148 : vector<1x16xf32> to vector<16xf32>
    %get3A_1150 = arith.constant 5 : i32
    %get3A_1151 = arith.index_cast %get3A_1150 : i32 to index
    %get3A_1152 = arith.constant 240 : index
    %get3A_1153 = tpu.vector_load %arg9[%get3A_1151, %get3A_1152] {strides = array<i32>} : memref<8x256xf32, #tpu.memory_space<vmem>>, vector<1x16xf32>,
    %get3A_1154 = vector.shape_cast %get3A_1153 : vector<1x16xf32> to vector<16xf32>
    %scan3A_1155 = arith.constant 0 : i32
    %scan3A_1156 = arith.constant 0 : i32
    %scan3A_1157 = arith.constant 64 : i32
    %scan3A_1158 = arith.addi %scan3A_1156, %scan3A_1157 : i32
    %scan3A_1159 = arith.constant 1 : i32
    scf.for %scan3A_1669 = %scan3A_1156 to %scan3A_1158 step %scan3A_1159  : i32 {
      %swap3A = arith.index_cast %scan3A_1669 : i32 to index
      %swap3A_1670 = arith.constant 256 : index
      %swap3A_1671 = tpu.vector_load %arg7[%swap3A, %swap3A_1670] {strides = array<i32>} : memref<64x768xf32, #tpu.memory_space<vmem>>, vector<1x16xf32>,
      %swap3A_1672 = vector.shape_cast %swap3A_1671 : vector<1x16xf32> to vector<16xf32>
      %swap3A_1673 = vector.shape_cast %get3A_1079 : vector<16xf32> to vector<1x16xf32>
      tpu.vector_store %arg7[%swap3A, %swap3A_1670], %swap3A_1673 {strides = array<i32>} : memref<64x768xf32, #tpu.memory_space<vmem>>, vector<1x16xf32>,
      %swap3A_1674 = arith.index_cast %scan3A_1669 : i32 to index
      %swap3A_1675 = arith.constant 272 : index
      %swap3A_1676 = tpu.vector_load %arg7[%swap3A_1674, %swap3A_1675] {strides = array<i32>} : memref<64x768xf32, #tpu.memory_space<vmem>>, vector<1x16xf32>,
      %swap3A_1677 = vector.shape_cast %swap3A_1676 : vector<1x16xf32> to vector<16xf32>
      %swap3A_1678 = vector.shape_cast %get3A_1084 : vector<16xf32> to vector<1x16xf32>
      tpu.vector_store %arg7[%swap3A_1674, %swap3A_1675], %swap3A_1678 {strides = array<i32>} : memref<64x768xf32, #tpu.memory_space<vmem>>, vector<1x16xf32>,
      %swap3A_1679 = arith.index_cast %scan3A_1669 : i32 to index
      %swap3A_1680 = arith.constant 288 : index
      %swap3A_1681 = tpu.vector_load %arg7[%swap3A_1679, %swap3A_1680] {strides = array<i32>} : memref<64x768xf32, #tpu.memory_space<vmem>>, vector<1x16xf32>,
      %swap3A_1682 = vector.shape_cast %swap3A_1681 : vector<1x16xf32> to vector<16xf32>
      %swap3A_1683 = vector.shape_cast %get3A_1089 : vector<16xf32> to vector<1x16xf32>
      tpu.vector_store %arg7[%swap3A_1679, %swap3A_1680], %swap3A_1683 {strides = array<i32>} : memref<64x768xf32, #tpu.memory_space<vmem>>, vector<1x16xf32>,
      %swap3A_1684 = arith.index_cast %scan3A_1669 : i32 to index
      %swap3A_1685 = arith.constant 304 : index
      %swap3A_1686 = tpu.vector_load %arg7[%swap3A_1684, %swap3A_1685] {strides = array<i32>} : memref<64x768xf32, #tpu.memory_space<vmem>>, vector<1x16xf32>,
      %swap3A_1687 = vector.shape_cast %swap3A_1686 : vector<1x16xf32> to vector<16xf32>
      %swap3A_1688 = vector.shape_cast %get3A_1094 : vector<16xf32> to vector<1x16xf32>
      tpu.vector_store %arg7[%swap3A_1684, %swap3A_1685], %swap3A_1688 {strides = array<i32>} : memref<64x768xf32, #tpu.memory_space<vmem>>, vector<1x16xf32>,
      %swap3A_1689 = arith.index_cast %scan3A_1669 : i32 to index
      %swap3A_1690 = arith.constant 320 : index
      %swap3A_1691 = tpu.vector_load %arg7[%swap3A_1689, %swap3A_1690] {strides = array<i32>} : memref<64x768xf32, #tpu.memory_space<vmem>>, vector<1x16xf32>,
      %swap3A_1692 = vector.shape_cast %swap3A_1691 : vector<1x16xf32> to vector<16xf32>
      %swap3A_1693 = vector.shape_cast %get3A_1099 : vector<16xf32> to vector<1x16xf32>
      tpu.vector_store %arg7[%swap3A_1689, %swap3A_1690], %swap3A_1693 {strides = array<i32>} : memref<64x768xf32, #tpu.memory_space<vmem>>, vector<1x16xf32>,
      %swap3A_1694 = arith.index_cast %scan3A_1669 : i32 to index
      %swap3A_1695 = arith.constant 336 : index
      %swap3A_1696 = tpu.vector_load %arg7[%swap3A_1694, %swap3A_1695] {strides = array<i32>} : memref<64x768xf32, #tpu.memory_space<vmem>>, vector<1x16xf32>,
      %swap3A_1697 = vector.shape_cast %swap3A_1696 : vector<1x16xf32> to vector<16xf32>
      %swap3A_1698 = vector.shape_cast %get3A_1104 : vector<16xf32> to vector<1x16xf32>
      tpu.vector_store %arg7[%swap3A_1694, %swap3A_1695], %swap3A_1698 {strides = array<i32>} : memref<64x768xf32, #tpu.memory_space<vmem>>, vector<1x16xf32>,
      %swap3A_1699 = arith.index_cast %scan3A_1669 : i32 to index
      %swap3A_1700 = arith.constant 352 : index
      %swap3A_1701 = tpu.vector_load %arg7[%swap3A_1699, %swap3A_1700] {strides = array<i32>} : memref<64x768xf32, #tpu.memory_space<vmem>>, vector<1x16xf32>,
      %swap3A_1702 = vector.shape_cast %swap3A_1701 : vector<1x16xf32> to vector<16xf32>
      %swap3A_1703 = vector.shape_cast %get3A_1109 : vector<16xf32> to vector<1x16xf32>
      tpu.vector_store %arg7[%swap3A_1699, %swap3A_1700], %swap3A_1703 {strides = array<i32>} : memref<64x768xf32, #tpu.memory_space<vmem>>, vector<1x16xf32>,
      %swap3A_1704 = arith.index_cast %scan3A_1669 : i32 to index
      %swap3A_1705 = arith.constant 368 : index
      %swap3A_1706 = tpu.vector_load %arg7[%swap3A_1704, %swap3A_1705] {strides = array<i32>} : memref<64x768xf32, #tpu.memory_space<vmem>>, vector<1x16xf32>,
      %swap3A_1707 = vector.shape_cast %swap3A_1706 : vector<1x16xf32> to vector<16xf32>
      %swap3A_1708 = vector.shape_cast %get3A_1114 : vector<16xf32> to vector<1x16xf32>
      tpu.vector_store %arg7[%swap3A_1704, %swap3A_1705], %swap3A_1708 {strides = array<i32>} : memref<64x768xf32, #tpu.memory_space<vmem>>, vector<1x16xf32>,
      %swap3A_1709 = arith.index_cast %scan3A_1669 : i32 to index
      %swap3A_1710 = arith.constant 384 : index
      %swap3A_1711 = tpu.vector_load %arg7[%swap3A_1709, %swap3A_1710] {strides = array<i32>} : memref<64x768xf32, #tpu.memory_space<vmem>>, vector<1x16xf32>,
      %swap3A_1712 = vector.shape_cast %swap3A_1711 : vector<1x16xf32> to vector<16xf32>
      %swap3A_1713 = vector.shape_cast %get3A_1119 : vector<16xf32> to vector<1x16xf32>
      tpu.vector_store %arg7[%swap3A_1709, %swap3A_1710], %swap3A_1713 {strides = array<i32>} : memref<64x768xf32, #tpu.memory_space<vmem>>, vector<1x16xf32>,
      %swap3A_1714 = arith.index_cast %scan3A_1669 : i32 to index
      %swap3A_1715 = arith.constant 400 : index
      %swap3A_1716 = tpu.vector_load %arg7[%swap3A_1714, %swap3A_1715] {strides = array<i32>} : memref<64x768xf32, #tpu.memory_space<vmem>>, vector<1x16xf32>,
      %swap3A_1717 = vector.shape_cast %swap3A_1716 : vector<1x16xf32> to vector<16xf32>
      %swap3A_1718 = vector.shape_cast %get3A_1124 : vector<16xf32> to vector<1x16xf32>
      tpu.vector_store %arg7[%swap3A_1714, %swap3A_1715], %swap3A_1718 {strides = array<i32>} : memref<64x768xf32, #tpu.memory_space<vmem>>, vector<1x16xf32>,
      %swap3A_1719 = arith.index_cast %scan3A_1669 : i32 to index
      %swap3A_1720 = arith.constant 416 : index
      %swap3A_1721 = tpu.vector_load %arg7[%swap3A_1719, %swap3A_1720] {strides = array<i32>} : memref<64x768xf32, #tpu.memory_space<vmem>>, vector<1x16xf32>,
      %swap3A_1722 = vector.shape_cast %swap3A_1721 : vector<1x16xf32> to vector<16xf32>
      %swap3A_1723 = vector.shape_cast %get3A_1129 : vector<16xf32> to vector<1x16xf32>
      tpu.vector_store %arg7[%swap3A_1719, %swap3A_1720], %swap3A_1723 {strides = array<i32>} : memref<64x768xf32, #tpu.memory_space<vmem>>, vector<1x16xf32>,
      %swap3A_1724 = arith.index_cast %scan3A_1669 : i32 to index
      %swap3A_1725 = arith.constant 432 : index
      %swap3A_1726 = tpu.vector_load %arg7[%swap3A_1724, %swap3A_1725] {strides = array<i32>} : memref<64x768xf32, #tpu.memory_space<vmem>>, vector<1x16xf32>,
      %swap3A_1727 = vector.shape_cast %swap3A_1726 : vector<1x16xf32> to vector<16xf32>
      %swap3A_1728 = vector.shape_cast %get3A_1134 : vector<16xf32> to vector<1x16xf32>
      tpu.vector_store %arg7[%swap3A_1724, %swap3A_1725], %swap3A_1728 {strides = array<i32>} : memref<64x768xf32, #tpu.memory_space<vmem>>, vector<1x16xf32>,
      %swap3A_1729 = arith.index_cast %scan3A_1669 : i32 to index
      %swap3A_1730 = arith.constant 448 : index
      %swap3A_1731 = tpu.vector_load %arg7[%swap3A_1729, %swap3A_1730] {strides = array<i32>} : memref<64x768xf32, #tpu.memory_space<vmem>>, vector<1x16xf32>,
      %swap3A_1732 = vector.shape_cast %swap3A_1731 : vector<1x16xf32> to vector<16xf32>
      %swap3A_1733 = vector.shape_cast %get3A_1139 : vector<16xf32> to vector<1x16xf32>
      tpu.vector_store %arg7[%swap3A_1729, %swap3A_1730], %swap3A_1733 {strides = array<i32>} : memref<64x768xf32, #tpu.memory_space<vmem>>, vector<1x16xf32>,
      %swap3A_1734 = arith.index_cast %scan3A_1669 : i32 to index
      %swap3A_1735 = arith.constant 464 : index
      %swap3A_1736 = tpu.vector_load %arg7[%swap3A_1734, %swap3A_1735] {strides = array<i32>} : memref<64x768xf32, #tpu.memory_space<vmem>>, vector<1x16xf32>,
      %swap3A_1737 = vector.shape_cast %swap3A_1736 : vector<1x16xf32> to vector<16xf32>
      %swap3A_1738 = vector.shape_cast %get3A_1144 : vector<16xf32> to vector<1x16xf32>
      tpu.vector_store %arg7[%swap3A_1734, %swap3A_1735], %swap3A_1738 {strides = array<i32>} : memref<64x768xf32, #tpu.memory_space<vmem>>, vector<1x16xf32>,
      %swap3A_1739 = arith.index_cast %scan3A_1669 : i32 to index
      %swap3A_1740 = arith.constant 480 : index
      %swap3A_1741 = tpu.vector_load %arg7[%swap3A_1739, %swap3A_1740] {strides = array<i32>} : memref<64x768xf32, #tpu.memory_space<vmem>>, vector<1x16xf32>,
      %swap3A_1742 = vector.shape_cast %swap3A_1741 : vector<1x16xf32> to vector<16xf32>
      %swap3A_1743 = vector.shape_cast %get3A_1149 : vector<16xf32> to vector<1x16xf32>
      tpu.vector_store %arg7[%swap3A_1739, %swap3A_1740], %swap3A_1743 {strides = array<i32>} : memref<64x768xf32, #tpu.memory_space<vmem>>, vector<1x16xf32>,
      %swap3A_1744 = arith.index_cast %scan3A_1669 : i32 to index
      %swap3A_1745 = arith.constant 496 : index
      %swap3A_1746 = tpu.vector_load %arg7[%swap3A_1744, %swap3A_1745] {strides = array<i32>} : memref<64x768xf32, #tpu.memory_space<vmem>>, vector<1x16xf32>,
      %swap3A_1747 = vector.shape_cast %swap3A_1746 : vector<1x16xf32> to vector<16xf32>
      %swap3A_1748 = vector.shape_cast %get3A_1154 : vector<16xf32> to vector<1x16xf32>
      tpu.vector_store %arg7[%swap3A_1744, %swap3A_1745], %swap3A_1748 {strides = array<i32>} : memref<64x768xf32, #tpu.memory_space<vmem>>, vector<1x16xf32>,
    }
    %scan3A_1160 = arith.constant 64 : i32
    %mul3A_1161 = arith.constant 8 : i32
    %mul3A_1162 = arith.muli %add3A, %mul3A_1161 : i32
    %mul3A_1163 = arith.constant 64 : i32
    %mul3A_1164 = arith.muli %mul3A_1162, %mul3A_1163 : i32
    %add3A_1165 = arith.constant 0 : i32
    %add3A_1166 = arith.addi %add3A_1165, %mul3A_1164 : i32
    %add3A_1167 = arith.constant 320 : i32
    %add3A_1168 = arith.addi %add3A_1166, %add3A_1167 : i32
    %dma_start3A_1169 = arith.constant 0 : i32
    %dma_start3A_1170 = tpu.memref_slice %arg5[%add3A_1168, %dma_start3A_1169] : memref<65536x768xf32, #tpu.memory_space<hbm>> -> memref<64x768xf32, #tpu.memory_space<hbm>>
    %dma_start3A_1171 = arith.constant 0 : i32
    %dma_start3A_1172 = tpu.memref_slice %arg5[%add3A_1168, %dma_start3A_1171] : memref<65536x768xf32, #tpu.memory_space<hbm>> -> memref<64x768xf32, #tpu.memory_space<hbm>>
    tpu.enqueue_dma source(%arg7 : memref<64x768xf32, #tpu.memory_space<vmem>>) target(%dma_start3A_1172 : memref<64x768xf32, #tpu.memory_space<hbm>>) target_semaphore(%arg12 : memref<!tpu.dma_semaphore, #tpu.memory_space<semaphore_mem>>)
    %mul3A_1173 = arith.constant 8 : i32
    %mul3A_1174 = arith.muli %add3A, %mul3A_1173 : i32
    %mul3A_1175 = arith.constant 64 : i32
    %mul3A_1176 = arith.muli %mul3A_1174, %mul3A_1175 : i32
    %add3A_1177 = arith.constant 16384 : i32
    %add3A_1178 = arith.addi %add3A_1177, %mul3A_1176 : i32
    %add3A_1179 = arith.constant 320 : i32
    %add3A_1180 = arith.addi %add3A_1178, %add3A_1179 : i32
    %dma_start3A_1181 = arith.constant 0 : i32
    %dma_start3A_1182 = tpu.memref_slice %arg5[%add3A_1180, %dma_start3A_1181] : memref<65536x768xf32, #tpu.memory_space<hbm>> -> memref<64x768xf32, #tpu.memory_space<hbm>>
    %dma_start3A_1183 = arith.constant 0 : i32
    %dma_start3A_1184 = tpu.memref_slice %arg5[%add3A_1180, %dma_start3A_1183] : memref<65536x768xf32, #tpu.memory_space<hbm>> -> memref<64x768xf32, #tpu.memory_space<hbm>>
    tpu.enqueue_dma source(%arg7 : memref<64x768xf32, #tpu.memory_space<vmem>>) target(%dma_start3A_1184 : memref<64x768xf32, #tpu.memory_space<hbm>>) target_semaphore(%arg12 : memref<!tpu.dma_semaphore, #tpu.memory_space<semaphore_mem>>)
    %mul3A_1185 = arith.constant 8 : i32
    %mul3A_1186 = arith.muli %add3A, %mul3A_1185 : i32
    %mul3A_1187 = arith.constant 64 : i32
    %mul3A_1188 = arith.muli %mul3A_1186, %mul3A_1187 : i32
    %add3A_1189 = arith.constant 32768 : i32
    %add3A_1190 = arith.addi %add3A_1189, %mul3A_1188 : i32
    %add3A_1191 = arith.constant 320 : i32
    %add3A_1192 = arith.addi %add3A_1190, %add3A_1191 : i32
    %dma_start3A_1193 = arith.constant 0 : i32
    %dma_start3A_1194 = tpu.memref_slice %arg5[%add3A_1192, %dma_start3A_1193] : memref<65536x768xf32, #tpu.memory_space<hbm>> -> memref<64x768xf32, #tpu.memory_space<hbm>>
    %dma_start3A_1195 = arith.constant 0 : i32
    %dma_start3A_1196 = tpu.memref_slice %arg5[%add3A_1192, %dma_start3A_1195] : memref<65536x768xf32, #tpu.memory_space<hbm>> -> memref<64x768xf32, #tpu.memory_space<hbm>>
    tpu.enqueue_dma source(%arg7 : memref<64x768xf32, #tpu.memory_space<vmem>>) target(%dma_start3A_1196 : memref<64x768xf32, #tpu.memory_space<hbm>>) target_semaphore(%arg12 : memref<!tpu.dma_semaphore, #tpu.memory_space<semaphore_mem>>)
    %mul3A_1197 = arith.constant 8 : i32
    %mul3A_1198 = arith.muli %add3A, %mul3A_1197 : i32
    %mul3A_1199 = arith.constant 64 : i32
    %mul3A_1200 = arith.muli %mul3A_1198, %mul3A_1199 : i32
    %add3A_1201 = arith.constant 49152 : i32
    %add3A_1202 = arith.addi %add3A_1201, %mul3A_1200 : i32
    %add3A_1203 = arith.constant 320 : i32
    %add3A_1204 = arith.addi %add3A_1202, %add3A_1203 : i32
    %dma_start3A_1205 = arith.constant 0 : i32
    %dma_start3A_1206 = tpu.memref_slice %arg5[%add3A_1204, %dma_start3A_1205] : memref<65536x768xf32, #tpu.memory_space<hbm>> -> memref<64x768xf32, #tpu.memory_space<hbm>>
    %dma_start3A_1207 = arith.constant 0 : i32
    %dma_start3A_1208 = tpu.memref_slice %arg5[%add3A_1204, %dma_start3A_1207] : memref<65536x768xf32, #tpu.memory_space<hbm>> -> memref<64x768xf32, #tpu.memory_space<hbm>>
    tpu.enqueue_dma source(%arg7 : memref<64x768xf32, #tpu.memory_space<vmem>>) target(%dma_start3A_1208 : memref<64x768xf32, #tpu.memory_space<hbm>>) target_semaphore(%arg12 : memref<!tpu.dma_semaphore, #tpu.memory_space<semaphore_mem>>)
    %mul3A_1209 = arith.constant 8 : i32
    %mul3A_1210 = arith.muli %add3A, %mul3A_1209 : i32
    %mul3A_1211 = arith.constant 64 : i32
    %mul3A_1212 = arith.muli %mul3A_1210, %mul3A_1211 : i32
    %add3A_1213 = arith.constant 0 : i32
    %add3A_1214 = arith.addi %add3A_1213, %mul3A_1212 : i32
    %add3A_1215 = arith.constant 256 : i32
    %add3A_1216 = arith.addi %add3A_1214, %add3A_1215 : i32
    %dma_wait3A_1217 = arith.constant 0 : i32
    %dma_wait3A_1218 = tpu.memref_slice %arg5[%add3A_1216, %dma_wait3A_1217] : memref<65536x768xf32, #tpu.memory_space<hbm>> -> memref<64x768xf32, #tpu.memory_space<hbm>>
    %dma_wait3A_1219 = arith.constant 0 : i32
    %dma_wait3A_1220 = tpu.memref_slice %arg5[%add3A_1216, %dma_wait3A_1219] : memref<65536x768xf32, #tpu.memory_space<hbm>> -> memref<64x768xf32, #tpu.memory_space<hbm>>
    tpu.wait_dma2 semaphore(%arg11 : memref<!tpu.dma_semaphore, #tpu.memory_space<semaphore_mem>>) src(%arg6 : memref<64x768xf32, #tpu.memory_space<vmem>>) dst(%dma_wait3A_1220 : memref<64x768xf32, #tpu.memory_space<hbm>>)
    %mul3A_1221 = arith.constant 8 : i32
    %mul3A_1222 = arith.muli %add3A, %mul3A_1221 : i32
    %mul3A_1223 = arith.constant 64 : i32
    %mul3A_1224 = arith.muli %mul3A_1222, %mul3A_1223 : i32
    %add3A_1225 = arith.constant 16384 : i32
    %add3A_1226 = arith.addi %add3A_1225, %mul3A_1224 : i32
    %add3A_1227 = arith.constant 256 : i32
    %add3A_1228 = arith.addi %add3A_1226, %add3A_1227 : i32
    %dma_wait3A_1229 = arith.constant 0 : i32
    %dma_wait3A_1230 = tpu.memref_slice %arg5[%add3A_1228, %dma_wait3A_1229] : memref<65536x768xf32, #tpu.memory_space<hbm>> -> memref<64x768xf32, #tpu.memory_space<hbm>>
    %dma_wait3A_1231 = arith.constant 0 : i32
    %dma_wait3A_1232 = tpu.memref_slice %arg5[%add3A_1228, %dma_wait3A_1231] : memref<65536x768xf32, #tpu.memory_space<hbm>> -> memref<64x768xf32, #tpu.memory_space<hbm>>
    tpu.wait_dma2 semaphore(%arg11 : memref<!tpu.dma_semaphore, #tpu.memory_space<semaphore_mem>>) src(%arg6 : memref<64x768xf32, #tpu.memory_space<vmem>>) dst(%dma_wait3A_1232 : memref<64x768xf32, #tpu.memory_space<hbm>>)
    %mul3A_1233 = arith.constant 8 : i32
    %mul3A_1234 = arith.muli %add3A, %mul3A_1233 : i32
    %mul3A_1235 = arith.constant 64 : i32
    %mul3A_1236 = arith.muli %mul3A_1234, %mul3A_1235 : i32
    %add3A_1237 = arith.constant 32768 : i32
    %add3A_1238 = arith.addi %add3A_1237, %mul3A_1236 : i32
    %add3A_1239 = arith.constant 256 : i32
    %add3A_1240 = arith.addi %add3A_1238, %add3A_1239 : i32
    %dma_wait3A_1241 = arith.constant 0 : i32
    %dma_wait3A_1242 = tpu.memref_slice %arg5[%add3A_1240, %dma_wait3A_1241] : memref<65536x768xf32, #tpu.memory_space<hbm>> -> memref<64x768xf32, #tpu.memory_space<hbm>>
    %dma_wait3A_1243 = arith.constant 0 : i32
    %dma_wait3A_1244 = tpu.memref_slice %arg5[%add3A_1240, %dma_wait3A_1243] : memref<65536x768xf32, #tpu.memory_space<hbm>> -> memref<64x768xf32, #tpu.memory_space<hbm>>
    tpu.wait_dma2 semaphore(%arg11 : memref<!tpu.dma_semaphore, #tpu.memory_space<semaphore_mem>>) src(%arg6 : memref<64x768xf32, #tpu.memory_space<vmem>>) dst(%dma_wait3A_1244 : memref<64x768xf32, #tpu.memory_space<hbm>>)
    %mul3A_1245 = arith.constant 8 : i32
    %mul3A_1246 = arith.muli %add3A, %mul3A_1245 : i32
    %mul3A_1247 = arith.constant 64 : i32
    %mul3A_1248 = arith.muli %mul3A_1246, %mul3A_1247 : i32
    %add3A_1249 = arith.constant 49152 : i32
    %add3A_1250 = arith.addi %add3A_1249, %mul3A_1248 : i32
    %add3A_1251 = arith.constant 256 : i32
    %add3A_1252 = arith.addi %add3A_1250, %add3A_1251 : i32
    %dma_wait3A_1253 = arith.constant 0 : i32
    %dma_wait3A_1254 = tpu.memref_slice %arg5[%add3A_1252, %dma_wait3A_1253] : memref<65536x768xf32, #tpu.memory_space<hbm>> -> memref<64x768xf32, #tpu.memory_space<hbm>>
    %dma_wait3A_1255 = arith.constant 0 : i32
    %dma_wait3A_1256 = tpu.memref_slice %arg5[%add3A_1252, %dma_wait3A_1255] : memref<65536x768xf32, #tpu.memory_space<hbm>> -> memref<64x768xf32, #tpu.memory_space<hbm>>
    tpu.wait_dma2 semaphore(%arg11 : memref<!tpu.dma_semaphore, #tpu.memory_space<semaphore_mem>>) src(%arg6 : memref<64x768xf32, #tpu.memory_space<vmem>>) dst(%dma_wait3A_1256 : memref<64x768xf32, #tpu.memory_space<hbm>>)
    %get3A_1257 = arith.constant 6 : i32
    %get3A_1258 = arith.index_cast %get3A_1257 : i32 to index
    %get3A_1259 = arith.constant 0 : index
    %get3A_1260 = tpu.vector_load %arg9[%get3A_1258, %get3A_1259] {strides = array<i32>} : memref<8x256xf32, #tpu.memory_space<vmem>>, vector<1x16xf32>,
    %get3A_1261 = vector.shape_cast %get3A_1260 : vector<1x16xf32> to vector<16xf32>
    %get3A_1262 = arith.constant 6 : i32
    %get3A_1263 = arith.index_cast %get3A_1262 : i32 to index
    %get3A_1264 = arith.constant 16 : index
    %get3A_1265 = tpu.vector_load %arg9[%get3A_1263, %get3A_1264] {strides = array<i32>} : memref<8x256xf32, #tpu.memory_space<vmem>>, vector<1x16xf32>,
    %get3A_1266 = vector.shape_cast %get3A_1265 : vector<1x16xf32> to vector<16xf32>
    %get3A_1267 = arith.constant 6 : i32
    %get3A_1268 = arith.index_cast %get3A_1267 : i32 to index
    %get3A_1269 = arith.constant 32 : index
    %get3A_1270 = tpu.vector_load %arg9[%get3A_1268, %get3A_1269] {strides = array<i32>} : memref<8x256xf32, #tpu.memory_space<vmem>>, vector<1x16xf32>,
    %get3A_1271 = vector.shape_cast %get3A_1270 : vector<1x16xf32> to vector<16xf32>
    %get3A_1272 = arith.constant 6 : i32
    %get3A_1273 = arith.index_cast %get3A_1272 : i32 to index
    %get3A_1274 = arith.constant 48 : index
    %get3A_1275 = tpu.vector_load %arg9[%get3A_1273, %get3A_1274] {strides = array<i32>} : memref<8x256xf32, #tpu.memory_space<vmem>>, vector<1x16xf32>,
    %get3A_1276 = vector.shape_cast %get3A_1275 : vector<1x16xf32> to vector<16xf32>
    %get3A_1277 = arith.constant 6 : i32
    %get3A_1278 = arith.index_cast %get3A_1277 : i32 to index
    %get3A_1279 = arith.constant 64 : index
    %get3A_1280 = tpu.vector_load %arg9[%get3A_1278, %get3A_1279] {strides = array<i32>} : memref<8x256xf32, #tpu.memory_space<vmem>>, vector<1x16xf32>,
    %get3A_1281 = vector.shape_cast %get3A_1280 : vector<1x16xf32> to vector<16xf32>
    %get3A_1282 = arith.constant 6 : i32
    %get3A_1283 = arith.index_cast %get3A_1282 : i32 to index
    %get3A_1284 = arith.constant 80 : index
    %get3A_1285 = tpu.vector_load %arg9[%get3A_1283, %get3A_1284] {strides = array<i32>} : memref<8x256xf32, #tpu.memory_space<vmem>>, vector<1x16xf32>,
    %get3A_1286 = vector.shape_cast %get3A_1285 : vector<1x16xf32> to vector<16xf32>
    %get3A_1287 = arith.constant 6 : i32
    %get3A_1288 = arith.index_cast %get3A_1287 : i32 to index
    %get3A_1289 = arith.constant 96 : index
    %get3A_1290 = tpu.vector_load %arg9[%get3A_1288, %get3A_1289] {strides = array<i32>} : memref<8x256xf32, #tpu.memory_space<vmem>>, vector<1x16xf32>,
    %get3A_1291 = vector.shape_cast %get3A_1290 : vector<1x16xf32> to vector<16xf32>
    %get3A_1292 = arith.constant 6 : i32
    %get3A_1293 = arith.index_cast %get3A_1292 : i32 to index
    %get3A_1294 = arith.constant 112 : index
    %get3A_1295 = tpu.vector_load %arg9[%get3A_1293, %get3A_1294] {strides = array<i32>} : memref<8x256xf32, #tpu.memory_space<vmem>>, vector<1x16xf32>,
    %get3A_1296 = vector.shape_cast %get3A_1295 : vector<1x16xf32> to vector<16xf32>
    %get3A_1297 = arith.constant 6 : i32
    %get3A_1298 = arith.index_cast %get3A_1297 : i32 to index
    %get3A_1299 = arith.constant 128 : index
    %get3A_1300 = tpu.vector_load %arg9[%get3A_1298, %get3A_1299] {strides = array<i32>} : memref<8x256xf32, #tpu.memory_space<vmem>>, vector<1x16xf32>,
    %get3A_1301 = vector.shape_cast %get3A_1300 : vector<1x16xf32> to vector<16xf32>
    %get3A_1302 = arith.constant 6 : i32
    %get3A_1303 = arith.index_cast %get3A_1302 : i32 to index
    %get3A_1304 = arith.constant 144 : index
    %get3A_1305 = tpu.vector_load %arg9[%get3A_1303, %get3A_1304] {strides = array<i32>} : memref<8x256xf32, #tpu.memory_space<vmem>>, vector<1x16xf32>,
    %get3A_1306 = vector.shape_cast %get3A_1305 : vector<1x16xf32> to vector<16xf32>
    %get3A_1307 = arith.constant 6 : i32
    %get3A_1308 = arith.index_cast %get3A_1307 : i32 to index
    %get3A_1309 = arith.constant 160 : index
    %get3A_1310 = tpu.vector_load %arg9[%get3A_1308, %get3A_1309] {strides = array<i32>} : memref<8x256xf32, #tpu.memory_space<vmem>>, vector<1x16xf32>,
    %get3A_1311 = vector.shape_cast %get3A_1310 : vector<1x16xf32> to vector<16xf32>
    %get3A_1312 = arith.constant 6 : i32
    %get3A_1313 = arith.index_cast %get3A_1312 : i32 to index
    %get3A_1314 = arith.constant 176 : index
    %get3A_1315 = tpu.vector_load %arg9[%get3A_1313, %get3A_1314] {strides = array<i32>} : memref<8x256xf32, #tpu.memory_space<vmem>>, vector<1x16xf32>,
    %get3A_1316 = vector.shape_cast %get3A_1315 : vector<1x16xf32> to vector<16xf32>
    %get3A_1317 = arith.constant 6 : i32
    %get3A_1318 = arith.index_cast %get3A_1317 : i32 to index
    %get3A_1319 = arith.constant 192 : index
    %get3A_1320 = tpu.vector_load %arg9[%get3A_1318, %get3A_1319] {strides = array<i32>} : memref<8x256xf32, #tpu.memory_space<vmem>>, vector<1x16xf32>,
    %get3A_1321 = vector.shape_cast %get3A_1320 : vector<1x16xf32> to vector<16xf32>
    %get3A_1322 = arith.constant 6 : i32
    %get3A_1323 = arith.index_cast %get3A_1322 : i32 to index
    %get3A_1324 = arith.constant 208 : index
    %get3A_1325 = tpu.vector_load %arg9[%get3A_1323, %get3A_1324] {strides = array<i32>} : memref<8x256xf32, #tpu.memory_space<vmem>>, vector<1x16xf32>,
    %get3A_1326 = vector.shape_cast %get3A_1325 : vector<1x16xf32> to vector<16xf32>
    %get3A_1327 = arith.constant 6 : i32
    %get3A_1328 = arith.index_cast %get3A_1327 : i32 to index
    %get3A_1329 = arith.constant 224 : index
    %get3A_1330 = tpu.vector_load %arg9[%get3A_1328, %get3A_1329] {strides = array<i32>} : memref<8x256xf32, #tpu.memory_space<vmem>>, vector<1x16xf32>,
    %get3A_1331 = vector.shape_cast %get3A_1330 : vector<1x16xf32> to vector<16xf32>
    %get3A_1332 = arith.constant 6 : i32
    %get3A_1333 = arith.index_cast %get3A_1332 : i32 to index
    %get3A_1334 = arith.constant 240 : index
    %get3A_1335 = tpu.vector_load %arg9[%get3A_1333, %get3A_1334] {strides = array<i32>} : memref<8x256xf32, #tpu.memory_space<vmem>>, vector<1x16xf32>,
    %get3A_1336 = vector.shape_cast %get3A_1335 : vector<1x16xf32> to vector<16xf32>
    %scan3A_1337 = arith.constant 0 : i32
    %scan3A_1338 = arith.constant 0 : i32
    %scan3A_1339 = arith.constant 64 : i32
    %scan3A_1340 = arith.addi %scan3A_1338, %scan3A_1339 : i32
    %scan3A_1341 = arith.constant 1 : i32
    scf.for %scan3A_1669 = %scan3A_1338 to %scan3A_1340 step %scan3A_1341  : i32 {
      %swap3A = arith.index_cast %scan3A_1669 : i32 to index
      %swap3A_1670 = arith.constant 256 : index
      %swap3A_1671 = tpu.vector_load %arg6[%swap3A, %swap3A_1670] {strides = array<i32>} : memref<64x768xf32, #tpu.memory_space<vmem>>, vector<1x16xf32>,
      %swap3A_1672 = vector.shape_cast %swap3A_1671 : vector<1x16xf32> to vector<16xf32>
      %swap3A_1673 = vector.shape_cast %get3A_1261 : vector<16xf32> to vector<1x16xf32>
      tpu.vector_store %arg6[%swap3A, %swap3A_1670], %swap3A_1673 {strides = array<i32>} : memref<64x768xf32, #tpu.memory_space<vmem>>, vector<1x16xf32>,
      %swap3A_1674 = arith.index_cast %scan3A_1669 : i32 to index
      %swap3A_1675 = arith.constant 272 : index
      %swap3A_1676 = tpu.vector_load %arg6[%swap3A_1674, %swap3A_1675] {strides = array<i32>} : memref<64x768xf32, #tpu.memory_space<vmem>>, vector<1x16xf32>,
      %swap3A_1677 = vector.shape_cast %swap3A_1676 : vector<1x16xf32> to vector<16xf32>
      %swap3A_1678 = vector.shape_cast %get3A_1266 : vector<16xf32> to vector<1x16xf32>
      tpu.vector_store %arg6[%swap3A_1674, %swap3A_1675], %swap3A_1678 {strides = array<i32>} : memref<64x768xf32, #tpu.memory_space<vmem>>, vector<1x16xf32>,
      %swap3A_1679 = arith.index_cast %scan3A_1669 : i32 to index
      %swap3A_1680 = arith.constant 288 : index
      %swap3A_1681 = tpu.vector_load %arg6[%swap3A_1679, %swap3A_1680] {strides = array<i32>} : memref<64x768xf32, #tpu.memory_space<vmem>>, vector<1x16xf32>,
      %swap3A_1682 = vector.shape_cast %swap3A_1681 : vector<1x16xf32> to vector<16xf32>
      %swap3A_1683 = vector.shape_cast %get3A_1271 : vector<16xf32> to vector<1x16xf32>
      tpu.vector_store %arg6[%swap3A_1679, %swap3A_1680], %swap3A_1683 {strides = array<i32>} : memref<64x768xf32, #tpu.memory_space<vmem>>, vector<1x16xf32>,
      %swap3A_1684 = arith.index_cast %scan3A_1669 : i32 to index
      %swap3A_1685 = arith.constant 304 : index
      %swap3A_1686 = tpu.vector_load %arg6[%swap3A_1684, %swap3A_1685] {strides = array<i32>} : memref<64x768xf32, #tpu.memory_space<vmem>>, vector<1x16xf32>,
      %swap3A_1687 = vector.shape_cast %swap3A_1686 : vector<1x16xf32> to vector<16xf32>
      %swap3A_1688 = vector.shape_cast %get3A_1276 : vector<16xf32> to vector<1x16xf32>
      tpu.vector_store %arg6[%swap3A_1684, %swap3A_1685], %swap3A_1688 {strides = array<i32>} : memref<64x768xf32, #tpu.memory_space<vmem>>, vector<1x16xf32>,
      %swap3A_1689 = arith.index_cast %scan3A_1669 : i32 to index
      %swap3A_1690 = arith.constant 320 : index
      %swap3A_1691 = tpu.vector_load %arg6[%swap3A_1689, %swap3A_1690] {strides = array<i32>} : memref<64x768xf32, #tpu.memory_space<vmem>>, vector<1x16xf32>,
      %swap3A_1692 = vector.shape_cast %swap3A_1691 : vector<1x16xf32> to vector<16xf32>
      %swap3A_1693 = vector.shape_cast %get3A_1281 : vector<16xf32> to vector<1x16xf32>
      tpu.vector_store %arg6[%swap3A_1689, %swap3A_1690], %swap3A_1693 {strides = array<i32>} : memref<64x768xf32, #tpu.memory_space<vmem>>, vector<1x16xf32>,
      %swap3A_1694 = arith.index_cast %scan3A_1669 : i32 to index
      %swap3A_1695 = arith.constant 336 : index
      %swap3A_1696 = tpu.vector_load %arg6[%swap3A_1694, %swap3A_1695] {strides = array<i32>} : memref<64x768xf32, #tpu.memory_space<vmem>>, vector<1x16xf32>,
      %swap3A_1697 = vector.shape_cast %swap3A_1696 : vector<1x16xf32> to vector<16xf32>
      %swap3A_1698 = vector.shape_cast %get3A_1286 : vector<16xf32> to vector<1x16xf32>
      tpu.vector_store %arg6[%swap3A_1694, %swap3A_1695], %swap3A_1698 {strides = array<i32>} : memref<64x768xf32, #tpu.memory_space<vmem>>, vector<1x16xf32>,
      %swap3A_1699 = arith.index_cast %scan3A_1669 : i32 to index
      %swap3A_1700 = arith.constant 352 : index
      %swap3A_1701 = tpu.vector_load %arg6[%swap3A_1699, %swap3A_1700] {strides = array<i32>} : memref<64x768xf32, #tpu.memory_space<vmem>>, vector<1x16xf32>,
      %swap3A_1702 = vector.shape_cast %swap3A_1701 : vector<1x16xf32> to vector<16xf32>
      %swap3A_1703 = vector.shape_cast %get3A_1291 : vector<16xf32> to vector<1x16xf32>
      tpu.vector_store %arg6[%swap3A_1699, %swap3A_1700], %swap3A_1703 {strides = array<i32>} : memref<64x768xf32, #tpu.memory_space<vmem>>, vector<1x16xf32>,
      %swap3A_1704 = arith.index_cast %scan3A_1669 : i32 to index
      %swap3A_1705 = arith.constant 368 : index
      %swap3A_1706 = tpu.vector_load %arg6[%swap3A_1704, %swap3A_1705] {strides = array<i32>} : memref<64x768xf32, #tpu.memory_space<vmem>>, vector<1x16xf32>,
      %swap3A_1707 = vector.shape_cast %swap3A_1706 : vector<1x16xf32> to vector<16xf32>
      %swap3A_1708 = vector.shape_cast %get3A_1296 : vector<16xf32> to vector<1x16xf32>
      tpu.vector_store %arg6[%swap3A_1704, %swap3A_1705], %swap3A_1708 {strides = array<i32>} : memref<64x768xf32, #tpu.memory_space<vmem>>, vector<1x16xf32>,
      %swap3A_1709 = arith.index_cast %scan3A_1669 : i32 to index
      %swap3A_1710 = arith.constant 384 : index
      %swap3A_1711 = tpu.vector_load %arg6[%swap3A_1709, %swap3A_1710] {strides = array<i32>} : memref<64x768xf32, #tpu.memory_space<vmem>>, vector<1x16xf32>,
      %swap3A_1712 = vector.shape_cast %swap3A_1711 : vector<1x16xf32> to vector<16xf32>
      %swap3A_1713 = vector.shape_cast %get3A_1301 : vector<16xf32> to vector<1x16xf32>
      tpu.vector_store %arg6[%swap3A_1709, %swap3A_1710], %swap3A_1713 {strides = array<i32>} : memref<64x768xf32, #tpu.memory_space<vmem>>, vector<1x16xf32>,
      %swap3A_1714 = arith.index_cast %scan3A_1669 : i32 to index
      %swap3A_1715 = arith.constant 400 : index
      %swap3A_1716 = tpu.vector_load %arg6[%swap3A_1714, %swap3A_1715] {strides = array<i32>} : memref<64x768xf32, #tpu.memory_space<vmem>>, vector<1x16xf32>,
      %swap3A_1717 = vector.shape_cast %swap3A_1716 : vector<1x16xf32> to vector<16xf32>
      %swap3A_1718 = vector.shape_cast %get3A_1306 : vector<16xf32> to vector<1x16xf32>
      tpu.vector_store %arg6[%swap3A_1714, %swap3A_1715], %swap3A_1718 {strides = array<i32>} : memref<64x768xf32, #tpu.memory_space<vmem>>, vector<1x16xf32>,
      %swap3A_1719 = arith.index_cast %scan3A_1669 : i32 to index
      %swap3A_1720 = arith.constant 416 : index
      %swap3A_1721 = tpu.vector_load %arg6[%swap3A_1719, %swap3A_1720] {strides = array<i32>} : memref<64x768xf32, #tpu.memory_space<vmem>>, vector<1x16xf32>,
      %swap3A_1722 = vector.shape_cast %swap3A_1721 : vector<1x16xf32> to vector<16xf32>
      %swap3A_1723 = vector.shape_cast %get3A_1311 : vector<16xf32> to vector<1x16xf32>
      tpu.vector_store %arg6[%swap3A_1719, %swap3A_1720], %swap3A_1723 {strides = array<i32>} : memref<64x768xf32, #tpu.memory_space<vmem>>, vector<1x16xf32>,
      %swap3A_1724 = arith.index_cast %scan3A_1669 : i32 to index
      %swap3A_1725 = arith.constant 432 : index
      %swap3A_1726 = tpu.vector_load %arg6[%swap3A_1724, %swap3A_1725] {strides = array<i32>} : memref<64x768xf32, #tpu.memory_space<vmem>>, vector<1x16xf32>,
      %swap3A_1727 = vector.shape_cast %swap3A_1726 : vector<1x16xf32> to vector<16xf32>
      %swap3A_1728 = vector.shape_cast %get3A_1316 : vector<16xf32> to vector<1x16xf32>
      tpu.vector_store %arg6[%swap3A_1724, %swap3A_1725], %swap3A_1728 {strides = array<i32>} : memref<64x768xf32, #tpu.memory_space<vmem>>, vector<1x16xf32>,
      %swap3A_1729 = arith.index_cast %scan3A_1669 : i32 to index
      %swap3A_1730 = arith.constant 448 : index
      %swap3A_1731 = tpu.vector_load %arg6[%swap3A_1729, %swap3A_1730] {strides = array<i32>} : memref<64x768xf32, #tpu.memory_space<vmem>>, vector<1x16xf32>,
      %swap3A_1732 = vector.shape_cast %swap3A_1731 : vector<1x16xf32> to vector<16xf32>
      %swap3A_1733 = vector.shape_cast %get3A_1321 : vector<16xf32> to vector<1x16xf32>
      tpu.vector_store %arg6[%swap3A_1729, %swap3A_1730], %swap3A_1733 {strides = array<i32>} : memref<64x768xf32, #tpu.memory_space<vmem>>, vector<1x16xf32>,
      %swap3A_1734 = arith.index_cast %scan3A_1669 : i32 to index
      %swap3A_1735 = arith.constant 464 : index
      %swap3A_1736 = tpu.vector_load %arg6[%swap3A_1734, %swap3A_1735] {strides = array<i32>} : memref<64x768xf32, #tpu.memory_space<vmem>>, vector<1x16xf32>,
      %swap3A_1737 = vector.shape_cast %swap3A_1736 : vector<1x16xf32> to vector<16xf32>
      %swap3A_1738 = vector.shape_cast %get3A_1326 : vector<16xf32> to vector<1x16xf32>
      tpu.vector_store %arg6[%swap3A_1734, %swap3A_1735], %swap3A_1738 {strides = array<i32>} : memref<64x768xf32, #tpu.memory_space<vmem>>, vector<1x16xf32>,
      %swap3A_1739 = arith.index_cast %scan3A_1669 : i32 to index
      %swap3A_1740 = arith.constant 480 : index
      %swap3A_1741 = tpu.vector_load %arg6[%swap3A_1739, %swap3A_1740] {strides = array<i32>} : memref<64x768xf32, #tpu.memory_space<vmem>>, vector<1x16xf32>,
      %swap3A_1742 = vector.shape_cast %swap3A_1741 : vector<1x16xf32> to vector<16xf32>
      %swap3A_1743 = vector.shape_cast %get3A_1331 : vector<16xf32> to vector<1x16xf32>
      tpu.vector_store %arg6[%swap3A_1739, %swap3A_1740], %swap3A_1743 {strides = array<i32>} : memref<64x768xf32, #tpu.memory_space<vmem>>, vector<1x16xf32>,
      %swap3A_1744 = arith.index_cast %scan3A_1669 : i32 to index
      %swap3A_1745 = arith.constant 496 : index
      %swap3A_1746 = tpu.vector_load %arg6[%swap3A_1744, %swap3A_1745] {strides = array<i32>} : memref<64x768xf32, #tpu.memory_space<vmem>>, vector<1x16xf32>,
      %swap3A_1747 = vector.shape_cast %swap3A_1746 : vector<1x16xf32> to vector<16xf32>
      %swap3A_1748 = vector.shape_cast %get3A_1336 : vector<16xf32> to vector<1x16xf32>
      tpu.vector_store %arg6[%swap3A_1744, %swap3A_1745], %swap3A_1748 {strides = array<i32>} : memref<64x768xf32, #tpu.memory_space<vmem>>, vector<1x16xf32>,
    }
    %scan3A_1342 = arith.constant 64 : i32
    %mul3A_1343 = arith.constant 8 : i32
    %mul3A_1344 = arith.muli %add3A, %mul3A_1343 : i32
    %mul3A_1345 = arith.constant 64 : i32
    %mul3A_1346 = arith.muli %mul3A_1344, %mul3A_1345 : i32
    %add3A_1347 = arith.constant 0 : i32
    %add3A_1348 = arith.addi %add3A_1347, %mul3A_1346 : i32
    %add3A_1349 = arith.constant 384 : i32
    %add3A_1350 = arith.addi %add3A_1348, %add3A_1349 : i32
    %dma_start3A_1351 = arith.constant 0 : i32
    %dma_start3A_1352 = tpu.memref_slice %arg5[%add3A_1350, %dma_start3A_1351] : memref<65536x768xf32, #tpu.memory_space<hbm>> -> memref<64x768xf32, #tpu.memory_space<hbm>>
    %dma_start3A_1353 = arith.constant 0 : i32
    %dma_start3A_1354 = tpu.memref_slice %arg5[%add3A_1350, %dma_start3A_1353] : memref<65536x768xf32, #tpu.memory_space<hbm>> -> memref<64x768xf32, #tpu.memory_space<hbm>>
    tpu.enqueue_dma source(%arg6 : memref<64x768xf32, #tpu.memory_space<vmem>>) target(%dma_start3A_1354 : memref<64x768xf32, #tpu.memory_space<hbm>>) target_semaphore(%arg11 : memref<!tpu.dma_semaphore, #tpu.memory_space<semaphore_mem>>)
    %mul3A_1355 = arith.constant 8 : i32
    %mul3A_1356 = arith.muli %add3A, %mul3A_1355 : i32
    %mul3A_1357 = arith.constant 64 : i32
    %mul3A_1358 = arith.muli %mul3A_1356, %mul3A_1357 : i32
    %add3A_1359 = arith.constant 16384 : i32
    %add3A_1360 = arith.addi %add3A_1359, %mul3A_1358 : i32
    %add3A_1361 = arith.constant 384 : i32
    %add3A_1362 = arith.addi %add3A_1360, %add3A_1361 : i32
    %dma_start3A_1363 = arith.constant 0 : i32
    %dma_start3A_1364 = tpu.memref_slice %arg5[%add3A_1362, %dma_start3A_1363] : memref<65536x768xf32, #tpu.memory_space<hbm>> -> memref<64x768xf32, #tpu.memory_space<hbm>>
    %dma_start3A_1365 = arith.constant 0 : i32
    %dma_start3A_1366 = tpu.memref_slice %arg5[%add3A_1362, %dma_start3A_1365] : memref<65536x768xf32, #tpu.memory_space<hbm>> -> memref<64x768xf32, #tpu.memory_space<hbm>>
    tpu.enqueue_dma source(%arg6 : memref<64x768xf32, #tpu.memory_space<vmem>>) target(%dma_start3A_1366 : memref<64x768xf32, #tpu.memory_space<hbm>>) target_semaphore(%arg11 : memref<!tpu.dma_semaphore, #tpu.memory_space<semaphore_mem>>)
    %mul3A_1367 = arith.constant 8 : i32
    %mul3A_1368 = arith.muli %add3A, %mul3A_1367 : i32
    %mul3A_1369 = arith.constant 64 : i32
    %mul3A_1370 = arith.muli %mul3A_1368, %mul3A_1369 : i32
    %add3A_1371 = arith.constant 32768 : i32
    %add3A_1372 = arith.addi %add3A_1371, %mul3A_1370 : i32
    %add3A_1373 = arith.constant 384 : i32
    %add3A_1374 = arith.addi %add3A_1372, %add3A_1373 : i32
    %dma_start3A_1375 = arith.constant 0 : i32
    %dma_start3A_1376 = tpu.memref_slice %arg5[%add3A_1374, %dma_start3A_1375] : memref<65536x768xf32, #tpu.memory_space<hbm>> -> memref<64x768xf32, #tpu.memory_space<hbm>>
    %dma_start3A_1377 = arith.constant 0 : i32
    %dma_start3A_1378 = tpu.memref_slice %arg5[%add3A_1374, %dma_start3A_1377] : memref<65536x768xf32, #tpu.memory_space<hbm>> -> memref<64x768xf32, #tpu.memory_space<hbm>>
    tpu.enqueue_dma source(%arg6 : memref<64x768xf32, #tpu.memory_space<vmem>>) target(%dma_start3A_1378 : memref<64x768xf32, #tpu.memory_space<hbm>>) target_semaphore(%arg11 : memref<!tpu.dma_semaphore, #tpu.memory_space<semaphore_mem>>)
    %mul3A_1379 = arith.constant 8 : i32
    %mul3A_1380 = arith.muli %add3A, %mul3A_1379 : i32
    %mul3A_1381 = arith.constant 64 : i32
    %mul3A_1382 = arith.muli %mul3A_1380, %mul3A_1381 : i32
    %add3A_1383 = arith.constant 49152 : i32
    %add3A_1384 = arith.addi %add3A_1383, %mul3A_1382 : i32
    %add3A_1385 = arith.constant 384 : i32
    %add3A_1386 = arith.addi %add3A_1384, %add3A_1385 : i32
    %dma_start3A_1387 = arith.constant 0 : i32
    %dma_start3A_1388 = tpu.memref_slice %arg5[%add3A_1386, %dma_start3A_1387] : memref<65536x768xf32, #tpu.memory_space<hbm>> -> memref<64x768xf32, #tpu.memory_space<hbm>>
    %dma_start3A_1389 = arith.constant 0 : i32
    %dma_start3A_1390 = tpu.memref_slice %arg5[%add3A_1386, %dma_start3A_1389] : memref<65536x768xf32, #tpu.memory_space<hbm>> -> memref<64x768xf32, #tpu.memory_space<hbm>>
    tpu.enqueue_dma source(%arg6 : memref<64x768xf32, #tpu.memory_space<vmem>>) target(%dma_start3A_1390 : memref<64x768xf32, #tpu.memory_space<hbm>>) target_semaphore(%arg11 : memref<!tpu.dma_semaphore, #tpu.memory_space<semaphore_mem>>)
    %mul3A_1391 = arith.constant 8 : i32
    %mul3A_1392 = arith.muli %add3A, %mul3A_1391 : i32
    %mul3A_1393 = arith.constant 64 : i32
    %mul3A_1394 = arith.muli %mul3A_1392, %mul3A_1393 : i32
    %add3A_1395 = arith.constant 0 : i32
    %add3A_1396 = arith.addi %add3A_1395, %mul3A_1394 : i32
    %add3A_1397 = arith.constant 320 : i32
    %add3A_1398 = arith.addi %add3A_1396, %add3A_1397 : i32
    %dma_wait3A_1399 = arith.constant 0 : i32
    %dma_wait3A_1400 = tpu.memref_slice %arg5[%add3A_1398, %dma_wait3A_1399] : memref<65536x768xf32, #tpu.memory_space<hbm>> -> memref<64x768xf32, #tpu.memory_space<hbm>>
    %dma_wait3A_1401 = arith.constant 0 : i32
    %dma_wait3A_1402 = tpu.memref_slice %arg5[%add3A_1398, %dma_wait3A_1401] : memref<65536x768xf32, #tpu.memory_space<hbm>> -> memref<64x768xf32, #tpu.memory_space<hbm>>
    tpu.wait_dma2 semaphore(%arg12 : memref<!tpu.dma_semaphore, #tpu.memory_space<semaphore_mem>>) src(%arg7 : memref<64x768xf32, #tpu.memory_space<vmem>>) dst(%dma_wait3A_1402 : memref<64x768xf32, #tpu.memory_space<hbm>>)
    %mul3A_1403 = arith.constant 8 : i32
    %mul3A_1404 = arith.muli %add3A, %mul3A_1403 : i32
    %mul3A_1405 = arith.constant 64 : i32
    %mul3A_1406 = arith.muli %mul3A_1404, %mul3A_1405 : i32
    %add3A_1407 = arith.constant 16384 : i32
    %add3A_1408 = arith.addi %add3A_1407, %mul3A_1406 : i32
    %add3A_1409 = arith.constant 320 : i32
    %add3A_1410 = arith.addi %add3A_1408, %add3A_1409 : i32
    %dma_wait3A_1411 = arith.constant 0 : i32
    %dma_wait3A_1412 = tpu.memref_slice %arg5[%add3A_1410, %dma_wait3A_1411] : memref<65536x768xf32, #tpu.memory_space<hbm>> -> memref<64x768xf32, #tpu.memory_space<hbm>>
    %dma_wait3A_1413 = arith.constant 0 : i32
    %dma_wait3A_1414 = tpu.memref_slice %arg5[%add3A_1410, %dma_wait3A_1413] : memref<65536x768xf32, #tpu.memory_space<hbm>> -> memref<64x768xf32, #tpu.memory_space<hbm>>
    tpu.wait_dma2 semaphore(%arg12 : memref<!tpu.dma_semaphore, #tpu.memory_space<semaphore_mem>>) src(%arg7 : memref<64x768xf32, #tpu.memory_space<vmem>>) dst(%dma_wait3A_1414 : memref<64x768xf32, #tpu.memory_space<hbm>>)
    %mul3A_1415 = arith.constant 8 : i32
    %mul3A_1416 = arith.muli %add3A, %mul3A_1415 : i32
    %mul3A_1417 = arith.constant 64 : i32
    %mul3A_1418 = arith.muli %mul3A_1416, %mul3A_1417 : i32
    %add3A_1419 = arith.constant 32768 : i32
    %add3A_1420 = arith.addi %add3A_1419, %mul3A_1418 : i32
    %add3A_1421 = arith.constant 320 : i32
    %add3A_1422 = arith.addi %add3A_1420, %add3A_1421 : i32
    %dma_wait3A_1423 = arith.constant 0 : i32
    %dma_wait3A_1424 = tpu.memref_slice %arg5[%add3A_1422, %dma_wait3A_1423] : memref<65536x768xf32, #tpu.memory_space<hbm>> -> memref<64x768xf32, #tpu.memory_space<hbm>>
    %dma_wait3A_1425 = arith.constant 0 : i32
    %dma_wait3A_1426 = tpu.memref_slice %arg5[%add3A_1422, %dma_wait3A_1425] : memref<65536x768xf32, #tpu.memory_space<hbm>> -> memref<64x768xf32, #tpu.memory_space<hbm>>
    tpu.wait_dma2 semaphore(%arg12 : memref<!tpu.dma_semaphore, #tpu.memory_space<semaphore_mem>>) src(%arg7 : memref<64x768xf32, #tpu.memory_space<vmem>>) dst(%dma_wait3A_1426 : memref<64x768xf32, #tpu.memory_space<hbm>>)
    %mul3A_1427 = arith.constant 8 : i32
    %mul3A_1428 = arith.muli %add3A, %mul3A_1427 : i32
    %mul3A_1429 = arith.constant 64 : i32
    %mul3A_1430 = arith.muli %mul3A_1428, %mul3A_1429 : i32
    %add3A_1431 = arith.constant 49152 : i32
    %add3A_1432 = arith.addi %add3A_1431, %mul3A_1430 : i32
    %add3A_1433 = arith.constant 320 : i32
    %add3A_1434 = arith.addi %add3A_1432, %add3A_1433 : i32
    %dma_wait3A_1435 = arith.constant 0 : i32
    %dma_wait3A_1436 = tpu.memref_slice %arg5[%add3A_1434, %dma_wait3A_1435] : memref<65536x768xf32, #tpu.memory_space<hbm>> -> memref<64x768xf32, #tpu.memory_space<hbm>>
    %dma_wait3A_1437 = arith.constant 0 : i32
    %dma_wait3A_1438 = tpu.memref_slice %arg5[%add3A_1434, %dma_wait3A_1437] : memref<65536x768xf32, #tpu.memory_space<hbm>> -> memref<64x768xf32, #tpu.memory_space<hbm>>
    tpu.wait_dma2 semaphore(%arg12 : memref<!tpu.dma_semaphore, #tpu.memory_space<semaphore_mem>>) src(%arg7 : memref<64x768xf32, #tpu.memory_space<vmem>>) dst(%dma_wait3A_1438 : memref<64x768xf32, #tpu.memory_space<hbm>>)
    %get3A_1439 = arith.constant 7 : i32
    %get3A_1440 = arith.index_cast %get3A_1439 : i32 to index
    %get3A_1441 = arith.constant 0 : index
    %get3A_1442 = tpu.vector_load %arg9[%get3A_1440, %get3A_1441] {strides = array<i32>} : memref<8x256xf32, #tpu.memory_space<vmem>>, vector<1x16xf32>,
    %get3A_1443 = vector.shape_cast %get3A_1442 : vector<1x16xf32> to vector<16xf32>
    %get3A_1444 = arith.constant 7 : i32
    %get3A_1445 = arith.index_cast %get3A_1444 : i32 to index
    %get3A_1446 = arith.constant 16 : index
    %get3A_1447 = tpu.vector_load %arg9[%get3A_1445, %get3A_1446] {strides = array<i32>} : memref<8x256xf32, #tpu.memory_space<vmem>>, vector<1x16xf32>,
    %get3A_1448 = vector.shape_cast %get3A_1447 : vector<1x16xf32> to vector<16xf32>
    %get3A_1449 = arith.constant 7 : i32
    %get3A_1450 = arith.index_cast %get3A_1449 : i32 to index
    %get3A_1451 = arith.constant 32 : index
    %get3A_1452 = tpu.vector_load %arg9[%get3A_1450, %get3A_1451] {strides = array<i32>} : memref<8x256xf32, #tpu.memory_space<vmem>>, vector<1x16xf32>,
    %get3A_1453 = vector.shape_cast %get3A_1452 : vector<1x16xf32> to vector<16xf32>
    %get3A_1454 = arith.constant 7 : i32
    %get3A_1455 = arith.index_cast %get3A_1454 : i32 to index
    %get3A_1456 = arith.constant 48 : index
    %get3A_1457 = tpu.vector_load %arg9[%get3A_1455, %get3A_1456] {strides = array<i32>} : memref<8x256xf32, #tpu.memory_space<vmem>>, vector<1x16xf32>,
    %get3A_1458 = vector.shape_cast %get3A_1457 : vector<1x16xf32> to vector<16xf32>
    %get3A_1459 = arith.constant 7 : i32
    %get3A_1460 = arith.index_cast %get3A_1459 : i32 to index
    %get3A_1461 = arith.constant 64 : index
    %get3A_1462 = tpu.vector_load %arg9[%get3A_1460, %get3A_1461] {strides = array<i32>} : memref<8x256xf32, #tpu.memory_space<vmem>>, vector<1x16xf32>,
    %get3A_1463 = vector.shape_cast %get3A_1462 : vector<1x16xf32> to vector<16xf32>
    %get3A_1464 = arith.constant 7 : i32
    %get3A_1465 = arith.index_cast %get3A_1464 : i32 to index
    %get3A_1466 = arith.constant 80 : index
    %get3A_1467 = tpu.vector_load %arg9[%get3A_1465, %get3A_1466] {strides = array<i32>} : memref<8x256xf32, #tpu.memory_space<vmem>>, vector<1x16xf32>,
    %get3A_1468 = vector.shape_cast %get3A_1467 : vector<1x16xf32> to vector<16xf32>
    %get3A_1469 = arith.constant 7 : i32
    %get3A_1470 = arith.index_cast %get3A_1469 : i32 to index
    %get3A_1471 = arith.constant 96 : index
    %get3A_1472 = tpu.vector_load %arg9[%get3A_1470, %get3A_1471] {strides = array<i32>} : memref<8x256xf32, #tpu.memory_space<vmem>>, vector<1x16xf32>,
    %get3A_1473 = vector.shape_cast %get3A_1472 : vector<1x16xf32> to vector<16xf32>
    %get3A_1474 = arith.constant 7 : i32
    %get3A_1475 = arith.index_cast %get3A_1474 : i32 to index
    %get3A_1476 = arith.constant 112 : index
    %get3A_1477 = tpu.vector_load %arg9[%get3A_1475, %get3A_1476] {strides = array<i32>} : memref<8x256xf32, #tpu.memory_space<vmem>>, vector<1x16xf32>,
    %get3A_1478 = vector.shape_cast %get3A_1477 : vector<1x16xf32> to vector<16xf32>
    %get3A_1479 = arith.constant 7 : i32
    %get3A_1480 = arith.index_cast %get3A_1479 : i32 to index
    %get3A_1481 = arith.constant 128 : index
    %get3A_1482 = tpu.vector_load %arg9[%get3A_1480, %get3A_1481] {strides = array<i32>} : memref<8x256xf32, #tpu.memory_space<vmem>>, vector<1x16xf32>,
    %get3A_1483 = vector.shape_cast %get3A_1482 : vector<1x16xf32> to vector<16xf32>
    %get3A_1484 = arith.constant 7 : i32
    %get3A_1485 = arith.index_cast %get3A_1484 : i32 to index
    %get3A_1486 = arith.constant 144 : index
    %get3A_1487 = tpu.vector_load %arg9[%get3A_1485, %get3A_1486] {strides = array<i32>} : memref<8x256xf32, #tpu.memory_space<vmem>>, vector<1x16xf32>,
    %get3A_1488 = vector.shape_cast %get3A_1487 : vector<1x16xf32> to vector<16xf32>
    %get3A_1489 = arith.constant 7 : i32
    %get3A_1490 = arith.index_cast %get3A_1489 : i32 to index
    %get3A_1491 = arith.constant 160 : index
    %get3A_1492 = tpu.vector_load %arg9[%get3A_1490, %get3A_1491] {strides = array<i32>} : memref<8x256xf32, #tpu.memory_space<vmem>>, vector<1x16xf32>,
    %get3A_1493 = vector.shape_cast %get3A_1492 : vector<1x16xf32> to vector<16xf32>
    %get3A_1494 = arith.constant 7 : i32
    %get3A_1495 = arith.index_cast %get3A_1494 : i32 to index
    %get3A_1496 = arith.constant 176 : index
    %get3A_1497 = tpu.vector_load %arg9[%get3A_1495, %get3A_1496] {strides = array<i32>} : memref<8x256xf32, #tpu.memory_space<vmem>>, vector<1x16xf32>,
    %get3A_1498 = vector.shape_cast %get3A_1497 : vector<1x16xf32> to vector<16xf32>
    %get3A_1499 = arith.constant 7 : i32
    %get3A_1500 = arith.index_cast %get3A_1499 : i32 to index
    %get3A_1501 = arith.constant 192 : index
    %get3A_1502 = tpu.vector_load %arg9[%get3A_1500, %get3A_1501] {strides = array<i32>} : memref<8x256xf32, #tpu.memory_space<vmem>>, vector<1x16xf32>,
    %get3A_1503 = vector.shape_cast %get3A_1502 : vector<1x16xf32> to vector<16xf32>
    %get3A_1504 = arith.constant 7 : i32
    %get3A_1505 = arith.index_cast %get3A_1504 : i32 to index
    %get3A_1506 = arith.constant 208 : index
    %get3A_1507 = tpu.vector_load %arg9[%get3A_1505, %get3A_1506] {strides = array<i32>} : memref<8x256xf32, #tpu.memory_space<vmem>>, vector<1x16xf32>,
    %get3A_1508 = vector.shape_cast %get3A_1507 : vector<1x16xf32> to vector<16xf32>
    %get3A_1509 = arith.constant 7 : i32
    %get3A_1510 = arith.index_cast %get3A_1509 : i32 to index
    %get3A_1511 = arith.constant 224 : index
    %get3A_1512 = tpu.vector_load %arg9[%get3A_1510, %get3A_1511] {strides = array<i32>} : memref<8x256xf32, #tpu.memory_space<vmem>>, vector<1x16xf32>,
    %get3A_1513 = vector.shape_cast %get3A_1512 : vector<1x16xf32> to vector<16xf32>
    %get3A_1514 = arith.constant 7 : i32
    %get3A_1515 = arith.index_cast %get3A_1514 : i32 to index
    %get3A_1516 = arith.constant 240 : index
    %get3A_1517 = tpu.vector_load %arg9[%get3A_1515, %get3A_1516] {strides = array<i32>} : memref<8x256xf32, #tpu.memory_space<vmem>>, vector<1x16xf32>,
    %get3A_1518 = vector.shape_cast %get3A_1517 : vector<1x16xf32> to vector<16xf32>
    %scan3A_1519 = arith.constant 0 : i32
    %scan3A_1520 = arith.constant 0 : i32
    %scan3A_1521 = arith.constant 64 : i32
    %scan3A_1522 = arith.addi %scan3A_1520, %scan3A_1521 : i32
    %scan3A_1523 = arith.constant 1 : i32
    scf.for %scan3A_1669 = %scan3A_1520 to %scan3A_1522 step %scan3A_1523  : i32 {
      %swap3A = arith.index_cast %scan3A_1669 : i32 to index
      %swap3A_1670 = arith.constant 256 : index
      %swap3A_1671 = tpu.vector_load %arg7[%swap3A, %swap3A_1670] {strides = array<i32>} : memref<64x768xf32, #tpu.memory_space<vmem>>, vector<1x16xf32>,
      %swap3A_1672 = vector.shape_cast %swap3A_1671 : vector<1x16xf32> to vector<16xf32>
      %swap3A_1673 = vector.shape_cast %get3A_1443 : vector<16xf32> to vector<1x16xf32>
      tpu.vector_store %arg7[%swap3A, %swap3A_1670], %swap3A_1673 {strides = array<i32>} : memref<64x768xf32, #tpu.memory_space<vmem>>, vector<1x16xf32>,
      %swap3A_1674 = arith.index_cast %scan3A_1669 : i32 to index
      %swap3A_1675 = arith.constant 272 : index
      %swap3A_1676 = tpu.vector_load %arg7[%swap3A_1674, %swap3A_1675] {strides = array<i32>} : memref<64x768xf32, #tpu.memory_space<vmem>>, vector<1x16xf32>,
      %swap3A_1677 = vector.shape_cast %swap3A_1676 : vector<1x16xf32> to vector<16xf32>
      %swap3A_1678 = vector.shape_cast %get3A_1448 : vector<16xf32> to vector<1x16xf32>
      tpu.vector_store %arg7[%swap3A_1674, %swap3A_1675], %swap3A_1678 {strides = array<i32>} : memref<64x768xf32, #tpu.memory_space<vmem>>, vector<1x16xf32>,
      %swap3A_1679 = arith.index_cast %scan3A_1669 : i32 to index
      %swap3A_1680 = arith.constant 288 : index
      %swap3A_1681 = tpu.vector_load %arg7[%swap3A_1679, %swap3A_1680] {strides = array<i32>} : memref<64x768xf32, #tpu.memory_space<vmem>>, vector<1x16xf32>,
      %swap3A_1682 = vector.shape_cast %swap3A_1681 : vector<1x16xf32> to vector<16xf32>
      %swap3A_1683 = vector.shape_cast %get3A_1453 : vector<16xf32> to vector<1x16xf32>
      tpu.vector_store %arg7[%swap3A_1679, %swap3A_1680], %swap3A_1683 {strides = array<i32>} : memref<64x768xf32, #tpu.memory_space<vmem>>, vector<1x16xf32>,
      %swap3A_1684 = arith.index_cast %scan3A_1669 : i32 to index
      %swap3A_1685 = arith.constant 304 : index
      %swap3A_1686 = tpu.vector_load %arg7[%swap3A_1684, %swap3A_1685] {strides = array<i32>} : memref<64x768xf32, #tpu.memory_space<vmem>>, vector<1x16xf32>,
      %swap3A_1687 = vector.shape_cast %swap3A_1686 : vector<1x16xf32> to vector<16xf32>
      %swap3A_1688 = vector.shape_cast %get3A_1458 : vector<16xf32> to vector<1x16xf32>
      tpu.vector_store %arg7[%swap3A_1684, %swap3A_1685], %swap3A_1688 {strides = array<i32>} : memref<64x768xf32, #tpu.memory_space<vmem>>, vector<1x16xf32>,
      %swap3A_1689 = arith.index_cast %scan3A_1669 : i32 to index
      %swap3A_1690 = arith.constant 320 : index
      %swap3A_1691 = tpu.vector_load %arg7[%swap3A_1689, %swap3A_1690] {strides = array<i32>} : memref<64x768xf32, #tpu.memory_space<vmem>>, vector<1x16xf32>,
      %swap3A_1692 = vector.shape_cast %swap3A_1691 : vector<1x16xf32> to vector<16xf32>
      %swap3A_1693 = vector.shape_cast %get3A_1463 : vector<16xf32> to vector<1x16xf32>
      tpu.vector_store %arg7[%swap3A_1689, %swap3A_1690], %swap3A_1693 {strides = array<i32>} : memref<64x768xf32, #tpu.memory_space<vmem>>, vector<1x16xf32>,
      %swap3A_1694 = arith.index_cast %scan3A_1669 : i32 to index
      %swap3A_1695 = arith.constant 336 : index
      %swap3A_1696 = tpu.vector_load %arg7[%swap3A_1694, %swap3A_1695] {strides = array<i32>} : memref<64x768xf32, #tpu.memory_space<vmem>>, vector<1x16xf32>,
      %swap3A_1697 = vector.shape_cast %swap3A_1696 : vector<1x16xf32> to vector<16xf32>
      %swap3A_1698 = vector.shape_cast %get3A_1468 : vector<16xf32> to vector<1x16xf32>
      tpu.vector_store %arg7[%swap3A_1694, %swap3A_1695], %swap3A_1698 {strides = array<i32>} : memref<64x768xf32, #tpu.memory_space<vmem>>, vector<1x16xf32>,
      %swap3A_1699 = arith.index_cast %scan3A_1669 : i32 to index
      %swap3A_1700 = arith.constant 352 : index
      %swap3A_1701 = tpu.vector_load %arg7[%swap3A_1699, %swap3A_1700] {strides = array<i32>} : memref<64x768xf32, #tpu.memory_space<vmem>>, vector<1x16xf32>,
      %swap3A_1702 = vector.shape_cast %swap3A_1701 : vector<1x16xf32> to vector<16xf32>
      %swap3A_1703 = vector.shape_cast %get3A_1473 : vector<16xf32> to vector<1x16xf32>
      tpu.vector_store %arg7[%swap3A_1699, %swap3A_1700], %swap3A_1703 {strides = array<i32>} : memref<64x768xf32, #tpu.memory_space<vmem>>, vector<1x16xf32>,
      %swap3A_1704 = arith.index_cast %scan3A_1669 : i32 to index
      %swap3A_1705 = arith.constant 368 : index
      %swap3A_1706 = tpu.vector_load %arg7[%swap3A_1704, %swap3A_1705] {strides = array<i32>} : memref<64x768xf32, #tpu.memory_space<vmem>>, vector<1x16xf32>,
      %swap3A_1707 = vector.shape_cast %swap3A_1706 : vector<1x16xf32> to vector<16xf32>
      %swap3A_1708 = vector.shape_cast %get3A_1478 : vector<16xf32> to vector<1x16xf32>
      tpu.vector_store %arg7[%swap3A_1704, %swap3A_1705], %swap3A_1708 {strides = array<i32>} : memref<64x768xf32, #tpu.memory_space<vmem>>, vector<1x16xf32>,
      %swap3A_1709 = arith.index_cast %scan3A_1669 : i32 to index
      %swap3A_1710 = arith.constant 384 : index
      %swap3A_1711 = tpu.vector_load %arg7[%swap3A_1709, %swap3A_1710] {strides = array<i32>} : memref<64x768xf32, #tpu.memory_space<vmem>>, vector<1x16xf32>,
      %swap3A_1712 = vector.shape_cast %swap3A_1711 : vector<1x16xf32> to vector<16xf32>
      %swap3A_1713 = vector.shape_cast %get3A_1483 : vector<16xf32> to vector<1x16xf32>
      tpu.vector_store %arg7[%swap3A_1709, %swap3A_1710], %swap3A_1713 {strides = array<i32>} : memref<64x768xf32, #tpu.memory_space<vmem>>, vector<1x16xf32>,
      %swap3A_1714 = arith.index_cast %scan3A_1669 : i32 to index
      %swap3A_1715 = arith.constant 400 : index
      %swap3A_1716 = tpu.vector_load %arg7[%swap3A_1714, %swap3A_1715] {strides = array<i32>} : memref<64x768xf32, #tpu.memory_space<vmem>>, vector<1x16xf32>,
      %swap3A_1717 = vector.shape_cast %swap3A_1716 : vector<1x16xf32> to vector<16xf32>
      %swap3A_1718 = vector.shape_cast %get3A_1488 : vector<16xf32> to vector<1x16xf32>
      tpu.vector_store %arg7[%swap3A_1714, %swap3A_1715], %swap3A_1718 {strides = array<i32>} : memref<64x768xf32, #tpu.memory_space<vmem>>, vector<1x16xf32>,
      %swap3A_1719 = arith.index_cast %scan3A_1669 : i32 to index
      %swap3A_1720 = arith.constant 416 : index
      %swap3A_1721 = tpu.vector_load %arg7[%swap3A_1719, %swap3A_1720] {strides = array<i32>} : memref<64x768xf32, #tpu.memory_space<vmem>>, vector<1x16xf32>,
      %swap3A_1722 = vector.shape_cast %swap3A_1721 : vector<1x16xf32> to vector<16xf32>
      %swap3A_1723 = vector.shape_cast %get3A_1493 : vector<16xf32> to vector<1x16xf32>
      tpu.vector_store %arg7[%swap3A_1719, %swap3A_1720], %swap3A_1723 {strides = array<i32>} : memref<64x768xf32, #tpu.memory_space<vmem>>, vector<1x16xf32>,
      %swap3A_1724 = arith.index_cast %scan3A_1669 : i32 to index
      %swap3A_1725 = arith.constant 432 : index
      %swap3A_1726 = tpu.vector_load %arg7[%swap3A_1724, %swap3A_1725] {strides = array<i32>} : memref<64x768xf32, #tpu.memory_space<vmem>>, vector<1x16xf32>,
      %swap3A_1727 = vector.shape_cast %swap3A_1726 : vector<1x16xf32> to vector<16xf32>
      %swap3A_1728 = vector.shape_cast %get3A_1498 : vector<16xf32> to vector<1x16xf32>
      tpu.vector_store %arg7[%swap3A_1724, %swap3A_1725], %swap3A_1728 {strides = array<i32>} : memref<64x768xf32, #tpu.memory_space<vmem>>, vector<1x16xf32>,
      %swap3A_1729 = arith.index_cast %scan3A_1669 : i32 to index
      %swap3A_1730 = arith.constant 448 : index
      %swap3A_1731 = tpu.vector_load %arg7[%swap3A_1729, %swap3A_1730] {strides = array<i32>} : memref<64x768xf32, #tpu.memory_space<vmem>>, vector<1x16xf32>,
      %swap3A_1732 = vector.shape_cast %swap3A_1731 : vector<1x16xf32> to vector<16xf32>
      %swap3A_1733 = vector.shape_cast %get3A_1503 : vector<16xf32> to vector<1x16xf32>
      tpu.vector_store %arg7[%swap3A_1729, %swap3A_1730], %swap3A_1733 {strides = array<i32>} : memref<64x768xf32, #tpu.memory_space<vmem>>, vector<1x16xf32>,
      %swap3A_1734 = arith.index_cast %scan3A_1669 : i32 to index
      %swap3A_1735 = arith.constant 464 : index
      %swap3A_1736 = tpu.vector_load %arg7[%swap3A_1734, %swap3A_1735] {strides = array<i32>} : memref<64x768xf32, #tpu.memory_space<vmem>>, vector<1x16xf32>,
      %swap3A_1737 = vector.shape_cast %swap3A_1736 : vector<1x16xf32> to vector<16xf32>
      %swap3A_1738 = vector.shape_cast %get3A_1508 : vector<16xf32> to vector<1x16xf32>
      tpu.vector_store %arg7[%swap3A_1734, %swap3A_1735], %swap3A_1738 {strides = array<i32>} : memref<64x768xf32, #tpu.memory_space<vmem>>, vector<1x16xf32>,
      %swap3A_1739 = arith.index_cast %scan3A_1669 : i32 to index
      %swap3A_1740 = arith.constant 480 : index
      %swap3A_1741 = tpu.vector_load %arg7[%swap3A_1739, %swap3A_1740] {strides = array<i32>} : memref<64x768xf32, #tpu.memory_space<vmem>>, vector<1x16xf32>,
      %swap3A_1742 = vector.shape_cast %swap3A_1741 : vector<1x16xf32> to vector<16xf32>
      %swap3A_1743 = vector.shape_cast %get3A_1513 : vector<16xf32> to vector<1x16xf32>
      tpu.vector_store %arg7[%swap3A_1739, %swap3A_1740], %swap3A_1743 {strides = array<i32>} : memref<64x768xf32, #tpu.memory_space<vmem>>, vector<1x16xf32>,
      %swap3A_1744 = arith.index_cast %scan3A_1669 : i32 to index
      %swap3A_1745 = arith.constant 496 : index
      %swap3A_1746 = tpu.vector_load %arg7[%swap3A_1744, %swap3A_1745] {strides = array<i32>} : memref<64x768xf32, #tpu.memory_space<vmem>>, vector<1x16xf32>,
      %swap3A_1747 = vector.shape_cast %swap3A_1746 : vector<1x16xf32> to vector<16xf32>
      %swap3A_1748 = vector.shape_cast %get3A_1518 : vector<16xf32> to vector<1x16xf32>
      tpu.vector_store %arg7[%swap3A_1744, %swap3A_1745], %swap3A_1748 {strides = array<i32>} : memref<64x768xf32, #tpu.memory_space<vmem>>, vector<1x16xf32>,
    }
    %scan3A_1524 = arith.constant 64 : i32
    %mul3A_1525 = arith.constant 8 : i32
    %mul3A_1526 = arith.muli %add3A, %mul3A_1525 : i32
    %mul3A_1527 = arith.constant 64 : i32
    %mul3A_1528 = arith.muli %mul3A_1526, %mul3A_1527 : i32
    %add3A_1529 = arith.constant 0 : i32
    %add3A_1530 = arith.addi %add3A_1529, %mul3A_1528 : i32
    %add3A_1531 = arith.constant 448 : i32
    %add3A_1532 = arith.addi %add3A_1530, %add3A_1531 : i32
    %dma_start3A_1533 = arith.constant 0 : i32
    %dma_start3A_1534 = tpu.memref_slice %arg5[%add3A_1532, %dma_start3A_1533] : memref<65536x768xf32, #tpu.memory_space<hbm>> -> memref<64x768xf32, #tpu.memory_space<hbm>>
    %dma_start3A_1535 = arith.constant 0 : i32
    %dma_start3A_1536 = tpu.memref_slice %arg5[%add3A_1532, %dma_start3A_1535] : memref<65536x768xf32, #tpu.memory_space<hbm>> -> memref<64x768xf32, #tpu.memory_space<hbm>>
    tpu.enqueue_dma source(%arg7 : memref<64x768xf32, #tpu.memory_space<vmem>>) target(%dma_start3A_1536 : memref<64x768xf32, #tpu.memory_space<hbm>>) target_semaphore(%arg12 : memref<!tpu.dma_semaphore, #tpu.memory_space<semaphore_mem>>)
    %mul3A_1537 = arith.constant 8 : i32
    %mul3A_1538 = arith.muli %add3A, %mul3A_1537 : i32
    %mul3A_1539 = arith.constant 64 : i32
    %mul3A_1540 = arith.muli %mul3A_1538, %mul3A_1539 : i32
    %add3A_1541 = arith.constant 16384 : i32
    %add3A_1542 = arith.addi %add3A_1541, %mul3A_1540 : i32
    %add3A_1543 = arith.constant 448 : i32
    %add3A_1544 = arith.addi %add3A_1542, %add3A_1543 : i32
    %dma_start3A_1545 = arith.constant 0 : i32
    %dma_start3A_1546 = tpu.memref_slice %arg5[%add3A_1544, %dma_start3A_1545] : memref<65536x768xf32, #tpu.memory_space<hbm>> -> memref<64x768xf32, #tpu.memory_space<hbm>>
    %dma_start3A_1547 = arith.constant 0 : i32
    %dma_start3A_1548 = tpu.memref_slice %arg5[%add3A_1544, %dma_start3A_1547] : memref<65536x768xf32, #tpu.memory_space<hbm>> -> memref<64x768xf32, #tpu.memory_space<hbm>>
    tpu.enqueue_dma source(%arg7 : memref<64x768xf32, #tpu.memory_space<vmem>>) target(%dma_start3A_1548 : memref<64x768xf32, #tpu.memory_space<hbm>>) target_semaphore(%arg12 : memref<!tpu.dma_semaphore, #tpu.memory_space<semaphore_mem>>)
    %mul3A_1549 = arith.constant 8 : i32
    %mul3A_1550 = arith.muli %add3A, %mul3A_1549 : i32
    %mul3A_1551 = arith.constant 64 : i32
    %mul3A_1552 = arith.muli %mul3A_1550, %mul3A_1551 : i32
    %add3A_1553 = arith.constant 32768 : i32
    %add3A_1554 = arith.addi %add3A_1553, %mul3A_1552 : i32
    %add3A_1555 = arith.constant 448 : i32
    %add3A_1556 = arith.addi %add3A_1554, %add3A_1555 : i32
    %dma_start3A_1557 = arith.constant 0 : i32
    %dma_start3A_1558 = tpu.memref_slice %arg5[%add3A_1556, %dma_start3A_1557] : memref<65536x768xf32, #tpu.memory_space<hbm>> -> memref<64x768xf32, #tpu.memory_space<hbm>>
    %dma_start3A_1559 = arith.constant 0 : i32
    %dma_start3A_1560 = tpu.memref_slice %arg5[%add3A_1556, %dma_start3A_1559] : memref<65536x768xf32, #tpu.memory_space<hbm>> -> memref<64x768xf32, #tpu.memory_space<hbm>>
    tpu.enqueue_dma source(%arg7 : memref<64x768xf32, #tpu.memory_space<vmem>>) target(%dma_start3A_1560 : memref<64x768xf32, #tpu.memory_space<hbm>>) target_semaphore(%arg12 : memref<!tpu.dma_semaphore, #tpu.memory_space<semaphore_mem>>)
    %mul3A_1561 = arith.constant 8 : i32
    %mul3A_1562 = arith.muli %add3A, %mul3A_1561 : i32
    %mul3A_1563 = arith.constant 64 : i32
    %mul3A_1564 = arith.muli %mul3A_1562, %mul3A_1563 : i32
    %add3A_1565 = arith.constant 49152 : i32
    %add3A_1566 = arith.addi %add3A_1565, %mul3A_1564 : i32
    %add3A_1567 = arith.constant 448 : i32
    %add3A_1568 = arith.addi %add3A_1566, %add3A_1567 : i32
    %dma_start3A_1569 = arith.constant 0 : i32
    %dma_start3A_1570 = tpu.memref_slice %arg5[%add3A_1568, %dma_start3A_1569] : memref<65536x768xf32, #tpu.memory_space<hbm>> -> memref<64x768xf32, #tpu.memory_space<hbm>>
    %dma_start3A_1571 = arith.constant 0 : i32
    %dma_start3A_1572 = tpu.memref_slice %arg5[%add3A_1568, %dma_start3A_1571] : memref<65536x768xf32, #tpu.memory_space<hbm>> -> memref<64x768xf32, #tpu.memory_space<hbm>>
    tpu.enqueue_dma source(%arg7 : memref<64x768xf32, #tpu.memory_space<vmem>>) target(%dma_start3A_1572 : memref<64x768xf32, #tpu.memory_space<hbm>>) target_semaphore(%arg12 : memref<!tpu.dma_semaphore, #tpu.memory_space<semaphore_mem>>)
    %mul3A_1573 = arith.constant 8 : i32
    %mul3A_1574 = arith.muli %add3A, %mul3A_1573 : i32
    %mul3A_1575 = arith.constant 64 : i32
    %mul3A_1576 = arith.muli %mul3A_1574, %mul3A_1575 : i32
    %add3A_1577 = arith.constant 0 : i32
    %add3A_1578 = arith.addi %add3A_1577, %mul3A_1576 : i32
    %add3A_1579 = arith.constant 384 : i32
    %add3A_1580 = arith.addi %add3A_1578, %add3A_1579 : i32
    %dma_wait3A_1581 = arith.constant 0 : i32
    %dma_wait3A_1582 = tpu.memref_slice %arg5[%add3A_1580, %dma_wait3A_1581] : memref<65536x768xf32, #tpu.memory_space<hbm>> -> memref<64x768xf32, #tpu.memory_space<hbm>>
    %dma_wait3A_1583 = arith.constant 0 : i32
    %dma_wait3A_1584 = tpu.memref_slice %arg5[%add3A_1580, %dma_wait3A_1583] : memref<65536x768xf32, #tpu.memory_space<hbm>> -> memref<64x768xf32, #tpu.memory_space<hbm>>
    tpu.wait_dma2 semaphore(%arg11 : memref<!tpu.dma_semaphore, #tpu.memory_space<semaphore_mem>>) src(%arg6 : memref<64x768xf32, #tpu.memory_space<vmem>>) dst(%dma_wait3A_1584 : memref<64x768xf32, #tpu.memory_space<hbm>>)
    %mul3A_1585 = arith.constant 8 : i32
    %mul3A_1586 = arith.muli %add3A, %mul3A_1585 : i32
    %mul3A_1587 = arith.constant 64 : i32
    %mul3A_1588 = arith.muli %mul3A_1586, %mul3A_1587 : i32
    %add3A_1589 = arith.constant 16384 : i32
    %add3A_1590 = arith.addi %add3A_1589, %mul3A_1588 : i32
    %add3A_1591 = arith.constant 384 : i32
    %add3A_1592 = arith.addi %add3A_1590, %add3A_1591 : i32
    %dma_wait3A_1593 = arith.constant 0 : i32
    %dma_wait3A_1594 = tpu.memref_slice %arg5[%add3A_1592, %dma_wait3A_1593] : memref<65536x768xf32, #tpu.memory_space<hbm>> -> memref<64x768xf32, #tpu.memory_space<hbm>>
    %dma_wait3A_1595 = arith.constant 0 : i32
    %dma_wait3A_1596 = tpu.memref_slice %arg5[%add3A_1592, %dma_wait3A_1595] : memref<65536x768xf32, #tpu.memory_space<hbm>> -> memref<64x768xf32, #tpu.memory_space<hbm>>
    tpu.wait_dma2 semaphore(%arg11 : memref<!tpu.dma_semaphore, #tpu.memory_space<semaphore_mem>>) src(%arg6 : memref<64x768xf32, #tpu.memory_space<vmem>>) dst(%dma_wait3A_1596 : memref<64x768xf32, #tpu.memory_space<hbm>>)
    %mul3A_1597 = arith.constant 8 : i32
    %mul3A_1598 = arith.muli %add3A, %mul3A_1597 : i32
    %mul3A_1599 = arith.constant 64 : i32
    %mul3A_1600 = arith.muli %mul3A_1598, %mul3A_1599 : i32
    %add3A_1601 = arith.constant 32768 : i32
    %add3A_1602 = arith.addi %add3A_1601, %mul3A_1600 : i32
    %add3A_1603 = arith.constant 384 : i32
    %add3A_1604 = arith.addi %add3A_1602, %add3A_1603 : i32
    %dma_wait3A_1605 = arith.constant 0 : i32
    %dma_wait3A_1606 = tpu.memref_slice %arg5[%add3A_1604, %dma_wait3A_1605] : memref<65536x768xf32, #tpu.memory_space<hbm>> -> memref<64x768xf32, #tpu.memory_space<hbm>>
    %dma_wait3A_1607 = arith.constant 0 : i32
    %dma_wait3A_1608 = tpu.memref_slice %arg5[%add3A_1604, %dma_wait3A_1607] : memref<65536x768xf32, #tpu.memory_space<hbm>> -> memref<64x768xf32, #tpu.memory_space<hbm>>
    tpu.wait_dma2 semaphore(%arg11 : memref<!tpu.dma_semaphore, #tpu.memory_space<semaphore_mem>>) src(%arg6 : memref<64x768xf32, #tpu.memory_space<vmem>>) dst(%dma_wait3A_1608 : memref<64x768xf32, #tpu.memory_space<hbm>>)
    %mul3A_1609 = arith.constant 8 : i32
    %mul3A_1610 = arith.muli %add3A, %mul3A_1609 : i32
    %mul3A_1611 = arith.constant 64 : i32
    %mul3A_1612 = arith.muli %mul3A_1610, %mul3A_1611 : i32
    %add3A_1613 = arith.constant 49152 : i32
    %add3A_1614 = arith.addi %add3A_1613, %mul3A_1612 : i32
    %add3A_1615 = arith.constant 384 : i32
    %add3A_1616 = arith.addi %add3A_1614, %add3A_1615 : i32
    %dma_wait3A_1617 = arith.constant 0 : i32
    %dma_wait3A_1618 = tpu.memref_slice %arg5[%add3A_1616, %dma_wait3A_1617] : memref<65536x768xf32, #tpu.memory_space<hbm>> -> memref<64x768xf32, #tpu.memory_space<hbm>>
    %dma_wait3A_1619 = arith.constant 0 : i32
    %dma_wait3A_1620 = tpu.memref_slice %arg5[%add3A_1616, %dma_wait3A_1619] : memref<65536x768xf32, #tpu.memory_space<hbm>> -> memref<64x768xf32, #tpu.memory_space<hbm>>
    tpu.wait_dma2 semaphore(%arg11 : memref<!tpu.dma_semaphore, #tpu.memory_space<semaphore_mem>>) src(%arg6 : memref<64x768xf32, #tpu.memory_space<vmem>>) dst(%dma_wait3A_1620 : memref<64x768xf32, #tpu.memory_space<hbm>>)
    %mul3A_1621 = arith.constant 8 : i32
    %mul3A_1622 = arith.muli %add3A, %mul3A_1621 : i32
    %mul3A_1623 = arith.constant 64 : i32
    %mul3A_1624 = arith.muli %mul3A_1622, %mul3A_1623 : i32
    %add3A_1625 = arith.constant 0 : i32
    %add3A_1626 = arith.addi %add3A_1625, %mul3A_1624 : i32
    %add3A_1627 = arith.constant 448 : i32
    %add3A_1628 = arith.addi %add3A_1626, %add3A_1627 : i32
    %dma_wait3A_1629 = arith.constant 0 : i32
    %dma_wait3A_1630 = tpu.memref_slice %arg5[%add3A_1628, %dma_wait3A_1629] : memref<65536x768xf32, #tpu.memory_space<hbm>> -> memref<64x768xf32, #tpu.memory_space<hbm>>
    %dma_wait3A_1631 = arith.constant 0 : i32
    %dma_wait3A_1632 = tpu.memref_slice %arg5[%add3A_1628, %dma_wait3A_1631] : memref<65536x768xf32, #tpu.memory_space<hbm>> -> memref<64x768xf32, #tpu.memory_space<hbm>>
    tpu.wait_dma2 semaphore(%arg12 : memref<!tpu.dma_semaphore, #tpu.memory_space<semaphore_mem>>) src(%arg7 : memref<64x768xf32, #tpu.memory_space<vmem>>) dst(%dma_wait3A_1632 : memref<64x768xf32, #tpu.memory_space<hbm>>)
    %mul3A_1633 = arith.constant 8 : i32
    %mul3A_1634 = arith.muli %add3A, %mul3A_1633 : i32
    %mul3A_1635 = arith.constant 64 : i32
    %mul3A_1636 = arith.muli %mul3A_1634, %mul3A_1635 : i32
    %add3A_1637 = arith.constant 16384 : i32
    %add3A_1638 = arith.addi %add3A_1637, %mul3A_1636 : i32
    %add3A_1639 = arith.constant 448 : i32
    %add3A_1640 = arith.addi %add3A_1638, %add3A_1639 : i32
    %dma_wait3A_1641 = arith.constant 0 : i32
    %dma_wait3A_1642 = tpu.memref_slice %arg5[%add3A_1640, %dma_wait3A_1641] : memref<65536x768xf32, #tpu.memory_space<hbm>> -> memref<64x768xf32, #tpu.memory_space<hbm>>
    %dma_wait3A_1643 = arith.constant 0 : i32
    %dma_wait3A_1644 = tpu.memref_slice %arg5[%add3A_1640, %dma_wait3A_1643] : memref<65536x768xf32, #tpu.memory_space<hbm>> -> memref<64x768xf32, #tpu.memory_space<hbm>>
    tpu.wait_dma2 semaphore(%arg12 : memref<!tpu.dma_semaphore, #tpu.memory_space<semaphore_mem>>) src(%arg7 : memref<64x768xf32, #tpu.memory_space<vmem>>) dst(%dma_wait3A_1644 : memref<64x768xf32, #tpu.memory_space<hbm>>)
    %mul3A_1645 = arith.constant 8 : i32
    %mul3A_1646 = arith.muli %add3A, %mul3A_1645 : i32
    %mul3A_1647 = arith.constant 64 : i32
    %mul3A_1648 = arith.muli %mul3A_1646, %mul3A_1647 : i32
    %add3A_1649 = arith.constant 32768 : i32
    %add3A_1650 = arith.addi %add3A_1649, %mul3A_1648 : i32
    %add3A_1651 = arith.constant 448 : i32
    %add3A_1652 = arith.addi %add3A_1650, %add3A_1651 : i32
    %dma_wait3A_1653 = arith.constant 0 : i32
    %dma_wait3A_1654 = tpu.memref_slice %arg5[%add3A_1652, %dma_wait3A_1653] : memref<65536x768xf32, #tpu.memory_space<hbm>> -> memref<64x768xf32, #tpu.memory_space<hbm>>
    %dma_wait3A_1655 = arith.constant 0 : i32
    %dma_wait3A_1656 = tpu.memref_slice %arg5[%add3A_1652, %dma_wait3A_1655] : memref<65536x768xf32, #tpu.memory_space<hbm>> -> memref<64x768xf32, #tpu.memory_space<hbm>>
    tpu.wait_dma2 semaphore(%arg12 : memref<!tpu.dma_semaphore, #tpu.memory_space<semaphore_mem>>) src(%arg7 : memref<64x768xf32, #tpu.memory_space<vmem>>) dst(%dma_wait3A_1656 : memref<64x768xf32, #tpu.memory_space<hbm>>)
    %mul3A_1657 = arith.constant 8 : i32
    %mul3A_1658 = arith.muli %add3A, %mul3A_1657 : i32
    %mul3A_1659 = arith.constant 64 : i32
    %mul3A_1660 = arith.muli %mul3A_1658, %mul3A_1659 : i32
    %add3A_1661 = arith.constant 49152 : i32
    %add3A_1662 = arith.addi %add3A_1661, %mul3A_1660 : i32
    %add3A_1663 = arith.constant 448 : i32
    %add3A_1664 = arith.addi %add3A_1662, %add3A_1663 : i32
    %dma_wait3A_1665 = arith.constant 0 : i32
    %dma_wait3A_1666 = tpu.memref_slice %arg5[%add3A_1664, %dma_wait3A_1665] : memref<65536x768xf32, #tpu.memory_space<hbm>> -> memref<64x768xf32, #tpu.memory_space<hbm>>
    %dma_wait3A_1667 = arith.constant 0 : i32
    %dma_wait3A_1668 = tpu.memref_slice %arg5[%add3A_1664, %dma_wait3A_1667] : memref<65536x768xf32, #tpu.memory_space<hbm>> -> memref<64x768xf32, #tpu.memory_space<hbm>>
    tpu.wait_dma2 semaphore(%arg12 : memref<!tpu.dma_semaphore, #tpu.memory_space<semaphore_mem>>) src(%arg7 : memref<64x768xf32, #tpu.memory_space<vmem>>) dst(%dma_wait3A_1668 : memref<64x768xf32, #tpu.memory_space<hbm>>)
    return
  }
}

</mosaic_0001>

<sc_bundles>
// kernel: kernel.3.cloned.1.call-start
scs
__scs_entry_jumppad:
0x0: {  	(pc) =	sbr.rel $0x88, $3  }
0x1: {  	(tag) =	ssettag $0x0;
	lr =	simm.s32 $0x1  }
0x2: {  	[smem:$0x3F9A] =	sst lr;
	_ =	strace $0xD0000000  }
0x3: {  	_ = 	snop  }
0x4: {  	_ = 	snop  }
0x5: {  	_ = 	snop  }
0x6: {  	_ = 	snop  }
0x7: {  	_ = 	snop  }
__scs_overlays_trampoline_lowered:
0x8: {  	[smem:$0x3FA9] =	sst s0  }
0x9: {  	[smem:$0x3FAA] =	sst s1  }
0xa: {  	[smem:$0x3FAB] =	sst s2  }
0xb: {  	[smem:$0x3FAC] =	sst s3  }
0xc: {  	[smem:$0x3FAD] =	sst s4  }
0xd: {  	[smem:$0x3FAE] =	sst s5  }
0xe: {  	[smem:$0x3FAF] =	sst s6  }
0xf: {  	[smem:$0x3FB0] =	sst s7  }
0x10: {  	[smem:$0x3FB1] =	sst s8  }
0x11: {  	[smem:$0x3FB2] =	sst s9;
	s0 =	simm.s32 @!p0 $0x0  }
0x12: {  	s1 =	sld [smem:$0x3F98];
	s0 =	simm.s32 @p0 $0x1  }
0x13: {  	[smem:$0x3FB3] =	sst s0;
	s0 =	simm.s32 @!p1 $0x0  }
0x14: {  	s2 =	sld [smem:$0x3F97];
	s0 =	simm.s32 @p1 $0x1  }
0x15: {  	[smem:$0x3FB4] =	sst s0;
	s0 =	simm.s32 @!p2 $0x0  }
0x16: {  	s3 =	sld [smem:$0x3FDB];
	s0 =	simm.s32 @p2 $0x1  }
0x17: {  	s4 =	simm.s32 $0x1BF5;
	[smem:$0x3FB6] =	sst s0  }
0x18: {  	s0 =	sld [smem:$0x3F99];
	_ =	swait.ge [sflag:s4], $0x0  }
0x19: {  	s7 =	sld [smem:$0x3F9A]  }
0x1a: {  	s8 =	sadd.s32 $0xFFFFE003, lr  }
0x1b: {  	s9 =	sadd.s32 $0xFFFFFEF7, lr;
	s5 =	simm.s32 $0xFFFFFFFF;
	p2 =	slt.u32 s8, $0xFFFFF086  }
0x1c: {  	p1 =	slt.u32 s9, $0xF7A;
	s5 =	simm.s32 @!p2 $0x0  }
0x1d: {  	s5 =	simm.s32 @p1 $0x1;
	p0 =	seq.s32 s7, s2  }
0x1e: {  	s7 =	smul.u32 @!p0 $0xF7A, s2;
	p2 =	seq.s32 @!p0 s5, $0x0  }
0x1f: {  	s9 =	smul.u32 $0xF7A, s1;
	s8 =	simm.s32 @!p0 $0x1BF5;
	p2 =	por !p2, p0  }
0x20: {  	[sflag:s8] =	ssyncset.s32 @!p0 $0xFFFFF086;
	s6 =	sadd.s32 @!p0 s3, s7;
	s7 =	simm.s32 @!p0 $0x108  }
0x21: {  	s3 =	sadd.s32 s3, s9;
	s6 =	sadd.s32 @!p0 $0x88, s6;
	s7 =	simm.s32 @p2 $0x1082  }
0x22: {  	[simem:s7], [sflag:s8] =	dma.local @!p0 [hbm:s6], $0xF7A  }
0x23: {  	s9 =	sor.u32 $0xD0000000, s2;
	s6 =	simm.s32 $0x108;
	_ =	swait.ge @!p0 [sflag:s8], $0x0  }
0x24: {  	s3 =	sadd.s32 $0x88, s3;
	s6 =	simm.s32 @!p1 $0x1082;
	[sflag:s4] =	ssyncset.s32 $0xFFFFF086  }
0x25: {  	[simem:s6], [sflag:s4] =	dma.local [hbm:s3], $0xF7A  }
0x26: {  	[smem:$0x3F9A] =	sst s1;
	(tag) =	ssettag s2;
	_ =	strace s9  }
0x27: {  	s1 =	sld [smem:$0x3FAA]  }
0x28: {  	s2 =	sld [smem:$0x3FAB]  }
0x29: {  	s4 =	sld [smem:$0x3FAD]  }
0x2a: {  	p0 =	seq.s32 s5, $0x0;
	s5 =	sld [smem:$0x3FAE]  }
0x2b: {  	s6 =	sld [smem:$0x3FAF]  }
0x2c: {  	s7 =	sld [smem:$0x3FB0]  }
0x2d: {  	s3 =	simm.s32 $0x108;
	s8 =	sld [smem:$0x3FB1]  }
0x2e: {  	s3 =	simm.s32 @!p0 $0x1082;
	s9 =	sld [smem:$0x3FB2]  }
0x2f: {  	lr =	sadd.s32 s0, s3;
	s0 =	sld [smem:$0x3FA9]  }
0x30: {  	s3 =	sld [smem:$0x3FAC]  }
0x31: {  	[smem:$0x3FB5] =	sst s10  }
0x32: {  	s10 =	sld [smem:$0x3FB3];
	_ =	sdelay $0x3  }
0x33: {  	p0 =	seq.s32 s10, $0x1;
	s10 =	sld [smem:$0x3FB5];
	_ =	sdelay $0x3  }
0x34: {  	[smem:$0x3FB5] =	sst s10  }
0x35: {  	s10 =	sld [smem:$0x3FB4];
	_ =	sdelay $0x3  }
0x36: {  	p1 =	seq.s32 s10, $0x1;
	s10 =	sld [smem:$0x3FB5];
	_ =	sdelay $0x3  }
0x37: {  	[smem:$0x3FB5] =	sst s10  }
0x38: {  	s10 =	sld [smem:$0x3FB6]  }
0x39: {  	_ = 	snop;
	(pc) =	sbr.ind lr, $3  }
0x3a: {  	_ = 	snop  }
0x3b: {  	_ = 	snop  }
0x3c: {  	p2 =	seq.s32 s10, $0x1;
	s10 =	sld [smem:$0x3FB5]  }
0x3d: {  	_ =	shalt  }
0x3e: {  	_ =	shalt  }
0x3f: {  	_ =	shalt  }
0x40: {  	_ =	shalt  }
0x41: {  	_ =	shalt  }
0x42: {  	_ =	shalt  }
0x43: {  	_ =	shalt  }
0x44: {  	_ =	shalt  }
0x45: {  	_ =	shalt  }
0x46: {  	_ =	shalt  }
0x47: {  	_ =	shalt  }
0x48: {  	_ =	shalt  }
0x49: {  	_ =	shalt  }
0x4a: {  	_ =	shalt  }
0x4b: {  	_ =	shalt  }
0x4c: {  	_ =	shalt  }
0x4d: {  	_ =	shalt  }
0x4e: {  	_ =	shalt  }
0x4f: {  	_ =	shalt  }
0x50: {  	_ =	shalt  }
0x51: {  	_ =	shalt  }
0x52: {  	_ =	shalt  }
0x53: {  	_ =	shalt  }
0x54: {  	_ =	shalt  }
0x55: {  	_ =	shalt  }
0x56: {  	_ =	shalt  }
0x57: {  	_ =	shalt  }
0x58: {  	_ =	shalt  }
0x59: {  	_ =	shalt  }
0x5a: {  	_ =	shalt  }
0x5b: {  	_ =	shalt  }
0x5c: {  	_ =	shalt  }
0x5d: {  	_ =	shalt  }
0x5e: {  	_ =	shalt  }
0x5f: {  	_ =	shalt  }
0x60: {  	_ =	shalt  }
0x61: {  	_ =	shalt  }
0x62: {  	_ =	shalt  }
0x63: {  	_ =	shalt  }
0x64: {  	_ =	shalt  }
0x65: {  	_ =	shalt  }
0x66: {  	_ =	shalt  }
0x67: {  	_ =	shalt  }
0x68: {  	_ =	shalt  }
0x69: {  	_ =	shalt  }
0x6a: {  	_ =	shalt  }
0x6b: {  	_ =	shalt  }
0x6c: {  	_ =	shalt  }
0x6d: {  	_ =	shalt  }
0x6e: {  	_ =	shalt  }
0x6f: {  	_ =	shalt  }
0x70: {  	_ =	shalt  }
0x71: {  	_ =	shalt  }
0x72: {  	_ =	shalt  }
0x73: {  	_ =	shalt  }
0x74: {  	_ =	shalt  }
0x75: {  	_ =	shalt  }
0x76: {  	_ =	shalt  }
0x77: {  	_ =	shalt  }
0x78: {  	_ =	shalt  }
0x79: {  	_ =	shalt  }
0x7a: {  	_ =	shalt  }
0x7b: {  	_ =	shalt  }
0x7c: {  	_ =	shalt  }
0x7d: {  	_ =	shalt  }
0x7e: {  	_ =	shalt  }
0x7f: {  	_ =	shalt  }
0x80: {  	_ =	shalt  }
0x81: {  	_ =	shalt  }
0x82: {  	_ =	shalt  }
0x83: {  	_ =	shalt  }
0x84: {  	_ =	shalt  }
0x85: {  	_ =	shalt  }
0x86: {  	_ =	shalt  }
0x87: {  	_ =	shalt  }
.Lfunc_end0:
.L_simem_size_0:
called_computation_lowered:
.L_overlay_start_0:
0x88: {  	s2 =	sld [smem:$0x3FD9]  }
0x89: {  	s3 =	sld [smem:$0x3FFE];
	_ =	sdelay $0x1  }
0x8a: {  	s1 =	srdreg.scid  }
0x8b: {  	s0 =	sand.u32 $0x1, s1  }
0x8c: {  	s17 =	sshll.u32 s0, $0xA;
	s2 =	sadd.s32 s3, s2  }
0x8d: {  	s2 =	sadd.s32 s2, s17  }
0x8e: {  	[smem:$0x3FC1] =	sst s2  }
0x8f: {  	_ = 	snop  }
0x90: {  	s2 =	sld [smem:$0x3FD0];
	(tm) =	ssettm $0x1  }
0x91: {  	s18 =	sld [smem:$0x3FFB];
	_ =	sdelay $0x3  }
0x92: {  	_ =	strace s18  }
0x93: {  	s3 =	sld [smem:$0x3FFC];
	_ =	sdelay $0x3  }
0x94: {  	_ =	strace s3  }
0x95: {  	s3 =	sld [smem:$0x3FFD];
	_ =	sdelay $0x3  }
0x96: {  	_ =	strace s3  }
0x97: {  	_ =	strace $0x8FFFFFFF  }
0x98: {  	s19 =	sld [smem:$0x3FDB];
	_ =	sdelay $0x1  }
0x99: {  	s4 =	simm.s32 $_scs_section_size  }
0x9a: {  	s5 =	simm.s32 $_size__tile_overlayer_lowered;
	s6 =	simm.s32 $_tile_overlayer_lowered  }
0x9b: {  	s22 =	simm.s32 $0x1BFF;
	s21 =	sshll.u32 s6, $0x1;
	s3 =	sadd.s32 s4, s19  }
0x9c: {  	s7 =	simm.s32 $0x0;
	s20 =	sshll.u32 s5, $0x1;
	s5 =	sadd.s32 s21, s3  }
0x9d: {  	[timem:s7], [sflag:s22] =	dma.local [hbm:s5], s20  }
0x9e: {  	_ =	swait.ge [sflag:s22], s20  }
0x9f: {  	s4 =	ssub.s32 $0x0, s20;
	[sflag:s22] =	ssyncset.done $0x0  }
0xa0: {  	[sflag:s22] =	ssyncadd.s32 s4;
	_ =	sdelay $0x1  }
0xa1: {  	s23 =	simm.s32 $0x1B8B  }
0xa2: {  	_ =	swait.ge [sflag:s23], $0x1  }
0xa3: {  	[sflag:s23] =	ssyncset.done $0x0  }
0xa4: {  	s25 =	simm.s32 $0x1B8E;
	s24 =	sld [smem:$0x3FFE];
	[sflag:s23] =	ssyncadd.s32 $0xFFFFFFFF  }
0xa5: {  	s26 =	simm.s32 $execute0_lowered;
	[smem:$0x3FD2] =	sst s25  }
0xa6: {  	s5 =	sshll.u32 s26, $0x1;
	_ =	strace $0x80000046;
	[dreg:$0x1] =	wrdreg $0xFFFFFFFF  }
0xa7: {  	s28 =	simm.s32 $_size_execute0_lowered;
	s3 =	sadd.s32 s3, s5;
	[dreg:$0x0] =	wrdreg $0x0  }
0xa8: {  	s5 =	sshll.u32 s28, $0x1;
	[dreg:$0x2] =	wrdreg s3  }
0xa9: {  	[dreg:$0x3] =	wrdreg s5  }
0xaa: {  	[dreg:$0x4] =	wrdreg $0xC0  }
0xab: {  	_ =	task [dreg:s7], $0x5FFFF  }
0xac: {  	[dreg:$0x1] =	wrdreg $0xFFFFFFFF  }
0xad: {  	[dreg:$0x0] =	wrdreg $0x60  }
0xae: {  	[dreg:$0x2] =	wrdreg s24  }
0xaf: {  	[dreg:$0x3] =	wrdreg s2  }
0xb0: {  	[dreg:$0x4] =	wrdreg $0x9  }
0xb1: {  	_ =	task.clear_ibuf [dreg:s7], $0x5FFFF;
	_ =	strace $0x90000046  }
0xb2: {  	s29 =	simm.s32 $0x9;
	_ =	strace $0x80000048  }
0xb3: {  	_ =	swait.ge [sflag:s29], $0x1  }
0xb4: {  	[sflag:s29] =	ssyncadd.s32 $0xFFFFFFFF  }
0xb5: {  	_ =	strace $0x90000048  }
0xb6: {  	_ =	sfence  }
0xb7: {  	s30 =	sld [smem:$0x0];
	_ =	sdelay $0x2  }
0xb8: {  	s31 =	sshll.u32 s1, $0xD;
	s1 =	sshrl.u32 s1, $0x2  }
0xb9: {  	s3 =	sand.u32 $0x4000, s31;
	s1 =	sadd.s32 s1, s30  }
0xba: {  	s0 =	sor.u32 s3, s0;
	s1 =	sshll.u32 s1, $0x11  }
0xbb: {  	s0 =	sor.u32 s1, s0  }
0xbc: {  	s0 =	sadd.s32 $0x8F2B, s0  }
0xbd: {  	[sflag:s0] =	ssyncadd.remote.s32 $0x1  }
0xbe: {  	_ =	sfence.sel $0xFFFF  }
0xbf: {  	[dreg:$0x0] =	wrdreg $0xFFFFFFFF;
	(pc) =	sbr.abs _section_cstart, $3  }
0xc0: {  	[dreg:$0x1] =	wrdreg $0xFFFFFFFF  }
0xc1: {  	_ =	task.clear_ibuf [dreg:s7], $0x2FFFF;
	_ =	strace $0x9FFFFFFF  }
0xc2: {  	(tm) =	ssettm $0x7FFFFFFF  }
0xc3: {  	_ =	shalt  }
tec
execute0_lowered:
.L_overlay_start_1:
0x0: {  	(tag) =	ssettag $0x1  }
0x1: {  	s0 =	srdreg.scid;
	s3 =	stileid.u32  }
0x2: {  	s0 =	sand.u32 $0x1, s0;
	s1 =	sshll.u32 s3, $0x1  }
0x3: {  	s1 =	sor.u32 s0, s1  }
0x4: {  	s26 =	rddreg [dreg:$0x0];
	p1 =	seq.s32 s0, $0x1;
	p0 =	seq.s32 s1, $0x0  }
0x5: {  	s2 =	simm.s32 $0x1;
	s5 =	rddreg [dreg:$0x1];
	p0 =	por !p0, !p1  }
0x6: {  	s9 =	ssub.s32 $0x2, s0;
	s0 =	sshll.u32 s0, $0x8;
	p0 =	por !p0, !p0  }
0x7: {  	s7 =	sshrl.u32 s9, $0x1;
	s8 =	smul.u32 $0xC000, s1;
	s2 =	simm.s32 @!p0 $0x0  }
0x8: {  	s0 =	sadd.s32 s0, s26;
	s16 =	smul.u32 $0x60000, s1;
	s2 =	ssub.s32 s3, s2  }
0x9: {  	s0 =	sadd.s32 $0x1000, s0;
	s4 =	sshll.u32 s2, $0x8;
	s2 =	sshll.u32 s2, $0x7  }
0xa: {  	s4 =	sand.u32 $0xFFFFF800, s4;
	s6 =	sand.u32 $0x380, s2;
	s2 =	simm.s32 $0x0  }
0xb: {  	s3 =	sadd.s32 $0x800, s26;
	s4 =	sor.u32 s6, s4;
	[smem:$0x7FF] =	sst s2  }
0xc: {  	s6 =	sadd.s32 s5, s8;
	_ =	strace $0x80000047;
	[dreg:$0x3] =	wrdreg s3  }
0xd: {  	s10 =	ssub.s32 s9, s7;
	[dreg:$0x5] =	wrdreg s0;
	s11 =	sadd.s32 $0x180000, s6  }
0xe: {  	s29 =	smax.u32 s10, $0x1;
	s12 =	sadd.s32 $0x300000, s6;
	[dreg:$0x6] =	wrdreg s11  }
0xf: {  	s8 =	simm.s32 $0x1;
	s13 =	sadd.s32 $0x181800, s6;
	[dreg:$0x7] =	wrdreg s12  }
0x10: {  	s4 =	sshrl.u32 s4, $0x3;
	s14 =	sadd.s32 $0x480000, s6;
	[dreg:$0x8] =	wrdreg s13  }
0x11: {  	s15 =	sadd.s32 $0x301800, s6;
	s17 =	sadd.s32 $0x1800, s6;
	[dreg:$0x9] =	wrdreg s14  }
0x12: {  	s18 =	sadd.s32 $0x481800, s6;
	s19 =	sadd.s32 $0x3000, s6;
	[dreg:$0xa] =	wrdreg s15  }
0x13: {  	s20 =	sadd.s32 $0x183000, s6;
	s21 =	sadd.s32 $0x303000, s6;
	[dreg:$0xb] =	wrdreg s17  }
0x14: {  	s0 =	sshrl.u32 s16, $0x3;
	s22 =	sadd.s32 $0x483000, s6;
	[dreg:$0xc] =	wrdreg s18  }
0x15: {  	s23 =	sadd.s32 $0x184800, s6;
	s25 =	sadd.s32 $0x304800, s6;
	[dreg:$0xd] =	wrdreg s19  }
0x16: {  	s28 =	sadd.s32 $0x306000, s6;
	s30 =	sadd.s32 $0x187800, s6;
	[dreg:$0xe] =	wrdreg s20  }
0x17: {  	s31 =	sadd.s32 $0x307800, s6;
	s1 =	sadd.s32 $0x486000, s6;
	[dreg:$0xf] =	wrdreg s21  }
0x18: {  	s3 =	sadd.s32 $0x189000, s6;
	s7 =	sadd.s32 $0x18A800, s6;
	[dreg:$0x10] =	wrdreg s22  }
0x19: {  	s9 =	sadd.s32 $0x30A800, s6;
	s10 =	sadd.s32 $0x48A800, s6;
	[dreg:$0x11] =	wrdreg s23  }
0x1a: {  	s4 =	sadd.s32 s4, s26;
	s0 =	sadd.s32 s5, s0;
	[dreg:$0x13] =	wrdreg s25  }
0x1b: {  	s25 =	sadd.s32 $0x484800, s6;
	s5 =	sadd.s32 $0x489000, s6;
	s11 =	simm.s32 $0x3  }
0x1c: {  	s12 =	simm.s32 $0xC000;
	s13 =	simm.s32 $0x2;
	s4 =	sadd.s32 $0x1200, s4  }
0x1d: {  	s14 =	simm.s32 $0x0;
	s24 =	sadd.s32 $0x4800, s0;
	[dreg:$0x4] =	wrdreg s4  }
0x1e: {  	s26 =	sadd.s32 $0x6000, s0;
	s22 =	sadd.s32 $0x7800, s0;
	[dreg:$0x12] =	wrdreg s24  }
0x1f: {  	s23 =	sadd.s32 $0x9000, s0;
	[dreg:$0x14] =	wrdreg s26;
	s24 =	sadd.s32 $0xA800, s0  }
0x20: {  	s26 =	sadd.s32 $0x186000, s6;
	s0 =	sadd.s32 $0x487800, s6;
	s4 =	sadd.s32 $0x309000, s6  }
.LBB2_1:
0x21: {  	s15 =	rddreg [dreg:$0x4]  }
0x22: {  	s16 =	simm.s32 $0x80;
	s17 =	simm.s32 $0x400;
	s18 =	simm.s32 $0x18000  }
0x23: {  	[tilespmem:s18], [sflag:$0x3] =	stream.strided.gather [hbm4b:s15+s16], $0x100, s17, s16, $0x38;
	[tilespmem:$0x1C900] =	vst v63  }
0x24: {  	_ =	swait.ge [sflag:s11], $0x100  }
0x25: {  	[sflag:s11] =	ssyncset.done $0x0  }
0x26: {  	s17 =	simm.s32 $0x18100;
	s16 =	rddreg [dreg:$0x5];
	[sflag:s11] =	ssyncadd.s32 $0xFFFFFF00  }
0x27: {  	[tilespmem:s17], [sflag:$0x3] =	stream.linear.gather [hbm4b:s16+s2], $0x800, $0x38;
	[tilespmem:$0x1C900] =	vst v63  }
0x28: {  	_ =	swait.ge [sflag:s11], $0x800  }
0x29: {  	[sflag:s11] =	ssyncset.done $0x0  }
0x2a: {  	s19 =	simm.s32 $0x18900;
	s18 =	rddreg [dreg:$0x3];
	[sflag:s11] =	ssyncadd.s32 $0xFFFFF800  }
0x2b: {  	[tilespmem:s19], [sflag:$0x3] =	stream.linear.gather [hbm4b:s18+s2], $0x4000, $0x38;
	[tilespmem:$0x1C900] =	vst v63  }
0x2c: {  	_ =	swait.ge [sflag:s11], $0x4000  }
0x2d: {  	[sflag:s11] =	ssyncset.done $0x0  }
0x2e: {  	[sflag:s11] =	ssyncadd.s32 $0xFFFFC000  }
0x2f: {  	v0 =	vld [tilespmem:$0x18000]  }
0x30: {  	v1 =	vld [tilespmem:$0x18010]  }
0x31: {  	v2 =	vld [tilespmem:$0x18020]  }
0x32: {  	v3 =	vld [tilespmem:$0x18030]  }
0x33: {  	v4 =	vld [tilespmem:$0x18040]  }
0x34: {  	v5 =	vld [tilespmem:$0x18050]  }
0x35: {  	v6 =	vld [tilespmem:$0x18060]  }
0x36: {  	v7 =	vld [tilespmem:$0x18070]  }
0x37: {  	v8 =	vld [tilespmem:$0x18080]  }
0x38: {  	v9 =	vld [tilespmem:$0x18090]  }
0x39: {  	s20 =	simm.s32 $0x0;
	v15 =	vld [tilespmem:$0x180F0]  }
0x3a: {  	s15 =	smul.u32 $0x6000, s20;
	v10 =	vld [tilespmem:$0x180A0]  }
0x3b: {  	v11 =	vld [tilespmem:$0x180B0]  }
0x3c: {  	s21 =	sand.u32 $0x380, s2;
	s15 =	sshra.s32 s15, $0x2;
	v12 =	vld [tilespmem:$0x180C0]  }
0x3d: {  	s15 =	sor.u32 s21, s15;
	v13 =	vld [tilespmem:$0x180D0]  }
0x3e: {  	v14 =	vld [tilespmem:$0x180E0];
	[tilespmem:s15+$0x470] =	vst v15  }
0x3f: {  	[tilespmem:s15+$0x0] =	vst v0  }
0x40: {  	[tilespmem:s15+$0x10] =	vst v1  }
0x41: {  	[tilespmem:s15+$0x20] =	vst v2  }
0x42: {  	[tilespmem:s15+$0x30] =	vst v3  }
0x43: {  	[tilespmem:s15+$0x40] =	vst v4  }
0x44: {  	[tilespmem:s15+$0x50] =	vst v5  }
0x45: {  	[tilespmem:s15+$0x60] =	vst v6  }
0x46: {  	[tilespmem:s15+$0x70] =	vst v7  }
0x47: {  	[tilespmem:s15+$0x400] =	vst v8  }
0x48: {  	[tilespmem:s15+$0x410] =	vst v9  }
0x49: {  	s17 =	simm.s32 $0x2;
	s16 =	simm.s32 $0x0;
	s18 =	simm.s32 $0x0;
	[tilespmem:s15+$0x420] =	vst v10  }
.LBB2_2:
0x4a: {  	p0 =	sne.s32 s17, $0x3F;
	s18 =	smul.u32 $0x6000, s18;
	[tilespmem:s15+$0x430] =	vst v11  }
0x4b: {  	s16 =	sadd.s32 $0x80, s16;
	[tilespmem:s15+$0x440] =	vst v12  }
0x4c: {  	s19 =	sand.u32 $0x380, s16;
	s18 =	sshra.s32 s18, $0x2;
	[tilespmem:s15+$0x450] =	vst v13  }
0x4d: {  	[tilespmem:s15+$0x460] =	vst v14;
	s15 =	sor.u32 s19, s18  }
0x4e: {  	[tilespmem:s15+$0x470] =	vst v15  }
0x4f: {  	[tilespmem:s15+$0x0] =	vst v0  }
0x50: {  	[tilespmem:s15+$0x10] =	vst v1  }
0x51: {  	[tilespmem:s15+$0x20] =	vst v2  }
0x52: {  	[tilespmem:s15+$0x30] =	vst v3  }
0x53: {  	[tilespmem:s15+$0x40] =	vst v4  }
0x54: {  	[tilespmem:s15+$0x50] =	vst v5  }
.Ltmp0:
0x55: {  	[tilespmem:s15+$0x60] =	vst v6;
	(pc) =	sbr.rel @p0 .LBB2_2-.Ltmp0, $4  }
0x56: {  	[tilespmem:s15+$0x70] =	vst v7  }
0x57: {  	[tilespmem:s15+$0x400] =	vst v8  }
0x58: {  	[tilespmem:s15+$0x410] =	vst v9  }
0x59: {  	s18 =	sshrl.u32 s17, $0x3;
	s17 =	sadd.s32 $0x1, s17;
	[tilespmem:s15+$0x420] =	vst v10  }
0x5a: {  	s17 =	smul.u32 $0x6000, s18;
	[tilespmem:s15+$0x430] =	vst v11  }
0x5b: {  	[tilespmem:s15+$0x440] =	vst v12;
	s16 =	sadd.s32 $0x80, s16  }
0x5c: {  	[tilespmem:s15+$0x450] =	vst v13;
	s16 =	sand.u32 $0x380, s16;
	s17 =	sshra.s32 s17, $0x2  }
0x5d: {  	[tilespmem:s15+$0x460] =	vst v14;
	s16 =	sor.u32 s16, s17  }
0x5e: {  	[tilespmem:s16+$0x470] =	vst v15  }
0x5f: {  	[tilespmem:s16+$0x0] =	vst v0  }
0x60: {  	[tilespmem:s16+$0x10] =	vst v1  }
0x61: {  	[tilespmem:s16+$0x20] =	vst v2  }
0x62: {  	[tilespmem:s16+$0x30] =	vst v3  }
0x63: {  	[tilespmem:s16+$0x40] =	vst v4  }
0x64: {  	[tilespmem:s16+$0x50] =	vst v5  }
0x65: {  	[tilespmem:s16+$0x60] =	vst v6  }
0x66: {  	[tilespmem:s16+$0x70] =	vst v7  }
0x67: {  	[tilespmem:s16+$0x400] =	vst v8  }
0x68: {  	[tilespmem:s16+$0x410] =	vst v9  }
0x69: {  	[tilespmem:s16+$0x420] =	vst v10  }
0x6a: {  	[tilespmem:s16+$0x430] =	vst v11  }
0x6b: {  	[tilespmem:s16+$0x440] =	vst v12  }
0x6c: {  	[tilespmem:s16+$0x450] =	vst v13  }
0x6d: {  	[tilespmem:s16+$0x460] =	vst v14  }
0x6e: {  	v0 =	vld [tilespmem:$0x18000]  }
0x6f: {  	v1 =	vld [tilespmem:$0x18010]  }
0x70: {  	v2 =	vld [tilespmem:$0x18020]  }
0x71: {  	v3 =	vld [tilespmem:$0x18030]  }
0x72: {  	v4 =	vld [tilespmem:$0x18040]  }
0x73: {  	v5 =	vld [tilespmem:$0x18050]  }
0x74: {  	v6 =	vld [tilespmem:$0x18060]  }
0x75: {  	v7 =	vld [tilespmem:$0x18070]  }
0x76: {  	v8 =	vld [tilespmem:$0x18080]  }
0x77: {  	v9 =	vld [tilespmem:$0x18090]  }
0x78: {  	s21 =	simm.s32 $0x0;
	v15 =	vld [tilespmem:$0x180F0]  }
0x79: {  	s15 =	smul.u32 $0x6000, s21;
	v10 =	vld [tilespmem:$0x180A0]  }
0x7a: {  	s17 =	simm.s32 $0x0;
	v11 =	vld [tilespmem:$0x180B0]  }
0x7b: {  	s15 =	sshra.s32 s15, $0x2;
	s16 =	sand.u32 $0x380, s17;
	v12 =	vld [tilespmem:$0x180C0]  }
0x7c: {  	v13 =	vld [tilespmem:$0x180D0];
	s18 =	sor.u32 s16, s15  }
0x7d: {  	v14 =	vld [tilespmem:$0x180E0];
	[tilespmem:s18+$0xC470] =	vst v15  }
0x7e: {  	[tilespmem:s18+$0xC000] =	vst v0  }
0x7f: {  	[tilespmem:s18+$0xC010] =	vst v1  }
0x80: {  	[tilespmem:s18+$0xC020] =	vst v2  }
0x81: {  	[tilespmem:s18+$0xC030] =	vst v3  }
0x82: {  	[tilespmem:s18+$0xC040] =	vst v4  }
0x83: {  	[tilespmem:s18+$0xC050] =	vst v5  }
0x84: {  	[tilespmem:s18+$0xC060] =	vst v6  }
0x85: {  	[tilespmem:s18+$0xC070] =	vst v7  }
0x86: {  	[tilespmem:s18+$0xC400] =	vst v8  }
0x87: {  	[tilespmem:s18+$0xC410] =	vst v9  }
0x88: {  	s20 =	simm.s32 $0x0;
	s19 =	simm.s32 $0x2;
	s15 =	simm.s32 $0x1;
	[tilespmem:s18+$0xC420] =	vst v10  }
.LBB2_4:
0x89: {  	p0 =	sne.s32 s19, $0x3F;
	s20 =	smul.u32 $0x6000, s20;
	[tilespmem:s18+$0xC430] =	vst v11  }
0x8a: {  	s17 =	sadd.s32 $0x80, s17;
	[tilespmem:s18+$0xC440] =	vst v12  }
0x8b: {  	s21 =	sand.u32 $0x380, s17;
	s20 =	sshra.s32 s20, $0x2;
	[tilespmem:s18+$0xC450] =	vst v13  }
0x8c: {  	[tilespmem:s18+$0xC460] =	vst v14;
	s18 =	sor.u32 s21, s20  }
0x8d: {  	[tilespmem:s18+$0xC470] =	vst v15  }
0x8e: {  	[tilespmem:s18+$0xC000] =	vst v0  }
0x8f: {  	[tilespmem:s18+$0xC010] =	vst v1  }
0x90: {  	[tilespmem:s18+$0xC020] =	vst v2  }
0x91: {  	[tilespmem:s18+$0xC030] =	vst v3  }
0x92: {  	[tilespmem:s18+$0xC040] =	vst v4  }
0x93: {  	[tilespmem:s18+$0xC050] =	vst v5  }
.Ltmp1:
0x94: {  	[tilespmem:s18+$0xC060] =	vst v6;
	(pc) =	sbr.rel @p0 .LBB2_4-.Ltmp1, $4  }
0x95: {  	[tilespmem:s18+$0xC070] =	vst v7  }
0x96: {  	[tilespmem:s18+$0xC400] =	vst v8  }
0x97: {  	[tilespmem:s18+$0xC410] =	vst v9  }
0x98: {  	s20 =	sshrl.u32 s19, $0x3;
	s19 =	sadd.s32 $0x1, s19;
	[tilespmem:s18+$0xC420] =	vst v10  }
0x99: {  	s19 =	smul.u32 $0x6000, s20;
	[tilespmem:s18+$0xC430] =	vst v11  }
0x9a: {  	[tilespmem:s18+$0xC440] =	vst v12;
	s17 =	sadd.s32 $0x80, s17  }
0x9b: {  	[tilespmem:s18+$0xC450] =	vst v13;
	s17 =	sand.u32 $0x380, s17;
	s19 =	sshra.s32 s19, $0x2  }
0x9c: {  	[tilespmem:s18+$0xC460] =	vst v14;
	s17 =	sor.u32 s17, s19  }
0x9d: {  	[tilespmem:s17+$0xC470] =	vst v15  }
0x9e: {  	[tilespmem:s17+$0xC000] =	vst v0  }
0x9f: {  	[tilespmem:s17+$0xC010] =	vst v1  }
0xa0: {  	[tilespmem:s17+$0xC020] =	vst v2  }
0xa1: {  	[tilespmem:s17+$0xC030] =	vst v3  }
0xa2: {  	[tilespmem:s17+$0xC040] =	vst v4  }
0xa3: {  	[tilespmem:s17+$0xC050] =	vst v5  }
0xa4: {  	[tilespmem:s17+$0xC060] =	vst v6  }
0xa5: {  	[tilespmem:s17+$0xC070] =	vst v7  }
0xa6: {  	[tilespmem:s17+$0xC400] =	vst v8  }
0xa7: {  	[tilespmem:s17+$0xC410] =	vst v9  }
0xa8: {  	[tilespmem:s17+$0xC420] =	vst v10  }
0xa9: {  	[tilespmem:s17+$0xC430] =	vst v11  }
0xaa: {  	s19 =	simm.s32 $0x0;
	[tilespmem:s17+$0xC440] =	vst v12  }
0xab: {  	[tilespmem:s17+$0xC450] =	vst v13;
	s18 =	sand.u32 $0x3FFFF800, s19  }
0xac: {  	[tilespmem:s17+$0xC460] =	vst v14;
	s20 =	sor.u32 s16, s18  }
0xad: {  	s21 =	simm.s32 $0x0;
	v0 =	vld [tilespmem:s20+$0x18900]  }
0xae: {  	s18 =	smul.u32 $0x6000, s21;
	_ =	sdelay $0x1  }
0xaf: {  	s18 =	sshra.s32 s18, $0x2  }
0xb0: {  	s16 =	sor.u32 s16, s18  }
0xb1: {  	s17 =	sadd.s32 $0x18900, s20;
	[tilespmem:s16+$0x1000] =	vst v0  }
0xb2: {  	v0 =	vld [tilespmem:s17+$0x10];
	_ =	sdelay $0x4  }
0xb3: {  	[tilespmem:s16+$0x1010] =	vst v0  }
0xb4: {  	v0 =	vld [tilespmem:s17+$0x20];
	_ =	sdelay $0x4  }
0xb5: {  	[tilespmem:s16+$0x1020] =	vst v0  }
0xb6: {  	v0 =	vld [tilespmem:s17+$0x30];
	_ =	sdelay $0x4  }
0xb7: {  	[tilespmem:s16+$0x1030] =	vst v0  }
0xb8: {  	v0 =	vld [tilespmem:s17+$0x40];
	_ =	sdelay $0x4  }
0xb9: {  	[tilespmem:s16+$0x1040] =	vst v0  }
0xba: {  	v0 =	vld [tilespmem:s17+$0x50];
	_ =	sdelay $0x4  }
0xbb: {  	[tilespmem:s16+$0x1050] =	vst v0  }
0xbc: {  	v0 =	vld [tilespmem:s17+$0x60];
	_ =	sdelay $0x4  }
0xbd: {  	[tilespmem:s16+$0x1060] =	vst v0  }
0xbe: {  	v0 =	vld [tilespmem:s17+$0x70];
	_ =	sdelay $0x4  }
0xbf: {  	[tilespmem:s16+$0x1070] =	vst v0  }
0xc0: {  	v0 =	vld [tilespmem:s17+$0x400];
	_ =	sdelay $0x4  }
0xc1: {  	[tilespmem:s16+$0x1400] =	vst v0  }
0xc2: {  	v0 =	vld [tilespmem:s17+$0x410];
	_ =	sdelay $0x4  }
0xc3: {  	[tilespmem:s16+$0x1410] =	vst v0  }
0xc4: {  	v0 =	vld [tilespmem:s17+$0x420];
	_ =	sdelay $0x4  }
0xc5: {  	[tilespmem:s16+$0x1420] =	vst v0  }
0xc6: {  	v0 =	vld [tilespmem:s17+$0x430];
	_ =	sdelay $0x4  }
0xc7: {  	[tilespmem:s16+$0x1430] =	vst v0  }
0xc8: {  	v0 =	vld [tilespmem:s17+$0x440];
	_ =	sdelay $0x4  }
0xc9: {  	[tilespmem:s16+$0x1440] =	vst v0  }
0xca: {  	v0 =	vld [tilespmem:s17+$0x450];
	_ =	sdelay $0x4  }
0xcb: {  	[tilespmem:s16+$0x1450] =	vst v0  }
0xcc: {  	v0 =	vld [tilespmem:s17+$0x460];
	_ =	sdelay $0x4  }
0xcd: {  	[tilespmem:s16+$0x1460] =	vst v0  }
0xce: {  	v0 =	vld [tilespmem:s17+$0x470];
	_ =	sdelay $0x2  }
0xcf: {  	s19 =	simm.s32 $0x100;
	s18 =	simm.s32 $0x2;
	s17 =	simm.s32 $0x80  }
.LBB2_6:
0xd0: {  	p0 =	sne.s32 s18, $0x3F;
	s20 =	sand.u32 $0x380, s17;
	s19 =	sand.u32 $0x3FFFF800, s19  }
0xd1: {  	s19 =	sor.u32 s20, s19;
	[tilespmem:s16+$0x1470] =	vst v0  }
0xd2: {  	s16 =	sshrl.u32 s15, $0x3;
	s15 =	smov.u32 s18;
	v0 =	vld [tilespmem:s19+$0x18900]  }
0xd3: {  	s16 =	smul.u32 $0x6000, s16;
	_ =	sdelay $0x1  }
0xd4: {  	s16 =	sshra.s32 s16, $0x2  }
0xd5: {  	s16 =	sor.u32 s20, s16  }
0xd6: {  	s19 =	sadd.s32 $0x18900, s19;
	[tilespmem:s16+$0x1000] =	vst v0  }
0xd7: {  	v0 =	vld [tilespmem:s19+$0x10];
	_ =	sdelay $0x4  }
0xd8: {  	[tilespmem:s16+$0x1010] =	vst v0  }
0xd9: {  	v0 =	vld [tilespmem:s19+$0x20];
	_ =	sdelay $0x4  }
0xda: {  	[tilespmem:s16+$0x1020] =	vst v0  }
0xdb: {  	v0 =	vld [tilespmem:s19+$0x30];
	_ =	sdelay $0x4  }
0xdc: {  	[tilespmem:s16+$0x1030] =	vst v0  }
0xdd: {  	v0 =	vld [tilespmem:s19+$0x40];
	_ =	sdelay $0x4  }
0xde: {  	[tilespmem:s16+$0x1040] =	vst v0  }
0xdf: {  	v0 =	vld [tilespmem:s19+$0x50];
	_ =	sdelay $0x4  }
0xe0: {  	[tilespmem:s16+$0x1050] =	vst v0  }
0xe1: {  	v0 =	vld [tilespmem:s19+$0x60];
	_ =	sdelay $0x4  }
0xe2: {  	[tilespmem:s16+$0x1060] =	vst v0  }
0xe3: {  	v0 =	vld [tilespmem:s19+$0x70];
	_ =	sdelay $0x4  }
0xe4: {  	[tilespmem:s16+$0x1070] =	vst v0  }
0xe5: {  	v0 =	vld [tilespmem:s19+$0x400];
	_ =	sdelay $0x4  }
0xe6: {  	[tilespmem:s16+$0x1400] =	vst v0  }
0xe7: {  	v0 =	vld [tilespmem:s19+$0x410];
	_ =	sdelay $0x4  }
0xe8: {  	[tilespmem:s16+$0x1410] =	vst v0  }
0xe9: {  	v0 =	vld [tilespmem:s19+$0x420];
	_ =	sdelay $0x4  }
0xea: {  	[tilespmem:s16+$0x1420] =	vst v0  }
0xeb: {  	v0 =	vld [tilespmem:s19+$0x430];
	_ =	sdelay $0x4  }
0xec: {  	[tilespmem:s16+$0x1430] =	vst v0  }
0xed: {  	v0 =	vld [tilespmem:s19+$0x440];
	_ =	sdelay $0x4  }
0xee: {  	[tilespmem:s16+$0x1440] =	vst v0  }
0xef: {  	v0 =	vld [tilespmem:s19+$0x450];
	_ =	sdelay $0x4  }
0xf0: {  	[tilespmem:s16+$0x1450] =	vst v0  }
0xf1: {  	v0 =	vld [tilespmem:s19+$0x460];
	_ =	sdelay $0x4  }
.Ltmp2:
0xf2: {  	[tilespmem:s16+$0x1460] =	vst v0;
	(pc) =	sbr.rel @p0 .LBB2_6-.Ltmp2, $2  }
0xf3: {  	v0 =	vld [tilespmem:s19+$0x470];
	_ =	sdelay $0x2  }
0xf4: {  	s17 =	sadd.s32 $0x80, s17;
	s18 =	sadd.s32 $0x1, s18;
	s19 =	sshll.u32 s15, $0x8  }
0xf5: {  	s17 =	sand.u32 $0x380, s17;
	s18 =	sand.u32 $0x3FFFF800, s19  }
0xf6: {  	s18 =	sor.u32 s17, s18;
	[tilespmem:s16+$0x1470] =	vst v0  }
0xf7: {  	s15 =	sshrl.u32 s15, $0x3;
	v0 =	vld [tilespmem:s18+$0x18900]  }
0xf8: {  	s15 =	smul.u32 $0x6000, s15;
	_ =	sdelay $0x1  }
0xf9: {  	s15 =	sshra.s32 s15, $0x2  }
0xfa: {  	s15 =	sor.u32 s17, s15  }
0xfb: {  	s18 =	sadd.s32 $0x18900, s18;
	[tilespmem:s15+$0x1000] =	vst v0  }
0xfc: {  	v0 =	vld [tilespmem:s18+$0x10];
	_ =	sdelay $0x4  }
0xfd: {  	[tilespmem:s15+$0x1010] =	vst v0  }
0xfe: {  	v0 =	vld [tilespmem:s18+$0x20];
	_ =	sdelay $0x4  }
0xff: {  	[tilespmem:s15+$0x1020] =	vst v0  }
0x100: {  	v0 =	vld [tilespmem:s18+$0x30];
	_ =	sdelay $0x4  }
0x101: {  	[tilespmem:s15+$0x1030] =	vst v0  }
0x102: {  	v0 =	vld [tilespmem:s18+$0x40];
	_ =	sdelay $0x4  }
0x103: {  	[tilespmem:s15+$0x1040] =	vst v0  }
0x104: {  	v0 =	vld [tilespmem:s18+$0x50];
	_ =	sdelay $0x4  }
0x105: {  	[tilespmem:s15+$0x1050] =	vst v0  }
0x106: {  	v0 =	vld [tilespmem:s18+$0x60];
	_ =	sdelay $0x4  }
0x107: {  	[tilespmem:s15+$0x1060] =	vst v0  }
0x108: {  	v0 =	vld [tilespmem:s18+$0x70];
	_ =	sdelay $0x4  }
0x109: {  	[tilespmem:s15+$0x1070] =	vst v0  }
0x10a: {  	v0 =	vld [tilespmem:s18+$0x400];
	_ =	sdelay $0x4  }
0x10b: {  	[tilespmem:s15+$0x1400] =	vst v0  }
0x10c: {  	v0 =	vld [tilespmem:s18+$0x410];
	_ =	sdelay $0x4  }
0x10d: {  	[tilespmem:s15+$0x1410] =	vst v0  }
0x10e: {  	v0 =	vld [tilespmem:s18+$0x420];
	_ =	sdelay $0x4  }
0x10f: {  	[tilespmem:s15+$0x1420] =	vst v0  }
0x110: {  	v0 =	vld [tilespmem:s18+$0x430];
	_ =	sdelay $0x4  }
0x111: {  	[tilespmem:s15+$0x1430] =	vst v0  }
0x112: {  	v0 =	vld [tilespmem:s18+$0x440];
	_ =	sdelay $0x4  }
0x113: {  	[tilespmem:s15+$0x1440] =	vst v0  }
0x114: {  	v0 =	vld [tilespmem:s18+$0x450];
	_ =	sdelay $0x4  }
0x115: {  	[tilespmem:s15+$0x1450] =	vst v0  }
0x116: {  	v0 =	vld [tilespmem:s18+$0x460];
	_ =	sdelay $0x4  }
0x117: {  	[tilespmem:s15+$0x1460] =	vst v0  }
0x118: {  	v0 =	vld [tilespmem:s18+$0x470];
	_ =	sdelay $0x2  }
0x119: {  	s19 =	simm.s32 $0x0;
	s20 =	simm.s32 $0x0  }
0x11a: {  	s16 =	sand.u32 $0x380, s19;
	s17 =	sand.u32 $0x3FFFF800, s20  }
0x11b: {  	s17 =	sor.u32 s16, s17;
	[tilespmem:s15+$0x1470] =	vst v0  }
0x11c: {  	s21 =	simm.s32 $0x0;
	v0 =	vld [tilespmem:s17+$0x18900]  }
0x11d: {  	s15 =	smul.u32 $0x6000, s21;
	_ =	sdelay $0x1  }
0x11e: {  	s15 =	sshra.s32 s15, $0x2  }
0x11f: {  	s15 =	sor.u32 s16, s15  }
0x120: {  	s17 =	sadd.s32 $0x18900, s17;
	[tilespmem:s15+$0xD000] =	vst v0  }
0x121: {  	v0 =	vld [tilespmem:s17+$0x10];
	_ =	sdelay $0x4  }
0x122: {  	[tilespmem:s15+$0xD010] =	vst v0  }
0x123: {  	v0 =	vld [tilespmem:s17+$0x20];
	_ =	sdelay $0x4  }
0x124: {  	[tilespmem:s15+$0xD020] =	vst v0  }
0x125: {  	v0 =	vld [tilespmem:s17+$0x30];
	_ =	sdelay $0x4  }
0x126: {  	[tilespmem:s15+$0xD030] =	vst v0  }
0x127: {  	v0 =	vld [tilespmem:s17+$0x40];
	_ =	sdelay $0x4  }
0x128: {  	[tilespmem:s15+$0xD040] =	vst v0  }
0x129: {  	v0 =	vld [tilespmem:s17+$0x50];
	_ =	sdelay $0x4  }
0x12a: {  	[tilespmem:s15+$0xD050] =	vst v0  }
0x12b: {  	v0 =	vld [tilespmem:s17+$0x60];
	_ =	sdelay $0x4  }
0x12c: {  	[tilespmem:s15+$0xD060] =	vst v0  }
0x12d: {  	v0 =	vld [tilespmem:s17+$0x70];
	_ =	sdelay $0x4  }
0x12e: {  	[tilespmem:s15+$0xD070] =	vst v0  }
0x12f: {  	v0 =	vld [tilespmem:s17+$0x400];
	_ =	sdelay $0x4  }
0x130: {  	[tilespmem:s15+$0xD400] =	vst v0  }
0x131: {  	v0 =	vld [tilespmem:s17+$0x410];
	_ =	sdelay $0x4  }
0x132: {  	[tilespmem:s15+$0xD410] =	vst v0  }
0x133: {  	v0 =	vld [tilespmem:s17+$0x420];
	_ =	sdelay $0x4  }
0x134: {  	[tilespmem:s15+$0xD420] =	vst v0  }
0x135: {  	v0 =	vld [tilespmem:s17+$0x430];
	_ =	sdelay $0x4  }
0x136: {  	[tilespmem:s15+$0xD430] =	vst v0  }
0x137: {  	v0 =	vld [tilespmem:s17+$0x440];
	_ =	sdelay $0x4  }
0x138: {  	[tilespmem:s15+$0xD440] =	vst v0  }
0x139: {  	v0 =	vld [tilespmem:s17+$0x450];
	_ =	sdelay $0x4  }
0x13a: {  	[tilespmem:s15+$0xD450] =	vst v0  }
0x13b: {  	v0 =	vld [tilespmem:s17+$0x460];
	_ =	sdelay $0x4  }
0x13c: {  	[tilespmem:s15+$0xD460] =	vst v0  }
0x13d: {  	v0 =	vld [tilespmem:s17+$0x470];
	_ =	sdelay $0x1  }
0x13e: {  	s19 =	simm.s32 $0x100  }
0x13f: {  	s18 =	simm.s32 $0x2;
	s16 =	simm.s32 $0x1;
	s17 =	simm.s32 $0x80  }
.LBB2_8:
0x140: {  	p0 =	sne.s32 s18, $0x3F;
	s20 =	sand.u32 $0x380, s17;
	s19 =	sand.u32 $0x3FFFF800, s19  }
0x141: {  	s19 =	sor.u32 s20, s19;
	[tilespmem:s15+$0xD470] =	vst v0  }
0x142: {  	s15 =	sshrl.u32 s16, $0x3;
	s16 =	smov.u32 s18;
	v0 =	vld [tilespmem:s19+$0x18900]  }
0x143: {  	s15 =	smul.u32 $0x6000, s15;
	_ =	sdelay $0x1  }
0x144: {  	s15 =	sshra.s32 s15, $0x2  }
0x145: {  	s15 =	sor.u32 s20, s15  }
0x146: {  	s19 =	sadd.s32 $0x18900, s19;
	[tilespmem:s15+$0xD000] =	vst v0  }
0x147: {  	v0 =	vld [tilespmem:s19+$0x10];
	_ =	sdelay $0x4  }
0x148: {  	[tilespmem:s15+$0xD010] =	vst v0  }
0x149: {  	v0 =	vld [tilespmem:s19+$0x20];
	_ =	sdelay $0x4  }
0x14a: {  	[tilespmem:s15+$0xD020] =	vst v0  }
0x14b: {  	v0 =	vld [tilespmem:s19+$0x30];
	_ =	sdelay $0x4  }
0x14c: {  	[tilespmem:s15+$0xD030] =	vst v0  }
0x14d: {  	v0 =	vld [tilespmem:s19+$0x40];
	_ =	sdelay $0x4  }
0x14e: {  	[tilespmem:s15+$0xD040] =	vst v0  }
0x14f: {  	v0 =	vld [tilespmem:s19+$0x50];
	_ =	sdelay $0x4  }
0x150: {  	[tilespmem:s15+$0xD050] =	vst v0  }
0x151: {  	v0 =	vld [tilespmem:s19+$0x60];
	_ =	sdelay $0x4  }
0x152: {  	[tilespmem:s15+$0xD060] =	vst v0  }
0x153: {  	v0 =	vld [tilespmem:s19+$0x70];
	_ =	sdelay $0x4  }
0x154: {  	[tilespmem:s15+$0xD070] =	vst v0  }
0x155: {  	v0 =	vld [tilespmem:s19+$0x400];
	_ =	sdelay $0x4  }
0x156: {  	[tilespmem:s15+$0xD400] =	vst v0  }
0x157: {  	v0 =	vld [tilespmem:s19+$0x410];
	_ =	sdelay $0x4  }
0x158: {  	[tilespmem:s15+$0xD410] =	vst v0  }
0x159: {  	v0 =	vld [tilespmem:s19+$0x420];
	_ =	sdelay $0x4  }
0x15a: {  	[tilespmem:s15+$0xD420] =	vst v0  }
0x15b: {  	v0 =	vld [tilespmem:s19+$0x430];
	_ =	sdelay $0x4  }
0x15c: {  	[tilespmem:s15+$0xD430] =	vst v0  }
0x15d: {  	v0 =	vld [tilespmem:s19+$0x440];
	_ =	sdelay $0x4  }
0x15e: {  	[tilespmem:s15+$0xD440] =	vst v0  }
0x15f: {  	v0 =	vld [tilespmem:s19+$0x450];
	_ =	sdelay $0x4  }
0x160: {  	[tilespmem:s15+$0xD450] =	vst v0  }
0x161: {  	v0 =	vld [tilespmem:s19+$0x460];
	_ =	sdelay $0x4  }
.Ltmp3:
0x162: {  	[tilespmem:s15+$0xD460] =	vst v0;
	(pc) =	sbr.rel @p0 .LBB2_8-.Ltmp3, $2  }
0x163: {  	v0 =	vld [tilespmem:s19+$0x470];
	_ =	sdelay $0x2  }
0x164: {  	s17 =	sadd.s32 $0x80, s17;
	s18 =	sadd.s32 $0x1, s18;
	s19 =	sshll.u32 s16, $0x8  }
0x165: {  	s17 =	sand.u32 $0x380, s17;
	s18 =	sand.u32 $0x3FFFF800, s19  }
0x166: {  	s18 =	sor.u32 s17, s18;
	[tilespmem:s15+$0xD470] =	vst v0  }
0x167: {  	s16 =	sshrl.u32 s16, $0x3;
	v0 =	vld [tilespmem:s18+$0x18900]  }
0x168: {  	s15 =	smul.u32 $0x6000, s16;
	_ =	sdelay $0x1  }
0x169: {  	s15 =	sshra.s32 s15, $0x2  }
0x16a: {  	s15 =	sor.u32 s17, s15  }
0x16b: {  	s18 =	sadd.s32 $0x18900, s18;
	[tilespmem:s15+$0xD000] =	vst v0  }
0x16c: {  	v0 =	vld [tilespmem:s18+$0x10];
	_ =	sdelay $0x4  }
0x16d: {  	[tilespmem:s15+$0xD010] =	vst v0  }
0x16e: {  	v0 =	vld [tilespmem:s18+$0x20];
	_ =	sdelay $0x4  }
0x16f: {  	[tilespmem:s15+$0xD020] =	vst v0  }
0x170: {  	v0 =	vld [tilespmem:s18+$0x30];
	_ =	sdelay $0x4  }
0x171: {  	[tilespmem:s15+$0xD030] =	vst v0  }
0x172: {  	v0 =	vld [tilespmem:s18+$0x40];
	_ =	sdelay $0x4  }
0x173: {  	[tilespmem:s15+$0xD040] =	vst v0  }
0x174: {  	v0 =	vld [tilespmem:s18+$0x50];
	_ =	sdelay $0x4  }
0x175: {  	[tilespmem:s15+$0xD050] =	vst v0  }
0x176: {  	v0 =	vld [tilespmem:s18+$0x60];
	_ =	sdelay $0x4  }
0x177: {  	[tilespmem:s15+$0xD060] =	vst v0  }
0x178: {  	v0 =	vld [tilespmem:s18+$0x70];
	_ =	sdelay $0x4  }
0x179: {  	[tilespmem:s15+$0xD070] =	vst v0  }
0x17a: {  	v0 =	vld [tilespmem:s18+$0x400];
	_ =	sdelay $0x4  }
0x17b: {  	[tilespmem:s15+$0xD400] =	vst v0  }
0x17c: {  	v0 =	vld [tilespmem:s18+$0x410];
	_ =	sdelay $0x4  }
0x17d: {  	[tilespmem:s15+$0xD410] =	vst v0  }
0x17e: {  	v0 =	vld [tilespmem:s18+$0x420];
	_ =	sdelay $0x4  }
0x17f: {  	[tilespmem:s15+$0xD420] =	vst v0  }
0x180: {  	v0 =	vld [tilespmem:s18+$0x430];
	_ =	sdelay $0x4  }
0x181: {  	[tilespmem:s15+$0xD430] =	vst v0  }
0x182: {  	v0 =	vld [tilespmem:s18+$0x440];
	_ =	sdelay $0x4  }
0x183: {  	[tilespmem:s15+$0xD440] =	vst v0  }
0x184: {  	v0 =	vld [tilespmem:s18+$0x450];
	_ =	sdelay $0x4  }
0x185: {  	[tilespmem:s15+$0xD450] =	vst v0  }
0x186: {  	v0 =	vld [tilespmem:s18+$0x460];
	_ =	sdelay $0x4  }
0x187: {  	[tilespmem:s15+$0xD460] =	vst v0  }
0x188: {  	v0 =	vld [tilespmem:s18+$0x470];
	_ =	sdelay $0x4  }
0x189: {  	[tilespmem:s15+$0xD470] =	vst v0  }
0x18a: {  	v0 =	vld [tilespmem:$0x18100]  }
0x18b: {  	v1 =	vld [tilespmem:$0x18110]  }
0x18c: {  	v2 =	vld [tilespmem:$0x18120]  }
0x18d: {  	v3 =	vld [tilespmem:$0x18130]  }
0x18e: {  	v4 =	vld [tilespmem:$0x18140]  }
0x18f: {  	v5 =	vld [tilespmem:$0x18150]  }
0x190: {  	v6 =	vld [tilespmem:$0x18160]  }
0x191: {  	v7 =	vld [tilespmem:$0x18170]  }
0x192: {  	v8 =	vld [tilespmem:$0x18500]  }
0x193: {  	v9 =	vld [tilespmem:$0x18510]  }
0x194: {  	s19 =	simm.s32 $0x0;
	v15 =	vld [tilespmem:$0x18570]  }
0x195: {  	s20 =	smul.u32 $0x6000, s19;
	v10 =	vld [tilespmem:$0x18520]  }
0x196: {  	s15 =	simm.s32 $0x0;
	v11 =	vld [tilespmem:$0x18530]  }
0x197: {  	s16 =	sshra.s32 s20, $0x2;
	v12 =	vld [tilespmem:$0x18540];
	s21 =	sand.u32 $0x380, s15  }
0x198: {  	v13 =	vld [tilespmem:$0x18550];
	s16 =	sor.u32 s21, s16  }
0x199: {  	v14 =	vld [tilespmem:$0x18560];
	[tilespmem:s16+$0xC70] =	vst v15  }
0x19a: {  	[tilespmem:s16+$0x800] =	vst v0  }
0x19b: {  	[tilespmem:s16+$0x810] =	vst v1  }
0x19c: {  	[tilespmem:s16+$0x820] =	vst v2  }
0x19d: {  	[tilespmem:s16+$0x830] =	vst v3  }
0x19e: {  	[tilespmem:s16+$0x840] =	vst v4  }
0x19f: {  	[tilespmem:s16+$0x850] =	vst v5  }
0x1a0: {  	[tilespmem:s16+$0x860] =	vst v6  }
0x1a1: {  	[tilespmem:s16+$0x870] =	vst v7  }
0x1a2: {  	[tilespmem:s16+$0xC00] =	vst v8  }
0x1a3: {  	[tilespmem:s16+$0xC10] =	vst v9  }
0x1a4: {  	s17 =	simm.s32 $0x2;
	s18 =	simm.s32 $0x0;
	[tilespmem:s16+$0xC20] =	vst v10  }
.LBB2_10:
0x1a5: {  	p0 =	sne.s32 s17, $0x3F;
	s18 =	smul.u32 $0x6000, s18;
	[tilespmem:s16+$0xC30] =	vst v11  }
0x1a6: {  	s15 =	sadd.s32 $0x80, s15;
	[tilespmem:s16+$0xC40] =	vst v12  }
0x1a7: {  	s19 =	sand.u32 $0x380, s15;
	s18 =	sshra.s32 s18, $0x2;
	[tilespmem:s16+$0xC50] =	vst v13  }
0x1a8: {  	[tilespmem:s16+$0xC60] =	vst v14;
	s16 =	sor.u32 s19, s18  }
0x1a9: {  	[tilespmem:s16+$0xC70] =	vst v15  }
0x1aa: {  	[tilespmem:s16+$0x800] =	vst v0  }
0x1ab: {  	[tilespmem:s16+$0x810] =	vst v1  }
0x1ac: {  	[tilespmem:s16+$0x820] =	vst v2  }
0x1ad: {  	[tilespmem:s16+$0x830] =	vst v3  }
0x1ae: {  	[tilespmem:s16+$0x840] =	vst v4  }
0x1af: {  	[tilespmem:s16+$0x850] =	vst v5  }
.Ltmp4:
0x1b0: {  	[tilespmem:s16+$0x860] =	vst v6;
	(pc) =	sbr.rel @p0 .LBB2_10-.Ltmp4, $4  }
0x1b1: {  	[tilespmem:s16+$0x870] =	vst v7  }
0x1b2: {  	[tilespmem:s16+$0xC00] =	vst v8  }
0x1b3: {  	[tilespmem:s16+$0xC10] =	vst v9  }
0x1b4: {  	s18 =	sshrl.u32 s17, $0x3;
	s17 =	sadd.s32 $0x1, s17;
	[tilespmem:s16+$0xC20] =	vst v10  }
0x1b5: {  	s17 =	smul.u32 $0x6000, s18;
	[tilespmem:s16+$0xC30] =	vst v11  }
0x1b6: {  	[tilespmem:s16+$0xC40] =	vst v12;
	s15 =	sadd.s32 $0x80, s15  }
0x1b7: {  	[tilespmem:s16+$0xC50] =	vst v13;
	s15 =	sand.u32 $0x380, s15;
	s17 =	sshra.s32 s17, $0x2  }
0x1b8: {  	[tilespmem:s16+$0xC60] =	vst v14;
	s15 =	sor.u32 s15, s17  }
0x1b9: {  	[tilespmem:s15+$0xC70] =	vst v15  }
0x1ba: {  	[tilespmem:s15+$0x800] =	vst v0  }
0x1bb: {  	[tilespmem:s15+$0x810] =	vst v1  }
0x1bc: {  	[tilespmem:s15+$0x820] =	vst v2  }
0x1bd: {  	[tilespmem:s15+$0x830] =	vst v3  }
0x1be: {  	[tilespmem:s15+$0x840] =	vst v4  }
0x1bf: {  	[tilespmem:s15+$0x850] =	vst v5  }
0x1c0: {  	[tilespmem:s15+$0x860] =	vst v6  }
0x1c1: {  	[tilespmem:s15+$0x870] =	vst v7  }
0x1c2: {  	[tilespmem:s15+$0xC00] =	vst v8  }
0x1c3: {  	[tilespmem:s15+$0xC10] =	vst v9  }
0x1c4: {  	[tilespmem:s15+$0xC20] =	vst v10  }
0x1c5: {  	[tilespmem:s15+$0xC30] =	vst v11  }
0x1c6: {  	[tilespmem:s15+$0xC40] =	vst v12  }
0x1c7: {  	[tilespmem:s15+$0xC50] =	vst v13  }
0x1c8: {  	[tilespmem:s15+$0xC60] =	vst v14;
	s15 =	simm.s32 $0x0  }
0x1c9: {  	[hbm4b:s6+s15] =	stream.linear.scatter [tilespmem:s15], [sflag:$0x1], $0xC000, $0x38;
	[tilespmem:$0x1C900] =	vst v63  }
0x1ca: {  	s17 =	rddreg [dreg:$0x6]  }
0x1cb: {  	[hbm4b:s17+s15] =	stream.linear.scatter [tilespmem:s15], [sflag:$0x1], $0xC000, $0x38;
	[tilespmem:$0x1C900] =	vst v63  }
0x1cc: {  	s18 =	rddreg [dreg:$0x7]  }
0x1cd: {  	[hbm4b:s18+s15] =	stream.linear.scatter [tilespmem:s15], [sflag:$0x1], $0xC000, $0x38;
	[tilespmem:$0x1C900] =	vst v63  }
0x1ce: {  	s19 =	rddreg [dreg:$0x9]  }
0x1cf: {  	[hbm4b:s19+s15] =	stream.linear.scatter [tilespmem:s15], [sflag:$0x1], $0xC000, $0x38;
	[tilespmem:$0x1C900] =	vst v63  }
0x1d0: {  	v0 =	vld [tilespmem:$0x18180]  }
0x1d1: {  	v1 =	vld [tilespmem:$0x18190]  }
0x1d2: {  	v2 =	vld [tilespmem:$0x181A0]  }
0x1d3: {  	v3 =	vld [tilespmem:$0x181B0]  }
0x1d4: {  	v4 =	vld [tilespmem:$0x181C0]  }
0x1d5: {  	v5 =	vld [tilespmem:$0x181D0]  }
0x1d6: {  	v6 =	vld [tilespmem:$0x181E0]  }
0x1d7: {  	v7 =	vld [tilespmem:$0x181F0]  }
0x1d8: {  	v8 =	vld [tilespmem:$0x18580]  }
0x1d9: {  	v9 =	vld [tilespmem:$0x18590]  }
0x1da: {  	s20 =	simm.s32 $0x0;
	v15 =	vld [tilespmem:$0x185F0]  }
0x1db: {  	s16 =	smul.u32 $0x6000, s20;
	v10 =	vld [tilespmem:$0x185A0]  }
0x1dc: {  	v11 =	vld [tilespmem:$0x185B0]  }
0x1dd: {  	s16 =	sshra.s32 s16, $0x2;
	s21 =	sand.u32 $0x380, s15;
	v12 =	vld [tilespmem:$0x185C0]  }
0x1de: {  	s16 =	sor.u32 s21, s16;
	v13 =	vld [tilespmem:$0x185D0]  }
0x1df: {  	v14 =	vld [tilespmem:$0x185E0];
	[tilespmem:s16+$0xCC70] =	vst v15  }
0x1e0: {  	[tilespmem:s16+$0xC800] =	vst v0  }
0x1e1: {  	[tilespmem:s16+$0xC810] =	vst v1  }
0x1e2: {  	[tilespmem:s16+$0xC820] =	vst v2  }
0x1e3: {  	[tilespmem:s16+$0xC830] =	vst v3  }
0x1e4: {  	[tilespmem:s16+$0xC840] =	vst v4  }
0x1e5: {  	[tilespmem:s16+$0xC850] =	vst v5  }
0x1e6: {  	[tilespmem:s16+$0xC860] =	vst v6  }
0x1e7: {  	[tilespmem:s16+$0xC870] =	vst v7  }
0x1e8: {  	[tilespmem:s16+$0xCC00] =	vst v8  }
0x1e9: {  	[tilespmem:s16+$0xCC10] =	vst v9  }
0x1ea: {  	s17 =	simm.s32 $0x2;
	s18 =	simm.s32 $0x0;
	[tilespmem:s16+$0xCC20] =	vst v10  }
.LBB2_12:
0x1eb: {  	p0 =	sne.s32 s17, $0x3F;
	s18 =	smul.u32 $0x6000, s18;
	[tilespmem:s16+$0xCC30] =	vst v11  }
0x1ec: {  	s15 =	sadd.s32 $0x80, s15;
	[tilespmem:s16+$0xCC40] =	vst v12  }
0x1ed: {  	s19 =	sand.u32 $0x380, s15;
	s18 =	sshra.s32 s18, $0x2;
	[tilespmem:s16+$0xCC50] =	vst v13  }
0x1ee: {  	[tilespmem:s16+$0xCC60] =	vst v14;
	s16 =	sor.u32 s19, s18  }
0x1ef: {  	[tilespmem:s16+$0xCC70] =	vst v15  }
0x1f0: {  	[tilespmem:s16+$0xC800] =	vst v0  }
0x1f1: {  	[tilespmem:s16+$0xC810] =	vst v1  }
0x1f2: {  	[tilespmem:s16+$0xC820] =	vst v2  }
0x1f3: {  	[tilespmem:s16+$0xC830] =	vst v3  }
0x1f4: {  	[tilespmem:s16+$0xC840] =	vst v4  }
0x1f5: {  	[tilespmem:s16+$0xC850] =	vst v5  }
.Ltmp5:
0x1f6: {  	[tilespmem:s16+$0xC860] =	vst v6;
	(pc) =	sbr.rel @p0 .LBB2_12-.Ltmp5, $4  }
0x1f7: {  	[tilespmem:s16+$0xC870] =	vst v7  }
0x1f8: {  	[tilespmem:s16+$0xCC00] =	vst v8  }
0x1f9: {  	[tilespmem:s16+$0xCC10] =	vst v9  }
0x1fa: {  	s18 =	sshrl.u32 s17, $0x3;
	s17 =	sadd.s32 $0x1, s17;
	[tilespmem:s16+$0xCC20] =	vst v10  }
0x1fb: {  	s17 =	smul.u32 $0x6000, s18;
	[tilespmem:s16+$0xCC30] =	vst v11  }
0x1fc: {  	[tilespmem:s16+$0xCC40] =	vst v12;
	s15 =	sadd.s32 $0x80, s15  }
0x1fd: {  	[tilespmem:s16+$0xCC50] =	vst v13;
	s15 =	sand.u32 $0x380, s15;
	s17 =	sshra.s32 s17, $0x2  }
0x1fe: {  	[tilespmem:s16+$0xCC60] =	vst v14;
	s15 =	sor.u32 s15, s17  }
0x1ff: {  	[tilespmem:s15+$0xCC70] =	vst v15  }
0x200: {  	[tilespmem:s15+$0xC800] =	vst v0  }
0x201: {  	[tilespmem:s15+$0xC810] =	vst v1  }
0x202: {  	[tilespmem:s15+$0xC820] =	vst v2  }
0x203: {  	[tilespmem:s15+$0xC830] =	vst v3  }
0x204: {  	[tilespmem:s15+$0xC840] =	vst v4  }
0x205: {  	[tilespmem:s15+$0xC850] =	vst v5  }
0x206: {  	[tilespmem:s15+$0xC860] =	vst v6  }
0x207: {  	[tilespmem:s15+$0xC870] =	vst v7  }
0x208: {  	[tilespmem:s15+$0xCC00] =	vst v8  }
0x209: {  	[tilespmem:s15+$0xCC10] =	vst v9  }
0x20a: {  	[tilespmem:s15+$0xCC20] =	vst v10  }
0x20b: {  	[tilespmem:s15+$0xCC30] =	vst v11  }
0x20c: {  	[tilespmem:s15+$0xCC40] =	vst v12  }
0x20d: {  	[tilespmem:s15+$0xCC50] =	vst v13  }
0x20e: {  	s21 =	rddreg [dreg:$0xb];
	[tilespmem:s15+$0xCC60] =	vst v14;
	s15 =	simm.s32 $0x0  }
0x20f: {  	[hbm4b:s21+s15] =	stream.linear.scatter [tilespmem:s12], [sflag:$0x2], $0xC000, $0x38;
	[tilespmem:$0x1C900] =	vst v63  }
0x210: {  	s17 =	rddreg [dreg:$0x8]  }
0x211: {  	[hbm4b:s17+s15] =	stream.linear.scatter [tilespmem:s12], [sflag:$0x2], $0xC000, $0x38;
	[tilespmem:$0x1C900] =	vst v63  }
0x212: {  	s18 =	rddreg [dreg:$0xa]  }
0x213: {  	[hbm4b:s18+s15] =	stream.linear.scatter [tilespmem:s12], [sflag:$0x2], $0xC000, $0x38;
	[tilespmem:$0x1C900] =	vst v63  }
0x214: {  	s19 =	rddreg [dreg:$0xc]  }
0x215: {  	[hbm4b:s19+s15] =	stream.linear.scatter [tilespmem:s12], [sflag:$0x2], $0xC000, $0x38;
	[tilespmem:$0x1C900] =	vst v63  }
0x216: {  	_ =	swait.ge [sflag:s8], $0xC000  }
0x217: {  	[sflag:s8] =	ssyncset.done $0x0  }
0x218: {  	[sflag:s8] =	ssyncadd.s32 $0xFFFF4000  }
0x219: {  	_ =	swait.ge [sflag:s8], $0xC000  }
0x21a: {  	[sflag:s8] =	ssyncset.done $0x0  }
0x21b: {  	[sflag:s8] =	ssyncadd.s32 $0xFFFF4000  }
0x21c: {  	_ =	swait.ge [sflag:s8], $0xC000  }
0x21d: {  	[sflag:s8] =	ssyncset.done $0x0  }
0x21e: {  	[sflag:s8] =	ssyncadd.s32 $0xFFFF4000  }
0x21f: {  	_ =	swait.ge [sflag:s8], $0xC000  }
0x220: {  	[sflag:s8] =	ssyncset.done $0x0  }
0x221: {  	[sflag:s8] =	ssyncadd.s32 $0xFFFF4000  }
0x222: {  	v0 =	vld [tilespmem:$0x18200]  }
0x223: {  	v1 =	vld [tilespmem:$0x18210]  }
0x224: {  	v2 =	vld [tilespmem:$0x18220]  }
0x225: {  	v3 =	vld [tilespmem:$0x18230]  }
0x226: {  	v4 =	vld [tilespmem:$0x18240]  }
0x227: {  	v5 =	vld [tilespmem:$0x18250]  }
0x228: {  	v6 =	vld [tilespmem:$0x18260]  }
0x229: {  	v7 =	vld [tilespmem:$0x18270]  }
0x22a: {  	v8 =	vld [tilespmem:$0x18600]  }
0x22b: {  	v9 =	vld [tilespmem:$0x18610]  }
0x22c: {  	s20 =	simm.s32 $0x0;
	v15 =	vld [tilespmem:$0x18670]  }
0x22d: {  	s16 =	smul.u32 $0x6000, s20;
	v10 =	vld [tilespmem:$0x18620]  }
0x22e: {  	v11 =	vld [tilespmem:$0x18630]  }
0x22f: {  	s16 =	sshra.s32 s16, $0x2;
	s21 =	sand.u32 $0x380, s15;
	v12 =	vld [tilespmem:$0x18640]  }
0x230: {  	s16 =	sor.u32 s21, s16;
	v13 =	vld [tilespmem:$0x18650]  }
0x231: {  	v14 =	vld [tilespmem:$0x18660];
	[tilespmem:s16+$0xC70] =	vst v15  }
0x232: {  	[tilespmem:s16+$0x800] =	vst v0  }
0x233: {  	[tilespmem:s16+$0x810] =	vst v1  }
0x234: {  	[tilespmem:s16+$0x820] =	vst v2  }
0x235: {  	[tilespmem:s16+$0x830] =	vst v3  }
0x236: {  	[tilespmem:s16+$0x840] =	vst v4  }
0x237: {  	[tilespmem:s16+$0x850] =	vst v5  }
0x238: {  	[tilespmem:s16+$0x860] =	vst v6  }
0x239: {  	[tilespmem:s16+$0x870] =	vst v7  }
0x23a: {  	[tilespmem:s16+$0xC00] =	vst v8  }
0x23b: {  	[tilespmem:s16+$0xC10] =	vst v9  }
0x23c: {  	s17 =	simm.s32 $0x2;
	s18 =	simm.s32 $0x0;
	[tilespmem:s16+$0xC20] =	vst v10  }
.LBB2_14:
0x23d: {  	p0 =	sne.s32 s17, $0x3F;
	s18 =	smul.u32 $0x6000, s18;
	[tilespmem:s16+$0xC30] =	vst v11  }
0x23e: {  	s15 =	sadd.s32 $0x80, s15;
	[tilespmem:s16+$0xC40] =	vst v12  }
0x23f: {  	s19 =	sand.u32 $0x380, s15;
	s18 =	sshra.s32 s18, $0x2;
	[tilespmem:s16+$0xC50] =	vst v13  }
0x240: {  	[tilespmem:s16+$0xC60] =	vst v14;
	s16 =	sor.u32 s19, s18  }
0x241: {  	[tilespmem:s16+$0xC70] =	vst v15  }
0x242: {  	[tilespmem:s16+$0x800] =	vst v0  }
0x243: {  	[tilespmem:s16+$0x810] =	vst v1  }
0x244: {  	[tilespmem:s16+$0x820] =	vst v2  }
0x245: {  	[tilespmem:s16+$0x830] =	vst v3  }
0x246: {  	[tilespmem:s16+$0x840] =	vst v4  }
0x247: {  	[tilespmem:s16+$0x850] =	vst v5  }
.Ltmp6:
0x248: {  	[tilespmem:s16+$0x860] =	vst v6;
	(pc) =	sbr.rel @p0 .LBB2_14-.Ltmp6, $4  }
0x249: {  	[tilespmem:s16+$0x870] =	vst v7  }
0x24a: {  	[tilespmem:s16+$0xC00] =	vst v8  }
0x24b: {  	[tilespmem:s16+$0xC10] =	vst v9  }
0x24c: {  	s18 =	sshrl.u32 s17, $0x3;
	s17 =	sadd.s32 $0x1, s17;
	[tilespmem:s16+$0xC20] =	vst v10  }
0x24d: {  	s17 =	smul.u32 $0x6000, s18;
	[tilespmem:s16+$0xC30] =	vst v11  }
0x24e: {  	[tilespmem:s16+$0xC40] =	vst v12;
	s15 =	sadd.s32 $0x80, s15  }
0x24f: {  	[tilespmem:s16+$0xC50] =	vst v13;
	s15 =	sand.u32 $0x380, s15;
	s17 =	sshra.s32 s17, $0x2  }
0x250: {  	[tilespmem:s16+$0xC60] =	vst v14;
	s15 =	sor.u32 s15, s17  }
0x251: {  	[tilespmem:s15+$0xC70] =	vst v15  }
0x252: {  	[tilespmem:s15+$0x800] =	vst v0  }
0x253: {  	[tilespmem:s15+$0x810] =	vst v1  }
0x254: {  	[tilespmem:s15+$0x820] =	vst v2  }
0x255: {  	[tilespmem:s15+$0x830] =	vst v3  }
0x256: {  	[tilespmem:s15+$0x840] =	vst v4  }
0x257: {  	[tilespmem:s15+$0x850] =	vst v5  }
0x258: {  	[tilespmem:s15+$0x860] =	vst v6  }
0x259: {  	[tilespmem:s15+$0x870] =	vst v7  }
0x25a: {  	[tilespmem:s15+$0xC00] =	vst v8  }
0x25b: {  	[tilespmem:s15+$0xC10] =	vst v9  }
0x25c: {  	[tilespmem:s15+$0xC20] =	vst v10  }
0x25d: {  	[tilespmem:s15+$0xC30] =	vst v11  }
0x25e: {  	[tilespmem:s15+$0xC40] =	vst v12  }
0x25f: {  	[tilespmem:s15+$0xC50] =	vst v13  }
0x260: {  	s21 =	rddreg [dreg:$0xd];
	[tilespmem:s15+$0xC60] =	vst v14;
	s15 =	simm.s32 $0x0  }
0x261: {  	[hbm4b:s21+s15] =	stream.linear.scatter [tilespmem:s15], [sflag:$0x1], $0xC000, $0x38;
	[tilespmem:$0x1C900] =	vst v63  }
0x262: {  	s17 =	rddreg [dreg:$0xe]  }
0x263: {  	[hbm4b:s17+s15] =	stream.linear.scatter [tilespmem:s15], [sflag:$0x1], $0xC000, $0x38;
	[tilespmem:$0x1C900] =	vst v63  }
0x264: {  	s18 =	rddreg [dreg:$0xf]  }
0x265: {  	[hbm4b:s18+s15] =	stream.linear.scatter [tilespmem:s15], [sflag:$0x1], $0xC000, $0x38;
	[tilespmem:$0x1C900] =	vst v63  }
0x266: {  	s19 =	rddreg [dreg:$0x10]  }
0x267: {  	[hbm4b:s19+s15] =	stream.linear.scatter [tilespmem:s15], [sflag:$0x1], $0xC000, $0x38;
	[tilespmem:$0x1C900] =	vst v63  }
0x268: {  	_ =	swait.ge [sflag:s13], $0xC000  }
0x269: {  	[sflag:s13] =	ssyncset.done $0x0  }
0x26a: {  	[sflag:s13] =	ssyncadd.s32 $0xFFFF4000  }
0x26b: {  	_ =	swait.ge [sflag:s13], $0xC000  }
0x26c: {  	[sflag:s13] =	ssyncset.done $0x0  }
0x26d: {  	[sflag:s13] =	ssyncadd.s32 $0xFFFF4000  }
0x26e: {  	_ =	swait.ge [sflag:s13], $0xC000  }
0x26f: {  	[sflag:s13] =	ssyncset.done $0x0  }
0x270: {  	[sflag:s13] =	ssyncadd.s32 $0xFFFF4000  }
0x271: {  	_ =	swait.ge [sflag:s13], $0xC000  }
0x272: {  	[sflag:s13] =	ssyncset.done $0x0  }
0x273: {  	[sflag:s13] =	ssyncadd.s32 $0xFFFF4000  }
0x274: {  	v0 =	vld [tilespmem:$0x18280]  }
0x275: {  	v1 =	vld [tilespmem:$0x18290]  }
0x276: {  	v2 =	vld [tilespmem:$0x182A0]  }
0x277: {  	v3 =	vld [tilespmem:$0x182B0]  }
0x278: {  	v4 =	vld [tilespmem:$0x182C0]  }
0x279: {  	v5 =	vld [tilespmem:$0x182D0]  }
0x27a: {  	v6 =	vld [tilespmem:$0x182E0]  }
0x27b: {  	v7 =	vld [tilespmem:$0x182F0]  }
0x27c: {  	v8 =	vld [tilespmem:$0x18680]  }
0x27d: {  	v9 =	vld [tilespmem:$0x18690]  }
0x27e: {  	s20 =	simm.s32 $0x0;
	v15 =	vld [tilespmem:$0x186F0]  }
0x27f: {  	s16 =	smul.u32 $0x6000, s20;
	v10 =	vld [tilespmem:$0x186A0]  }
0x280: {  	v11 =	vld [tilespmem:$0x186B0]  }
0x281: {  	s16 =	sshra.s32 s16, $0x2;
	s21 =	sand.u32 $0x380, s15;
	v12 =	vld [tilespmem:$0x186C0]  }
0x282: {  	s16 =	sor.u32 s21, s16;
	v13 =	vld [tilespmem:$0x186D0]  }
0x283: {  	v14 =	vld [tilespmem:$0x186E0];
	[tilespmem:s16+$0xCC70] =	vst v15  }
0x284: {  	[tilespmem:s16+$0xC800] =	vst v0  }
0x285: {  	[tilespmem:s16+$0xC810] =	vst v1  }
0x286: {  	[tilespmem:s16+$0xC820] =	vst v2  }
0x287: {  	[tilespmem:s16+$0xC830] =	vst v3  }
0x288: {  	[tilespmem:s16+$0xC840] =	vst v4  }
0x289: {  	[tilespmem:s16+$0xC850] =	vst v5  }
0x28a: {  	[tilespmem:s16+$0xC860] =	vst v6  }
0x28b: {  	[tilespmem:s16+$0xC870] =	vst v7  }
0x28c: {  	[tilespmem:s16+$0xCC00] =	vst v8  }
0x28d: {  	[tilespmem:s16+$0xCC10] =	vst v9  }
0x28e: {  	s17 =	simm.s32 $0x2;
	s18 =	simm.s32 $0x0;
	[tilespmem:s16+$0xCC20] =	vst v10  }
.LBB2_16:
0x28f: {  	p0 =	sne.s32 s17, $0x3F;
	s18 =	smul.u32 $0x6000, s18;
	[tilespmem:s16+$0xCC30] =	vst v11  }
0x290: {  	s15 =	sadd.s32 $0x80, s15;
	[tilespmem:s16+$0xCC40] =	vst v12  }
0x291: {  	s19 =	sand.u32 $0x380, s15;
	s18 =	sshra.s32 s18, $0x2;
	[tilespmem:s16+$0xCC50] =	vst v13  }
0x292: {  	[tilespmem:s16+$0xCC60] =	vst v14;
	s16 =	sor.u32 s19, s18  }
0x293: {  	[tilespmem:s16+$0xCC70] =	vst v15  }
0x294: {  	[tilespmem:s16+$0xC800] =	vst v0  }
0x295: {  	[tilespmem:s16+$0xC810] =	vst v1  }
0x296: {  	[tilespmem:s16+$0xC820] =	vst v2  }
0x297: {  	[tilespmem:s16+$0xC830] =	vst v3  }
0x298: {  	[tilespmem:s16+$0xC840] =	vst v4  }
0x299: {  	[tilespmem:s16+$0xC850] =	vst v5  }
.Ltmp7:
0x29a: {  	[tilespmem:s16+$0xC860] =	vst v6;
	(pc) =	sbr.rel @p0 .LBB2_16-.Ltmp7, $4  }
0x29b: {  	[tilespmem:s16+$0xC870] =	vst v7  }
0x29c: {  	[tilespmem:s16+$0xCC00] =	vst v8  }
0x29d: {  	[tilespmem:s16+$0xCC10] =	vst v9  }
0x29e: {  	s18 =	sshrl.u32 s17, $0x3;
	s17 =	sadd.s32 $0x1, s17;
	[tilespmem:s16+$0xCC20] =	vst v10  }
0x29f: {  	s17 =	smul.u32 $0x6000, s18;
	[tilespmem:s16+$0xCC30] =	vst v11  }
0x2a0: {  	[tilespmem:s16+$0xCC40] =	vst v12;
	s15 =	sadd.s32 $0x80, s15  }
0x2a1: {  	[tilespmem:s16+$0xCC50] =	vst v13;
	s15 =	sand.u32 $0x380, s15;
	s17 =	sshra.s32 s17, $0x2  }
0x2a2: {  	[tilespmem:s16+$0xCC60] =	vst v14;
	s15 =	sor.u32 s15, s17  }
0x2a3: {  	[tilespmem:s15+$0xCC70] =	vst v15  }
0x2a4: {  	[tilespmem:s15+$0xC800] =	vst v0  }
0x2a5: {  	[tilespmem:s15+$0xC810] =	vst v1  }
0x2a6: {  	[tilespmem:s15+$0xC820] =	vst v2  }
0x2a7: {  	[tilespmem:s15+$0xC830] =	vst v3  }
0x2a8: {  	[tilespmem:s15+$0xC840] =	vst v4  }
0x2a9: {  	[tilespmem:s15+$0xC850] =	vst v5  }
0x2aa: {  	[tilespmem:s15+$0xC860] =	vst v6  }
0x2ab: {  	[tilespmem:s15+$0xC870] =	vst v7  }
0x2ac: {  	[tilespmem:s15+$0xCC00] =	vst v8  }
0x2ad: {  	[tilespmem:s15+$0xCC10] =	vst v9  }
0x2ae: {  	[tilespmem:s15+$0xCC20] =	vst v10  }
0x2af: {  	[tilespmem:s15+$0xCC30] =	vst v11  }
0x2b0: {  	[tilespmem:s15+$0xCC40] =	vst v12  }
0x2b1: {  	[tilespmem:s15+$0xCC50] =	vst v13  }
0x2b2: {  	s17 =	rddreg [dreg:$0x12];
	[tilespmem:s15+$0xCC60] =	vst v14;
	s15 =	simm.s32 $0x0  }
0x2b3: {  	[hbm4b:s17+s15] =	stream.linear.scatter [tilespmem:s12], [sflag:$0x2], $0xC000, $0x38;
	[tilespmem:$0x1C900] =	vst v63  }
0x2b4: {  	s18 =	rddreg [dreg:$0x11]  }
0x2b5: {  	[hbm4b:s18+s15] =	stream.linear.scatter [tilespmem:s12], [sflag:$0x2], $0xC000, $0x38;
	[tilespmem:$0x1C900] =	vst v63  }
0x2b6: {  	s19 =	rddreg [dreg:$0x13]  }
0x2b7: {  	[hbm4b:s19+s15] =	stream.linear.scatter [tilespmem:s12], [sflag:$0x2], $0xC000, $0x38;
	[tilespmem:$0x1C900] =	vst v63  }
0x2b8: {  	_ = 	snop  }
0x2b9: {  	[hbm4b:s25+s15] =	stream.linear.scatter [tilespmem:s12], [sflag:$0x2], $0xC000, $0x38;
	[tilespmem:$0x1C900] =	vst v63  }
0x2ba: {  	_ =	swait.ge [sflag:s8], $0xC000  }
0x2bb: {  	[sflag:s8] =	ssyncset.done $0x0  }
0x2bc: {  	[sflag:s8] =	ssyncadd.s32 $0xFFFF4000  }
0x2bd: {  	_ =	swait.ge [sflag:s8], $0xC000  }
0x2be: {  	[sflag:s8] =	ssyncset.done $0x0  }
0x2bf: {  	[sflag:s8] =	ssyncadd.s32 $0xFFFF4000  }
0x2c0: {  	_ =	swait.ge [sflag:s8], $0xC000  }
0x2c1: {  	[sflag:s8] =	ssyncset.done $0x0  }
0x2c2: {  	[sflag:s8] =	ssyncadd.s32 $0xFFFF4000  }
0x2c3: {  	_ =	swait.ge [sflag:s8], $0xC000  }
0x2c4: {  	[sflag:s8] =	ssyncset.done $0x0  }
0x2c5: {  	[sflag:s8] =	ssyncadd.s32 $0xFFFF4000  }
0x2c6: {  	v0 =	vld [tilespmem:$0x18300]  }
0x2c7: {  	v1 =	vld [tilespmem:$0x18310]  }
0x2c8: {  	v2 =	vld [tilespmem:$0x18320]  }
0x2c9: {  	v3 =	vld [tilespmem:$0x18330]  }
0x2ca: {  	v4 =	vld [tilespmem:$0x18340]  }
0x2cb: {  	v5 =	vld [tilespmem:$0x18350]  }
0x2cc: {  	v6 =	vld [tilespmem:$0x18360]  }
0x2cd: {  	v7 =	vld [tilespmem:$0x18370]  }
0x2ce: {  	v8 =	vld [tilespmem:$0x18700]  }
0x2cf: {  	v9 =	vld [tilespmem:$0x18710]  }
0x2d0: {  	s20 =	simm.s32 $0x0;
	v15 =	vld [tilespmem:$0x18770]  }
0x2d1: {  	s16 =	smul.u32 $0x6000, s20;
	v10 =	vld [tilespmem:$0x18720]  }
0x2d2: {  	v11 =	vld [tilespmem:$0x18730]  }
0x2d3: {  	s16 =	sshra.s32 s16, $0x2;
	s21 =	sand.u32 $0x380, s15;
	v12 =	vld [tilespmem:$0x18740]  }
0x2d4: {  	s16 =	sor.u32 s21, s16;
	v13 =	vld [tilespmem:$0x18750]  }
0x2d5: {  	v14 =	vld [tilespmem:$0x18760];
	[tilespmem:s16+$0xC70] =	vst v15  }
0x2d6: {  	[tilespmem:s16+$0x800] =	vst v0  }
0x2d7: {  	[tilespmem:s16+$0x810] =	vst v1  }
0x2d8: {  	[tilespmem:s16+$0x820] =	vst v2  }
0x2d9: {  	[tilespmem:s16+$0x830] =	vst v3  }
0x2da: {  	[tilespmem:s16+$0x840] =	vst v4  }
0x2db: {  	[tilespmem:s16+$0x850] =	vst v5  }
0x2dc: {  	[tilespmem:s16+$0x860] =	vst v6  }
0x2dd: {  	[tilespmem:s16+$0x870] =	vst v7  }
0x2de: {  	[tilespmem:s16+$0xC00] =	vst v8  }
0x2df: {  	[tilespmem:s16+$0xC10] =	vst v9  }
0x2e0: {  	s17 =	simm.s32 $0x2;
	s18 =	simm.s32 $0x0;
	[tilespmem:s16+$0xC20] =	vst v10  }
.LBB2_18:
0x2e1: {  	p0 =	sne.s32 s17, $0x3F;
	s18 =	smul.u32 $0x6000, s18;
	[tilespmem:s16+$0xC30] =	vst v11  }
0x2e2: {  	s15 =	sadd.s32 $0x80, s15;
	[tilespmem:s16+$0xC40] =	vst v12  }
0x2e3: {  	s19 =	sand.u32 $0x380, s15;
	s18 =	sshra.s32 s18, $0x2;
	[tilespmem:s16+$0xC50] =	vst v13  }
0x2e4: {  	[tilespmem:s16+$0xC60] =	vst v14;
	s16 =	sor.u32 s19, s18  }
0x2e5: {  	[tilespmem:s16+$0xC70] =	vst v15  }
0x2e6: {  	[tilespmem:s16+$0x800] =	vst v0  }
0x2e7: {  	[tilespmem:s16+$0x810] =	vst v1  }
0x2e8: {  	[tilespmem:s16+$0x820] =	vst v2  }
0x2e9: {  	[tilespmem:s16+$0x830] =	vst v3  }
0x2ea: {  	[tilespmem:s16+$0x840] =	vst v4  }
0x2eb: {  	[tilespmem:s16+$0x850] =	vst v5  }
.Ltmp8:
0x2ec: {  	[tilespmem:s16+$0x860] =	vst v6;
	(pc) =	sbr.rel @p0 .LBB2_18-.Ltmp8, $4  }
0x2ed: {  	[tilespmem:s16+$0x870] =	vst v7  }
0x2ee: {  	[tilespmem:s16+$0xC00] =	vst v8  }
0x2ef: {  	[tilespmem:s16+$0xC10] =	vst v9  }
0x2f0: {  	s18 =	sshrl.u32 s17, $0x3;
	s17 =	sadd.s32 $0x1, s17;
	[tilespmem:s16+$0xC20] =	vst v10  }
0x2f1: {  	s17 =	smul.u32 $0x6000, s18;
	[tilespmem:s16+$0xC30] =	vst v11  }
0x2f2: {  	[tilespmem:s16+$0xC40] =	vst v12;
	s15 =	sadd.s32 $0x80, s15  }
0x2f3: {  	[tilespmem:s16+$0xC50] =	vst v13;
	s15 =	sand.u32 $0x380, s15;
	s17 =	sshra.s32 s17, $0x2  }
0x2f4: {  	[tilespmem:s16+$0xC60] =	vst v14;
	s15 =	sor.u32 s15, s17  }
0x2f5: {  	[tilespmem:s15+$0xC70] =	vst v15  }
0x2f6: {  	[tilespmem:s15+$0x800] =	vst v0  }
0x2f7: {  	[tilespmem:s15+$0x810] =	vst v1  }
0x2f8: {  	[tilespmem:s15+$0x820] =	vst v2  }
0x2f9: {  	[tilespmem:s15+$0x830] =	vst v3  }
0x2fa: {  	[tilespmem:s15+$0x840] =	vst v4  }
0x2fb: {  	[tilespmem:s15+$0x850] =	vst v5  }
0x2fc: {  	[tilespmem:s15+$0x860] =	vst v6  }
0x2fd: {  	[tilespmem:s15+$0x870] =	vst v7  }
0x2fe: {  	[tilespmem:s15+$0xC00] =	vst v8  }
0x2ff: {  	[tilespmem:s15+$0xC10] =	vst v9  }
0x300: {  	[tilespmem:s15+$0xC20] =	vst v10  }
0x301: {  	[tilespmem:s15+$0xC30] =	vst v11  }
0x302: {  	[tilespmem:s15+$0xC40] =	vst v12  }
0x303: {  	[tilespmem:s15+$0xC50] =	vst v13  }
0x304: {  	s19 =	rddreg [dreg:$0x14];
	[tilespmem:s15+$0xC60] =	vst v14;
	s15 =	simm.s32 $0x0  }
0x305: {  	[hbm4b:s19+s15] =	stream.linear.scatter [tilespmem:s15], [sflag:$0x1], $0xC000, $0x38;
	[tilespmem:$0x1C900] =	vst v63  }
0x306: {  	_ = 	snop  }
0x307: {  	[hbm4b:s26+s15] =	stream.linear.scatter [tilespmem:s15], [sflag:$0x1], $0xC000, $0x38;
	[tilespmem:$0x1C900] =	vst v63  }
0x308: {  	_ = 	snop  }
0x309: {  	[hbm4b:s28+s15] =	stream.linear.scatter [tilespmem:s15], [sflag:$0x1], $0xC000, $0x38;
	[tilespmem:$0x1C900] =	vst v63  }
0x30a: {  	_ = 	snop  }
0x30b: {  	[hbm4b:s1+s15] =	stream.linear.scatter [tilespmem:s15], [sflag:$0x1], $0xC000, $0x38;
	[tilespmem:$0x1C900] =	vst v63  }
0x30c: {  	_ =	swait.ge [sflag:s13], $0xC000  }
0x30d: {  	[sflag:s13] =	ssyncset.done $0x0  }
0x30e: {  	[sflag:s13] =	ssyncadd.s32 $0xFFFF4000  }
0x30f: {  	_ =	swait.ge [sflag:s13], $0xC000  }
0x310: {  	[sflag:s13] =	ssyncset.done $0x0  }
0x311: {  	[sflag:s13] =	ssyncadd.s32 $0xFFFF4000  }
0x312: {  	_ =	swait.ge [sflag:s13], $0xC000  }
0x313: {  	[sflag:s13] =	ssyncset.done $0x0  }
0x314: {  	[sflag:s13] =	ssyncadd.s32 $0xFFFF4000  }
0x315: {  	_ =	swait.ge [sflag:s13], $0xC000  }
0x316: {  	[sflag:s13] =	ssyncset.done $0x0  }
0x317: {  	[sflag:s13] =	ssyncadd.s32 $0xFFFF4000  }
0x318: {  	v0 =	vld [tilespmem:$0x18380]  }
0x319: {  	v1 =	vld [tilespmem:$0x18390]  }
0x31a: {  	v2 =	vld [tilespmem:$0x183A0]  }
0x31b: {  	v3 =	vld [tilespmem:$0x183B0]  }
0x31c: {  	v4 =	vld [tilespmem:$0x183C0]  }
0x31d: {  	v5 =	vld [tilespmem:$0x183D0]  }
0x31e: {  	v6 =	vld [tilespmem:$0x183E0]  }
0x31f: {  	v7 =	vld [tilespmem:$0x183F0]  }
0x320: {  	v8 =	vld [tilespmem:$0x18780]  }
0x321: {  	v9 =	vld [tilespmem:$0x18790]  }
0x322: {  	s20 =	simm.s32 $0x0;
	v15 =	vld [tilespmem:$0x187F0]  }
0x323: {  	s16 =	smul.u32 $0x6000, s20;
	v10 =	vld [tilespmem:$0x187A0]  }
0x324: {  	v11 =	vld [tilespmem:$0x187B0]  }
0x325: {  	s16 =	sshra.s32 s16, $0x2;
	s21 =	sand.u32 $0x380, s15;
	v12 =	vld [tilespmem:$0x187C0]  }
0x326: {  	s16 =	sor.u32 s21, s16;
	v13 =	vld [tilespmem:$0x187D0]  }
0x327: {  	v14 =	vld [tilespmem:$0x187E0];
	[tilespmem:s16+$0xCC70] =	vst v15  }
0x328: {  	[tilespmem:s16+$0xC800] =	vst v0  }
0x329: {  	[tilespmem:s16+$0xC810] =	vst v1  }
0x32a: {  	[tilespmem:s16+$0xC820] =	vst v2  }
0x32b: {  	[tilespmem:s16+$0xC830] =	vst v3  }
0x32c: {  	[tilespmem:s16+$0xC840] =	vst v4  }
0x32d: {  	[tilespmem:s16+$0xC850] =	vst v5  }
0x32e: {  	[tilespmem:s16+$0xC860] =	vst v6  }
0x32f: {  	[tilespmem:s16+$0xC870] =	vst v7  }
0x330: {  	[tilespmem:s16+$0xCC00] =	vst v8  }
0x331: {  	[tilespmem:s16+$0xCC10] =	vst v9  }
0x332: {  	s18 =	simm.s32 $0x0;
	s17 =	simm.s32 $0x2;
	[tilespmem:s16+$0xCC20] =	vst v10  }
.LBB2_20:
0x333: {  	p0 =	sne.s32 s17, $0x3F;
	s18 =	smul.u32 $0x6000, s18;
	[tilespmem:s16+$0xCC30] =	vst v11  }
0x334: {  	s15 =	sadd.s32 $0x80, s15;
	[tilespmem:s16+$0xCC40] =	vst v12  }
0x335: {  	s19 =	sand.u32 $0x380, s15;
	s18 =	sshra.s32 s18, $0x2;
	[tilespmem:s16+$0xCC50] =	vst v13  }
0x336: {  	[tilespmem:s16+$0xCC60] =	vst v14;
	s16 =	sor.u32 s19, s18  }
0x337: {  	[tilespmem:s16+$0xCC70] =	vst v15  }
0x338: {  	[tilespmem:s16+$0xC800] =	vst v0  }
0x339: {  	[tilespmem:s16+$0xC810] =	vst v1  }
0x33a: {  	[tilespmem:s16+$0xC820] =	vst v2  }
0x33b: {  	[tilespmem:s16+$0xC830] =	vst v3  }
0x33c: {  	[tilespmem:s16+$0xC840] =	vst v4  }
0x33d: {  	[tilespmem:s16+$0xC850] =	vst v5  }
.Ltmp9:
0x33e: {  	[tilespmem:s16+$0xC860] =	vst v6;
	(pc) =	sbr.rel @p0 .LBB2_20-.Ltmp9, $4  }
0x33f: {  	[tilespmem:s16+$0xC870] =	vst v7  }
0x340: {  	[tilespmem:s16+$0xCC00] =	vst v8  }
0x341: {  	[tilespmem:s16+$0xCC10] =	vst v9  }
0x342: {  	s18 =	sshrl.u32 s17, $0x3;
	s17 =	sadd.s32 $0x1, s17;
	[tilespmem:s16+$0xCC20] =	vst v10  }
0x343: {  	s17 =	smul.u32 $0x6000, s18;
	[tilespmem:s16+$0xCC30] =	vst v11  }
0x344: {  	[tilespmem:s16+$0xCC40] =	vst v12;
	s15 =	sadd.s32 $0x80, s15  }
0x345: {  	[tilespmem:s16+$0xCC50] =	vst v13;
	s15 =	sand.u32 $0x380, s15;
	s17 =	sshra.s32 s17, $0x2  }
0x346: {  	[tilespmem:s16+$0xCC60] =	vst v14;
	s15 =	sor.u32 s15, s17  }
0x347: {  	[tilespmem:s15+$0xCC70] =	vst v15  }
0x348: {  	[tilespmem:s15+$0xC800] =	vst v0  }
0x349: {  	[tilespmem:s15+$0xC810] =	vst v1  }
0x34a: {  	[tilespmem:s15+$0xC820] =	vst v2  }
0x34b: {  	[tilespmem:s15+$0xC830] =	vst v3  }
0x34c: {  	[tilespmem:s15+$0xC840] =	vst v4  }
0x34d: {  	[tilespmem:s15+$0xC850] =	vst v5  }
0x34e: {  	[tilespmem:s15+$0xC860] =	vst v6  }
0x34f: {  	[tilespmem:s15+$0xC870] =	vst v7  }
0x350: {  	[tilespmem:s15+$0xCC00] =	vst v8  }
0x351: {  	[tilespmem:s15+$0xCC10] =	vst v9  }
0x352: {  	[tilespmem:s15+$0xCC20] =	vst v10  }
0x353: {  	[tilespmem:s15+$0xCC30] =	vst v11  }
0x354: {  	[tilespmem:s15+$0xCC40] =	vst v12  }
0x355: {  	[tilespmem:s15+$0xCC50] =	vst v13  }
0x356: {  	[tilespmem:s15+$0xCC60] =	vst v14;
	s15 =	simm.s32 $0x0  }
0x357: {  	[hbm4b:s22+s15] =	stream.linear.scatter [tilespmem:s12], [sflag:$0x2], $0xC000, $0x38;
	[tilespmem:$0x1C900] =	vst v63  }
0x358: {  	_ = 	snop  }
0x359: {  	[hbm4b:s30+s15] =	stream.linear.scatter [tilespmem:s12], [sflag:$0x2], $0xC000, $0x38;
	[tilespmem:$0x1C900] =	vst v63  }
0x35a: {  	_ = 	snop  }
0x35b: {  	[hbm4b:s31+s15] =	stream.linear.scatter [tilespmem:s12], [sflag:$0x2], $0xC000, $0x38;
	[tilespmem:$0x1C900] =	vst v63  }
0x35c: {  	_ = 	snop  }
0x35d: {  	[hbm4b:s0+s15] =	stream.linear.scatter [tilespmem:s12], [sflag:$0x2], $0xC000, $0x38;
	[tilespmem:$0x1C900] =	vst v63  }
0x35e: {  	_ =	swait.ge [sflag:s8], $0xC000  }
0x35f: {  	[sflag:s8] =	ssyncset.done $0x0  }
0x360: {  	[sflag:s8] =	ssyncadd.s32 $0xFFFF4000  }
0x361: {  	_ =	swait.ge [sflag:s8], $0xC000  }
0x362: {  	[sflag:s8] =	ssyncset.done $0x0  }
0x363: {  	[sflag:s8] =	ssyncadd.s32 $0xFFFF4000  }
0x364: {  	_ =	swait.ge [sflag:s8], $0xC000  }
0x365: {  	[sflag:s8] =	ssyncset.done $0x0  }
0x366: {  	[sflag:s8] =	ssyncadd.s32 $0xFFFF4000  }
0x367: {  	_ =	swait.ge [sflag:s8], $0xC000  }
0x368: {  	[sflag:s8] =	ssyncset.done $0x0  }
0x369: {  	[sflag:s8] =	ssyncadd.s32 $0xFFFF4000  }
0x36a: {  	v0 =	vld [tilespmem:$0x18400]  }
0x36b: {  	v1 =	vld [tilespmem:$0x18410]  }
0x36c: {  	v2 =	vld [tilespmem:$0x18420]  }
0x36d: {  	v3 =	vld [tilespmem:$0x18430]  }
0x36e: {  	v4 =	vld [tilespmem:$0x18440]  }
0x36f: {  	v5 =	vld [tilespmem:$0x18450]  }
0x370: {  	v6 =	vld [tilespmem:$0x18460]  }
0x371: {  	v7 =	vld [tilespmem:$0x18470]  }
0x372: {  	v8 =	vld [tilespmem:$0x18800]  }
0x373: {  	v9 =	vld [tilespmem:$0x18810]  }
0x374: {  	s20 =	simm.s32 $0x0;
	v15 =	vld [tilespmem:$0x18870]  }
0x375: {  	s16 =	smul.u32 $0x6000, s20;
	v10 =	vld [tilespmem:$0x18820]  }
0x376: {  	v11 =	vld [tilespmem:$0x18830]  }
0x377: {  	s16 =	sshra.s32 s16, $0x2;
	s21 =	sand.u32 $0x380, s15;
	v12 =	vld [tilespmem:$0x18840]  }
0x378: {  	s16 =	sor.u32 s21, s16;
	v13 =	vld [tilespmem:$0x18850]  }
0x379: {  	v14 =	vld [tilespmem:$0x18860];
	[tilespmem:s16+$0xC70] =	vst v15  }
0x37a: {  	[tilespmem:s16+$0x800] =	vst v0  }
0x37b: {  	[tilespmem:s16+$0x810] =	vst v1  }
0x37c: {  	[tilespmem:s16+$0x820] =	vst v2  }
0x37d: {  	[tilespmem:s16+$0x830] =	vst v3  }
0x37e: {  	[tilespmem:s16+$0x840] =	vst v4  }
0x37f: {  	[tilespmem:s16+$0x850] =	vst v5  }
0x380: {  	[tilespmem:s16+$0x860] =	vst v6  }
0x381: {  	[tilespmem:s16+$0x870] =	vst v7  }
0x382: {  	[tilespmem:s16+$0xC00] =	vst v8  }
0x383: {  	[tilespmem:s16+$0xC10] =	vst v9  }
0x384: {  	s18 =	simm.s32 $0x0;
	s17 =	simm.s32 $0x2;
	[tilespmem:s16+$0xC20] =	vst v10  }
.LBB2_22:
0x385: {  	p0 =	sne.s32 s17, $0x3F;
	s18 =	smul.u32 $0x6000, s18;
	[tilespmem:s16+$0xC30] =	vst v11  }
0x386: {  	s15 =	sadd.s32 $0x80, s15;
	[tilespmem:s16+$0xC40] =	vst v12  }
0x387: {  	s19 =	sand.u32 $0x380, s15;
	s18 =	sshra.s32 s18, $0x2;
	[tilespmem:s16+$0xC50] =	vst v13  }
0x388: {  	[tilespmem:s16+$0xC60] =	vst v14;
	s16 =	sor.u32 s19, s18  }
0x389: {  	[tilespmem:s16+$0xC70] =	vst v15  }
0x38a: {  	[tilespmem:s16+$0x800] =	vst v0  }
0x38b: {  	[tilespmem:s16+$0x810] =	vst v1  }
0x38c: {  	[tilespmem:s16+$0x820] =	vst v2  }
0x38d: {  	[tilespmem:s16+$0x830] =	vst v3  }
0x38e: {  	[tilespmem:s16+$0x840] =	vst v4  }
0x38f: {  	[tilespmem:s16+$0x850] =	vst v5  }
.Ltmp10:
0x390: {  	[tilespmem:s16+$0x860] =	vst v6;
	(pc) =	sbr.rel @p0 .LBB2_22-.Ltmp10, $4  }
0x391: {  	[tilespmem:s16+$0x870] =	vst v7  }
0x392: {  	[tilespmem:s16+$0xC00] =	vst v8  }
0x393: {  	[tilespmem:s16+$0xC10] =	vst v9  }
0x394: {  	s18 =	sshrl.u32 s17, $0x3;
	s17 =	sadd.s32 $0x1, s17;
	[tilespmem:s16+$0xC20] =	vst v10  }
0x395: {  	s17 =	smul.u32 $0x6000, s18;
	[tilespmem:s16+$0xC30] =	vst v11  }
0x396: {  	[tilespmem:s16+$0xC40] =	vst v12;
	s15 =	sadd.s32 $0x80, s15  }
0x397: {  	[tilespmem:s16+$0xC50] =	vst v13;
	s15 =	sand.u32 $0x380, s15;
	s17 =	sshra.s32 s17, $0x2  }
0x398: {  	[tilespmem:s16+$0xC60] =	vst v14;
	s15 =	sor.u32 s15, s17  }
0x399: {  	[tilespmem:s15+$0xC70] =	vst v15  }
0x39a: {  	[tilespmem:s15+$0x800] =	vst v0  }
0x39b: {  	[tilespmem:s15+$0x810] =	vst v1  }
0x39c: {  	[tilespmem:s15+$0x820] =	vst v2  }
0x39d: {  	[tilespmem:s15+$0x830] =	vst v3  }
0x39e: {  	[tilespmem:s15+$0x840] =	vst v4  }
0x39f: {  	[tilespmem:s15+$0x850] =	vst v5  }
0x3a0: {  	[tilespmem:s15+$0x860] =	vst v6  }
0x3a1: {  	[tilespmem:s15+$0x870] =	vst v7  }
0x3a2: {  	[tilespmem:s15+$0xC00] =	vst v8  }
0x3a3: {  	[tilespmem:s15+$0xC10] =	vst v9  }
0x3a4: {  	[tilespmem:s15+$0xC20] =	vst v10  }
0x3a5: {  	[tilespmem:s15+$0xC30] =	vst v11  }
0x3a6: {  	[tilespmem:s15+$0xC40] =	vst v12  }
0x3a7: {  	[tilespmem:s15+$0xC50] =	vst v13  }
0x3a8: {  	[tilespmem:s15+$0xC60] =	vst v14;
	s15 =	simm.s32 $0x0  }
0x3a9: {  	[hbm4b:s23+s15] =	stream.linear.scatter [tilespmem:s15], [sflag:$0x1], $0xC000, $0x38;
	[tilespmem:$0x1C900] =	vst v63  }
0x3aa: {  	_ = 	snop  }
0x3ab: {  	[hbm4b:s3+s15] =	stream.linear.scatter [tilespmem:s15], [sflag:$0x1], $0xC000, $0x38;
	[tilespmem:$0x1C900] =	vst v63  }
0x3ac: {  	_ = 	snop  }
0x3ad: {  	[hbm4b:s4+s15] =	stream.linear.scatter [tilespmem:s15], [sflag:$0x1], $0xC000, $0x38;
	[tilespmem:$0x1C900] =	vst v63  }
0x3ae: {  	_ = 	snop  }
0x3af: {  	[hbm4b:s5+s15] =	stream.linear.scatter [tilespmem:s15], [sflag:$0x1], $0xC000, $0x38;
	[tilespmem:$0x1C900] =	vst v63  }
0x3b0: {  	_ =	swait.ge [sflag:s13], $0xC000  }
0x3b1: {  	[sflag:s13] =	ssyncset.done $0x0  }
0x3b2: {  	[sflag:s13] =	ssyncadd.s32 $0xFFFF4000  }
0x3b3: {  	_ =	swait.ge [sflag:s13], $0xC000  }
0x3b4: {  	[sflag:s13] =	ssyncset.done $0x0  }
0x3b5: {  	[sflag:s13] =	ssyncadd.s32 $0xFFFF4000  }
0x3b6: {  	_ =	swait.ge [sflag:s13], $0xC000  }
0x3b7: {  	[sflag:s13] =	ssyncset.done $0x0  }
0x3b8: {  	[sflag:s13] =	ssyncadd.s32 $0xFFFF4000  }
0x3b9: {  	_ =	swait.ge [sflag:s13], $0xC000  }
0x3ba: {  	[sflag:s13] =	ssyncset.done $0x0  }
0x3bb: {  	[sflag:s13] =	ssyncadd.s32 $0xFFFF4000  }
0x3bc: {  	v0 =	vld [tilespmem:$0x18480]  }
0x3bd: {  	v1 =	vld [tilespmem:$0x18490]  }
0x3be: {  	v2 =	vld [tilespmem:$0x184A0]  }
0x3bf: {  	v3 =	vld [tilespmem:$0x184B0]  }
0x3c0: {  	v4 =	vld [tilespmem:$0x184C0]  }
0x3c1: {  	v5 =	vld [tilespmem:$0x184D0]  }
0x3c2: {  	v6 =	vld [tilespmem:$0x184E0]  }
0x3c3: {  	v7 =	vld [tilespmem:$0x184F0]  }
0x3c4: {  	v8 =	vld [tilespmem:$0x18880]  }
0x3c5: {  	v9 =	vld [tilespmem:$0x18890]  }
0x3c6: {  	s20 =	simm.s32 $0x0;
	v15 =	vld [tilespmem:$0x188F0]  }
0x3c7: {  	s16 =	smul.u32 $0x6000, s20;
	v10 =	vld [tilespmem:$0x188A0]  }
0x3c8: {  	v11 =	vld [tilespmem:$0x188B0]  }
0x3c9: {  	s16 =	sshra.s32 s16, $0x2;
	s21 =	sand.u32 $0x380, s15;
	v12 =	vld [tilespmem:$0x188C0]  }
0x3ca: {  	s16 =	sor.u32 s21, s16;
	v13 =	vld [tilespmem:$0x188D0]  }
0x3cb: {  	v14 =	vld [tilespmem:$0x188E0];
	[tilespmem:s16+$0xCC70] =	vst v15  }
0x3cc: {  	[tilespmem:s16+$0xC800] =	vst v0  }
0x3cd: {  	[tilespmem:s16+$0xC810] =	vst v1  }
0x3ce: {  	[tilespmem:s16+$0xC820] =	vst v2  }
0x3cf: {  	[tilespmem:s16+$0xC830] =	vst v3  }
0x3d0: {  	[tilespmem:s16+$0xC840] =	vst v4  }
0x3d1: {  	[tilespmem:s16+$0xC850] =	vst v5  }
0x3d2: {  	[tilespmem:s16+$0xC860] =	vst v6  }
0x3d3: {  	[tilespmem:s16+$0xC870] =	vst v7  }
0x3d4: {  	[tilespmem:s16+$0xCC00] =	vst v8  }
0x3d5: {  	[tilespmem:s16+$0xCC10] =	vst v9  }
0x3d6: {  	s18 =	simm.s32 $0x0;
	s17 =	simm.s32 $0x2;
	[tilespmem:s16+$0xCC20] =	vst v10  }
.LBB2_24:
0x3d7: {  	p0 =	sne.s32 s17, $0x3F;
	s18 =	smul.u32 $0x6000, s18;
	[tilespmem:s16+$0xCC30] =	vst v11  }
0x3d8: {  	s15 =	sadd.s32 $0x80, s15;
	[tilespmem:s16+$0xCC40] =	vst v12  }
0x3d9: {  	s19 =	sand.u32 $0x380, s15;
	s18 =	sshra.s32 s18, $0x2;
	[tilespmem:s16+$0xCC50] =	vst v13  }
0x3da: {  	[tilespmem:s16+$0xCC60] =	vst v14;
	s16 =	sor.u32 s19, s18  }
0x3db: {  	[tilespmem:s16+$0xCC70] =	vst v15  }
0x3dc: {  	[tilespmem:s16+$0xC800] =	vst v0  }
0x3dd: {  	[tilespmem:s16+$0xC810] =	vst v1  }
0x3de: {  	[tilespmem:s16+$0xC820] =	vst v2  }
0x3df: {  	[tilespmem:s16+$0xC830] =	vst v3  }
0x3e0: {  	[tilespmem:s16+$0xC840] =	vst v4  }
0x3e1: {  	[tilespmem:s16+$0xC850] =	vst v5  }
.Ltmp11:
0x3e2: {  	[tilespmem:s16+$0xC860] =	vst v6;
	(pc) =	sbr.rel @p0 .LBB2_24-.Ltmp11, $4  }
0x3e3: {  	[tilespmem:s16+$0xC870] =	vst v7  }
0x3e4: {  	[tilespmem:s16+$0xCC00] =	vst v8  }
0x3e5: {  	[tilespmem:s16+$0xCC10] =	vst v9  }
0x3e6: {  	s18 =	sshrl.u32 s17, $0x3;
	s17 =	sadd.s32 $0x1, s17;
	[tilespmem:s16+$0xCC20] =	vst v10  }
0x3e7: {  	s17 =	smul.u32 $0x6000, s18;
	[tilespmem:s16+$0xCC30] =	vst v11  }
0x3e8: {  	[tilespmem:s16+$0xCC40] =	vst v12;
	s15 =	sadd.s32 $0x80, s15  }
0x3e9: {  	[tilespmem:s16+$0xCC50] =	vst v13;
	s15 =	sand.u32 $0x380, s15;
	s17 =	sshra.s32 s17, $0x2  }
0x3ea: {  	[tilespmem:s16+$0xCC60] =	vst v14;
	s15 =	sor.u32 s15, s17  }
0x3eb: {  	[tilespmem:s15+$0xCC70] =	vst v15  }
0x3ec: {  	[tilespmem:s15+$0xC800] =	vst v0  }
0x3ed: {  	[tilespmem:s15+$0xC810] =	vst v1  }
0x3ee: {  	[tilespmem:s15+$0xC820] =	vst v2  }
0x3ef: {  	[tilespmem:s15+$0xC830] =	vst v3  }
0x3f0: {  	[tilespmem:s15+$0xC840] =	vst v4  }
0x3f1: {  	[tilespmem:s15+$0xC850] =	vst v5  }
0x3f2: {  	[tilespmem:s15+$0xC860] =	vst v6  }
0x3f3: {  	[tilespmem:s15+$0xC870] =	vst v7  }
0x3f4: {  	[tilespmem:s15+$0xCC00] =	vst v8  }
0x3f5: {  	[tilespmem:s15+$0xCC10] =	vst v9  }
0x3f6: {  	[tilespmem:s15+$0xCC20] =	vst v10  }
0x3f7: {  	[tilespmem:s15+$0xCC30] =	vst v11  }
0x3f8: {  	[tilespmem:s15+$0xCC40] =	vst v12  }
0x3f9: {  	[tilespmem:s15+$0xCC50] =	vst v13  }
0x3fa: {  	[tilespmem:s15+$0xCC60] =	vst v14  }
0x3fb: {  	[hbm4b:s24+s2] =	stream.linear.scatter [tilespmem:s12], [sflag:$0x2], $0xC000, $0x38;
	[tilespmem:$0x1C900] =	vst v63  }
0x3fc: {  	_ = 	snop  }
0x3fd: {  	[hbm4b:s7+s2] =	stream.linear.scatter [tilespmem:s12], [sflag:$0x2], $0xC000, $0x38;
	[tilespmem:$0x1C900] =	vst v63  }
0x3fe: {  	_ = 	snop  }
0x3ff: {  	[hbm4b:s9+s2] =	stream.linear.scatter [tilespmem:s12], [sflag:$0x2], $0xC000, $0x38;
	[tilespmem:$0x1C900] =	vst v63  }
0x400: {  	_ = 	snop  }
0x401: {  	[hbm4b:s10+s2] =	stream.linear.scatter [tilespmem:s12], [sflag:$0x2], $0xC000, $0x38;
	[tilespmem:$0x1C900] =	vst v63  }
0x402: {  	_ =	swait.ge [sflag:s8], $0xC000  }
0x403: {  	[sflag:s8] =	ssyncset.done $0x0  }
0x404: {  	[sflag:s8] =	ssyncadd.s32 $0xFFFF4000  }
0x405: {  	_ =	swait.ge [sflag:s8], $0xC000  }
0x406: {  	[sflag:s8] =	ssyncset.done $0x0  }
0x407: {  	[sflag:s8] =	ssyncadd.s32 $0xFFFF4000  }
0x408: {  	_ =	swait.ge [sflag:s8], $0xC000  }
0x409: {  	[sflag:s8] =	ssyncset.done $0x0  }
0x40a: {  	[sflag:s8] =	ssyncadd.s32 $0xFFFF4000  }
0x40b: {  	_ =	swait.ge [sflag:s8], $0xC000  }
0x40c: {  	[sflag:s8] =	ssyncset.done $0x0  }
0x40d: {  	[sflag:s8] =	ssyncadd.s32 $0xFFFF4000  }
0x40e: {  	_ =	swait.ge [sflag:s13], $0xC000  }
0x40f: {  	[sflag:s13] =	ssyncset.done $0x0  }
0x410: {  	[sflag:s13] =	ssyncadd.s32 $0xFFFF4000  }
0x411: {  	_ =	swait.ge [sflag:s13], $0xC000  }
0x412: {  	[sflag:s13] =	ssyncset.done $0x0  }
0x413: {  	s14 =	sadd.s32 $0x1, s14;
	[sflag:s13] =	ssyncadd.s32 $0xFFFF4000  }
0x414: {  	p0 =	sne.s32 s14, s29;
	_ =	swait.ge [sflag:s13], $0xC000  }
.Ltmp12:
0x415: {  	[sflag:s13] =	ssyncset.done $0x0;
	(pc) =	sbr.rel @p0 .LBB2_1-.Ltmp12, $4  }
0x416: {  	[sflag:s13] =	ssyncadd.s32 $0xFFFF4000  }
0x417: {  	_ =	swait.ge [sflag:s13], $0xC000  }
0x418: {  	[sflag:s13] =	ssyncset.done $0x0  }
0x419: {  	[sflag:s13] =	ssyncadd.s32 $0xFFFF4000  }
0x41a: {  	_ =	sfence.sel $0x180000  }
0x41b: {  	[bflag:$0x0] =	sbarrier.arrive $0xFFFF  }
0x41c: {  	_ =	strace $0x90000047  }
0x41d: {  	s0 =	stileid.u32;
	[bflag:$0x2] =	sbarrier.arrive $0xFFFF  }
0x41e: {  	p0 =	sne.s32 s0, $0x0;
	s0 =	rddreg [dreg:$0x2]  }
0x41f: {  	s0 =	sadd.s32 @!p0 $0x100000, s0  }
0x420: {  	[sflag:s0] =	ssyncadd.tile.s32 @!p0 $0x1;
	_ =	shalt  }
.Lfunc_end2:
_tile_overlayer_lowered:
.L_overlay_start_2:
0x421: {  	(tag) =	ssettag $0x2  }
0x422: {  	s0 =	rddreg [dreg:$0x0];
	s2 =	stileid.u32  }
0x423: {  	s1 =	rddreg [dreg:$0x1];
	p0 =	sne.s32 s2, $0x0  }
0x424: {  	s3 =	rddreg [dreg:$0x2];
	[bflag:$0x3] =	sbarrier.arrive $0xFFFF;
	s2 =	simm.s32 @!p0 $0x1C03  }
0x425: {  	[timem:s3], [sflag:s2] =	dma.local @!p0 [hbm:s0], s1  }
0x426: {  	s0 =	simm.s32 @!p0 $0x3  }
0x427: {  	_ =	swait.ge @!p0 [sflag:s0], s1  }
0x428: {  	s1 =	ssub.s32 @!p0 $0x0, s1;
	[sflag:s0] =	ssyncset.done @!p0 $0x0  }
0x429: {  	[sflag:s0] =	ssyncadd.s32 @!p0 s1  }
0x42a: {  	[bflag:$0x3] =	sbarrier.arrive $0xFFFF  }
0x42b: {  	_ =	shalt  }

</sc_bundles>
